<compile_context>
chip_gen: v7x
topology: tpu7x:2x2x1
jax: 0.10.2.dev20260603
libtpu: 0.0.44.dev20260713+nightly
codegen_flags: <defaults>
</compile_context>

<pallas_src>
import functools

import jax
import jax.numpy as jnp
from jax import lax
from jax.experimental import pallas as pl
from jax.experimental.pallas import tpu as pltpu
from jax.experimental.pallas import tpu_sc as plsc

N = 10000
E = 160000
D = 256
H = 256
C = 10
K = 10
ALPHA = 0.1

NW = 16
E_PER = E // NW
N_PAD = 10240
S_PER = N_PAD // NW
L = 16


def _rsqrt16(x):
    i = plsc.bitcast(x, jnp.int32)
    i = jnp.int32(0x5F3759DF) - jnp.right_shift(i, 1)
    y = plsc.bitcast(i, jnp.float32)
    for _ in range(3):
        y = y * (1.5 - 0.5 * x * y * y)
    return y


NR = 80
RPW = NR // NW


def _sc_propagate_body(ei_hbm, w_hbm,
                       src_v, dst_v, we_v, v_v, acc_v, nrm_v,
                       idx80_v, zrows_v, wsl_v, buf0_sh, buf1_sh, buf2_sh,
                       dma_sem, dma_sem2):
    wid = lax.axis_index("s")
    ebase = wid * E_PER
    rbase = wid * RPW
    EC = E_PER // L
    SC_ = S_PER // L
    bufs = [buf0_sh, buf1_sh, buf2_sh]

    cp_dst = pltpu.async_copy(ei_hbm.at[pl.ds(E + ebase, E_PER)], dst_v,
                              dma_sem)
    cp_src = pltpu.async_copy(ei_hbm.at[pl.ds(ebase, E_PER)], src_v, dma_sem2)

    zeros16 = jnp.zeros((L,), jnp.float32)
    ones16 = jnp.ones((L,), jnp.float32)

    def zero_acc():
        @plsc.parallel_loop(0, NR * 8, unroll=8)
        def _(i):
            acc_v[i // 8, pl.ds((i % 8) * L, L)] = zeros16

    for j in range(RPW):
        idx80_v[pl.ds(j * L, L)] = lax.iota(jnp.int32, L) + j * L

    @plsc.parallel_loop(0, RPW * 8, unroll=8)
    def _(i):
        zrows_v[i // 8, pl.ds((i % 8) * L, L)] = zeros16

    zero_acc()
    pltpu.sync_copy(zrows_v, buf0_sh.at[pl.ds(rbase, RPW)])
    pltpu.sync_copy(zrows_v, buf1_sh.at[pl.ds(rbase, RPW)])

    cp_dst.wait()

    @plsc.parallel_loop(0, EC, unroll=5)
    def _(i):
        d = dst_v[pl.ds(i * L, L)]
        drow = jnp.right_shift(d, 7)
        dcol = jnp.bitwise_and(d, 127)
        plsc.addupdate_scatter(acc_v, [drow, dcol], ones16)

    plsc.subcore_barrier()
    pltpu.sync_copy(acc_v, buf0_sh.at[idx80_v], add=True)
    plsc.subcore_barrier()
    cp_deg = pltpu.async_copy(buf0_sh, v_v, dma_sem)
    zero_acc()
    cp_deg.wait()

    @plsc.parallel_loop(0, NR * 8, unroll=4)
    def _(i):
        r = i // 8
        c = (i % 8) * L
        nrm_v[r, pl.ds(c, L)] = _rsqrt16(jnp.maximum(v_v[r, pl.ds(c, L)], 1.0))

    cp_src.wait()

    @plsc.parallel_loop(0, EC, unroll=4)
    def _(i):
        s = src_v[pl.ds(i * L, L)]
        d = dst_v[pl.ds(i * L, L)]
        srow = jnp.right_shift(s, 7)
        scol = jnp.bitwise_and(s, 127)
        drow = jnp.right_shift(d, 7)
        dcol = jnp.bitwise_and(d, 127)
        we = (plsc.load_gather(nrm_v, [srow, scol]) *
              plsc.load_gather(nrm_v, [drow, dcol]))
        we_v[pl.ds(i * L, L)] = we
        plsc.addupdate_scatter(acc_v, [srow, scol], we * (1.0 / N))

    cp_add1 = pltpu.async_copy(acc_v, buf1_sh.at[idx80_v], dma_sem, add=True)
    pltpu.sync_copy(zrows_v, buf2_sh.at[pl.ds(rbase, RPW)])
    cp_add1.wait()
    plsc.subcore_barrier()
    cp_rd1 = pltpu.async_copy(buf1_sh, v_v, dma_sem2)
    zero_acc()
    cp_rd1.wait()

    cdamp = 1.0 - ALPHA
    coef = ALPHA * cdamp if K > 1 else cdamp

    @plsc.parallel_loop(0, SC_, unroll=5)
    def _(j):
        r = rbase + j // 8
        c = (j % 8) * L
        wsl_v[pl.ds(j * L, L)] = ALPHA * (1.0 / N) + coef * v_v[r, pl.ds(c, L)]

    for it in range(2, K + 1):
        out_sh = bufs[it % 3]
        nxt_sh = bufs[(it + 1) % 3]

        @plsc.parallel_loop(0, EC, unroll=4)
        def _(i):
            s = src_v[pl.ds(i * L, L)]
            d = dst_v[pl.ds(i * L, L)]
            srow = jnp.right_shift(s, 7)
            scol = jnp.bitwise_and(s, 127)
            drow = jnp.right_shift(d, 7)
            dcol = jnp.bitwise_and(d, 127)
            vals = plsc.load_gather(v_v, [drow, dcol]) * we_v[pl.ds(i * L, L)]
            plsc.addupdate_scatter(acc_v, [srow, scol], vals)

        cp_add = pltpu.async_copy(acc_v, out_sh.at[idx80_v], dma_sem,
                                  add=True)
        if it < K:
            pltpu.sync_copy(zrows_v, nxt_sh.at[pl.ds(rbase, RPW)])
        cp_add.wait()
        plsc.subcore_barrier()
        if it < K:
            cp_read = pltpu.async_copy(out_sh, v_v, dma_sem2)
            zero_acc()
            cp_read.wait()
        else:
            pltpu.sync_copy(out_sh.at[pl.ds(rbase, RPW)],
                            v_v.at[pl.ds(rbase, RPW)])

        cdamp = (1.0 - ALPHA) ** it
        coef = ALPHA * cdamp if it < K else cdamp

        @plsc.parallel_loop(0, SC_, unroll=5)
        def _(j):
            r = rbase + j // 8
            c = (j % 8) * L
            wsl_v[pl.ds(j * L, L)] = (wsl_v[pl.ds(j * L, L)] +
                                      coef * v_v[r, pl.ds(c, L)])

    pltpu.sync_copy(wsl_v, w_hbm.at[pl.ds(wid * S_PER, S_PER)])


_sc_propagate = functools.partial(
    pl.kernel,
    out_type=jax.ShapeDtypeStruct((N_PAD,), jnp.float32),
    mesh=plsc.VectorSubcoreMesh(
        core_axis_name="c", subcore_axis_name="s", num_cores=1),
    compiler_params=pltpu.CompilerParams(needs_layout_passes=False),
    scratch_types=[
        pltpu.VMEM((E_PER,), jnp.int32),
        pltpu.VMEM((E_PER,), jnp.int32),
        pltpu.VMEM((E_PER,), jnp.float32),
        pltpu.VMEM((NR, 128), jnp.float32),
        pltpu.VMEM((NR, 128), jnp.float32),
        pltpu.VMEM((NR, 128), jnp.float32),
        pltpu.VMEM((NR,), jnp.int32),
        pltpu.VMEM((RPW, 128), jnp.float32),
        pltpu.VMEM((S_PER,), jnp.float32),
        pltpu.VMEM_SHARED((NR, 128), jnp.float32),
        pltpu.VMEM_SHARED((NR, 128), jnp.float32),
        pltpu.VMEM_SHARED((NR, 128), jnp.float32),
        pltpu.SemaphoreType.DMA,
        pltpu.SemaphoreType.DMA,
    ],
)(_sc_propagate_body)


R = 2000
G = N // R


def _tc_mlp_body(x_ref, w0_ref, b0_ref, w1_ref, b1_ref,
                 w2_ref, b2_ref, h_ref):
    h = jnp.maximum(x_ref[...] @ w0_ref[...] + b0_ref[...], 0.0)
    h = jnp.maximum(h @ w1_ref[...] + b1_ref[...], 0.0)
    h = jnp.maximum(h @ w2_ref[...] + b2_ref[...], 0.0)
    h_ref[...] = h.astype(jnp.bfloat16)


def _tc_mlp(x, W0, b0, W1, b1, W2, b2):
    return pl.pallas_call(
        _tc_mlp_body,
        grid=(G,),
        in_specs=[
            pl.BlockSpec((R, D), lambda i: (i, 0)),
            pl.BlockSpec((D, H), lambda i: (0, 0)),
            pl.BlockSpec((1, H), lambda i: (0, 0)),
            pl.BlockSpec((H, H), lambda i: (0, 0)),
            pl.BlockSpec((1, H), lambda i: (0, 0)),
            pl.BlockSpec((H, H), lambda i: (0, 0)),
            pl.BlockSpec((1, H), lambda i: (0, 0)),
        ],
        out_specs=pl.BlockSpec((R, H), lambda i: (i, 0)),
        out_shape=jax.ShapeDtypeStruct((N, H), jnp.bfloat16),
        compiler_params=pltpu.CompilerParams(
            dimension_semantics=("arbitrary",)),
    )(x, W0, b0, W1, b1, W2, b2)


def _tc_readout_body(h_ref, w_ref, wc_ref, bc_ref, out_ref, acc_ref):
    i = pl.program_id(0)
    part = jax.lax.dot(w_ref[0].astype(jnp.bfloat16), h_ref[...],
                       preferred_element_type=jnp.float32)

    @pl.when(i == 0)
    def _():
        acc_ref[...] = part

    @pl.when(i > 0)
    def _():
        acc_ref[...] = acc_ref[...] + part

    @pl.when(i == G - 1)
    def _():
        out_ref[...] = acc_ref[...] @ wc_ref[...] + bc_ref[...]


def _tc_readout(h, w3, Wc, bc):
    return pl.pallas_call(
        _tc_readout_body,
        grid=(G,),
        in_specs=[
            pl.BlockSpec((R, H), lambda i: (i, 0)),
            pl.BlockSpec((1, 1, R), lambda i: (i, 0, 0)),
            pl.BlockSpec((H, C), lambda i: (0, 0)),
            pl.BlockSpec((1, C), lambda i: (0, 0)),
        ],
        out_specs=pl.BlockSpec((1, C), lambda i: (0, 0)),
        out_shape=jax.ShapeDtypeStruct((1, C), jnp.float32),
        scratch_shapes=[pltpu.VMEM((1, H), jnp.float32)],
        compiler_params=pltpu.CompilerParams(
            dimension_semantics=("arbitrary",)),
    )(h, w3, Wc, bc)


def kernel(x, edge_index, W0, b0, W1, b1, W2, b2, Wc, bc):
    w_full = _sc_propagate(edge_index.reshape(2 * E))
    h = _tc_mlp(x, W0, b0.reshape(1, H), W1, b1.reshape(1, H),
                W2, b2.reshape(1, H))
    w3 = w_full[:N].reshape(G, 1, R)
    return _tc_readout(h, w3, Wc, bc.reshape(1, C))

# --- scband reference (transcript-rebuilt; emitter-appended) ---
"""Pipeline reference for scband-classifier-13134009991243 (READ-ONLY COPY).

The authoritative reference and input builder live on the scoring server;
editing this copy changes nothing except your own understanding.
"""

import jax, jax.numpy as jnp
import numpy as np

N = 10000
E = 160000
D = 256
H = 256
C = 10
K = 10
ALPHA = 0.1


def setup_inputs(seed: int = 0) -> dict:
    key = jax.random.key(seed)
    ks = jax.random.split(key, 10)
    inp = {}
    inp["x"] = jax.random.normal(ks[0], (N, D), dtype=jnp.float32)
    inp["edge_index"] = jax.random.randint(ks[1], (2, E), 0, N, dtype=jnp.int32)
    # MLP: Linear(in_dim, hidden) + hidden_layers=2 x Linear(hidden, hidden)
    inp["W0"] = jax.random.normal(ks[2], (D, H), dtype=jnp.float32) * (1.0 / np.sqrt(D))
    inp["b0"] = jnp.zeros((H,), dtype=jnp.float32)
    inp["W1"] = jax.random.normal(ks[3], (H, H), dtype=jnp.float32) * (1.0 / np.sqrt(H))
    inp["b1"] = jnp.zeros((H,), dtype=jnp.float32)
    inp["W2"] = jax.random.normal(ks[4], (H, H), dtype=jnp.float32) * (1.0 / np.sqrt(H))
    inp["b2"] = jnp.zeros((H,), dtype=jnp.float32)
    # classifier head Linear(hidden, n_classes)
    inp["Wc"] = jax.random.normal(ks[5], (H, C), dtype=jnp.float32) * (1.0 / np.sqrt(H))
    inp["bc"] = jnp.zeros((C,), dtype=jnp.float32)
    return inp


def reference(x, edge_index, W0, b0, W1, b1, W2, b2, Wc, bc):
    # MLP encoder with relu activations (feat_drop=0 -> identity)
    h = jax.nn.relu(x @ W0 + b0)
    h = jax.nn.relu(h @ W1 + b1)
    h = jax.nn.relu(h @ W2 + b2)
    # APPNPConv (DGL): symmetric norm with in-degrees clamped to 1, K iterations
    src = edge_index[0]
    dst = edge_index[1]
    deg = jax.ops.segment_sum(jnp.ones((E,), dtype=jnp.float32), dst, num_segments=N)
    norm = jnp.power(jnp.clip(deg, 1.0, None), -0.5)[:, None]
    h0 = h
    for _ in range(K):
        hn = h * norm
        msg = hn[src]
        agg = jax.ops.segment_sum(msg, dst, num_segments=N)
        h = (1.0 - ALPHA) * (agg * norm) + ALPHA * h0
    # AvgPooling readout (single graph in batch) -> [1, H]
    hg = jnp.mean(h, axis=0, keepdims=True)
    # classifier
    return hg @ Wc + bc

if __name__ == "__main__":
    import jax
    _d = setup_inputs()
    print(jax.jit(kernel)(*tuple(_d.values())))

</pallas_src>

<mosaic_0001>
#map = affine_map<(d0, d1) -> (0)>
module attributes {stable_mosaic.version = 14 : i64} {
  func.func @_sc_propagate_body(%arg0: i32, %arg1: i32, %arg2: memref<320000xi32, #tpu.memory_space<hbm>>, %arg3: memref<10240xf32, #tpu.memory_space<hbm>>, %arg4: memref<10000xi32, #tpu.memory_space<vmem>>, %arg5: memref<10000xi32, #tpu.memory_space<vmem>>, %arg6: memref<10000xf32, #tpu.memory_space<vmem>>, %arg7: memref<80x128xf32, #tpu.memory_space<vmem>>, %arg8: memref<80x128xf32, #tpu.memory_space<vmem>>, %arg9: memref<80x128xf32, #tpu.memory_space<vmem>>, %arg10: memref<80xi32, #tpu.memory_space<vmem>>, %arg11: memref<5x128xf32, #tpu.memory_space<vmem>>, %arg12: memref<640xf32, #tpu.memory_space<vmem>>, %arg13: memref<80x128xf32, #tpu.memory_space<vmem_shared>>, %arg14: memref<80x128xf32, #tpu.memory_space<vmem_shared>>, %arg15: memref<80x128xf32, #tpu.memory_space<vmem_shared>>, %arg16: memref<!tpu.dma_semaphore, #tpu.memory_space<semaphore_mem>>, %arg17: memref<!tpu.dma_semaphore, #tpu.memory_space<semaphore_mem>>) attributes {dimension_semantics = [#tpu.dimension_semantics<core_parallel>, #tpu.dimension_semantics<subcore_parallel>], iteration_bounds = array<i64: 1, 16>, scalar_prefetch = 0 : i64, scratch_operands = 14 : i64, tpu.core_type = #tpu.core_type<sc_vector_subcore>, window_params = [{transform_indices = #map}, {transform_indices = #map}]} {
    %mul3A = arith.constant 10000 : i32
    %mul3A_0 = arith.muli %arg1, %mul3A : i32
    %mul3A_1 = arith.constant 5 : i32
    %mul3A_2 = arith.muli %arg1, %mul3A_1 : i32
    %add3A = arith.constant 160000 : i32
    %add3A_3 = arith.addi %add3A, %mul3A_0 : i32
    %dma_start3A = tpu.memref_slice %arg2[%add3A_3] : memref<320000xi32, #tpu.memory_space<hbm>> -> memref<10000xi32, #tpu.memory_space<hbm>>
    %dma_start3A_4 = tpu.memref_slice %arg2[%add3A_3] : memref<320000xi32, #tpu.memory_space<hbm>> -> memref<10000xi32, #tpu.memory_space<hbm>>
    tpu.enqueue_dma source(%dma_start3A_4 : memref<10000xi32, #tpu.memory_space<hbm>>) target(%arg5 : memref<10000xi32, #tpu.memory_space<vmem>>) target_semaphore(%arg16 : memref<!tpu.dma_semaphore, #tpu.memory_space<semaphore_mem>>)
    %dma_start3A_5 = tpu.memref_slice %arg2[%mul3A_0] : memref<320000xi32, #tpu.memory_space<hbm>> -> memref<10000xi32, #tpu.memory_space<hbm>>
    %dma_start3A_6 = tpu.memref_slice %arg2[%mul3A_0] : memref<320000xi32, #tpu.memory_space<hbm>> -> memref<10000xi32, #tpu.memory_space<hbm>>
    tpu.enqueue_dma source(%dma_start3A_6 : memref<10000xi32, #tpu.memory_space<hbm>>) target(%arg4 : memref<10000xi32, #tpu.memory_space<vmem>>) target_semaphore(%arg17 : memref<!tpu.dma_semaphore, #tpu.memory_space<semaphore_mem>>)
    %broadcast_in_dim3A = arith.constant 0.000000e+00 : f32
    %broadcast_in_dim3A_7 = vector.broadcast %broadcast_in_dim3A : f32 to vector<16xf32>
    %broadcast_in_dim3A_8 = arith.constant 1.000000e+00 : f32
    %broadcast_in_dim3A_9 = vector.broadcast %broadcast_in_dim3A_8 : f32 to vector<16xf32>
    %iota3A = tpu.iota {dimensions = array<i32: 0>} : vector<16xi32>
    %add3A_10 = arith.constant 0 : i32
    %add3A_11 = vector.broadcast %add3A_10 : i32 to vector<16xi32>
    %add3A_12 = arith.addi %iota3A, %add3A_11 : vector<16xi32>
    %swap3A = arith.constant 0 : index
    %swap3A_13 = tpu.vector_load %arg10[%swap3A] {strides = array<i32>} : memref<80xi32, #tpu.memory_space<vmem>>, vector<16xi32>,
    tpu.vector_store %arg10[%swap3A], %add3A_12 {strides = array<i32>} : memref<80xi32, #tpu.memory_space<vmem>>, vector<16xi32>,
    %iota3A_14 = tpu.iota {dimensions = array<i32: 0>} : vector<16xi32>
    %add3A_15 = arith.constant 16 : i32
    %add3A_16 = vector.broadcast %add3A_15 : i32 to vector<16xi32>
    %add3A_17 = arith.addi %iota3A_14, %add3A_16 : vector<16xi32>
    %swap3A_18 = arith.constant 16 : index
    %swap3A_19 = tpu.vector_load %arg10[%swap3A_18] {strides = array<i32>} : memref<80xi32, #tpu.memory_space<vmem>>, vector<16xi32>,
    tpu.vector_store %arg10[%swap3A_18], %add3A_17 {strides = array<i32>} : memref<80xi32, #tpu.memory_space<vmem>>, vector<16xi32>,
    %iota3A_20 = tpu.iota {dimensions = array<i32: 0>} : vector<16xi32>
    %add3A_21 = arith.constant 32 : i32
    %add3A_22 = vector.broadcast %add3A_21 : i32 to vector<16xi32>
    %add3A_23 = arith.addi %iota3A_20, %add3A_22 : vector<16xi32>
    %swap3A_24 = arith.constant 32 : index
    %swap3A_25 = tpu.vector_load %arg10[%swap3A_24] {strides = array<i32>} : memref<80xi32, #tpu.memory_space<vmem>>, vector<16xi32>,
    tpu.vector_store %arg10[%swap3A_24], %add3A_23 {strides = array<i32>} : memref<80xi32, #tpu.memory_space<vmem>>, vector<16xi32>,
    %iota3A_26 = tpu.iota {dimensions = array<i32: 0>} : vector<16xi32>
    %add3A_27 = arith.constant 48 : i32
    %add3A_28 = vector.broadcast %add3A_27 : i32 to vector<16xi32>
    %add3A_29 = arith.addi %iota3A_26, %add3A_28 : vector<16xi32>
    %swap3A_30 = arith.constant 48 : index
    %swap3A_31 = tpu.vector_load %arg10[%swap3A_30] {strides = array<i32>} : memref<80xi32, #tpu.memory_space<vmem>>, vector<16xi32>,
    tpu.vector_store %arg10[%swap3A_30], %add3A_29 {strides = array<i32>} : memref<80xi32, #tpu.memory_space<vmem>>, vector<16xi32>,
    %iota3A_32 = tpu.iota {dimensions = array<i32: 0>} : vector<16xi32>
    %add3A_33 = arith.constant 64 : i32
    %add3A_34 = vector.broadcast %add3A_33 : i32 to vector<16xi32>
    %add3A_35 = arith.addi %iota3A_32, %add3A_34 : vector<16xi32>
    %swap3A_36 = arith.constant 64 : index
    %swap3A_37 = tpu.vector_load %arg10[%swap3A_36] {strides = array<i32>} : memref<80xi32, #tpu.memory_space<vmem>>, vector<16xi32>,
    tpu.vector_store %arg10[%swap3A_36], %add3A_35 {strides = array<i32>} : memref<80xi32, #tpu.memory_space<vmem>>, vector<16xi32>,
    %parallel_loop3A = arith.constant 0 : i32
    %parallel_loop3A_38 = arith.constant 40 : i32
    %parallel_loop3A_39 = arith.constant 1 : i32
    scf.for %parallel_loop3A_215 = %parallel_loop3A to %parallel_loop3A_38 step %parallel_loop3A_39  : i32 {
      %parallel_loop3A_216 = arith.constant 8 : i32
      %parallel_loop3A_217 = arith.divsi %parallel_loop3A_215, %parallel_loop3A_216 : i32
      %parallel_loop3A_218 = arith.constant 0 : i32
      %parallel_loop3A_219 = arith.cmpi sgt, %parallel_loop3A_215, %parallel_loop3A_218 : i32
      %parallel_loop3A_220 = arith.extui %parallel_loop3A_219 : i1 to i32
      %parallel_loop3A_221 = arith.constant 0 : i32
      %parallel_loop3A_222 = arith.cmpi slt, %parallel_loop3A_215, %parallel_loop3A_221 : i32
      %parallel_loop3A_223 = arith.extui %parallel_loop3A_222 : i1 to i32
      %parallel_loop3A_224 = arith.subi %parallel_loop3A_220, %parallel_loop3A_223 : i32
      %parallel_loop3A_225 = arith.constant 0 : i32
      %parallel_loop3A_226 = arith.cmpi sgt, %parallel_loop3A_216, %parallel_loop3A_225 : i32
      %parallel_loop3A_227 = arith.extui %parallel_loop3A_226 : i1 to i32
      %parallel_loop3A_228 = arith.constant 0 : i32
      %parallel_loop3A_229 = arith.cmpi slt, %parallel_loop3A_216, %parallel_loop3A_228 : i32
      %parallel_loop3A_230 = arith.extui %parallel_loop3A_229 : i1 to i32
      %parallel_loop3A_231 = arith.subi %parallel_loop3A_227, %parallel_loop3A_230 : i32
      %parallel_loop3A_232 = arith.cmpi ne, %parallel_loop3A_224, %parallel_loop3A_231 : i32
      %parallel_loop3A_233 = arith.remsi %parallel_loop3A_215, %parallel_loop3A_216 : i32
      %parallel_loop3A_234 = arith.constant 0 : i32
      %parallel_loop3A_235 = arith.cmpi ne, %parallel_loop3A_233, %parallel_loop3A_234 : i32
      %parallel_loop3A_236 = arith.andi %parallel_loop3A_232, %parallel_loop3A_235 : i1
      %parallel_loop3A_237 = arith.constant 1 : i32
      %parallel_loop3A_238 = arith.subi %parallel_loop3A_217, %parallel_loop3A_237 : i32
      %parallel_loop3A_239 = arith.select %parallel_loop3A_236, %parallel_loop3A_238, %parallel_loop3A_217 : i32
      %parallel_loop3A_240 = arith.constant 8 : i32
      %parallel_loop3A_241 = arith.constant 0 : i32
      %parallel_loop3A_242 = arith.cmpi eq, %parallel_loop3A_240, %parallel_loop3A_241 : i32
      %parallel_loop3A_243 = arith.constant 1 : i32
      %parallel_loop3A_244 = arith.select %parallel_loop3A_242, %parallel_loop3A_243, %parallel_loop3A_240 : i32
      %parallel_loop3A_245 = arith.remsi %parallel_loop3A_215, %parallel_loop3A_244 : i32
      %parallel_loop3A_246 = arith.constant 0 : i32
      %parallel_loop3A_247 = arith.cmpi ne, %parallel_loop3A_245, %parallel_loop3A_246 : i32
      %parallel_loop3A_248 = arith.constant 0 : i32
      %parallel_loop3A_249 = arith.cmpi slt, %parallel_loop3A_245, %parallel_loop3A_248 : i32
      %parallel_loop3A_250 = arith.constant 0 : i32
      %parallel_loop3A_251 = arith.cmpi slt, %parallel_loop3A_244, %parallel_loop3A_250 : i32
      %parallel_loop3A_252 = arith.xori %parallel_loop3A_249, %parallel_loop3A_251 : i1
      %parallel_loop3A_253 = arith.andi %parallel_loop3A_252, %parallel_loop3A_247 : i1
      %parallel_loop3A_254 = arith.addi %parallel_loop3A_245, %parallel_loop3A_244 : i32
      %parallel_loop3A_255 = arith.select %parallel_loop3A_253, %parallel_loop3A_254, %parallel_loop3A_245 : i32
      %parallel_loop3A_256 = arith.constant 16 : i32
      %parallel_loop3A_257 = arith.muli %parallel_loop3A_255, %parallel_loop3A_256 : i32
      %parallel_loop3A_258 = arith.index_cast %parallel_loop3A_239 : i32 to index
      %parallel_loop3A_259 = arith.index_cast %parallel_loop3A_257 : i32 to index
      %parallel_loop3A_260 = tpu.vector_load %arg11[%parallel_loop3A_258, %parallel_loop3A_259] {strides = array<i32>} : memref<5x128xf32, #tpu.memory_space<vmem>>, vector<16xf32>,
      tpu.vector_store %arg11[%parallel_loop3A_258, %parallel_loop3A_259], %broadcast_in_dim3A_7 {strides = array<i32>} : memref<5x128xf32, #tpu.memory_space<vmem>>, vector<16xf32>,
    } {sc.loop_unroll_factor = 8 : i64, sc.parallel_access}
    %parallel_loop3A_40 = arith.constant 0 : i32
    %parallel_loop3A_41 = arith.constant 640 : i32
    %parallel_loop3A_42 = arith.constant 1 : i32
    scf.for %parallel_loop3A_215 = %parallel_loop3A_40 to %parallel_loop3A_41 step %parallel_loop3A_42  : i32 {
      %parallel_loop3A_216 = arith.constant 8 : i32
      %parallel_loop3A_217 = arith.divsi %parallel_loop3A_215, %parallel_loop3A_216 : i32
      %parallel_loop3A_218 = arith.constant 0 : i32
      %parallel_loop3A_219 = arith.cmpi sgt, %parallel_loop3A_215, %parallel_loop3A_218 : i32
      %parallel_loop3A_220 = arith.extui %parallel_loop3A_219 : i1 to i32
      %parallel_loop3A_221 = arith.constant 0 : i32
      %parallel_loop3A_222 = arith.cmpi slt, %parallel_loop3A_215, %parallel_loop3A_221 : i32
      %parallel_loop3A_223 = arith.extui %parallel_loop3A_222 : i1 to i32
      %parallel_loop3A_224 = arith.subi %parallel_loop3A_220, %parallel_loop3A_223 : i32
      %parallel_loop3A_225 = arith.constant 0 : i32
      %parallel_loop3A_226 = arith.cmpi sgt, %parallel_loop3A_216, %parallel_loop3A_225 : i32
      %parallel_loop3A_227 = arith.extui %parallel_loop3A_226 : i1 to i32
      %parallel_loop3A_228 = arith.constant 0 : i32
      %parallel_loop3A_229 = arith.cmpi slt, %parallel_loop3A_216, %parallel_loop3A_228 : i32
      %parallel_loop3A_230 = arith.extui %parallel_loop3A_229 : i1 to i32
      %parallel_loop3A_231 = arith.subi %parallel_loop3A_227, %parallel_loop3A_230 : i32
      %parallel_loop3A_232 = arith.cmpi ne, %parallel_loop3A_224, %parallel_loop3A_231 : i32
      %parallel_loop3A_233 = arith.remsi %parallel_loop3A_215, %parallel_loop3A_216 : i32
      %parallel_loop3A_234 = arith.constant 0 : i32
      %parallel_loop3A_235 = arith.cmpi ne, %parallel_loop3A_233, %parallel_loop3A_234 : i32
      %parallel_loop3A_236 = arith.andi %parallel_loop3A_232, %parallel_loop3A_235 : i1
      %parallel_loop3A_237 = arith.constant 1 : i32
      %parallel_loop3A_238 = arith.subi %parallel_loop3A_217, %parallel_loop3A_237 : i32
      %parallel_loop3A_239 = arith.select %parallel_loop3A_236, %parallel_loop3A_238, %parallel_loop3A_217 : i32
      %parallel_loop3A_240 = arith.constant 8 : i32
      %parallel_loop3A_241 = arith.constant 0 : i32
      %parallel_loop3A_242 = arith.cmpi eq, %parallel_loop3A_240, %parallel_loop3A_241 : i32
      %parallel_loop3A_243 = arith.constant 1 : i32
      %parallel_loop3A_244 = arith.select %parallel_loop3A_242, %parallel_loop3A_243, %parallel_loop3A_240 : i32
      %parallel_loop3A_245 = arith.remsi %parallel_loop3A_215, %parallel_loop3A_244 : i32
      %parallel_loop3A_246 = arith.constant 0 : i32
      %parallel_loop3A_247 = arith.cmpi ne, %parallel_loop3A_245, %parallel_loop3A_246 : i32
      %parallel_loop3A_248 = arith.constant 0 : i32
      %parallel_loop3A_249 = arith.cmpi slt, %parallel_loop3A_245, %parallel_loop3A_248 : i32
      %parallel_loop3A_250 = arith.constant 0 : i32
      %parallel_loop3A_251 = arith.cmpi slt, %parallel_loop3A_244, %parallel_loop3A_250 : i32
      %parallel_loop3A_252 = arith.xori %parallel_loop3A_249, %parallel_loop3A_251 : i1
      %parallel_loop3A_253 = arith.andi %parallel_loop3A_252, %parallel_loop3A_247 : i1
      %parallel_loop3A_254 = arith.addi %parallel_loop3A_245, %parallel_loop3A_244 : i32
      %parallel_loop3A_255 = arith.select %parallel_loop3A_253, %parallel_loop3A_254, %parallel_loop3A_245 : i32
      %parallel_loop3A_256 = arith.constant 16 : i32
      %parallel_loop3A_257 = arith.muli %parallel_loop3A_255, %parallel_loop3A_256 : i32
      %parallel_loop3A_258 = arith.index_cast %parallel_loop3A_239 : i32 to index
      %parallel_loop3A_259 = arith.index_cast %parallel_loop3A_257 : i32 to index
      %parallel_loop3A_260 = tpu.vector_load %arg8[%parallel_loop3A_258, %parallel_loop3A_259] {strides = array<i32>} : memref<80x128xf32, #tpu.memory_space<vmem>>, vector<16xf32>,
      tpu.vector_store %arg8[%parallel_loop3A_258, %parallel_loop3A_259], %broadcast_in_dim3A_7 {strides = array<i32>} : memref<80x128xf32, #tpu.memory_space<vmem>>, vector<16xf32>,
    } {sc.loop_unroll_factor = 8 : i64, sc.parallel_access}
    "tpu.region"() ({
      %run_scoped3A = tpu.sem_alloc : memref<!tpu.dma_semaphore, #tpu.memory_space<semaphore_mem>>
      %dma_start3A_215 = arith.constant 0 : i32
      %dma_start3A_216 = tpu.memref_slice %arg13[%mul3A_2, %dma_start3A_215] : memref<80x128xf32, #tpu.memory_space<vmem_shared>> -> memref<5x128xf32, #tpu.memory_space<vmem_shared>>
      %dma_start3A_217 = arith.constant 0 : i32
      %dma_start3A_218 = tpu.memref_slice %arg13[%mul3A_2, %dma_start3A_217] : memref<80x128xf32, #tpu.memory_space<vmem_shared>> -> memref<5x128xf32, #tpu.memory_space<vmem_shared>>
      tpu.enqueue_dma source(%arg11 : memref<5x128xf32, #tpu.memory_space<vmem>>) target(%dma_start3A_218 : memref<5x128xf32, #tpu.memory_space<vmem_shared>>) target_semaphore(%run_scoped3A : memref<!tpu.dma_semaphore, #tpu.memory_space<semaphore_mem>>)
      %dma_wait3A_219 = arith.constant 0 : i32
      %dma_wait3A_220 = tpu.memref_slice %arg13[%mul3A_2, %dma_wait3A_219] : memref<80x128xf32, #tpu.memory_space<vmem_shared>> -> memref<5x128xf32, #tpu.memory_space<vmem_shared>>
      %dma_wait3A_221 = arith.constant 0 : i32
      %dma_wait3A_222 = tpu.memref_slice %arg13[%mul3A_2, %dma_wait3A_221] : memref<80x128xf32, #tpu.memory_space<vmem_shared>> -> memref<5x128xf32, #tpu.memory_space<vmem_shared>>
      tpu.wait_dma2 semaphore(%run_scoped3A : memref<!tpu.dma_semaphore, #tpu.memory_space<semaphore_mem>>) src(%arg11 : memref<5x128xf32, #tpu.memory_space<vmem>>) dst(%dma_wait3A_222 : memref<5x128xf32, #tpu.memory_space<vmem_shared>>)
      tpu.yield
    }) : () -> ()
    "tpu.region"() ({
      %run_scoped3A = tpu.sem_alloc : memref<!tpu.dma_semaphore, #tpu.memory_space<semaphore_mem>>
      %dma_start3A_215 = arith.constant 0 : i32
      %dma_start3A_216 = tpu.memref_slice %arg14[%mul3A_2, %dma_start3A_215] : memref<80x128xf32, #tpu.memory_space<vmem_shared>> -> memref<5x128xf32, #tpu.memory_space<vmem_shared>>
      %dma_start3A_217 = arith.constant 0 : i32
      %dma_start3A_218 = tpu.memref_slice %arg14[%mul3A_2, %dma_start3A_217] : memref<80x128xf32, #tpu.memory_space<vmem_shared>> -> memref<5x128xf32, #tpu.memory_space<vmem_shared>>
      tpu.enqueue_dma source(%arg11 : memref<5x128xf32, #tpu.memory_space<vmem>>) target(%dma_start3A_218 : memref<5x128xf32, #tpu.memory_space<vmem_shared>>) target_semaphore(%run_scoped3A : memref<!tpu.dma_semaphore, #tpu.memory_space<semaphore_mem>>)
      %dma_wait3A_219 = arith.constant 0 : i32
      %dma_wait3A_220 = tpu.memref_slice %arg14[%mul3A_2, %dma_wait3A_219] : memref<80x128xf32, #tpu.memory_space<vmem_shared>> -> memref<5x128xf32, #tpu.memory_space<vmem_shared>>
      %dma_wait3A_221 = arith.constant 0 : i32
      %dma_wait3A_222 = tpu.memref_slice %arg14[%mul3A_2, %dma_wait3A_221] : memref<80x128xf32, #tpu.memory_space<vmem_shared>> -> memref<5x128xf32, #tpu.memory_space<vmem_shared>>
      tpu.wait_dma2 semaphore(%run_scoped3A : memref<!tpu.dma_semaphore, #tpu.memory_space<semaphore_mem>>) src(%arg11 : memref<5x128xf32, #tpu.memory_space<vmem>>) dst(%dma_wait3A_222 : memref<5x128xf32, #tpu.memory_space<vmem_shared>>)
      tpu.yield
    }) : () -> ()
    %dma_wait3A = tpu.memref_slice %arg2[%add3A_3] : memref<320000xi32, #tpu.memory_space<hbm>> -> memref<10000xi32, #tpu.memory_space<hbm>>
    %dma_wait3A_43 = tpu.memref_slice %arg2[%add3A_3] : memref<320000xi32, #tpu.memory_space<hbm>> -> memref<10000xi32, #tpu.memory_space<hbm>>
    tpu.wait_dma2 semaphore(%arg16 : memref<!tpu.dma_semaphore, #tpu.memory_space<semaphore_mem>>) src(%dma_wait3A_43 : memref<10000xi32, #tpu.memory_space<hbm>>) dst(%arg5 : memref<10000xi32, #tpu.memory_space<vmem>>)
    %parallel_loop3A_44 = arith.constant 0 : i32
    %parallel_loop3A_45 = arith.constant 625 : i32
    %parallel_loop3A_46 = arith.constant 1 : i32
    scf.for %parallel_loop3A_215 = %parallel_loop3A_44 to %parallel_loop3A_45 step %parallel_loop3A_46  : i32 {
      %parallel_loop3A_216 = arith.constant 16 : i32
      %parallel_loop3A_217 = arith.muli %parallel_loop3A_215, %parallel_loop3A_216 : i32
      %parallel_loop3A_218 = arith.index_cast %parallel_loop3A_217 : i32 to index
      %parallel_loop3A_219 = tpu.vector_load %arg5[%parallel_loop3A_218] {strides = array<i32>} : memref<10000xi32, #tpu.memory_space<vmem>>, vector<16xi32>,
      %parallel_loop3A_220 = arith.constant 7 : i32
      %parallel_loop3A_221 = vector.broadcast %parallel_loop3A_220 : i32 to vector<16xi32>
      %parallel_loop3A_222 = arith.shrsi %parallel_loop3A_219, %parallel_loop3A_221 : vector<16xi32>
      %parallel_loop3A_223 = arith.constant 127 : i32
      %parallel_loop3A_224 = vector.broadcast %parallel_loop3A_223 : i32 to vector<16xi32>
      %parallel_loop3A_225 = arith.andi %parallel_loop3A_219, %parallel_loop3A_224 : vector<16xi32>
      tpu.vector_store_idx %arg8[%parallel_loop3A_222, %parallel_loop3A_225], %broadcast_in_dim3A_9 {add = true} : memref<80x128xf32, #tpu.memory_space<vmem>>[vector<16xi32>, vector<16xi32>], vector<16xf32>,
    } {sc.loop_unroll_factor = 5 : i64, sc.parallel_access}
    %barrier3A = arith.constant 0 : index
    tpu.barrier barrier_id(%barrier3A)
    "tpu.region"() ({
      %run_scoped3A = tpu.sem_alloc : memref<!tpu.dma_semaphore, #tpu.memory_space<semaphore_mem>>
      %dma_start3A_215 = arith.constant 0 : i32
      %dma_start3A_216 = arith.constant 0 : i32
      %dma_start3A_217 = tpu.memref_slice %arg13[%dma_start3A_215, %dma_start3A_216] : memref<80x128xf32, #tpu.memory_space<vmem_shared>> -> memref<80x128xf32, #tpu.memory_space<vmem_shared>>
      tpu.enqueue_indirect_dma source(%arg8 : memref<80x128xf32, #tpu.memory_space<vmem>>) target(%dma_start3A_217 : memref<80x128xf32, #tpu.memory_space<vmem_shared>>) offsets(%arg10 : memref<80xi32, #tpu.memory_space<vmem>>) semaphore(%run_scoped3A : memref<!tpu.dma_semaphore, #tpu.memory_space<semaphore_mem>>) {add = true}
      %dma_wait3A_218 = arith.constant 0 : i32
      %dma_wait3A_219 = arith.constant 0 : i32
      %dma_wait3A_220 = tpu.memref_slice %arg13[%dma_wait3A_218, %dma_wait3A_219] : memref<80x128xf32, #tpu.memory_space<vmem_shared>> -> memref<80x128xf32, #tpu.memory_space<vmem_shared>>
      tpu.wait_indirect_dma semaphore(%run_scoped3A : memref<!tpu.dma_semaphore, #tpu.memory_space<semaphore_mem>>) src(%arg8 : memref<80x128xf32, #tpu.memory_space<vmem>>) dst(%dma_wait3A_220 : memref<80x128xf32, #tpu.memory_space<vmem_shared>>)
      tpu.yield
    }) : () -> ()
    %barrier3A_47 = arith.constant 0 : index
    tpu.barrier barrier_id(%barrier3A_47)
    tpu.enqueue_dma source(%arg13 : memref<80x128xf32, #tpu.memory_space<vmem_shared>>) target(%arg7 : memref<80x128xf32, #tpu.memory_space<vmem>>) target_semaphore(%arg16 : memref<!tpu.dma_semaphore, #tpu.memory_space<semaphore_mem>>)
    %parallel_loop3A_48 = arith.constant 0 : i32
    %parallel_loop3A_49 = arith.constant 640 : i32
    %parallel_loop3A_50 = arith.constant 1 : i32
    scf.for %parallel_loop3A_215 = %parallel_loop3A_48 to %parallel_loop3A_49 step %parallel_loop3A_50  : i32 {
      %parallel_loop3A_216 = arith.constant 8 : i32
      %parallel_loop3A_217 = arith.divsi %parallel_loop3A_215, %parallel_loop3A_216 : i32
      %parallel_loop3A_218 = arith.constant 0 : i32
      %parallel_loop3A_219 = arith.cmpi sgt, %parallel_loop3A_215, %parallel_loop3A_218 : i32
      %parallel_loop3A_220 = arith.extui %parallel_loop3A_219 : i1 to i32
      %parallel_loop3A_221 = arith.constant 0 : i32
      %parallel_loop3A_222 = arith.cmpi slt, %parallel_loop3A_215, %parallel_loop3A_221 : i32
      %parallel_loop3A_223 = arith.extui %parallel_loop3A_222 : i1 to i32
      %parallel_loop3A_224 = arith.subi %parallel_loop3A_220, %parallel_loop3A_223 : i32
      %parallel_loop3A_225 = arith.constant 0 : i32
      %parallel_loop3A_226 = arith.cmpi sgt, %parallel_loop3A_216, %parallel_loop3A_225 : i32
      %parallel_loop3A_227 = arith.extui %parallel_loop3A_226 : i1 to i32
      %parallel_loop3A_228 = arith.constant 0 : i32
      %parallel_loop3A_229 = arith.cmpi slt, %parallel_loop3A_216, %parallel_loop3A_228 : i32
      %parallel_loop3A_230 = arith.extui %parallel_loop3A_229 : i1 to i32
      %parallel_loop3A_231 = arith.subi %parallel_loop3A_227, %parallel_loop3A_230 : i32
      %parallel_loop3A_232 = arith.cmpi ne, %parallel_loop3A_224, %parallel_loop3A_231 : i32
      %parallel_loop3A_233 = arith.remsi %parallel_loop3A_215, %parallel_loop3A_216 : i32
      %parallel_loop3A_234 = arith.constant 0 : i32
      %parallel_loop3A_235 = arith.cmpi ne, %parallel_loop3A_233, %parallel_loop3A_234 : i32
      %parallel_loop3A_236 = arith.andi %parallel_loop3A_232, %parallel_loop3A_235 : i1
      %parallel_loop3A_237 = arith.constant 1 : i32
      %parallel_loop3A_238 = arith.subi %parallel_loop3A_217, %parallel_loop3A_237 : i32
      %parallel_loop3A_239 = arith.select %parallel_loop3A_236, %parallel_loop3A_238, %parallel_loop3A_217 : i32
      %parallel_loop3A_240 = arith.constant 8 : i32
      %parallel_loop3A_241 = arith.constant 0 : i32
      %parallel_loop3A_242 = arith.cmpi eq, %parallel_loop3A_240, %parallel_loop3A_241 : i32
      %parallel_loop3A_243 = arith.constant 1 : i32
      %parallel_loop3A_244 = arith.select %parallel_loop3A_242, %parallel_loop3A_243, %parallel_loop3A_240 : i32
      %parallel_loop3A_245 = arith.remsi %parallel_loop3A_215, %parallel_loop3A_244 : i32
      %parallel_loop3A_246 = arith.constant 0 : i32
      %parallel_loop3A_247 = arith.cmpi ne, %parallel_loop3A_245, %parallel_loop3A_246 : i32
      %parallel_loop3A_248 = arith.constant 0 : i32
      %parallel_loop3A_249 = arith.cmpi slt, %parallel_loop3A_245, %parallel_loop3A_248 : i32
      %parallel_loop3A_250 = arith.constant 0 : i32
      %parallel_loop3A_251 = arith.cmpi slt, %parallel_loop3A_244, %parallel_loop3A_250 : i32
      %parallel_loop3A_252 = arith.xori %parallel_loop3A_249, %parallel_loop3A_251 : i1
      %parallel_loop3A_253 = arith.andi %parallel_loop3A_252, %parallel_loop3A_247 : i1
      %parallel_loop3A_254 = arith.addi %parallel_loop3A_245, %parallel_loop3A_244 : i32
      %parallel_loop3A_255 = arith.select %parallel_loop3A_253, %parallel_loop3A_254, %parallel_loop3A_245 : i32
      %parallel_loop3A_256 = arith.constant 16 : i32
      %parallel_loop3A_257 = arith.muli %parallel_loop3A_255, %parallel_loop3A_256 : i32
      %parallel_loop3A_258 = arith.index_cast %parallel_loop3A_239 : i32 to index
      %parallel_loop3A_259 = arith.index_cast %parallel_loop3A_257 : i32 to index
      %parallel_loop3A_260 = tpu.vector_load %arg8[%parallel_loop3A_258, %parallel_loop3A_259] {strides = array<i32>} : memref<80x128xf32, #tpu.memory_space<vmem>>, vector<16xf32>,
      tpu.vector_store %arg8[%parallel_loop3A_258, %parallel_loop3A_259], %broadcast_in_dim3A_7 {strides = array<i32>} : memref<80x128xf32, #tpu.memory_space<vmem>>, vector<16xf32>,
    } {sc.loop_unroll_factor = 8 : i64, sc.parallel_access}
    tpu.wait_dma2 semaphore(%arg16 : memref<!tpu.dma_semaphore, #tpu.memory_space<semaphore_mem>>) src(%arg13 : memref<80x128xf32, #tpu.memory_space<vmem_shared>>) dst(%arg7 : memref<80x128xf32, #tpu.memory_space<vmem>>)
    %parallel_loop3A_51 = arith.constant 0 : i32
    %parallel_loop3A_52 = arith.constant 640 : i32
    %parallel_loop3A_53 = arith.constant 1 : i32
    scf.for %parallel_loop3A_215 = %parallel_loop3A_51 to %parallel_loop3A_52 step %parallel_loop3A_53  : i32 {
      %parallel_loop3A_216 = arith.constant 8 : i32
      %parallel_loop3A_217 = arith.divsi %parallel_loop3A_215, %parallel_loop3A_216 : i32
      %parallel_loop3A_218 = arith.constant 0 : i32
      %parallel_loop3A_219 = arith.cmpi sgt, %parallel_loop3A_215, %parallel_loop3A_218 : i32
      %parallel_loop3A_220 = arith.extui %parallel_loop3A_219 : i1 to i32
      %parallel_loop3A_221 = arith.constant 0 : i32
      %parallel_loop3A_222 = arith.cmpi slt, %parallel_loop3A_215, %parallel_loop3A_221 : i32
      %parallel_loop3A_223 = arith.extui %parallel_loop3A_222 : i1 to i32
      %parallel_loop3A_224 = arith.subi %parallel_loop3A_220, %parallel_loop3A_223 : i32
      %parallel_loop3A_225 = arith.constant 0 : i32
      %parallel_loop3A_226 = arith.cmpi sgt, %parallel_loop3A_216, %parallel_loop3A_225 : i32
      %parallel_loop3A_227 = arith.extui %parallel_loop3A_226 : i1 to i32
      %parallel_loop3A_228 = arith.constant 0 : i32
      %parallel_loop3A_229 = arith.cmpi slt, %parallel_loop3A_216, %parallel_loop3A_228 : i32
      %parallel_loop3A_230 = arith.extui %parallel_loop3A_229 : i1 to i32
      %parallel_loop3A_231 = arith.subi %parallel_loop3A_227, %parallel_loop3A_230 : i32
      %parallel_loop3A_232 = arith.cmpi ne, %parallel_loop3A_224, %parallel_loop3A_231 : i32
      %parallel_loop3A_233 = arith.remsi %parallel_loop3A_215, %parallel_loop3A_216 : i32
      %parallel_loop3A_234 = arith.constant 0 : i32
      %parallel_loop3A_235 = arith.cmpi ne, %parallel_loop3A_233, %parallel_loop3A_234 : i32
      %parallel_loop3A_236 = arith.andi %parallel_loop3A_232, %parallel_loop3A_235 : i1
      %parallel_loop3A_237 = arith.constant 1 : i32
      %parallel_loop3A_238 = arith.subi %parallel_loop3A_217, %parallel_loop3A_237 : i32
      %parallel_loop3A_239 = arith.select %parallel_loop3A_236, %parallel_loop3A_238, %parallel_loop3A_217 : i32
      %parallel_loop3A_240 = arith.constant 8 : i32
      %parallel_loop3A_241 = arith.constant 0 : i32
      %parallel_loop3A_242 = arith.cmpi eq, %parallel_loop3A_240, %parallel_loop3A_241 : i32
      %parallel_loop3A_243 = arith.constant 1 : i32
      %parallel_loop3A_244 = arith.select %parallel_loop3A_242, %parallel_loop3A_243, %parallel_loop3A_240 : i32
      %parallel_loop3A_245 = arith.remsi %parallel_loop3A_215, %parallel_loop3A_244 : i32
      %parallel_loop3A_246 = arith.constant 0 : i32
      %parallel_loop3A_247 = arith.cmpi ne, %parallel_loop3A_245, %parallel_loop3A_246 : i32
      %parallel_loop3A_248 = arith.constant 0 : i32
      %parallel_loop3A_249 = arith.cmpi slt, %parallel_loop3A_245, %parallel_loop3A_248 : i32
      %parallel_loop3A_250 = arith.constant 0 : i32
      %parallel_loop3A_251 = arith.cmpi slt, %parallel_loop3A_244, %parallel_loop3A_250 : i32
      %parallel_loop3A_252 = arith.xori %parallel_loop3A_249, %parallel_loop3A_251 : i1
      %parallel_loop3A_253 = arith.andi %parallel_loop3A_252, %parallel_loop3A_247 : i1
      %parallel_loop3A_254 = arith.addi %parallel_loop3A_245, %parallel_loop3A_244 : i32
      %parallel_loop3A_255 = arith.select %parallel_loop3A_253, %parallel_loop3A_254, %parallel_loop3A_245 : i32
      %parallel_loop3A_256 = arith.constant 16 : i32
      %parallel_loop3A_257 = arith.muli %parallel_loop3A_255, %parallel_loop3A_256 : i32
      %parallel_loop3A_258 = arith.index_cast %parallel_loop3A_239 : i32 to index
      %parallel_loop3A_259 = arith.index_cast %parallel_loop3A_257 : i32 to index
      %parallel_loop3A_260 = tpu.vector_load %arg7[%parallel_loop3A_258, %parallel_loop3A_259] {strides = array<i32>} : memref<80x128xf32, #tpu.memory_space<vmem>>, vector<16xf32>,
      %parallel_loop3A_261 = arith.constant 1.000000e+00 : f32
      %parallel_loop3A_262 = vector.broadcast %parallel_loop3A_261 : f32 to vector<16xf32>
      %parallel_loop3A_263 = arith.maximumf %parallel_loop3A_260, %parallel_loop3A_262 : vector<16xf32>
      %parallel_loop3A_264 = vector.bitcast %parallel_loop3A_263 : vector<16xf32> to vector<16xi32>
      %parallel_loop3A_265 = arith.constant 1 : i32
      %parallel_loop3A_266 = vector.broadcast %parallel_loop3A_265 : i32 to vector<16xi32>
      %parallel_loop3A_267 = arith.shrsi %parallel_loop3A_264, %parallel_loop3A_266 : vector<16xi32>
      %parallel_loop3A_268 = arith.constant 1597463007 : i32
      %parallel_loop3A_269 = vector.broadcast %parallel_loop3A_268 : i32 to vector<16xi32>
      %parallel_loop3A_270 = arith.subi %parallel_loop3A_269, %parallel_loop3A_267 : vector<16xi32>
      %parallel_loop3A_271 = vector.bitcast %parallel_loop3A_270 : vector<16xi32> to vector<16xf32>
      %parallel_loop3A_272 = arith.constant 5.000000e-01 : f32
      %parallel_loop3A_273 = vector.broadcast %parallel_loop3A_272 : f32 to vector<16xf32>
      %parallel_loop3A_274 = arith.mulf %parallel_loop3A_273, %parallel_loop3A_263 : vector<16xf32>
      %parallel_loop3A_275 = arith.mulf %parallel_loop3A_274, %parallel_loop3A_271 : vector<16xf32>
      %parallel_loop3A_276 = arith.mulf %parallel_loop3A_275, %parallel_loop3A_271 : vector<16xf32>
      %parallel_loop3A_277 = arith.constant 1.500000e+00 : f32
      %parallel_loop3A_278 = vector.broadcast %parallel_loop3A_277 : f32 to vector<16xf32>
      %parallel_loop3A_279 = arith.subf %parallel_loop3A_278, %parallel_loop3A_276 : vector<16xf32>
      %parallel_loop3A_280 = arith.mulf %parallel_loop3A_271, %parallel_loop3A_279 : vector<16xf32>
      %parallel_loop3A_281 = arith.constant 5.000000e-01 : f32
      %parallel_loop3A_282 = vector.broadcast %parallel_loop3A_281 : f32 to vector<16xf32>
      %parallel_loop3A_283 = arith.mulf %parallel_loop3A_282, %parallel_loop3A_263 : vector<16xf32>
      %parallel_loop3A_284 = arith.mulf %parallel_loop3A_283, %parallel_loop3A_280 : vector<16xf32>
      %parallel_loop3A_285 = arith.mulf %parallel_loop3A_284, %parallel_loop3A_280 : vector<16xf32>
      %parallel_loop3A_286 = arith.constant 1.500000e+00 : f32
      %parallel_loop3A_287 = vector.broadcast %parallel_loop3A_286 : f32 to vector<16xf32>
      %parallel_loop3A_288 = arith.subf %parallel_loop3A_287, %parallel_loop3A_285 : vector<16xf32>
      %parallel_loop3A_289 = arith.mulf %parallel_loop3A_280, %parallel_loop3A_288 : vector<16xf32>
      %parallel_loop3A_290 = arith.constant 5.000000e-01 : f32
      %parallel_loop3A_291 = vector.broadcast %parallel_loop3A_290 : f32 to vector<16xf32>
      %parallel_loop3A_292 = arith.mulf %parallel_loop3A_291, %parallel_loop3A_263 : vector<16xf32>
      %parallel_loop3A_293 = arith.mulf %parallel_loop3A_292, %parallel_loop3A_289 : vector<16xf32>
      %parallel_loop3A_294 = arith.mulf %parallel_loop3A_293, %parallel_loop3A_289 : vector<16xf32>
      %parallel_loop3A_295 = arith.constant 1.500000e+00 : f32
      %parallel_loop3A_296 = vector.broadcast %parallel_loop3A_295 : f32 to vector<16xf32>
      %parallel_loop3A_297 = arith.subf %parallel_loop3A_296, %parallel_loop3A_294 : vector<16xf32>
      %parallel_loop3A_298 = arith.mulf %parallel_loop3A_289, %parallel_loop3A_297 : vector<16xf32>
      %parallel_loop3A_299 = arith.index_cast %parallel_loop3A_239 : i32 to index
      %parallel_loop3A_300 = arith.index_cast %parallel_loop3A_257 : i32 to index
      %parallel_loop3A_301 = tpu.vector_load %arg9[%parallel_loop3A_299, %parallel_loop3A_300] {strides = array<i32>} : memref<80x128xf32, #tpu.memory_space<vmem>>, vector<16xf32>,
      tpu.vector_store %arg9[%parallel_loop3A_299, %parallel_loop3A_300], %parallel_loop3A_298 {strides = array<i32>} : memref<80x128xf32, #tpu.memory_space<vmem>>, vector<16xf32>,
    } {sc.loop_unroll_factor = 4 : i64, sc.parallel_access}
    %dma_wait3A_54 = tpu.memref_slice %arg2[%mul3A_0] : memref<320000xi32, #tpu.memory_space<hbm>> -> memref<10000xi32, #tpu.memory_space<hbm>>
    %dma_wait3A_55 = tpu.memref_slice %arg2[%mul3A_0] : memref<320000xi32, #tpu.memory_space<hbm>> -> memref<10000xi32, #tpu.memory_space<hbm>>
    tpu.wait_dma2 semaphore(%arg17 : memref<!tpu.dma_semaphore, #tpu.memory_space<semaphore_mem>>) src(%dma_wait3A_55 : memref<10000xi32, #tpu.memory_space<hbm>>) dst(%arg4 : memref<10000xi32, #tpu.memory_space<vmem>>)
    %parallel_loop3A_56 = arith.constant 0 : i32
    %parallel_loop3A_57 = arith.constant 625 : i32
    %parallel_loop3A_58 = arith.constant 1 : i32
    scf.for %parallel_loop3A_215 = %parallel_loop3A_56 to %parallel_loop3A_57 step %parallel_loop3A_58  : i32 {
      %parallel_loop3A_216 = arith.constant 16 : i32
      %parallel_loop3A_217 = arith.muli %parallel_loop3A_215, %parallel_loop3A_216 : i32
      %parallel_loop3A_218 = arith.index_cast %parallel_loop3A_217 : i32 to index
      %parallel_loop3A_219 = tpu.vector_load %arg4[%parallel_loop3A_218] {strides = array<i32>} : memref<10000xi32, #tpu.memory_space<vmem>>, vector<16xi32>,
      %parallel_loop3A_220 = arith.constant 16 : i32
      %parallel_loop3A_221 = arith.muli %parallel_loop3A_215, %parallel_loop3A_220 : i32
      %parallel_loop3A_222 = arith.index_cast %parallel_loop3A_221 : i32 to index
      %parallel_loop3A_223 = tpu.vector_load %arg5[%parallel_loop3A_222] {strides = array<i32>} : memref<10000xi32, #tpu.memory_space<vmem>>, vector<16xi32>,
      %parallel_loop3A_224 = arith.constant 7 : i32
      %parallel_loop3A_225 = vector.broadcast %parallel_loop3A_224 : i32 to vector<16xi32>
      %parallel_loop3A_226 = arith.shrsi %parallel_loop3A_219, %parallel_loop3A_225 : vector<16xi32>
      %parallel_loop3A_227 = arith.constant 127 : i32
      %parallel_loop3A_228 = vector.broadcast %parallel_loop3A_227 : i32 to vector<16xi32>
      %parallel_loop3A_229 = arith.andi %parallel_loop3A_219, %parallel_loop3A_228 : vector<16xi32>
      %parallel_loop3A_230 = arith.constant 7 : i32
      %parallel_loop3A_231 = vector.broadcast %parallel_loop3A_230 : i32 to vector<16xi32>
      %parallel_loop3A_232 = arith.shrsi %parallel_loop3A_223, %parallel_loop3A_231 : vector<16xi32>
      %parallel_loop3A_233 = arith.constant 127 : i32
      %parallel_loop3A_234 = vector.broadcast %parallel_loop3A_233 : i32 to vector<16xi32>
      %parallel_loop3A_235 = arith.andi %parallel_loop3A_223, %parallel_loop3A_234 : vector<16xi32>
      %parallel_loop3A_236 = tpu.vector_load_idx %arg9[%parallel_loop3A_226, %parallel_loop3A_229] : memref<80x128xf32, #tpu.memory_space<vmem>>[vector<16xi32>, vector<16xi32>], vector<16xf32>,
      %parallel_loop3A_237 = tpu.vector_load_idx %arg9[%parallel_loop3A_232, %parallel_loop3A_235] : memref<80x128xf32, #tpu.memory_space<vmem>>[vector<16xi32>, vector<16xi32>], vector<16xf32>,
      %parallel_loop3A_238 = arith.mulf %parallel_loop3A_236, %parallel_loop3A_237 : vector<16xf32>
      %parallel_loop3A_239 = arith.constant 16 : i32
      %parallel_loop3A_240 = arith.muli %parallel_loop3A_215, %parallel_loop3A_239 : i32
      %parallel_loop3A_241 = arith.index_cast %parallel_loop3A_240 : i32 to index
      %parallel_loop3A_242 = tpu.vector_load %arg6[%parallel_loop3A_241] {strides = array<i32>} : memref<10000xf32, #tpu.memory_space<vmem>>, vector<16xf32>,
      tpu.vector_store %arg6[%parallel_loop3A_241], %parallel_loop3A_238 {strides = array<i32>} : memref<10000xf32, #tpu.memory_space<vmem>>, vector<16xf32>,
      %parallel_loop3A_243 = arith.constant 9.99999974E-5 : f32
      %parallel_loop3A_244 = vector.broadcast %parallel_loop3A_243 : f32 to vector<16xf32>
      %parallel_loop3A_245 = arith.mulf %parallel_loop3A_238, %parallel_loop3A_244 : vector<16xf32>
      tpu.vector_store_idx %arg8[%parallel_loop3A_226, %parallel_loop3A_229], %parallel_loop3A_245 {add = true} : memref<80x128xf32, #tpu.memory_space<vmem>>[vector<16xi32>, vector<16xi32>], vector<16xf32>,
    } {sc.loop_unroll_factor = 4 : i64, sc.parallel_access}
    %dma_start3A_59 = arith.constant 0 : i32
    %dma_start3A_60 = arith.constant 0 : i32
    %dma_start3A_61 = tpu.memref_slice %arg14[%dma_start3A_59, %dma_start3A_60] : memref<80x128xf32, #tpu.memory_space<vmem_shared>> -> memref<80x128xf32, #tpu.memory_space<vmem_shared>>
    tpu.enqueue_indirect_dma source(%arg8 : memref<80x128xf32, #tpu.memory_space<vmem>>) target(%dma_start3A_61 : memref<80x128xf32, #tpu.memory_space<vmem_shared>>) offsets(%arg10 : memref<80xi32, #tpu.memory_space<vmem>>) semaphore(%arg16 : memref<!tpu.dma_semaphore, #tpu.memory_space<semaphore_mem>>) {add = true}
    "tpu.region"() ({
      %run_scoped3A = tpu.sem_alloc : memref<!tpu.dma_semaphore, #tpu.memory_space<semaphore_mem>>
      %dma_start3A_215 = arith.constant 0 : i32
      %dma_start3A_216 = tpu.memref_slice %arg15[%mul3A_2, %dma_start3A_215] : memref<80x128xf32, #tpu.memory_space<vmem_shared>> -> memref<5x128xf32, #tpu.memory_space<vmem_shared>>
      %dma_start3A_217 = arith.constant 0 : i32
      %dma_start3A_218 = tpu.memref_slice %arg15[%mul3A_2, %dma_start3A_217] : memref<80x128xf32, #tpu.memory_space<vmem_shared>> -> memref<5x128xf32, #tpu.memory_space<vmem_shared>>
      tpu.enqueue_dma source(%arg11 : memref<5x128xf32, #tpu.memory_space<vmem>>) target(%dma_start3A_218 : memref<5x128xf32, #tpu.memory_space<vmem_shared>>) target_semaphore(%run_scoped3A : memref<!tpu.dma_semaphore, #tpu.memory_space<semaphore_mem>>)
      %dma_wait3A_219 = arith.constant 0 : i32
      %dma_wait3A_220 = tpu.memref_slice %arg15[%mul3A_2, %dma_wait3A_219] : memref<80x128xf32, #tpu.memory_space<vmem_shared>> -> memref<5x128xf32, #tpu.memory_space<vmem_shared>>
      %dma_wait3A_221 = arith.constant 0 : i32
      %dma_wait3A_222 = tpu.memref_slice %arg15[%mul3A_2, %dma_wait3A_221] : memref<80x128xf32, #tpu.memory_space<vmem_shared>> -> memref<5x128xf32, #tpu.memory_space<vmem_shared>>
      tpu.wait_dma2 semaphore(%run_scoped3A : memref<!tpu.dma_semaphore, #tpu.memory_space<semaphore_mem>>) src(%arg11 : memref<5x128xf32, #tpu.memory_space<vmem>>) dst(%dma_wait3A_222 : memref<5x128xf32, #tpu.memory_space<vmem_shared>>)
      tpu.yield
    }) : () -> ()
    %dma_wait3A_62 = arith.constant 0 : i32
    %dma_wait3A_63 = arith.constant 0 : i32
    %dma_wait3A_64 = tpu.memref_slice %arg14[%dma_wait3A_62, %dma_wait3A_63] : memref<80x128xf32, #tpu.memory_space<vmem_shared>> -> memref<80x128xf32, #tpu.memory_space<vmem_shared>>
    tpu.wait_indirect_dma semaphore(%arg16 : memref<!tpu.dma_semaphore, #tpu.memory_space<semaphore_mem>>) src(%arg8 : memref<80x128xf32, #tpu.memory_space<vmem>>) dst(%dma_wait3A_64 : memref<80x128xf32, #tpu.memory_space<vmem_shared>>)
    %barrier3A_65 = arith.constant 0 : index
    tpu.barrier barrier_id(%barrier3A_65)
    tpu.enqueue_dma source(%arg14 : memref<80x128xf32, #tpu.memory_space<vmem_shared>>) target(%arg7 : memref<80x128xf32, #tpu.memory_space<vmem>>) target_semaphore(%arg17 : memref<!tpu.dma_semaphore, #tpu.memory_space<semaphore_mem>>)
    %parallel_loop3A_66 = arith.constant 0 : i32
    %parallel_loop3A_67 = arith.constant 640 : i32
    %parallel_loop3A_68 = arith.constant 1 : i32
    scf.for %parallel_loop3A_215 = %parallel_loop3A_66 to %parallel_loop3A_67 step %parallel_loop3A_68  : i32 {
      %parallel_loop3A_216 = arith.constant 8 : i32
      %parallel_loop3A_217 = arith.divsi %parallel_loop3A_215, %parallel_loop3A_216 : i32
      %parallel_loop3A_218 = arith.constant 0 : i32
      %parallel_loop3A_219 = arith.cmpi sgt, %parallel_loop3A_215, %parallel_loop3A_218 : i32
      %parallel_loop3A_220 = arith.extui %parallel_loop3A_219 : i1 to i32
      %parallel_loop3A_221 = arith.constant 0 : i32
      %parallel_loop3A_222 = arith.cmpi slt, %parallel_loop3A_215, %parallel_loop3A_221 : i32
      %parallel_loop3A_223 = arith.extui %parallel_loop3A_222 : i1 to i32
      %parallel_loop3A_224 = arith.subi %parallel_loop3A_220, %parallel_loop3A_223 : i32
      %parallel_loop3A_225 = arith.constant 0 : i32
      %parallel_loop3A_226 = arith.cmpi sgt, %parallel_loop3A_216, %parallel_loop3A_225 : i32
      %parallel_loop3A_227 = arith.extui %parallel_loop3A_226 : i1 to i32
      %parallel_loop3A_228 = arith.constant 0 : i32
      %parallel_loop3A_229 = arith.cmpi slt, %parallel_loop3A_216, %parallel_loop3A_228 : i32
      %parallel_loop3A_230 = arith.extui %parallel_loop3A_229 : i1 to i32
      %parallel_loop3A_231 = arith.subi %parallel_loop3A_227, %parallel_loop3A_230 : i32
      %parallel_loop3A_232 = arith.cmpi ne, %parallel_loop3A_224, %parallel_loop3A_231 : i32
      %parallel_loop3A_233 = arith.remsi %parallel_loop3A_215, %parallel_loop3A_216 : i32
      %parallel_loop3A_234 = arith.constant 0 : i32
      %parallel_loop3A_235 = arith.cmpi ne, %parallel_loop3A_233, %parallel_loop3A_234 : i32
      %parallel_loop3A_236 = arith.andi %parallel_loop3A_232, %parallel_loop3A_235 : i1
      %parallel_loop3A_237 = arith.constant 1 : i32
      %parallel_loop3A_238 = arith.subi %parallel_loop3A_217, %parallel_loop3A_237 : i32
      %parallel_loop3A_239 = arith.select %parallel_loop3A_236, %parallel_loop3A_238, %parallel_loop3A_217 : i32
      %parallel_loop3A_240 = arith.constant 8 : i32
      %parallel_loop3A_241 = arith.constant 0 : i32
      %parallel_loop3A_242 = arith.cmpi eq, %parallel_loop3A_240, %parallel_loop3A_241 : i32
      %parallel_loop3A_243 = arith.constant 1 : i32
      %parallel_loop3A_244 = arith.select %parallel_loop3A_242, %parallel_loop3A_243, %parallel_loop3A_240 : i32
      %parallel_loop3A_245 = arith.remsi %parallel_loop3A_215, %parallel_loop3A_244 : i32
      %parallel_loop3A_246 = arith.constant 0 : i32
      %parallel_loop3A_247 = arith.cmpi ne, %parallel_loop3A_245, %parallel_loop3A_246 : i32
      %parallel_loop3A_248 = arith.constant 0 : i32
      %parallel_loop3A_249 = arith.cmpi slt, %parallel_loop3A_245, %parallel_loop3A_248 : i32
      %parallel_loop3A_250 = arith.constant 0 : i32
      %parallel_loop3A_251 = arith.cmpi slt, %parallel_loop3A_244, %parallel_loop3A_250 : i32
      %parallel_loop3A_252 = arith.xori %parallel_loop3A_249, %parallel_loop3A_251 : i1
      %parallel_loop3A_253 = arith.andi %parallel_loop3A_252, %parallel_loop3A_247 : i1
      %parallel_loop3A_254 = arith.addi %parallel_loop3A_245, %parallel_loop3A_244 : i32
      %parallel_loop3A_255 = arith.select %parallel_loop3A_253, %parallel_loop3A_254, %parallel_loop3A_245 : i32
      %parallel_loop3A_256 = arith.constant 16 : i32
      %parallel_loop3A_257 = arith.muli %parallel_loop3A_255, %parallel_loop3A_256 : i32
      %parallel_loop3A_258 = arith.index_cast %parallel_loop3A_239 : i32 to index
      %parallel_loop3A_259 = arith.index_cast %parallel_loop3A_257 : i32 to index
      %parallel_loop3A_260 = tpu.vector_load %arg8[%parallel_loop3A_258, %parallel_loop3A_259] {strides = array<i32>} : memref<80x128xf32, #tpu.memory_space<vmem>>, vector<16xf32>,
      tpu.vector_store %arg8[%parallel_loop3A_258, %parallel_loop3A_259], %broadcast_in_dim3A_7 {strides = array<i32>} : memref<80x128xf32, #tpu.memory_space<vmem>>, vector<16xf32>,
    } {sc.loop_unroll_factor = 8 : i64, sc.parallel_access}
    tpu.wait_dma2 semaphore(%arg17 : memref<!tpu.dma_semaphore, #tpu.memory_space<semaphore_mem>>) src(%arg14 : memref<80x128xf32, #tpu.memory_space<vmem_shared>>) dst(%arg7 : memref<80x128xf32, #tpu.memory_space<vmem>>)
    %parallel_loop3A_69 = arith.constant 0 : i32
    %parallel_loop3A_70 = arith.constant 40 : i32
    %parallel_loop3A_71 = arith.constant 1 : i32
    scf.for %parallel_loop3A_215 = %parallel_loop3A_69 to %parallel_loop3A_70 step %parallel_loop3A_71  : i32 {
      %parallel_loop3A_216 = arith.constant 8 : i32
      %parallel_loop3A_217 = arith.divsi %parallel_loop3A_215, %parallel_loop3A_216 : i32
      %parallel_loop3A_218 = arith.constant 0 : i32
      %parallel_loop3A_219 = arith.cmpi sgt, %parallel_loop3A_215, %parallel_loop3A_218 : i32
      %parallel_loop3A_220 = arith.extui %parallel_loop3A_219 : i1 to i32
      %parallel_loop3A_221 = arith.constant 0 : i32
      %parallel_loop3A_222 = arith.cmpi slt, %parallel_loop3A_215, %parallel_loop3A_221 : i32
      %parallel_loop3A_223 = arith.extui %parallel_loop3A_222 : i1 to i32
      %parallel_loop3A_224 = arith.subi %parallel_loop3A_220, %parallel_loop3A_223 : i32
      %parallel_loop3A_225 = arith.constant 0 : i32
      %parallel_loop3A_226 = arith.cmpi sgt, %parallel_loop3A_216, %parallel_loop3A_225 : i32
      %parallel_loop3A_227 = arith.extui %parallel_loop3A_226 : i1 to i32
      %parallel_loop3A_228 = arith.constant 0 : i32
      %parallel_loop3A_229 = arith.cmpi slt, %parallel_loop3A_216, %parallel_loop3A_228 : i32
      %parallel_loop3A_230 = arith.extui %parallel_loop3A_229 : i1 to i32
      %parallel_loop3A_231 = arith.subi %parallel_loop3A_227, %parallel_loop3A_230 : i32
      %parallel_loop3A_232 = arith.cmpi ne, %parallel_loop3A_224, %parallel_loop3A_231 : i32
      %parallel_loop3A_233 = arith.remsi %parallel_loop3A_215, %parallel_loop3A_216 : i32
      %parallel_loop3A_234 = arith.constant 0 : i32
      %parallel_loop3A_235 = arith.cmpi ne, %parallel_loop3A_233, %parallel_loop3A_234 : i32
      %parallel_loop3A_236 = arith.andi %parallel_loop3A_232, %parallel_loop3A_235 : i1
      %parallel_loop3A_237 = arith.constant 1 : i32
      %parallel_loop3A_238 = arith.subi %parallel_loop3A_217, %parallel_loop3A_237 : i32
      %parallel_loop3A_239 = arith.select %parallel_loop3A_236, %parallel_loop3A_238, %parallel_loop3A_217 : i32
      %parallel_loop3A_240 = arith.addi %mul3A_2, %parallel_loop3A_239 : i32
      %parallel_loop3A_241 = arith.constant 8 : i32
      %parallel_loop3A_242 = arith.constant 0 : i32
      %parallel_loop3A_243 = arith.cmpi eq, %parallel_loop3A_241, %parallel_loop3A_242 : i32
      %parallel_loop3A_244 = arith.constant 1 : i32
      %parallel_loop3A_245 = arith.select %parallel_loop3A_243, %parallel_loop3A_244, %parallel_loop3A_241 : i32
      %parallel_loop3A_246 = arith.remsi %parallel_loop3A_215, %parallel_loop3A_245 : i32
      %parallel_loop3A_247 = arith.constant 0 : i32
      %parallel_loop3A_248 = arith.cmpi ne, %parallel_loop3A_246, %parallel_loop3A_247 : i32
      %parallel_loop3A_249 = arith.constant 0 : i32
      %parallel_loop3A_250 = arith.cmpi slt, %parallel_loop3A_246, %parallel_loop3A_249 : i32
      %parallel_loop3A_251 = arith.constant 0 : i32
      %parallel_loop3A_252 = arith.cmpi slt, %parallel_loop3A_245, %parallel_loop3A_251 : i32
      %parallel_loop3A_253 = arith.xori %parallel_loop3A_250, %parallel_loop3A_252 : i1
      %parallel_loop3A_254 = arith.andi %parallel_loop3A_253, %parallel_loop3A_248 : i1
      %parallel_loop3A_255 = arith.addi %parallel_loop3A_246, %parallel_loop3A_245 : i32
      %parallel_loop3A_256 = arith.select %parallel_loop3A_254, %parallel_loop3A_255, %parallel_loop3A_246 : i32
      %parallel_loop3A_257 = arith.constant 16 : i32
      %parallel_loop3A_258 = arith.muli %parallel_loop3A_256, %parallel_loop3A_257 : i32
      %parallel_loop3A_259 = arith.index_cast %parallel_loop3A_240 : i32 to index
      %parallel_loop3A_260 = arith.index_cast %parallel_loop3A_258 : i32 to index
      %parallel_loop3A_261 = tpu.vector_load %arg7[%parallel_loop3A_259, %parallel_loop3A_260] {strides = array<i32>} : memref<80x128xf32, #tpu.memory_space<vmem>>, vector<16xf32>,
      %parallel_loop3A_262 = arith.constant 9.000000e-02 : f32
      %parallel_loop3A_263 = vector.broadcast %parallel_loop3A_262 : f32 to vector<16xf32>
      %parallel_loop3A_264 = arith.mulf %parallel_loop3A_263, %parallel_loop3A_261 : vector<16xf32>
      %parallel_loop3A_265 = arith.constant 9.99999974E-6 : f32
      %parallel_loop3A_266 = vector.broadcast %parallel_loop3A_265 : f32 to vector<16xf32>
      %parallel_loop3A_267 = arith.addf %parallel_loop3A_266, %parallel_loop3A_264 : vector<16xf32>
      %parallel_loop3A_268 = arith.constant 16 : i32
      %parallel_loop3A_269 = arith.muli %parallel_loop3A_215, %parallel_loop3A_268 : i32
      %parallel_loop3A_270 = arith.index_cast %parallel_loop3A_269 : i32 to index
      %parallel_loop3A_271 = tpu.vector_load %arg12[%parallel_loop3A_270] {strides = array<i32>} : memref<640xf32, #tpu.memory_space<vmem>>, vector<16xf32>,
      tpu.vector_store %arg12[%parallel_loop3A_270], %parallel_loop3A_267 {strides = array<i32>} : memref<640xf32, #tpu.memory_space<vmem>>, vector<16xf32>,
    } {sc.loop_unroll_factor = 5 : i64, sc.parallel_access}
    %parallel_loop3A_72 = arith.constant 0 : i32
    %parallel_loop3A_73 = arith.constant 625 : i32
    %parallel_loop3A_74 = arith.constant 1 : i32
    scf.for %parallel_loop3A_215 = %parallel_loop3A_72 to %parallel_loop3A_73 step %parallel_loop3A_74  : i32 {
      %parallel_loop3A_216 = arith.constant 16 : i32
      %parallel_loop3A_217 = arith.muli %parallel_loop3A_215, %parallel_loop3A_216 : i32
      %parallel_loop3A_218 = arith.index_cast %parallel_loop3A_217 : i32 to index
      %parallel_loop3A_219 = tpu.vector_load %arg4[%parallel_loop3A_218] {strides = array<i32>} : memref<10000xi32, #tpu.memory_space<vmem>>, vector<16xi32>,
      %parallel_loop3A_220 = arith.constant 16 : i32
      %parallel_loop3A_221 = arith.muli %parallel_loop3A_215, %parallel_loop3A_220 : i32
      %parallel_loop3A_222 = arith.index_cast %parallel_loop3A_221 : i32 to index
      %parallel_loop3A_223 = tpu.vector_load %arg5[%parallel_loop3A_222] {strides = array<i32>} : memref<10000xi32, #tpu.memory_space<vmem>>, vector<16xi32>,
      %parallel_loop3A_224 = arith.constant 7 : i32
      %parallel_loop3A_225 = vector.broadcast %parallel_loop3A_224 : i32 to vector<16xi32>
      %parallel_loop3A_226 = arith.shrsi %parallel_loop3A_219, %parallel_loop3A_225 : vector<16xi32>
      %parallel_loop3A_227 = arith.constant 127 : i32
      %parallel_loop3A_228 = vector.broadcast %parallel_loop3A_227 : i32 to vector<16xi32>
      %parallel_loop3A_229 = arith.andi %parallel_loop3A_219, %parallel_loop3A_228 : vector<16xi32>
      %parallel_loop3A_230 = arith.constant 7 : i32
      %parallel_loop3A_231 = vector.broadcast %parallel_loop3A_230 : i32 to vector<16xi32>
      %parallel_loop3A_232 = arith.shrsi %parallel_loop3A_223, %parallel_loop3A_231 : vector<16xi32>
      %parallel_loop3A_233 = arith.constant 127 : i32
      %parallel_loop3A_234 = vector.broadcast %parallel_loop3A_233 : i32 to vector<16xi32>
      %parallel_loop3A_235 = arith.andi %parallel_loop3A_223, %parallel_loop3A_234 : vector<16xi32>
      %parallel_loop3A_236 = tpu.vector_load_idx %arg7[%parallel_loop3A_232, %parallel_loop3A_235] : memref<80x128xf32, #tpu.memory_space<vmem>>[vector<16xi32>, vector<16xi32>], vector<16xf32>,
      %parallel_loop3A_237 = arith.constant 16 : i32
      %parallel_loop3A_238 = arith.muli %parallel_loop3A_215, %parallel_loop3A_237 : i32
      %parallel_loop3A_239 = arith.index_cast %parallel_loop3A_238 : i32 to index
      %parallel_loop3A_240 = tpu.vector_load %arg6[%parallel_loop3A_239] {strides = array<i32>} : memref<10000xf32, #tpu.memory_space<vmem>>, vector<16xf32>,
      %parallel_loop3A_241 = arith.mulf %parallel_loop3A_236, %parallel_loop3A_240 : vector<16xf32>
      tpu.vector_store_idx %arg8[%parallel_loop3A_226, %parallel_loop3A_229], %parallel_loop3A_241 {add = true} : memref<80x128xf32, #tpu.memory_space<vmem>>[vector<16xi32>, vector<16xi32>], vector<16xf32>,
    } {sc.loop_unroll_factor = 4 : i64, sc.parallel_access}
    %dma_start3A_75 = arith.constant 0 : i32
    %dma_start3A_76 = arith.constant 0 : i32
    %dma_start3A_77 = tpu.memref_slice %arg15[%dma_start3A_75, %dma_start3A_76] : memref<80x128xf32, #tpu.memory_space<vmem_shared>> -> memref<80x128xf32, #tpu.memory_space<vmem_shared>>
    tpu.enqueue_indirect_dma source(%arg8 : memref<80x128xf32, #tpu.memory_space<vmem>>) target(%dma_start3A_77 : memref<80x128xf32, #tpu.memory_space<vmem_shared>>) offsets(%arg10 : memref<80xi32, #tpu.memory_space<vmem>>) semaphore(%arg16 : memref<!tpu.dma_semaphore, #tpu.memory_space<semaphore_mem>>) {add = true}
    "tpu.region"() ({
      %run_scoped3A = tpu.sem_alloc : memref<!tpu.dma_semaphore, #tpu.memory_space<semaphore_mem>>
      %dma_start3A_215 = arith.constant 0 : i32
      %dma_start3A_216 = tpu.memref_slice %arg13[%mul3A_2, %dma_start3A_215] : memref<80x128xf32, #tpu.memory_space<vmem_shared>> -> memref<5x128xf32, #tpu.memory_space<vmem_shared>>
      %dma_start3A_217 = arith.constant 0 : i32
      %dma_start3A_218 = tpu.memref_slice %arg13[%mul3A_2, %dma_start3A_217] : memref<80x128xf32, #tpu.memory_space<vmem_shared>> -> memref<5x128xf32, #tpu.memory_space<vmem_shared>>
      tpu.enqueue_dma source(%arg11 : memref<5x128xf32, #tpu.memory_space<vmem>>) target(%dma_start3A_218 : memref<5x128xf32, #tpu.memory_space<vmem_shared>>) target_semaphore(%run_scoped3A : memref<!tpu.dma_semaphore, #tpu.memory_space<semaphore_mem>>)
      %dma_wait3A_219 = arith.constant 0 : i32
      %dma_wait3A_220 = tpu.memref_slice %arg13[%mul3A_2, %dma_wait3A_219] : memref<80x128xf32, #tpu.memory_space<vmem_shared>> -> memref<5x128xf32, #tpu.memory_space<vmem_shared>>
      %dma_wait3A_221 = arith.constant 0 : i32
      %dma_wait3A_222 = tpu.memref_slice %arg13[%mul3A_2, %dma_wait3A_221] : memref<80x128xf32, #tpu.memory_space<vmem_shared>> -> memref<5x128xf32, #tpu.memory_space<vmem_shared>>
      tpu.wait_dma2 semaphore(%run_scoped3A : memref<!tpu.dma_semaphore, #tpu.memory_space<semaphore_mem>>) src(%arg11 : memref<5x128xf32, #tpu.memory_space<vmem>>) dst(%dma_wait3A_222 : memref<5x128xf32, #tpu.memory_space<vmem_shared>>)
      tpu.yield
    }) : () -> ()
    %dma_wait3A_78 = arith.constant 0 : i32
    %dma_wait3A_79 = arith.constant 0 : i32
    %dma_wait3A_80 = tpu.memref_slice %arg15[%dma_wait3A_78, %dma_wait3A_79] : memref<80x128xf32, #tpu.memory_space<vmem_shared>> -> memref<80x128xf32, #tpu.memory_space<vmem_shared>>
    tpu.wait_indirect_dma semaphore(%arg16 : memref<!tpu.dma_semaphore, #tpu.memory_space<semaphore_mem>>) src(%arg8 : memref<80x128xf32, #tpu.memory_space<vmem>>) dst(%dma_wait3A_80 : memref<80x128xf32, #tpu.memory_space<vmem_shared>>)
    %barrier3A_81 = arith.constant 0 : index
    tpu.barrier barrier_id(%barrier3A_81)
    tpu.enqueue_dma source(%arg15 : memref<80x128xf32, #tpu.memory_space<vmem_shared>>) target(%arg7 : memref<80x128xf32, #tpu.memory_space<vmem>>) target_semaphore(%arg17 : memref<!tpu.dma_semaphore, #tpu.memory_space<semaphore_mem>>)
    %parallel_loop3A_82 = arith.constant 0 : i32
    %parallel_loop3A_83 = arith.constant 640 : i32
    %parallel_loop3A_84 = arith.constant 1 : i32
    scf.for %parallel_loop3A_215 = %parallel_loop3A_82 to %parallel_loop3A_83 step %parallel_loop3A_84  : i32 {
      %parallel_loop3A_216 = arith.constant 8 : i32
      %parallel_loop3A_217 = arith.divsi %parallel_loop3A_215, %parallel_loop3A_216 : i32
      %parallel_loop3A_218 = arith.constant 0 : i32
      %parallel_loop3A_219 = arith.cmpi sgt, %parallel_loop3A_215, %parallel_loop3A_218 : i32
      %parallel_loop3A_220 = arith.extui %parallel_loop3A_219 : i1 to i32
      %parallel_loop3A_221 = arith.constant 0 : i32
      %parallel_loop3A_222 = arith.cmpi slt, %parallel_loop3A_215, %parallel_loop3A_221 : i32
      %parallel_loop3A_223 = arith.extui %parallel_loop3A_222 : i1 to i32
      %parallel_loop3A_224 = arith.subi %parallel_loop3A_220, %parallel_loop3A_223 : i32
      %parallel_loop3A_225 = arith.constant 0 : i32
      %parallel_loop3A_226 = arith.cmpi sgt, %parallel_loop3A_216, %parallel_loop3A_225 : i32
      %parallel_loop3A_227 = arith.extui %parallel_loop3A_226 : i1 to i32
      %parallel_loop3A_228 = arith.constant 0 : i32
      %parallel_loop3A_229 = arith.cmpi slt, %parallel_loop3A_216, %parallel_loop3A_228 : i32
      %parallel_loop3A_230 = arith.extui %parallel_loop3A_229 : i1 to i32
      %parallel_loop3A_231 = arith.subi %parallel_loop3A_227, %parallel_loop3A_230 : i32
      %parallel_loop3A_232 = arith.cmpi ne, %parallel_loop3A_224, %parallel_loop3A_231 : i32
      %parallel_loop3A_233 = arith.remsi %parallel_loop3A_215, %parallel_loop3A_216 : i32
      %parallel_loop3A_234 = arith.constant 0 : i32
      %parallel_loop3A_235 = arith.cmpi ne, %parallel_loop3A_233, %parallel_loop3A_234 : i32
      %parallel_loop3A_236 = arith.andi %parallel_loop3A_232, %parallel_loop3A_235 : i1
      %parallel_loop3A_237 = arith.constant 1 : i32
      %parallel_loop3A_238 = arith.subi %parallel_loop3A_217, %parallel_loop3A_237 : i32
      %parallel_loop3A_239 = arith.select %parallel_loop3A_236, %parallel_loop3A_238, %parallel_loop3A_217 : i32
      %parallel_loop3A_240 = arith.constant 8 : i32
      %parallel_loop3A_241 = arith.constant 0 : i32
      %parallel_loop3A_242 = arith.cmpi eq, %parallel_loop3A_240, %parallel_loop3A_241 : i32
      %parallel_loop3A_243 = arith.constant 1 : i32
      %parallel_loop3A_244 = arith.select %parallel_loop3A_242, %parallel_loop3A_243, %parallel_loop3A_240 : i32
      %parallel_loop3A_245 = arith.remsi %parallel_loop3A_215, %parallel_loop3A_244 : i32
      %parallel_loop3A_246 = arith.constant 0 : i32
      %parallel_loop3A_247 = arith.cmpi ne, %parallel_loop3A_245, %parallel_loop3A_246 : i32
      %parallel_loop3A_248 = arith.constant 0 : i32
      %parallel_loop3A_249 = arith.cmpi slt, %parallel_loop3A_245, %parallel_loop3A_248 : i32
      %parallel_loop3A_250 = arith.constant 0 : i32
      %parallel_loop3A_251 = arith.cmpi slt, %parallel_loop3A_244, %parallel_loop3A_250 : i32
      %parallel_loop3A_252 = arith.xori %parallel_loop3A_249, %parallel_loop3A_251 : i1
      %parallel_loop3A_253 = arith.andi %parallel_loop3A_252, %parallel_loop3A_247 : i1
      %parallel_loop3A_254 = arith.addi %parallel_loop3A_245, %parallel_loop3A_244 : i32
      %parallel_loop3A_255 = arith.select %parallel_loop3A_253, %parallel_loop3A_254, %parallel_loop3A_245 : i32
      %parallel_loop3A_256 = arith.constant 16 : i32
      %parallel_loop3A_257 = arith.muli %parallel_loop3A_255, %parallel_loop3A_256 : i32
      %parallel_loop3A_258 = arith.index_cast %parallel_loop3A_239 : i32 to index
      %parallel_loop3A_259 = arith.index_cast %parallel_loop3A_257 : i32 to index
      %parallel_loop3A_260 = tpu.vector_load %arg8[%parallel_loop3A_258, %parallel_loop3A_259] {strides = array<i32>} : memref<80x128xf32, #tpu.memory_space<vmem>>, vector<16xf32>,
      tpu.vector_store %arg8[%parallel_loop3A_258, %parallel_loop3A_259], %broadcast_in_dim3A_7 {strides = array<i32>} : memref<80x128xf32, #tpu.memory_space<vmem>>, vector<16xf32>,
    } {sc.loop_unroll_factor = 8 : i64, sc.parallel_access}
    tpu.wait_dma2 semaphore(%arg17 : memref<!tpu.dma_semaphore, #tpu.memory_space<semaphore_mem>>) src(%arg15 : memref<80x128xf32, #tpu.memory_space<vmem_shared>>) dst(%arg7 : memref<80x128xf32, #tpu.memory_space<vmem>>)
    %parallel_loop3A_85 = arith.constant 0 : i32
    %parallel_loop3A_86 = arith.constant 40 : i32
    %parallel_loop3A_87 = arith.constant 1 : i32
    scf.for %parallel_loop3A_215 = %parallel_loop3A_85 to %parallel_loop3A_86 step %parallel_loop3A_87  : i32 {
      %parallel_loop3A_216 = arith.constant 8 : i32
      %parallel_loop3A_217 = arith.divsi %parallel_loop3A_215, %parallel_loop3A_216 : i32
      %parallel_loop3A_218 = arith.constant 0 : i32
      %parallel_loop3A_219 = arith.cmpi sgt, %parallel_loop3A_215, %parallel_loop3A_218 : i32
      %parallel_loop3A_220 = arith.extui %parallel_loop3A_219 : i1 to i32
      %parallel_loop3A_221 = arith.constant 0 : i32
      %parallel_loop3A_222 = arith.cmpi slt, %parallel_loop3A_215, %parallel_loop3A_221 : i32
      %parallel_loop3A_223 = arith.extui %parallel_loop3A_222 : i1 to i32
      %parallel_loop3A_224 = arith.subi %parallel_loop3A_220, %parallel_loop3A_223 : i32
      %parallel_loop3A_225 = arith.constant 0 : i32
      %parallel_loop3A_226 = arith.cmpi sgt, %parallel_loop3A_216, %parallel_loop3A_225 : i32
      %parallel_loop3A_227 = arith.extui %parallel_loop3A_226 : i1 to i32
      %parallel_loop3A_228 = arith.constant 0 : i32
      %parallel_loop3A_229 = arith.cmpi slt, %parallel_loop3A_216, %parallel_loop3A_228 : i32
      %parallel_loop3A_230 = arith.extui %parallel_loop3A_229 : i1 to i32
      %parallel_loop3A_231 = arith.subi %parallel_loop3A_227, %parallel_loop3A_230 : i32
      %parallel_loop3A_232 = arith.cmpi ne, %parallel_loop3A_224, %parallel_loop3A_231 : i32
      %parallel_loop3A_233 = arith.remsi %parallel_loop3A_215, %parallel_loop3A_216 : i32
      %parallel_loop3A_234 = arith.constant 0 : i32
      %parallel_loop3A_235 = arith.cmpi ne, %parallel_loop3A_233, %parallel_loop3A_234 : i32
      %parallel_loop3A_236 = arith.andi %parallel_loop3A_232, %parallel_loop3A_235 : i1
      %parallel_loop3A_237 = arith.constant 1 : i32
      %parallel_loop3A_238 = arith.subi %parallel_loop3A_217, %parallel_loop3A_237 : i32
      %parallel_loop3A_239 = arith.select %parallel_loop3A_236, %parallel_loop3A_238, %parallel_loop3A_217 : i32
      %parallel_loop3A_240 = arith.addi %mul3A_2, %parallel_loop3A_239 : i32
      %parallel_loop3A_241 = arith.constant 8 : i32
      %parallel_loop3A_242 = arith.constant 0 : i32
      %parallel_loop3A_243 = arith.cmpi eq, %parallel_loop3A_241, %parallel_loop3A_242 : i32
      %parallel_loop3A_244 = arith.constant 1 : i32
      %parallel_loop3A_245 = arith.select %parallel_loop3A_243, %parallel_loop3A_244, %parallel_loop3A_241 : i32
      %parallel_loop3A_246 = arith.remsi %parallel_loop3A_215, %parallel_loop3A_245 : i32
      %parallel_loop3A_247 = arith.constant 0 : i32
      %parallel_loop3A_248 = arith.cmpi ne, %parallel_loop3A_246, %parallel_loop3A_247 : i32
      %parallel_loop3A_249 = arith.constant 0 : i32
      %parallel_loop3A_250 = arith.cmpi slt, %parallel_loop3A_246, %parallel_loop3A_249 : i32
      %parallel_loop3A_251 = arith.constant 0 : i32
      %parallel_loop3A_252 = arith.cmpi slt, %parallel_loop3A_245, %parallel_loop3A_251 : i32
      %parallel_loop3A_253 = arith.xori %parallel_loop3A_250, %parallel_loop3A_252 : i1
      %parallel_loop3A_254 = arith.andi %parallel_loop3A_253, %parallel_loop3A_248 : i1
      %parallel_loop3A_255 = arith.addi %parallel_loop3A_246, %parallel_loop3A_245 : i32
      %parallel_loop3A_256 = arith.select %parallel_loop3A_254, %parallel_loop3A_255, %parallel_loop3A_246 : i32
      %parallel_loop3A_257 = arith.constant 16 : i32
      %parallel_loop3A_258 = arith.muli %parallel_loop3A_256, %parallel_loop3A_257 : i32
      %parallel_loop3A_259 = arith.constant 16 : i32
      %parallel_loop3A_260 = arith.muli %parallel_loop3A_215, %parallel_loop3A_259 : i32
      %parallel_loop3A_261 = arith.index_cast %parallel_loop3A_260 : i32 to index
      %parallel_loop3A_262 = tpu.vector_load %arg12[%parallel_loop3A_261] {strides = array<i32>} : memref<640xf32, #tpu.memory_space<vmem>>, vector<16xf32>,
      %parallel_loop3A_263 = arith.index_cast %parallel_loop3A_240 : i32 to index
      %parallel_loop3A_264 = arith.index_cast %parallel_loop3A_258 : i32 to index
      %parallel_loop3A_265 = tpu.vector_load %arg7[%parallel_loop3A_263, %parallel_loop3A_264] {strides = array<i32>} : memref<80x128xf32, #tpu.memory_space<vmem>>, vector<16xf32>,
      %parallel_loop3A_266 = arith.constant 8.100000e-02 : f32
      %parallel_loop3A_267 = vector.broadcast %parallel_loop3A_266 : f32 to vector<16xf32>
      %parallel_loop3A_268 = arith.mulf %parallel_loop3A_267, %parallel_loop3A_265 : vector<16xf32>
      %parallel_loop3A_269 = arith.addf %parallel_loop3A_262, %parallel_loop3A_268 : vector<16xf32>
      %parallel_loop3A_270 = arith.constant 16 : i32
      %parallel_loop3A_271 = arith.muli %parallel_loop3A_215, %parallel_loop3A_270 : i32
      %parallel_loop3A_272 = arith.index_cast %parallel_loop3A_271 : i32 to index
      %parallel_loop3A_273 = tpu.vector_load %arg12[%parallel_loop3A_272] {strides = array<i32>} : memref<640xf32, #tpu.memory_space<vmem>>, vector<16xf32>,
      tpu.vector_store %arg12[%parallel_loop3A_272], %parallel_loop3A_269 {strides = array<i32>} : memref<640xf32, #tpu.memory_space<vmem>>, vector<16xf32>,
    } {sc.loop_unroll_factor = 5 : i64, sc.parallel_access}
    %parallel_loop3A_88 = arith.constant 0 : i32
    %parallel_loop3A_89 = arith.constant 625 : i32
    %parallel_loop3A_90 = arith.constant 1 : i32
    scf.for %parallel_loop3A_215 = %parallel_loop3A_88 to %parallel_loop3A_89 step %parallel_loop3A_90  : i32 {
      %parallel_loop3A_216 = arith.constant 16 : i32
      %parallel_loop3A_217 = arith.muli %parallel_loop3A_215, %parallel_loop3A_216 : i32
      %parallel_loop3A_218 = arith.index_cast %parallel_loop3A_217 : i32 to index
      %parallel_loop3A_219 = tpu.vector_load %arg4[%parallel_loop3A_218] {strides = array<i32>} : memref<10000xi32, #tpu.memory_space<vmem>>, vector<16xi32>,
      %parallel_loop3A_220 = arith.constant 16 : i32
      %parallel_loop3A_221 = arith.muli %parallel_loop3A_215, %parallel_loop3A_220 : i32
      %parallel_loop3A_222 = arith.index_cast %parallel_loop3A_221 : i32 to index
      %parallel_loop3A_223 = tpu.vector_load %arg5[%parallel_loop3A_222] {strides = array<i32>} : memref<10000xi32, #tpu.memory_space<vmem>>, vector<16xi32>,
      %parallel_loop3A_224 = arith.constant 7 : i32
      %parallel_loop3A_225 = vector.broadcast %parallel_loop3A_224 : i32 to vector<16xi32>
      %parallel_loop3A_226 = arith.shrsi %parallel_loop3A_219, %parallel_loop3A_225 : vector<16xi32>
      %parallel_loop3A_227 = arith.constant 127 : i32
      %parallel_loop3A_228 = vector.broadcast %parallel_loop3A_227 : i32 to vector<16xi32>
      %parallel_loop3A_229 = arith.andi %parallel_loop3A_219, %parallel_loop3A_228 : vector<16xi32>
      %parallel_loop3A_230 = arith.constant 7 : i32
      %parallel_loop3A_231 = vector.broadcast %parallel_loop3A_230 : i32 to vector<16xi32>
      %parallel_loop3A_232 = arith.shrsi %parallel_loop3A_223, %parallel_loop3A_231 : vector<16xi32>
      %parallel_loop3A_233 = arith.constant 127 : i32
      %parallel_loop3A_234 = vector.broadcast %parallel_loop3A_233 : i32 to vector<16xi32>
      %parallel_loop3A_235 = arith.andi %parallel_loop3A_223, %parallel_loop3A_234 : vector<16xi32>
      %parallel_loop3A_236 = tpu.vector_load_idx %arg7[%parallel_loop3A_232, %parallel_loop3A_235] : memref<80x128xf32, #tpu.memory_space<vmem>>[vector<16xi32>, vector<16xi32>], vector<16xf32>,
      %parallel_loop3A_237 = arith.constant 16 : i32
      %parallel_loop3A_238 = arith.muli %parallel_loop3A_215, %parallel_loop3A_237 : i32
      %parallel_loop3A_239 = arith.index_cast %parallel_loop3A_238 : i32 to index
      %parallel_loop3A_240 = tpu.vector_load %arg6[%parallel_loop3A_239] {strides = array<i32>} : memref<10000xf32, #tpu.memory_space<vmem>>, vector<16xf32>,
      %parallel_loop3A_241 = arith.mulf %parallel_loop3A_236, %parallel_loop3A_240 : vector<16xf32>
      tpu.vector_store_idx %arg8[%parallel_loop3A_226, %parallel_loop3A_229], %parallel_loop3A_241 {add = true} : memref<80x128xf32, #tpu.memory_space<vmem>>[vector<16xi32>, vector<16xi32>], vector<16xf32>,
    } {sc.loop_unroll_factor = 4 : i64, sc.parallel_access}
    %dma_start3A_91 = arith.constant 0 : i32
    %dma_start3A_92 = arith.constant 0 : i32
    %dma_start3A_93 = tpu.memref_slice %arg13[%dma_start3A_91, %dma_start3A_92] : memref<80x128xf32, #tpu.memory_space<vmem_shared>> -> memref<80x128xf32, #tpu.memory_space<vmem_shared>>
    tpu.enqueue_indirect_dma source(%arg8 : memref<80x128xf32, #tpu.memory_space<vmem>>) target(%dma_start3A_93 : memref<80x128xf32, #tpu.memory_space<vmem_shared>>) offsets(%arg10 : memref<80xi32, #tpu.memory_space<vmem>>) semaphore(%arg16 : memref<!tpu.dma_semaphore, #tpu.memory_space<semaphore_mem>>) {add = true}
    "tpu.region"() ({
      %run_scoped3A = tpu.sem_alloc : memref<!tpu.dma_semaphore, #tpu.memory_space<semaphore_mem>>
      %dma_start3A_215 = arith.constant 0 : i32
      %dma_start3A_216 = tpu.memref_slice %arg14[%mul3A_2, %dma_start3A_215] : memref<80x128xf32, #tpu.memory_space<vmem_shared>> -> memref<5x128xf32, #tpu.memory_space<vmem_shared>>
      %dma_start3A_217 = arith.constant 0 : i32
      %dma_start3A_218 = tpu.memref_slice %arg14[%mul3A_2, %dma_start3A_217] : memref<80x128xf32, #tpu.memory_space<vmem_shared>> -> memref<5x128xf32, #tpu.memory_space<vmem_shared>>
      tpu.enqueue_dma source(%arg11 : memref<5x128xf32, #tpu.memory_space<vmem>>) target(%dma_start3A_218 : memref<5x128xf32, #tpu.memory_space<vmem_shared>>) target_semaphore(%run_scoped3A : memref<!tpu.dma_semaphore, #tpu.memory_space<semaphore_mem>>)
      %dma_wait3A_219 = arith.constant 0 : i32
      %dma_wait3A_220 = tpu.memref_slice %arg14[%mul3A_2, %dma_wait3A_219] : memref<80x128xf32, #tpu.memory_space<vmem_shared>> -> memref<5x128xf32, #tpu.memory_space<vmem_shared>>
      %dma_wait3A_221 = arith.constant 0 : i32
      %dma_wait3A_222 = tpu.memref_slice %arg14[%mul3A_2, %dma_wait3A_221] : memref<80x128xf32, #tpu.memory_space<vmem_shared>> -> memref<5x128xf32, #tpu.memory_space<vmem_shared>>
      tpu.wait_dma2 semaphore(%run_scoped3A : memref<!tpu.dma_semaphore, #tpu.memory_space<semaphore_mem>>) src(%arg11 : memref<5x128xf32, #tpu.memory_space<vmem>>) dst(%dma_wait3A_222 : memref<5x128xf32, #tpu.memory_space<vmem_shared>>)
      tpu.yield
    }) : () -> ()
    %dma_wait3A_94 = arith.constant 0 : i32
    %dma_wait3A_95 = arith.constant 0 : i32
    %dma_wait3A_96 = tpu.memref_slice %arg13[%dma_wait3A_94, %dma_wait3A_95] : memref<80x128xf32, #tpu.memory_space<vmem_shared>> -> memref<80x128xf32, #tpu.memory_space<vmem_shared>>
    tpu.wait_indirect_dma semaphore(%arg16 : memref<!tpu.dma_semaphore, #tpu.memory_space<semaphore_mem>>) src(%arg8 : memref<80x128xf32, #tpu.memory_space<vmem>>) dst(%dma_wait3A_96 : memref<80x128xf32, #tpu.memory_space<vmem_shared>>)
    %barrier3A_97 = arith.constant 0 : index
    tpu.barrier barrier_id(%barrier3A_97)
    tpu.enqueue_dma source(%arg13 : memref<80x128xf32, #tpu.memory_space<vmem_shared>>) target(%arg7 : memref<80x128xf32, #tpu.memory_space<vmem>>) target_semaphore(%arg17 : memref<!tpu.dma_semaphore, #tpu.memory_space<semaphore_mem>>)
    %parallel_loop3A_98 = arith.constant 0 : i32
    %parallel_loop3A_99 = arith.constant 640 : i32
    %parallel_loop3A_100 = arith.constant 1 : i32
    scf.for %parallel_loop3A_215 = %parallel_loop3A_98 to %parallel_loop3A_99 step %parallel_loop3A_100  : i32 {
      %parallel_loop3A_216 = arith.constant 8 : i32
      %parallel_loop3A_217 = arith.divsi %parallel_loop3A_215, %parallel_loop3A_216 : i32
      %parallel_loop3A_218 = arith.constant 0 : i32
      %parallel_loop3A_219 = arith.cmpi sgt, %parallel_loop3A_215, %parallel_loop3A_218 : i32
      %parallel_loop3A_220 = arith.extui %parallel_loop3A_219 : i1 to i32
      %parallel_loop3A_221 = arith.constant 0 : i32
      %parallel_loop3A_222 = arith.cmpi slt, %parallel_loop3A_215, %parallel_loop3A_221 : i32
      %parallel_loop3A_223 = arith.extui %parallel_loop3A_222 : i1 to i32
      %parallel_loop3A_224 = arith.subi %parallel_loop3A_220, %parallel_loop3A_223 : i32
      %parallel_loop3A_225 = arith.constant 0 : i32
      %parallel_loop3A_226 = arith.cmpi sgt, %parallel_loop3A_216, %parallel_loop3A_225 : i32
      %parallel_loop3A_227 = arith.extui %parallel_loop3A_226 : i1 to i32
      %parallel_loop3A_228 = arith.constant 0 : i32
      %parallel_loop3A_229 = arith.cmpi slt, %parallel_loop3A_216, %parallel_loop3A_228 : i32
      %parallel_loop3A_230 = arith.extui %parallel_loop3A_229 : i1 to i32
      %parallel_loop3A_231 = arith.subi %parallel_loop3A_227, %parallel_loop3A_230 : i32
      %parallel_loop3A_232 = arith.cmpi ne, %parallel_loop3A_224, %parallel_loop3A_231 : i32
      %parallel_loop3A_233 = arith.remsi %parallel_loop3A_215, %parallel_loop3A_216 : i32
      %parallel_loop3A_234 = arith.constant 0 : i32
      %parallel_loop3A_235 = arith.cmpi ne, %parallel_loop3A_233, %parallel_loop3A_234 : i32
      %parallel_loop3A_236 = arith.andi %parallel_loop3A_232, %parallel_loop3A_235 : i1
      %parallel_loop3A_237 = arith.constant 1 : i32
      %parallel_loop3A_238 = arith.subi %parallel_loop3A_217, %parallel_loop3A_237 : i32
      %parallel_loop3A_239 = arith.select %parallel_loop3A_236, %parallel_loop3A_238, %parallel_loop3A_217 : i32
      %parallel_loop3A_240 = arith.constant 8 : i32
      %parallel_loop3A_241 = arith.constant 0 : i32
      %parallel_loop3A_242 = arith.cmpi eq, %parallel_loop3A_240, %parallel_loop3A_241 : i32
      %parallel_loop3A_243 = arith.constant 1 : i32
      %parallel_loop3A_244 = arith.select %parallel_loop3A_242, %parallel_loop3A_243, %parallel_loop3A_240 : i32
      %parallel_loop3A_245 = arith.remsi %parallel_loop3A_215, %parallel_loop3A_244 : i32
      %parallel_loop3A_246 = arith.constant 0 : i32
      %parallel_loop3A_247 = arith.cmpi ne, %parallel_loop3A_245, %parallel_loop3A_246 : i32
      %parallel_loop3A_248 = arith.constant 0 : i32
      %parallel_loop3A_249 = arith.cmpi slt, %parallel_loop3A_245, %parallel_loop3A_248 : i32
      %parallel_loop3A_250 = arith.constant 0 : i32
      %parallel_loop3A_251 = arith.cmpi slt, %parallel_loop3A_244, %parallel_loop3A_250 : i32
      %parallel_loop3A_252 = arith.xori %parallel_loop3A_249, %parallel_loop3A_251 : i1
      %parallel_loop3A_253 = arith.andi %parallel_loop3A_252, %parallel_loop3A_247 : i1
      %parallel_loop3A_254 = arith.addi %parallel_loop3A_245, %parallel_loop3A_244 : i32
      %parallel_loop3A_255 = arith.select %parallel_loop3A_253, %parallel_loop3A_254, %parallel_loop3A_245 : i32
      %parallel_loop3A_256 = arith.constant 16 : i32
      %parallel_loop3A_257 = arith.muli %parallel_loop3A_255, %parallel_loop3A_256 : i32
      %parallel_loop3A_258 = arith.index_cast %parallel_loop3A_239 : i32 to index
      %parallel_loop3A_259 = arith.index_cast %parallel_loop3A_257 : i32 to index
      %parallel_loop3A_260 = tpu.vector_load %arg8[%parallel_loop3A_258, %parallel_loop3A_259] {strides = array<i32>} : memref<80x128xf32, #tpu.memory_space<vmem>>, vector<16xf32>,
      tpu.vector_store %arg8[%parallel_loop3A_258, %parallel_loop3A_259], %broadcast_in_dim3A_7 {strides = array<i32>} : memref<80x128xf32, #tpu.memory_space<vmem>>, vector<16xf32>,
    } {sc.loop_unroll_factor = 8 : i64, sc.parallel_access}
    tpu.wait_dma2 semaphore(%arg17 : memref<!tpu.dma_semaphore, #tpu.memory_space<semaphore_mem>>) src(%arg13 : memref<80x128xf32, #tpu.memory_space<vmem_shared>>) dst(%arg7 : memref<80x128xf32, #tpu.memory_space<vmem>>)
    %parallel_loop3A_101 = arith.constant 0 : i32
    %parallel_loop3A_102 = arith.constant 40 : i32
    %parallel_loop3A_103 = arith.constant 1 : i32
    scf.for %parallel_loop3A_215 = %parallel_loop3A_101 to %parallel_loop3A_102 step %parallel_loop3A_103  : i32 {
      %parallel_loop3A_216 = arith.constant 8 : i32
      %parallel_loop3A_217 = arith.divsi %parallel_loop3A_215, %parallel_loop3A_216 : i32
      %parallel_loop3A_218 = arith.constant 0 : i32
      %parallel_loop3A_219 = arith.cmpi sgt, %parallel_loop3A_215, %parallel_loop3A_218 : i32
      %parallel_loop3A_220 = arith.extui %parallel_loop3A_219 : i1 to i32
      %parallel_loop3A_221 = arith.constant 0 : i32
      %parallel_loop3A_222 = arith.cmpi slt, %parallel_loop3A_215, %parallel_loop3A_221 : i32
      %parallel_loop3A_223 = arith.extui %parallel_loop3A_222 : i1 to i32
      %parallel_loop3A_224 = arith.subi %parallel_loop3A_220, %parallel_loop3A_223 : i32
      %parallel_loop3A_225 = arith.constant 0 : i32
      %parallel_loop3A_226 = arith.cmpi sgt, %parallel_loop3A_216, %parallel_loop3A_225 : i32
      %parallel_loop3A_227 = arith.extui %parallel_loop3A_226 : i1 to i32
      %parallel_loop3A_228 = arith.constant 0 : i32
      %parallel_loop3A_229 = arith.cmpi slt, %parallel_loop3A_216, %parallel_loop3A_228 : i32
      %parallel_loop3A_230 = arith.extui %parallel_loop3A_229 : i1 to i32
      %parallel_loop3A_231 = arith.subi %parallel_loop3A_227, %parallel_loop3A_230 : i32
      %parallel_loop3A_232 = arith.cmpi ne, %parallel_loop3A_224, %parallel_loop3A_231 : i32
      %parallel_loop3A_233 = arith.remsi %parallel_loop3A_215, %parallel_loop3A_216 : i32
      %parallel_loop3A_234 = arith.constant 0 : i32
      %parallel_loop3A_235 = arith.cmpi ne, %parallel_loop3A_233, %parallel_loop3A_234 : i32
      %parallel_loop3A_236 = arith.andi %parallel_loop3A_232, %parallel_loop3A_235 : i1
      %parallel_loop3A_237 = arith.constant 1 : i32
      %parallel_loop3A_238 = arith.subi %parallel_loop3A_217, %parallel_loop3A_237 : i32
      %parallel_loop3A_239 = arith.select %parallel_loop3A_236, %parallel_loop3A_238, %parallel_loop3A_217 : i32
      %parallel_loop3A_240 = arith.addi %mul3A_2, %parallel_loop3A_239 : i32
      %parallel_loop3A_241 = arith.constant 8 : i32
      %parallel_loop3A_242 = arith.constant 0 : i32
      %parallel_loop3A_243 = arith.cmpi eq, %parallel_loop3A_241, %parallel_loop3A_242 : i32
      %parallel_loop3A_244 = arith.constant 1 : i32
      %parallel_loop3A_245 = arith.select %parallel_loop3A_243, %parallel_loop3A_244, %parallel_loop3A_241 : i32
      %parallel_loop3A_246 = arith.remsi %parallel_loop3A_215, %parallel_loop3A_245 : i32
      %parallel_loop3A_247 = arith.constant 0 : i32
      %parallel_loop3A_248 = arith.cmpi ne, %parallel_loop3A_246, %parallel_loop3A_247 : i32
      %parallel_loop3A_249 = arith.constant 0 : i32
      %parallel_loop3A_250 = arith.cmpi slt, %parallel_loop3A_246, %parallel_loop3A_249 : i32
      %parallel_loop3A_251 = arith.constant 0 : i32
      %parallel_loop3A_252 = arith.cmpi slt, %parallel_loop3A_245, %parallel_loop3A_251 : i32
      %parallel_loop3A_253 = arith.xori %parallel_loop3A_250, %parallel_loop3A_252 : i1
      %parallel_loop3A_254 = arith.andi %parallel_loop3A_253, %parallel_loop3A_248 : i1
      %parallel_loop3A_255 = arith.addi %parallel_loop3A_246, %parallel_loop3A_245 : i32
      %parallel_loop3A_256 = arith.select %parallel_loop3A_254, %parallel_loop3A_255, %parallel_loop3A_246 : i32
      %parallel_loop3A_257 = arith.constant 16 : i32
      %parallel_loop3A_258 = arith.muli %parallel_loop3A_256, %parallel_loop3A_257 : i32
      %parallel_loop3A_259 = arith.constant 16 : i32
      %parallel_loop3A_260 = arith.muli %parallel_loop3A_215, %parallel_loop3A_259 : i32
      %parallel_loop3A_261 = arith.index_cast %parallel_loop3A_260 : i32 to index
      %parallel_loop3A_262 = tpu.vector_load %arg12[%parallel_loop3A_261] {strides = array<i32>} : memref<640xf32, #tpu.memory_space<vmem>>, vector<16xf32>,
      %parallel_loop3A_263 = arith.index_cast %parallel_loop3A_240 : i32 to index
      %parallel_loop3A_264 = arith.index_cast %parallel_loop3A_258 : i32 to index
      %parallel_loop3A_265 = tpu.vector_load %arg7[%parallel_loop3A_263, %parallel_loop3A_264] {strides = array<i32>} : memref<80x128xf32, #tpu.memory_space<vmem>>, vector<16xf32>,
      %parallel_loop3A_266 = arith.constant 7.290000e-02 : f32
      %parallel_loop3A_267 = vector.broadcast %parallel_loop3A_266 : f32 to vector<16xf32>
      %parallel_loop3A_268 = arith.mulf %parallel_loop3A_267, %parallel_loop3A_265 : vector<16xf32>
      %parallel_loop3A_269 = arith.addf %parallel_loop3A_262, %parallel_loop3A_268 : vector<16xf32>
      %parallel_loop3A_270 = arith.constant 16 : i32
      %parallel_loop3A_271 = arith.muli %parallel_loop3A_215, %parallel_loop3A_270 : i32
      %parallel_loop3A_272 = arith.index_cast %parallel_loop3A_271 : i32 to index
      %parallel_loop3A_273 = tpu.vector_load %arg12[%parallel_loop3A_272] {strides = array<i32>} : memref<640xf32, #tpu.memory_space<vmem>>, vector<16xf32>,
      tpu.vector_store %arg12[%parallel_loop3A_272], %parallel_loop3A_269 {strides = array<i32>} : memref<640xf32, #tpu.memory_space<vmem>>, vector<16xf32>,
    } {sc.loop_unroll_factor = 5 : i64, sc.parallel_access}
    %parallel_loop3A_104 = arith.constant 0 : i32
    %parallel_loop3A_105 = arith.constant 625 : i32
    %parallel_loop3A_106 = arith.constant 1 : i32
    scf.for %parallel_loop3A_215 = %parallel_loop3A_104 to %parallel_loop3A_105 step %parallel_loop3A_106  : i32 {
      %parallel_loop3A_216 = arith.constant 16 : i32
      %parallel_loop3A_217 = arith.muli %parallel_loop3A_215, %parallel_loop3A_216 : i32
      %parallel_loop3A_218 = arith.index_cast %parallel_loop3A_217 : i32 to index
      %parallel_loop3A_219 = tpu.vector_load %arg4[%parallel_loop3A_218] {strides = array<i32>} : memref<10000xi32, #tpu.memory_space<vmem>>, vector<16xi32>,
      %parallel_loop3A_220 = arith.constant 16 : i32
      %parallel_loop3A_221 = arith.muli %parallel_loop3A_215, %parallel_loop3A_220 : i32
      %parallel_loop3A_222 = arith.index_cast %parallel_loop3A_221 : i32 to index
      %parallel_loop3A_223 = tpu.vector_load %arg5[%parallel_loop3A_222] {strides = array<i32>} : memref<10000xi32, #tpu.memory_space<vmem>>, vector<16xi32>,
      %parallel_loop3A_224 = arith.constant 7 : i32
      %parallel_loop3A_225 = vector.broadcast %parallel_loop3A_224 : i32 to vector<16xi32>
      %parallel_loop3A_226 = arith.shrsi %parallel_loop3A_219, %parallel_loop3A_225 : vector<16xi32>
      %parallel_loop3A_227 = arith.constant 127 : i32
      %parallel_loop3A_228 = vector.broadcast %parallel_loop3A_227 : i32 to vector<16xi32>
      %parallel_loop3A_229 = arith.andi %parallel_loop3A_219, %parallel_loop3A_228 : vector<16xi32>
      %parallel_loop3A_230 = arith.constant 7 : i32
      %parallel_loop3A_231 = vector.broadcast %parallel_loop3A_230 : i32 to vector<16xi32>
      %parallel_loop3A_232 = arith.shrsi %parallel_loop3A_223, %parallel_loop3A_231 : vector<16xi32>
      %parallel_loop3A_233 = arith.constant 127 : i32
      %parallel_loop3A_234 = vector.broadcast %parallel_loop3A_233 : i32 to vector<16xi32>
      %parallel_loop3A_235 = arith.andi %parallel_loop3A_223, %parallel_loop3A_234 : vector<16xi32>
      %parallel_loop3A_236 = tpu.vector_load_idx %arg7[%parallel_loop3A_232, %parallel_loop3A_235] : memref<80x128xf32, #tpu.memory_space<vmem>>[vector<16xi32>, vector<16xi32>], vector<16xf32>,
      %parallel_loop3A_237 = arith.constant 16 : i32
      %parallel_loop3A_238 = arith.muli %parallel_loop3A_215, %parallel_loop3A_237 : i32
      %parallel_loop3A_239 = arith.index_cast %parallel_loop3A_238 : i32 to index
      %parallel_loop3A_240 = tpu.vector_load %arg6[%parallel_loop3A_239] {strides = array<i32>} : memref<10000xf32, #tpu.memory_space<vmem>>, vector<16xf32>,
      %parallel_loop3A_241 = arith.mulf %parallel_loop3A_236, %parallel_loop3A_240 : vector<16xf32>
      tpu.vector_store_idx %arg8[%parallel_loop3A_226, %parallel_loop3A_229], %parallel_loop3A_241 {add = true} : memref<80x128xf32, #tpu.memory_space<vmem>>[vector<16xi32>, vector<16xi32>], vector<16xf32>,
    } {sc.loop_unroll_factor = 4 : i64, sc.parallel_access}
    %dma_start3A_107 = arith.constant 0 : i32
    %dma_start3A_108 = arith.constant 0 : i32
    %dma_start3A_109 = tpu.memref_slice %arg14[%dma_start3A_107, %dma_start3A_108] : memref<80x128xf32, #tpu.memory_space<vmem_shared>> -> memref<80x128xf32, #tpu.memory_space<vmem_shared>>
    tpu.enqueue_indirect_dma source(%arg8 : memref<80x128xf32, #tpu.memory_space<vmem>>) target(%dma_start3A_109 : memref<80x128xf32, #tpu.memory_space<vmem_shared>>) offsets(%arg10 : memref<80xi32, #tpu.memory_space<vmem>>) semaphore(%arg16 : memref<!tpu.dma_semaphore, #tpu.memory_space<semaphore_mem>>) {add = true}
    "tpu.region"() ({
      %run_scoped3A = tpu.sem_alloc : memref<!tpu.dma_semaphore, #tpu.memory_space<semaphore_mem>>
      %dma_start3A_215 = arith.constant 0 : i32
      %dma_start3A_216 = tpu.memref_slice %arg15[%mul3A_2, %dma_start3A_215] : memref<80x128xf32, #tpu.memory_space<vmem_shared>> -> memref<5x128xf32, #tpu.memory_space<vmem_shared>>
      %dma_start3A_217 = arith.constant 0 : i32
      %dma_start3A_218 = tpu.memref_slice %arg15[%mul3A_2, %dma_start3A_217] : memref<80x128xf32, #tpu.memory_space<vmem_shared>> -> memref<5x128xf32, #tpu.memory_space<vmem_shared>>
      tpu.enqueue_dma source(%arg11 : memref<5x128xf32, #tpu.memory_space<vmem>>) target(%dma_start3A_218 : memref<5x128xf32, #tpu.memory_space<vmem_shared>>) target_semaphore(%run_scoped3A : memref<!tpu.dma_semaphore, #tpu.memory_space<semaphore_mem>>)
      %dma_wait3A_219 = arith.constant 0 : i32
      %dma_wait3A_220 = tpu.memref_slice %arg15[%mul3A_2, %dma_wait3A_219] : memref<80x128xf32, #tpu.memory_space<vmem_shared>> -> memref<5x128xf32, #tpu.memory_space<vmem_shared>>
      %dma_wait3A_221 = arith.constant 0 : i32
      %dma_wait3A_222 = tpu.memref_slice %arg15[%mul3A_2, %dma_wait3A_221] : memref<80x128xf32, #tpu.memory_space<vmem_shared>> -> memref<5x128xf32, #tpu.memory_space<vmem_shared>>
      tpu.wait_dma2 semaphore(%run_scoped3A : memref<!tpu.dma_semaphore, #tpu.memory_space<semaphore_mem>>) src(%arg11 : memref<5x128xf32, #tpu.memory_space<vmem>>) dst(%dma_wait3A_222 : memref<5x128xf32, #tpu.memory_space<vmem_shared>>)
      tpu.yield
    }) : () -> ()
    %dma_wait3A_110 = arith.constant 0 : i32
    %dma_wait3A_111 = arith.constant 0 : i32
    %dma_wait3A_112 = tpu.memref_slice %arg14[%dma_wait3A_110, %dma_wait3A_111] : memref<80x128xf32, #tpu.memory_space<vmem_shared>> -> memref<80x128xf32, #tpu.memory_space<vmem_shared>>
    tpu.wait_indirect_dma semaphore(%arg16 : memref<!tpu.dma_semaphore, #tpu.memory_space<semaphore_mem>>) src(%arg8 : memref<80x128xf32, #tpu.memory_space<vmem>>) dst(%dma_wait3A_112 : memref<80x128xf32, #tpu.memory_space<vmem_shared>>)
    %barrier3A_113 = arith.constant 0 : index
    tpu.barrier barrier_id(%barrier3A_113)
    tpu.enqueue_dma source(%arg14 : memref<80x128xf32, #tpu.memory_space<vmem_shared>>) target(%arg7 : memref<80x128xf32, #tpu.memory_space<vmem>>) target_semaphore(%arg17 : memref<!tpu.dma_semaphore, #tpu.memory_space<semaphore_mem>>)
    %parallel_loop3A_114 = arith.constant 0 : i32
    %parallel_loop3A_115 = arith.constant 640 : i32
    %parallel_loop3A_116 = arith.constant 1 : i32
    scf.for %parallel_loop3A_215 = %parallel_loop3A_114 to %parallel_loop3A_115 step %parallel_loop3A_116  : i32 {
      %parallel_loop3A_216 = arith.constant 8 : i32
      %parallel_loop3A_217 = arith.divsi %parallel_loop3A_215, %parallel_loop3A_216 : i32
      %parallel_loop3A_218 = arith.constant 0 : i32
      %parallel_loop3A_219 = arith.cmpi sgt, %parallel_loop3A_215, %parallel_loop3A_218 : i32
      %parallel_loop3A_220 = arith.extui %parallel_loop3A_219 : i1 to i32
      %parallel_loop3A_221 = arith.constant 0 : i32
      %parallel_loop3A_222 = arith.cmpi slt, %parallel_loop3A_215, %parallel_loop3A_221 : i32
      %parallel_loop3A_223 = arith.extui %parallel_loop3A_222 : i1 to i32
      %parallel_loop3A_224 = arith.subi %parallel_loop3A_220, %parallel_loop3A_223 : i32
      %parallel_loop3A_225 = arith.constant 0 : i32
      %parallel_loop3A_226 = arith.cmpi sgt, %parallel_loop3A_216, %parallel_loop3A_225 : i32
      %parallel_loop3A_227 = arith.extui %parallel_loop3A_226 : i1 to i32
      %parallel_loop3A_228 = arith.constant 0 : i32
      %parallel_loop3A_229 = arith.cmpi slt, %parallel_loop3A_216, %parallel_loop3A_228 : i32
      %parallel_loop3A_230 = arith.extui %parallel_loop3A_229 : i1 to i32
      %parallel_loop3A_231 = arith.subi %parallel_loop3A_227, %parallel_loop3A_230 : i32
      %parallel_loop3A_232 = arith.cmpi ne, %parallel_loop3A_224, %parallel_loop3A_231 : i32
      %parallel_loop3A_233 = arith.remsi %parallel_loop3A_215, %parallel_loop3A_216 : i32
      %parallel_loop3A_234 = arith.constant 0 : i32
      %parallel_loop3A_235 = arith.cmpi ne, %parallel_loop3A_233, %parallel_loop3A_234 : i32
      %parallel_loop3A_236 = arith.andi %parallel_loop3A_232, %parallel_loop3A_235 : i1
      %parallel_loop3A_237 = arith.constant 1 : i32
      %parallel_loop3A_238 = arith.subi %parallel_loop3A_217, %parallel_loop3A_237 : i32
      %parallel_loop3A_239 = arith.select %parallel_loop3A_236, %parallel_loop3A_238, %parallel_loop3A_217 : i32
      %parallel_loop3A_240 = arith.constant 8 : i32
      %parallel_loop3A_241 = arith.constant 0 : i32
      %parallel_loop3A_242 = arith.cmpi eq, %parallel_loop3A_240, %parallel_loop3A_241 : i32
      %parallel_loop3A_243 = arith.constant 1 : i32
      %parallel_loop3A_244 = arith.select %parallel_loop3A_242, %parallel_loop3A_243, %parallel_loop3A_240 : i32
      %parallel_loop3A_245 = arith.remsi %parallel_loop3A_215, %parallel_loop3A_244 : i32
      %parallel_loop3A_246 = arith.constant 0 : i32
      %parallel_loop3A_247 = arith.cmpi ne, %parallel_loop3A_245, %parallel_loop3A_246 : i32
      %parallel_loop3A_248 = arith.constant 0 : i32
      %parallel_loop3A_249 = arith.cmpi slt, %parallel_loop3A_245, %parallel_loop3A_248 : i32
      %parallel_loop3A_250 = arith.constant 0 : i32
      %parallel_loop3A_251 = arith.cmpi slt, %parallel_loop3A_244, %parallel_loop3A_250 : i32
      %parallel_loop3A_252 = arith.xori %parallel_loop3A_249, %parallel_loop3A_251 : i1
      %parallel_loop3A_253 = arith.andi %parallel_loop3A_252, %parallel_loop3A_247 : i1
      %parallel_loop3A_254 = arith.addi %parallel_loop3A_245, %parallel_loop3A_244 : i32
      %parallel_loop3A_255 = arith.select %parallel_loop3A_253, %parallel_loop3A_254, %parallel_loop3A_245 : i32
      %parallel_loop3A_256 = arith.constant 16 : i32
      %parallel_loop3A_257 = arith.muli %parallel_loop3A_255, %parallel_loop3A_256 : i32
      %parallel_loop3A_258 = arith.index_cast %parallel_loop3A_239 : i32 to index
      %parallel_loop3A_259 = arith.index_cast %parallel_loop3A_257 : i32 to index
      %parallel_loop3A_260 = tpu.vector_load %arg8[%parallel_loop3A_258, %parallel_loop3A_259] {strides = array<i32>} : memref<80x128xf32, #tpu.memory_space<vmem>>, vector<16xf32>,
      tpu.vector_store %arg8[%parallel_loop3A_258, %parallel_loop3A_259], %broadcast_in_dim3A_7 {strides = array<i32>} : memref<80x128xf32, #tpu.memory_space<vmem>>, vector<16xf32>,
    } {sc.loop_unroll_factor = 8 : i64, sc.parallel_access}
    tpu.wait_dma2 semaphore(%arg17 : memref<!tpu.dma_semaphore, #tpu.memory_space<semaphore_mem>>) src(%arg14 : memref<80x128xf32, #tpu.memory_space<vmem_shared>>) dst(%arg7 : memref<80x128xf32, #tpu.memory_space<vmem>>)
    %parallel_loop3A_117 = arith.constant 0 : i32
    %parallel_loop3A_118 = arith.constant 40 : i32
    %parallel_loop3A_119 = arith.constant 1 : i32
    scf.for %parallel_loop3A_215 = %parallel_loop3A_117 to %parallel_loop3A_118 step %parallel_loop3A_119  : i32 {
      %parallel_loop3A_216 = arith.constant 8 : i32
      %parallel_loop3A_217 = arith.divsi %parallel_loop3A_215, %parallel_loop3A_216 : i32
      %parallel_loop3A_218 = arith.constant 0 : i32
      %parallel_loop3A_219 = arith.cmpi sgt, %parallel_loop3A_215, %parallel_loop3A_218 : i32
      %parallel_loop3A_220 = arith.extui %parallel_loop3A_219 : i1 to i32
      %parallel_loop3A_221 = arith.constant 0 : i32
      %parallel_loop3A_222 = arith.cmpi slt, %parallel_loop3A_215, %parallel_loop3A_221 : i32
      %parallel_loop3A_223 = arith.extui %parallel_loop3A_222 : i1 to i32
      %parallel_loop3A_224 = arith.subi %parallel_loop3A_220, %parallel_loop3A_223 : i32
      %parallel_loop3A_225 = arith.constant 0 : i32
      %parallel_loop3A_226 = arith.cmpi sgt, %parallel_loop3A_216, %parallel_loop3A_225 : i32
      %parallel_loop3A_227 = arith.extui %parallel_loop3A_226 : i1 to i32
      %parallel_loop3A_228 = arith.constant 0 : i32
      %parallel_loop3A_229 = arith.cmpi slt, %parallel_loop3A_216, %parallel_loop3A_228 : i32
      %parallel_loop3A_230 = arith.extui %parallel_loop3A_229 : i1 to i32
      %parallel_loop3A_231 = arith.subi %parallel_loop3A_227, %parallel_loop3A_230 : i32
      %parallel_loop3A_232 = arith.cmpi ne, %parallel_loop3A_224, %parallel_loop3A_231 : i32
      %parallel_loop3A_233 = arith.remsi %parallel_loop3A_215, %parallel_loop3A_216 : i32
      %parallel_loop3A_234 = arith.constant 0 : i32
      %parallel_loop3A_235 = arith.cmpi ne, %parallel_loop3A_233, %parallel_loop3A_234 : i32
      %parallel_loop3A_236 = arith.andi %parallel_loop3A_232, %parallel_loop3A_235 : i1
      %parallel_loop3A_237 = arith.constant 1 : i32
      %parallel_loop3A_238 = arith.subi %parallel_loop3A_217, %parallel_loop3A_237 : i32
      %parallel_loop3A_239 = arith.select %parallel_loop3A_236, %parallel_loop3A_238, %parallel_loop3A_217 : i32
      %parallel_loop3A_240 = arith.addi %mul3A_2, %parallel_loop3A_239 : i32
      %parallel_loop3A_241 = arith.constant 8 : i32
      %parallel_loop3A_242 = arith.constant 0 : i32
      %parallel_loop3A_243 = arith.cmpi eq, %parallel_loop3A_241, %parallel_loop3A_242 : i32
      %parallel_loop3A_244 = arith.constant 1 : i32
      %parallel_loop3A_245 = arith.select %parallel_loop3A_243, %parallel_loop3A_244, %parallel_loop3A_241 : i32
      %parallel_loop3A_246 = arith.remsi %parallel_loop3A_215, %parallel_loop3A_245 : i32
      %parallel_loop3A_247 = arith.constant 0 : i32
      %parallel_loop3A_248 = arith.cmpi ne, %parallel_loop3A_246, %parallel_loop3A_247 : i32
      %parallel_loop3A_249 = arith.constant 0 : i32
      %parallel_loop3A_250 = arith.cmpi slt, %parallel_loop3A_246, %parallel_loop3A_249 : i32
      %parallel_loop3A_251 = arith.constant 0 : i32
      %parallel_loop3A_252 = arith.cmpi slt, %parallel_loop3A_245, %parallel_loop3A_251 : i32
      %parallel_loop3A_253 = arith.xori %parallel_loop3A_250, %parallel_loop3A_252 : i1
      %parallel_loop3A_254 = arith.andi %parallel_loop3A_253, %parallel_loop3A_248 : i1
      %parallel_loop3A_255 = arith.addi %parallel_loop3A_246, %parallel_loop3A_245 : i32
      %parallel_loop3A_256 = arith.select %parallel_loop3A_254, %parallel_loop3A_255, %parallel_loop3A_246 : i32
      %parallel_loop3A_257 = arith.constant 16 : i32
      %parallel_loop3A_258 = arith.muli %parallel_loop3A_256, %parallel_loop3A_257 : i32
      %parallel_loop3A_259 = arith.constant 16 : i32
      %parallel_loop3A_260 = arith.muli %parallel_loop3A_215, %parallel_loop3A_259 : i32
      %parallel_loop3A_261 = arith.index_cast %parallel_loop3A_260 : i32 to index
      %parallel_loop3A_262 = tpu.vector_load %arg12[%parallel_loop3A_261] {strides = array<i32>} : memref<640xf32, #tpu.memory_space<vmem>>, vector<16xf32>,
      %parallel_loop3A_263 = arith.index_cast %parallel_loop3A_240 : i32 to index
      %parallel_loop3A_264 = arith.index_cast %parallel_loop3A_258 : i32 to index
      %parallel_loop3A_265 = tpu.vector_load %arg7[%parallel_loop3A_263, %parallel_loop3A_264] {strides = array<i32>} : memref<80x128xf32, #tpu.memory_space<vmem>>, vector<16xf32>,
      %parallel_loop3A_266 = arith.constant 6.561000e-02 : f32
      %parallel_loop3A_267 = vector.broadcast %parallel_loop3A_266 : f32 to vector<16xf32>
      %parallel_loop3A_268 = arith.mulf %parallel_loop3A_267, %parallel_loop3A_265 : vector<16xf32>
      %parallel_loop3A_269 = arith.addf %parallel_loop3A_262, %parallel_loop3A_268 : vector<16xf32>
      %parallel_loop3A_270 = arith.constant 16 : i32
      %parallel_loop3A_271 = arith.muli %parallel_loop3A_215, %parallel_loop3A_270 : i32
      %parallel_loop3A_272 = arith.index_cast %parallel_loop3A_271 : i32 to index
      %parallel_loop3A_273 = tpu.vector_load %arg12[%parallel_loop3A_272] {strides = array<i32>} : memref<640xf32, #tpu.memory_space<vmem>>, vector<16xf32>,
      tpu.vector_store %arg12[%parallel_loop3A_272], %parallel_loop3A_269 {strides = array<i32>} : memref<640xf32, #tpu.memory_space<vmem>>, vector<16xf32>,
    } {sc.loop_unroll_factor = 5 : i64, sc.parallel_access}
    %parallel_loop3A_120 = arith.constant 0 : i32
    %parallel_loop3A_121 = arith.constant 625 : i32
    %parallel_loop3A_122 = arith.constant 1 : i32
    scf.for %parallel_loop3A_215 = %parallel_loop3A_120 to %parallel_loop3A_121 step %parallel_loop3A_122  : i32 {
      %parallel_loop3A_216 = arith.constant 16 : i32
      %parallel_loop3A_217 = arith.muli %parallel_loop3A_215, %parallel_loop3A_216 : i32
      %parallel_loop3A_218 = arith.index_cast %parallel_loop3A_217 : i32 to index
      %parallel_loop3A_219 = tpu.vector_load %arg4[%parallel_loop3A_218] {strides = array<i32>} : memref<10000xi32, #tpu.memory_space<vmem>>, vector<16xi32>,
      %parallel_loop3A_220 = arith.constant 16 : i32
      %parallel_loop3A_221 = arith.muli %parallel_loop3A_215, %parallel_loop3A_220 : i32
      %parallel_loop3A_222 = arith.index_cast %parallel_loop3A_221 : i32 to index
      %parallel_loop3A_223 = tpu.vector_load %arg5[%parallel_loop3A_222] {strides = array<i32>} : memref<10000xi32, #tpu.memory_space<vmem>>, vector<16xi32>,
      %parallel_loop3A_224 = arith.constant 7 : i32
      %parallel_loop3A_225 = vector.broadcast %parallel_loop3A_224 : i32 to vector<16xi32>
      %parallel_loop3A_226 = arith.shrsi %parallel_loop3A_219, %parallel_loop3A_225 : vector<16xi32>
      %parallel_loop3A_227 = arith.constant 127 : i32
      %parallel_loop3A_228 = vector.broadcast %parallel_loop3A_227 : i32 to vector<16xi32>
      %parallel_loop3A_229 = arith.andi %parallel_loop3A_219, %parallel_loop3A_228 : vector<16xi32>
      %parallel_loop3A_230 = arith.constant 7 : i32
      %parallel_loop3A_231 = vector.broadcast %parallel_loop3A_230 : i32 to vector<16xi32>
      %parallel_loop3A_232 = arith.shrsi %parallel_loop3A_223, %parallel_loop3A_231 : vector<16xi32>
      %parallel_loop3A_233 = arith.constant 127 : i32
      %parallel_loop3A_234 = vector.broadcast %parallel_loop3A_233 : i32 to vector<16xi32>
      %parallel_loop3A_235 = arith.andi %parallel_loop3A_223, %parallel_loop3A_234 : vector<16xi32>
      %parallel_loop3A_236 = tpu.vector_load_idx %arg7[%parallel_loop3A_232, %parallel_loop3A_235] : memref<80x128xf32, #tpu.memory_space<vmem>>[vector<16xi32>, vector<16xi32>], vector<16xf32>,
      %parallel_loop3A_237 = arith.constant 16 : i32
      %parallel_loop3A_238 = arith.muli %parallel_loop3A_215, %parallel_loop3A_237 : i32
      %parallel_loop3A_239 = arith.index_cast %parallel_loop3A_238 : i32 to index
      %parallel_loop3A_240 = tpu.vector_load %arg6[%parallel_loop3A_239] {strides = array<i32>} : memref<10000xf32, #tpu.memory_space<vmem>>, vector<16xf32>,
      %parallel_loop3A_241 = arith.mulf %parallel_loop3A_236, %parallel_loop3A_240 : vector<16xf32>
      tpu.vector_store_idx %arg8[%parallel_loop3A_226, %parallel_loop3A_229], %parallel_loop3A_241 {add = true} : memref<80x128xf32, #tpu.memory_space<vmem>>[vector<16xi32>, vector<16xi32>], vector<16xf32>,
    } {sc.loop_unroll_factor = 4 : i64, sc.parallel_access}
    %dma_start3A_123 = arith.constant 0 : i32
    %dma_start3A_124 = arith.constant 0 : i32
    %dma_start3A_125 = tpu.memref_slice %arg15[%dma_start3A_123, %dma_start3A_124] : memref<80x128xf32, #tpu.memory_space<vmem_shared>> -> memref<80x128xf32, #tpu.memory_space<vmem_shared>>
    tpu.enqueue_indirect_dma source(%arg8 : memref<80x128xf32, #tpu.memory_space<vmem>>) target(%dma_start3A_125 : memref<80x128xf32, #tpu.memory_space<vmem_shared>>) offsets(%arg10 : memref<80xi32, #tpu.memory_space<vmem>>) semaphore(%arg16 : memref<!tpu.dma_semaphore, #tpu.memory_space<semaphore_mem>>) {add = true}
    "tpu.region"() ({
      %run_scoped3A = tpu.sem_alloc : memref<!tpu.dma_semaphore, #tpu.memory_space<semaphore_mem>>
      %dma_start3A_215 = arith.constant 0 : i32
      %dma_start3A_216 = tpu.memref_slice %arg13[%mul3A_2, %dma_start3A_215] : memref<80x128xf32, #tpu.memory_space<vmem_shared>> -> memref<5x128xf32, #tpu.memory_space<vmem_shared>>
      %dma_start3A_217 = arith.constant 0 : i32
      %dma_start3A_218 = tpu.memref_slice %arg13[%mul3A_2, %dma_start3A_217] : memref<80x128xf32, #tpu.memory_space<vmem_shared>> -> memref<5x128xf32, #tpu.memory_space<vmem_shared>>
      tpu.enqueue_dma source(%arg11 : memref<5x128xf32, #tpu.memory_space<vmem>>) target(%dma_start3A_218 : memref<5x128xf32, #tpu.memory_space<vmem_shared>>) target_semaphore(%run_scoped3A : memref<!tpu.dma_semaphore, #tpu.memory_space<semaphore_mem>>)
      %dma_wait3A_219 = arith.constant 0 : i32
      %dma_wait3A_220 = tpu.memref_slice %arg13[%mul3A_2, %dma_wait3A_219] : memref<80x128xf32, #tpu.memory_space<vmem_shared>> -> memref<5x128xf32, #tpu.memory_space<vmem_shared>>
      %dma_wait3A_221 = arith.constant 0 : i32
      %dma_wait3A_222 = tpu.memref_slice %arg13[%mul3A_2, %dma_wait3A_221] : memref<80x128xf32, #tpu.memory_space<vmem_shared>> -> memref<5x128xf32, #tpu.memory_space<vmem_shared>>
      tpu.wait_dma2 semaphore(%run_scoped3A : memref<!tpu.dma_semaphore, #tpu.memory_space<semaphore_mem>>) src(%arg11 : memref<5x128xf32, #tpu.memory_space<vmem>>) dst(%dma_wait3A_222 : memref<5x128xf32, #tpu.memory_space<vmem_shared>>)
      tpu.yield
    }) : () -> ()
    %dma_wait3A_126 = arith.constant 0 : i32
    %dma_wait3A_127 = arith.constant 0 : i32
    %dma_wait3A_128 = tpu.memref_slice %arg15[%dma_wait3A_126, %dma_wait3A_127] : memref<80x128xf32, #tpu.memory_space<vmem_shared>> -> memref<80x128xf32, #tpu.memory_space<vmem_shared>>
    tpu.wait_indirect_dma semaphore(%arg16 : memref<!tpu.dma_semaphore, #tpu.memory_space<semaphore_mem>>) src(%arg8 : memref<80x128xf32, #tpu.memory_space<vmem>>) dst(%dma_wait3A_128 : memref<80x128xf32, #tpu.memory_space<vmem_shared>>)
    %barrier3A_129 = arith.constant 0 : index
    tpu.barrier barrier_id(%barrier3A_129)
    tpu.enqueue_dma source(%arg15 : memref<80x128xf32, #tpu.memory_space<vmem_shared>>) target(%arg7 : memref<80x128xf32, #tpu.memory_space<vmem>>) target_semaphore(%arg17 : memref<!tpu.dma_semaphore, #tpu.memory_space<semaphore_mem>>)
    %parallel_loop3A_130 = arith.constant 0 : i32
    %parallel_loop3A_131 = arith.constant 640 : i32
    %parallel_loop3A_132 = arith.constant 1 : i32
    scf.for %parallel_loop3A_215 = %parallel_loop3A_130 to %parallel_loop3A_131 step %parallel_loop3A_132  : i32 {
      %parallel_loop3A_216 = arith.constant 8 : i32
      %parallel_loop3A_217 = arith.divsi %parallel_loop3A_215, %parallel_loop3A_216 : i32
      %parallel_loop3A_218 = arith.constant 0 : i32
      %parallel_loop3A_219 = arith.cmpi sgt, %parallel_loop3A_215, %parallel_loop3A_218 : i32
      %parallel_loop3A_220 = arith.extui %parallel_loop3A_219 : i1 to i32
      %parallel_loop3A_221 = arith.constant 0 : i32
      %parallel_loop3A_222 = arith.cmpi slt, %parallel_loop3A_215, %parallel_loop3A_221 : i32
      %parallel_loop3A_223 = arith.extui %parallel_loop3A_222 : i1 to i32
      %parallel_loop3A_224 = arith.subi %parallel_loop3A_220, %parallel_loop3A_223 : i32
      %parallel_loop3A_225 = arith.constant 0 : i32
      %parallel_loop3A_226 = arith.cmpi sgt, %parallel_loop3A_216, %parallel_loop3A_225 : i32
      %parallel_loop3A_227 = arith.extui %parallel_loop3A_226 : i1 to i32
      %parallel_loop3A_228 = arith.constant 0 : i32
      %parallel_loop3A_229 = arith.cmpi slt, %parallel_loop3A_216, %parallel_loop3A_228 : i32
      %parallel_loop3A_230 = arith.extui %parallel_loop3A_229 : i1 to i32
      %parallel_loop3A_231 = arith.subi %parallel_loop3A_227, %parallel_loop3A_230 : i32
      %parallel_loop3A_232 = arith.cmpi ne, %parallel_loop3A_224, %parallel_loop3A_231 : i32
      %parallel_loop3A_233 = arith.remsi %parallel_loop3A_215, %parallel_loop3A_216 : i32
      %parallel_loop3A_234 = arith.constant 0 : i32
      %parallel_loop3A_235 = arith.cmpi ne, %parallel_loop3A_233, %parallel_loop3A_234 : i32
      %parallel_loop3A_236 = arith.andi %parallel_loop3A_232, %parallel_loop3A_235 : i1
      %parallel_loop3A_237 = arith.constant 1 : i32
      %parallel_loop3A_238 = arith.subi %parallel_loop3A_217, %parallel_loop3A_237 : i32
      %parallel_loop3A_239 = arith.select %parallel_loop3A_236, %parallel_loop3A_238, %parallel_loop3A_217 : i32
      %parallel_loop3A_240 = arith.constant 8 : i32
      %parallel_loop3A_241 = arith.constant 0 : i32
      %parallel_loop3A_242 = arith.cmpi eq, %parallel_loop3A_240, %parallel_loop3A_241 : i32
      %parallel_loop3A_243 = arith.constant 1 : i32
      %parallel_loop3A_244 = arith.select %parallel_loop3A_242, %parallel_loop3A_243, %parallel_loop3A_240 : i32
      %parallel_loop3A_245 = arith.remsi %parallel_loop3A_215, %parallel_loop3A_244 : i32
      %parallel_loop3A_246 = arith.constant 0 : i32
      %parallel_loop3A_247 = arith.cmpi ne, %parallel_loop3A_245, %parallel_loop3A_246 : i32
      %parallel_loop3A_248 = arith.constant 0 : i32
      %parallel_loop3A_249 = arith.cmpi slt, %parallel_loop3A_245, %parallel_loop3A_248 : i32
      %parallel_loop3A_250 = arith.constant 0 : i32
      %parallel_loop3A_251 = arith.cmpi slt, %parallel_loop3A_244, %parallel_loop3A_250 : i32
      %parallel_loop3A_252 = arith.xori %parallel_loop3A_249, %parallel_loop3A_251 : i1
      %parallel_loop3A_253 = arith.andi %parallel_loop3A_252, %parallel_loop3A_247 : i1
      %parallel_loop3A_254 = arith.addi %parallel_loop3A_245, %parallel_loop3A_244 : i32
      %parallel_loop3A_255 = arith.select %parallel_loop3A_253, %parallel_loop3A_254, %parallel_loop3A_245 : i32
      %parallel_loop3A_256 = arith.constant 16 : i32
      %parallel_loop3A_257 = arith.muli %parallel_loop3A_255, %parallel_loop3A_256 : i32
      %parallel_loop3A_258 = arith.index_cast %parallel_loop3A_239 : i32 to index
      %parallel_loop3A_259 = arith.index_cast %parallel_loop3A_257 : i32 to index
      %parallel_loop3A_260 = tpu.vector_load %arg8[%parallel_loop3A_258, %parallel_loop3A_259] {strides = array<i32>} : memref<80x128xf32, #tpu.memory_space<vmem>>, vector<16xf32>,
      tpu.vector_store %arg8[%parallel_loop3A_258, %parallel_loop3A_259], %broadcast_in_dim3A_7 {strides = array<i32>} : memref<80x128xf32, #tpu.memory_space<vmem>>, vector<16xf32>,
    } {sc.loop_unroll_factor = 8 : i64, sc.parallel_access}
    tpu.wait_dma2 semaphore(%arg17 : memref<!tpu.dma_semaphore, #tpu.memory_space<semaphore_mem>>) src(%arg15 : memref<80x128xf32, #tpu.memory_space<vmem_shared>>) dst(%arg7 : memref<80x128xf32, #tpu.memory_space<vmem>>)
    %parallel_loop3A_133 = arith.constant 0 : i32
    %parallel_loop3A_134 = arith.constant 40 : i32
    %parallel_loop3A_135 = arith.constant 1 : i32
    scf.for %parallel_loop3A_215 = %parallel_loop3A_133 to %parallel_loop3A_134 step %parallel_loop3A_135  : i32 {
      %parallel_loop3A_216 = arith.constant 8 : i32
      %parallel_loop3A_217 = arith.divsi %parallel_loop3A_215, %parallel_loop3A_216 : i32
      %parallel_loop3A_218 = arith.constant 0 : i32
      %parallel_loop3A_219 = arith.cmpi sgt, %parallel_loop3A_215, %parallel_loop3A_218 : i32
      %parallel_loop3A_220 = arith.extui %parallel_loop3A_219 : i1 to i32
      %parallel_loop3A_221 = arith.constant 0 : i32
      %parallel_loop3A_222 = arith.cmpi slt, %parallel_loop3A_215, %parallel_loop3A_221 : i32
      %parallel_loop3A_223 = arith.extui %parallel_loop3A_222 : i1 to i32
      %parallel_loop3A_224 = arith.subi %parallel_loop3A_220, %parallel_loop3A_223 : i32
      %parallel_loop3A_225 = arith.constant 0 : i32
      %parallel_loop3A_226 = arith.cmpi sgt, %parallel_loop3A_216, %parallel_loop3A_225 : i32
      %parallel_loop3A_227 = arith.extui %parallel_loop3A_226 : i1 to i32
      %parallel_loop3A_228 = arith.constant 0 : i32
      %parallel_loop3A_229 = arith.cmpi slt, %parallel_loop3A_216, %parallel_loop3A_228 : i32
      %parallel_loop3A_230 = arith.extui %parallel_loop3A_229 : i1 to i32
      %parallel_loop3A_231 = arith.subi %parallel_loop3A_227, %parallel_loop3A_230 : i32
      %parallel_loop3A_232 = arith.cmpi ne, %parallel_loop3A_224, %parallel_loop3A_231 : i32
      %parallel_loop3A_233 = arith.remsi %parallel_loop3A_215, %parallel_loop3A_216 : i32
      %parallel_loop3A_234 = arith.constant 0 : i32
      %parallel_loop3A_235 = arith.cmpi ne, %parallel_loop3A_233, %parallel_loop3A_234 : i32
      %parallel_loop3A_236 = arith.andi %parallel_loop3A_232, %parallel_loop3A_235 : i1
      %parallel_loop3A_237 = arith.constant 1 : i32
      %parallel_loop3A_238 = arith.subi %parallel_loop3A_217, %parallel_loop3A_237 : i32
      %parallel_loop3A_239 = arith.select %parallel_loop3A_236, %parallel_loop3A_238, %parallel_loop3A_217 : i32
      %parallel_loop3A_240 = arith.addi %mul3A_2, %parallel_loop3A_239 : i32
      %parallel_loop3A_241 = arith.constant 8 : i32
      %parallel_loop3A_242 = arith.constant 0 : i32
      %parallel_loop3A_243 = arith.cmpi eq, %parallel_loop3A_241, %parallel_loop3A_242 : i32
      %parallel_loop3A_244 = arith.constant 1 : i32
      %parallel_loop3A_245 = arith.select %parallel_loop3A_243, %parallel_loop3A_244, %parallel_loop3A_241 : i32
      %parallel_loop3A_246 = arith.remsi %parallel_loop3A_215, %parallel_loop3A_245 : i32
      %parallel_loop3A_247 = arith.constant 0 : i32
      %parallel_loop3A_248 = arith.cmpi ne, %parallel_loop3A_246, %parallel_loop3A_247 : i32
      %parallel_loop3A_249 = arith.constant 0 : i32
      %parallel_loop3A_250 = arith.cmpi slt, %parallel_loop3A_246, %parallel_loop3A_249 : i32
      %parallel_loop3A_251 = arith.constant 0 : i32
      %parallel_loop3A_252 = arith.cmpi slt, %parallel_loop3A_245, %parallel_loop3A_251 : i32
      %parallel_loop3A_253 = arith.xori %parallel_loop3A_250, %parallel_loop3A_252 : i1
      %parallel_loop3A_254 = arith.andi %parallel_loop3A_253, %parallel_loop3A_248 : i1
      %parallel_loop3A_255 = arith.addi %parallel_loop3A_246, %parallel_loop3A_245 : i32
      %parallel_loop3A_256 = arith.select %parallel_loop3A_254, %parallel_loop3A_255, %parallel_loop3A_246 : i32
      %parallel_loop3A_257 = arith.constant 16 : i32
      %parallel_loop3A_258 = arith.muli %parallel_loop3A_256, %parallel_loop3A_257 : i32
      %parallel_loop3A_259 = arith.constant 16 : i32
      %parallel_loop3A_260 = arith.muli %parallel_loop3A_215, %parallel_loop3A_259 : i32
      %parallel_loop3A_261 = arith.index_cast %parallel_loop3A_260 : i32 to index
      %parallel_loop3A_262 = tpu.vector_load %arg12[%parallel_loop3A_261] {strides = array<i32>} : memref<640xf32, #tpu.memory_space<vmem>>, vector<16xf32>,
      %parallel_loop3A_263 = arith.index_cast %parallel_loop3A_240 : i32 to index
      %parallel_loop3A_264 = arith.index_cast %parallel_loop3A_258 : i32 to index
      %parallel_loop3A_265 = tpu.vector_load %arg7[%parallel_loop3A_263, %parallel_loop3A_264] {strides = array<i32>} : memref<80x128xf32, #tpu.memory_space<vmem>>, vector<16xf32>,
      %parallel_loop3A_266 = arith.constant 5.904900e-02 : f32
      %parallel_loop3A_267 = vector.broadcast %parallel_loop3A_266 : f32 to vector<16xf32>
      %parallel_loop3A_268 = arith.mulf %parallel_loop3A_267, %parallel_loop3A_265 : vector<16xf32>
      %parallel_loop3A_269 = arith.addf %parallel_loop3A_262, %parallel_loop3A_268 : vector<16xf32>
      %parallel_loop3A_270 = arith.constant 16 : i32
      %parallel_loop3A_271 = arith.muli %parallel_loop3A_215, %parallel_loop3A_270 : i32
      %parallel_loop3A_272 = arith.index_cast %parallel_loop3A_271 : i32 to index
      %parallel_loop3A_273 = tpu.vector_load %arg12[%parallel_loop3A_272] {strides = array<i32>} : memref<640xf32, #tpu.memory_space<vmem>>, vector<16xf32>,
      tpu.vector_store %arg12[%parallel_loop3A_272], %parallel_loop3A_269 {strides = array<i32>} : memref<640xf32, #tpu.memory_space<vmem>>, vector<16xf32>,
    } {sc.loop_unroll_factor = 5 : i64, sc.parallel_access}
    %parallel_loop3A_136 = arith.constant 0 : i32
    %parallel_loop3A_137 = arith.constant 625 : i32
    %parallel_loop3A_138 = arith.constant 1 : i32
    scf.for %parallel_loop3A_215 = %parallel_loop3A_136 to %parallel_loop3A_137 step %parallel_loop3A_138  : i32 {
      %parallel_loop3A_216 = arith.constant 16 : i32
      %parallel_loop3A_217 = arith.muli %parallel_loop3A_215, %parallel_loop3A_216 : i32
      %parallel_loop3A_218 = arith.index_cast %parallel_loop3A_217 : i32 to index
      %parallel_loop3A_219 = tpu.vector_load %arg4[%parallel_loop3A_218] {strides = array<i32>} : memref<10000xi32, #tpu.memory_space<vmem>>, vector<16xi32>,
      %parallel_loop3A_220 = arith.constant 16 : i32
      %parallel_loop3A_221 = arith.muli %parallel_loop3A_215, %parallel_loop3A_220 : i32
      %parallel_loop3A_222 = arith.index_cast %parallel_loop3A_221 : i32 to index
      %parallel_loop3A_223 = tpu.vector_load %arg5[%parallel_loop3A_222] {strides = array<i32>} : memref<10000xi32, #tpu.memory_space<vmem>>, vector<16xi32>,
      %parallel_loop3A_224 = arith.constant 7 : i32
      %parallel_loop3A_225 = vector.broadcast %parallel_loop3A_224 : i32 to vector<16xi32>
      %parallel_loop3A_226 = arith.shrsi %parallel_loop3A_219, %parallel_loop3A_225 : vector<16xi32>
      %parallel_loop3A_227 = arith.constant 127 : i32
      %parallel_loop3A_228 = vector.broadcast %parallel_loop3A_227 : i32 to vector<16xi32>
      %parallel_loop3A_229 = arith.andi %parallel_loop3A_219, %parallel_loop3A_228 : vector<16xi32>
      %parallel_loop3A_230 = arith.constant 7 : i32
      %parallel_loop3A_231 = vector.broadcast %parallel_loop3A_230 : i32 to vector<16xi32>
      %parallel_loop3A_232 = arith.shrsi %parallel_loop3A_223, %parallel_loop3A_231 : vector<16xi32>
      %parallel_loop3A_233 = arith.constant 127 : i32
      %parallel_loop3A_234 = vector.broadcast %parallel_loop3A_233 : i32 to vector<16xi32>
      %parallel_loop3A_235 = arith.andi %parallel_loop3A_223, %parallel_loop3A_234 : vector<16xi32>
      %parallel_loop3A_236 = tpu.vector_load_idx %arg7[%parallel_loop3A_232, %parallel_loop3A_235] : memref<80x128xf32, #tpu.memory_space<vmem>>[vector<16xi32>, vector<16xi32>], vector<16xf32>,
      %parallel_loop3A_237 = arith.constant 16 : i32
      %parallel_loop3A_238 = arith.muli %parallel_loop3A_215, %parallel_loop3A_237 : i32
      %parallel_loop3A_239 = arith.index_cast %parallel_loop3A_238 : i32 to index
      %parallel_loop3A_240 = tpu.vector_load %arg6[%parallel_loop3A_239] {strides = array<i32>} : memref<10000xf32, #tpu.memory_space<vmem>>, vector<16xf32>,
      %parallel_loop3A_241 = arith.mulf %parallel_loop3A_236, %parallel_loop3A_240 : vector<16xf32>
      tpu.vector_store_idx %arg8[%parallel_loop3A_226, %parallel_loop3A_229], %parallel_loop3A_241 {add = true} : memref<80x128xf32, #tpu.memory_space<vmem>>[vector<16xi32>, vector<16xi32>], vector<16xf32>,
    } {sc.loop_unroll_factor = 4 : i64, sc.parallel_access}
    %dma_start3A_139 = arith.constant 0 : i32
    %dma_start3A_140 = arith.constant 0 : i32
    %dma_start3A_141 = tpu.memref_slice %arg13[%dma_start3A_139, %dma_start3A_140] : memref<80x128xf32, #tpu.memory_space<vmem_shared>> -> memref<80x128xf32, #tpu.memory_space<vmem_shared>>
    tpu.enqueue_indirect_dma source(%arg8 : memref<80x128xf32, #tpu.memory_space<vmem>>) target(%dma_start3A_141 : memref<80x128xf32, #tpu.memory_space<vmem_shared>>) offsets(%arg10 : memref<80xi32, #tpu.memory_space<vmem>>) semaphore(%arg16 : memref<!tpu.dma_semaphore, #tpu.memory_space<semaphore_mem>>) {add = true}
    "tpu.region"() ({
      %run_scoped3A = tpu.sem_alloc : memref<!tpu.dma_semaphore, #tpu.memory_space<semaphore_mem>>
      %dma_start3A_215 = arith.constant 0 : i32
      %dma_start3A_216 = tpu.memref_slice %arg14[%mul3A_2, %dma_start3A_215] : memref<80x128xf32, #tpu.memory_space<vmem_shared>> -> memref<5x128xf32, #tpu.memory_space<vmem_shared>>
      %dma_start3A_217 = arith.constant 0 : i32
      %dma_start3A_218 = tpu.memref_slice %arg14[%mul3A_2, %dma_start3A_217] : memref<80x128xf32, #tpu.memory_space<vmem_shared>> -> memref<5x128xf32, #tpu.memory_space<vmem_shared>>
      tpu.enqueue_dma source(%arg11 : memref<5x128xf32, #tpu.memory_space<vmem>>) target(%dma_start3A_218 : memref<5x128xf32, #tpu.memory_space<vmem_shared>>) target_semaphore(%run_scoped3A : memref<!tpu.dma_semaphore, #tpu.memory_space<semaphore_mem>>)
      %dma_wait3A_219 = arith.constant 0 : i32
      %dma_wait3A_220 = tpu.memref_slice %arg14[%mul3A_2, %dma_wait3A_219] : memref<80x128xf32, #tpu.memory_space<vmem_shared>> -> memref<5x128xf32, #tpu.memory_space<vmem_shared>>
      %dma_wait3A_221 = arith.constant 0 : i32
      %dma_wait3A_222 = tpu.memref_slice %arg14[%mul3A_2, %dma_wait3A_221] : memref<80x128xf32, #tpu.memory_space<vmem_shared>> -> memref<5x128xf32, #tpu.memory_space<vmem_shared>>
      tpu.wait_dma2 semaphore(%run_scoped3A : memref<!tpu.dma_semaphore, #tpu.memory_space<semaphore_mem>>) src(%arg11 : memref<5x128xf32, #tpu.memory_space<vmem>>) dst(%dma_wait3A_222 : memref<5x128xf32, #tpu.memory_space<vmem_shared>>)
      tpu.yield
    }) : () -> ()
    %dma_wait3A_142 = arith.constant 0 : i32
    %dma_wait3A_143 = arith.constant 0 : i32
    %dma_wait3A_144 = tpu.memref_slice %arg13[%dma_wait3A_142, %dma_wait3A_143] : memref<80x128xf32, #tpu.memory_space<vmem_shared>> -> memref<80x128xf32, #tpu.memory_space<vmem_shared>>
    tpu.wait_indirect_dma semaphore(%arg16 : memref<!tpu.dma_semaphore, #tpu.memory_space<semaphore_mem>>) src(%arg8 : memref<80x128xf32, #tpu.memory_space<vmem>>) dst(%dma_wait3A_144 : memref<80x128xf32, #tpu.memory_space<vmem_shared>>)
    %barrier3A_145 = arith.constant 0 : index
    tpu.barrier barrier_id(%barrier3A_145)
    tpu.enqueue_dma source(%arg13 : memref<80x128xf32, #tpu.memory_space<vmem_shared>>) target(%arg7 : memref<80x128xf32, #tpu.memory_space<vmem>>) target_semaphore(%arg17 : memref<!tpu.dma_semaphore, #tpu.memory_space<semaphore_mem>>)
    %parallel_loop3A_146 = arith.constant 0 : i32
    %parallel_loop3A_147 = arith.constant 640 : i32
    %parallel_loop3A_148 = arith.constant 1 : i32
    scf.for %parallel_loop3A_215 = %parallel_loop3A_146 to %parallel_loop3A_147 step %parallel_loop3A_148  : i32 {
      %parallel_loop3A_216 = arith.constant 8 : i32
      %parallel_loop3A_217 = arith.divsi %parallel_loop3A_215, %parallel_loop3A_216 : i32
      %parallel_loop3A_218 = arith.constant 0 : i32
      %parallel_loop3A_219 = arith.cmpi sgt, %parallel_loop3A_215, %parallel_loop3A_218 : i32
      %parallel_loop3A_220 = arith.extui %parallel_loop3A_219 : i1 to i32
      %parallel_loop3A_221 = arith.constant 0 : i32
      %parallel_loop3A_222 = arith.cmpi slt, %parallel_loop3A_215, %parallel_loop3A_221 : i32
      %parallel_loop3A_223 = arith.extui %parallel_loop3A_222 : i1 to i32
      %parallel_loop3A_224 = arith.subi %parallel_loop3A_220, %parallel_loop3A_223 : i32
      %parallel_loop3A_225 = arith.constant 0 : i32
      %parallel_loop3A_226 = arith.cmpi sgt, %parallel_loop3A_216, %parallel_loop3A_225 : i32
      %parallel_loop3A_227 = arith.extui %parallel_loop3A_226 : i1 to i32
      %parallel_loop3A_228 = arith.constant 0 : i32
      %parallel_loop3A_229 = arith.cmpi slt, %parallel_loop3A_216, %parallel_loop3A_228 : i32
      %parallel_loop3A_230 = arith.extui %parallel_loop3A_229 : i1 to i32
      %parallel_loop3A_231 = arith.subi %parallel_loop3A_227, %parallel_loop3A_230 : i32
      %parallel_loop3A_232 = arith.cmpi ne, %parallel_loop3A_224, %parallel_loop3A_231 : i32
      %parallel_loop3A_233 = arith.remsi %parallel_loop3A_215, %parallel_loop3A_216 : i32
      %parallel_loop3A_234 = arith.constant 0 : i32
      %parallel_loop3A_235 = arith.cmpi ne, %parallel_loop3A_233, %parallel_loop3A_234 : i32
      %parallel_loop3A_236 = arith.andi %parallel_loop3A_232, %parallel_loop3A_235 : i1
      %parallel_loop3A_237 = arith.constant 1 : i32
      %parallel_loop3A_238 = arith.subi %parallel_loop3A_217, %parallel_loop3A_237 : i32
      %parallel_loop3A_239 = arith.select %parallel_loop3A_236, %parallel_loop3A_238, %parallel_loop3A_217 : i32
      %parallel_loop3A_240 = arith.constant 8 : i32
      %parallel_loop3A_241 = arith.constant 0 : i32
      %parallel_loop3A_242 = arith.cmpi eq, %parallel_loop3A_240, %parallel_loop3A_241 : i32
      %parallel_loop3A_243 = arith.constant 1 : i32
      %parallel_loop3A_244 = arith.select %parallel_loop3A_242, %parallel_loop3A_243, %parallel_loop3A_240 : i32
      %parallel_loop3A_245 = arith.remsi %parallel_loop3A_215, %parallel_loop3A_244 : i32
      %parallel_loop3A_246 = arith.constant 0 : i32
      %parallel_loop3A_247 = arith.cmpi ne, %parallel_loop3A_245, %parallel_loop3A_246 : i32
      %parallel_loop3A_248 = arith.constant 0 : i32
      %parallel_loop3A_249 = arith.cmpi slt, %parallel_loop3A_245, %parallel_loop3A_248 : i32
      %parallel_loop3A_250 = arith.constant 0 : i32
      %parallel_loop3A_251 = arith.cmpi slt, %parallel_loop3A_244, %parallel_loop3A_250 : i32
      %parallel_loop3A_252 = arith.xori %parallel_loop3A_249, %parallel_loop3A_251 : i1
      %parallel_loop3A_253 = arith.andi %parallel_loop3A_252, %parallel_loop3A_247 : i1
      %parallel_loop3A_254 = arith.addi %parallel_loop3A_245, %parallel_loop3A_244 : i32
      %parallel_loop3A_255 = arith.select %parallel_loop3A_253, %parallel_loop3A_254, %parallel_loop3A_245 : i32
      %parallel_loop3A_256 = arith.constant 16 : i32
      %parallel_loop3A_257 = arith.muli %parallel_loop3A_255, %parallel_loop3A_256 : i32
      %parallel_loop3A_258 = arith.index_cast %parallel_loop3A_239 : i32 to index
      %parallel_loop3A_259 = arith.index_cast %parallel_loop3A_257 : i32 to index
      %parallel_loop3A_260 = tpu.vector_load %arg8[%parallel_loop3A_258, %parallel_loop3A_259] {strides = array<i32>} : memref<80x128xf32, #tpu.memory_space<vmem>>, vector<16xf32>,
      tpu.vector_store %arg8[%parallel_loop3A_258, %parallel_loop3A_259], %broadcast_in_dim3A_7 {strides = array<i32>} : memref<80x128xf32, #tpu.memory_space<vmem>>, vector<16xf32>,
    } {sc.loop_unroll_factor = 8 : i64, sc.parallel_access}
    tpu.wait_dma2 semaphore(%arg17 : memref<!tpu.dma_semaphore, #tpu.memory_space<semaphore_mem>>) src(%arg13 : memref<80x128xf32, #tpu.memory_space<vmem_shared>>) dst(%arg7 : memref<80x128xf32, #tpu.memory_space<vmem>>)
    %parallel_loop3A_149 = arith.constant 0 : i32
    %parallel_loop3A_150 = arith.constant 40 : i32
    %parallel_loop3A_151 = arith.constant 1 : i32
    scf.for %parallel_loop3A_215 = %parallel_loop3A_149 to %parallel_loop3A_150 step %parallel_loop3A_151  : i32 {
      %parallel_loop3A_216 = arith.constant 8 : i32
      %parallel_loop3A_217 = arith.divsi %parallel_loop3A_215, %parallel_loop3A_216 : i32
      %parallel_loop3A_218 = arith.constant 0 : i32
      %parallel_loop3A_219 = arith.cmpi sgt, %parallel_loop3A_215, %parallel_loop3A_218 : i32
      %parallel_loop3A_220 = arith.extui %parallel_loop3A_219 : i1 to i32
      %parallel_loop3A_221 = arith.constant 0 : i32
      %parallel_loop3A_222 = arith.cmpi slt, %parallel_loop3A_215, %parallel_loop3A_221 : i32
      %parallel_loop3A_223 = arith.extui %parallel_loop3A_222 : i1 to i32
      %parallel_loop3A_224 = arith.subi %parallel_loop3A_220, %parallel_loop3A_223 : i32
      %parallel_loop3A_225 = arith.constant 0 : i32
      %parallel_loop3A_226 = arith.cmpi sgt, %parallel_loop3A_216, %parallel_loop3A_225 : i32
      %parallel_loop3A_227 = arith.extui %parallel_loop3A_226 : i1 to i32
      %parallel_loop3A_228 = arith.constant 0 : i32
      %parallel_loop3A_229 = arith.cmpi slt, %parallel_loop3A_216, %parallel_loop3A_228 : i32
      %parallel_loop3A_230 = arith.extui %parallel_loop3A_229 : i1 to i32
      %parallel_loop3A_231 = arith.subi %parallel_loop3A_227, %parallel_loop3A_230 : i32
      %parallel_loop3A_232 = arith.cmpi ne, %parallel_loop3A_224, %parallel_loop3A_231 : i32
      %parallel_loop3A_233 = arith.remsi %parallel_loop3A_215, %parallel_loop3A_216 : i32
      %parallel_loop3A_234 = arith.constant 0 : i32
      %parallel_loop3A_235 = arith.cmpi ne, %parallel_loop3A_233, %parallel_loop3A_234 : i32
      %parallel_loop3A_236 = arith.andi %parallel_loop3A_232, %parallel_loop3A_235 : i1
      %parallel_loop3A_237 = arith.constant 1 : i32
      %parallel_loop3A_238 = arith.subi %parallel_loop3A_217, %parallel_loop3A_237 : i32
      %parallel_loop3A_239 = arith.select %parallel_loop3A_236, %parallel_loop3A_238, %parallel_loop3A_217 : i32
      %parallel_loop3A_240 = arith.addi %mul3A_2, %parallel_loop3A_239 : i32
      %parallel_loop3A_241 = arith.constant 8 : i32
      %parallel_loop3A_242 = arith.constant 0 : i32
      %parallel_loop3A_243 = arith.cmpi eq, %parallel_loop3A_241, %parallel_loop3A_242 : i32
      %parallel_loop3A_244 = arith.constant 1 : i32
      %parallel_loop3A_245 = arith.select %parallel_loop3A_243, %parallel_loop3A_244, %parallel_loop3A_241 : i32
      %parallel_loop3A_246 = arith.remsi %parallel_loop3A_215, %parallel_loop3A_245 : i32
      %parallel_loop3A_247 = arith.constant 0 : i32
      %parallel_loop3A_248 = arith.cmpi ne, %parallel_loop3A_246, %parallel_loop3A_247 : i32
      %parallel_loop3A_249 = arith.constant 0 : i32
      %parallel_loop3A_250 = arith.cmpi slt, %parallel_loop3A_246, %parallel_loop3A_249 : i32
      %parallel_loop3A_251 = arith.constant 0 : i32
      %parallel_loop3A_252 = arith.cmpi slt, %parallel_loop3A_245, %parallel_loop3A_251 : i32
      %parallel_loop3A_253 = arith.xori %parallel_loop3A_250, %parallel_loop3A_252 : i1
      %parallel_loop3A_254 = arith.andi %parallel_loop3A_253, %parallel_loop3A_248 : i1
      %parallel_loop3A_255 = arith.addi %parallel_loop3A_246, %parallel_loop3A_245 : i32
      %parallel_loop3A_256 = arith.select %parallel_loop3A_254, %parallel_loop3A_255, %parallel_loop3A_246 : i32
      %parallel_loop3A_257 = arith.constant 16 : i32
      %parallel_loop3A_258 = arith.muli %parallel_loop3A_256, %parallel_loop3A_257 : i32
      %parallel_loop3A_259 = arith.constant 16 : i32
      %parallel_loop3A_260 = arith.muli %parallel_loop3A_215, %parallel_loop3A_259 : i32
      %parallel_loop3A_261 = arith.index_cast %parallel_loop3A_260 : i32 to index
      %parallel_loop3A_262 = tpu.vector_load %arg12[%parallel_loop3A_261] {strides = array<i32>} : memref<640xf32, #tpu.memory_space<vmem>>, vector<16xf32>,
      %parallel_loop3A_263 = arith.index_cast %parallel_loop3A_240 : i32 to index
      %parallel_loop3A_264 = arith.index_cast %parallel_loop3A_258 : i32 to index
      %parallel_loop3A_265 = tpu.vector_load %arg7[%parallel_loop3A_263, %parallel_loop3A_264] {strides = array<i32>} : memref<80x128xf32, #tpu.memory_space<vmem>>, vector<16xf32>,
      %parallel_loop3A_266 = arith.constant 5.314410e-02 : f32
      %parallel_loop3A_267 = vector.broadcast %parallel_loop3A_266 : f32 to vector<16xf32>
      %parallel_loop3A_268 = arith.mulf %parallel_loop3A_267, %parallel_loop3A_265 : vector<16xf32>
      %parallel_loop3A_269 = arith.addf %parallel_loop3A_262, %parallel_loop3A_268 : vector<16xf32>
      %parallel_loop3A_270 = arith.constant 16 : i32
      %parallel_loop3A_271 = arith.muli %parallel_loop3A_215, %parallel_loop3A_270 : i32
      %parallel_loop3A_272 = arith.index_cast %parallel_loop3A_271 : i32 to index
      %parallel_loop3A_273 = tpu.vector_load %arg12[%parallel_loop3A_272] {strides = array<i32>} : memref<640xf32, #tpu.memory_space<vmem>>, vector<16xf32>,
      tpu.vector_store %arg12[%parallel_loop3A_272], %parallel_loop3A_269 {strides = array<i32>} : memref<640xf32, #tpu.memory_space<vmem>>, vector<16xf32>,
    } {sc.loop_unroll_factor = 5 : i64, sc.parallel_access}
    %parallel_loop3A_152 = arith.constant 0 : i32
    %parallel_loop3A_153 = arith.constant 625 : i32
    %parallel_loop3A_154 = arith.constant 1 : i32
    scf.for %parallel_loop3A_215 = %parallel_loop3A_152 to %parallel_loop3A_153 step %parallel_loop3A_154  : i32 {
      %parallel_loop3A_216 = arith.constant 16 : i32
      %parallel_loop3A_217 = arith.muli %parallel_loop3A_215, %parallel_loop3A_216 : i32
      %parallel_loop3A_218 = arith.index_cast %parallel_loop3A_217 : i32 to index
      %parallel_loop3A_219 = tpu.vector_load %arg4[%parallel_loop3A_218] {strides = array<i32>} : memref<10000xi32, #tpu.memory_space<vmem>>, vector<16xi32>,
      %parallel_loop3A_220 = arith.constant 16 : i32
      %parallel_loop3A_221 = arith.muli %parallel_loop3A_215, %parallel_loop3A_220 : i32
      %parallel_loop3A_222 = arith.index_cast %parallel_loop3A_221 : i32 to index
      %parallel_loop3A_223 = tpu.vector_load %arg5[%parallel_loop3A_222] {strides = array<i32>} : memref<10000xi32, #tpu.memory_space<vmem>>, vector<16xi32>,
      %parallel_loop3A_224 = arith.constant 7 : i32
      %parallel_loop3A_225 = vector.broadcast %parallel_loop3A_224 : i32 to vector<16xi32>
      %parallel_loop3A_226 = arith.shrsi %parallel_loop3A_219, %parallel_loop3A_225 : vector<16xi32>
      %parallel_loop3A_227 = arith.constant 127 : i32
      %parallel_loop3A_228 = vector.broadcast %parallel_loop3A_227 : i32 to vector<16xi32>
      %parallel_loop3A_229 = arith.andi %parallel_loop3A_219, %parallel_loop3A_228 : vector<16xi32>
      %parallel_loop3A_230 = arith.constant 7 : i32
      %parallel_loop3A_231 = vector.broadcast %parallel_loop3A_230 : i32 to vector<16xi32>
      %parallel_loop3A_232 = arith.shrsi %parallel_loop3A_223, %parallel_loop3A_231 : vector<16xi32>
      %parallel_loop3A_233 = arith.constant 127 : i32
      %parallel_loop3A_234 = vector.broadcast %parallel_loop3A_233 : i32 to vector<16xi32>
      %parallel_loop3A_235 = arith.andi %parallel_loop3A_223, %parallel_loop3A_234 : vector<16xi32>
      %parallel_loop3A_236 = tpu.vector_load_idx %arg7[%parallel_loop3A_232, %parallel_loop3A_235] : memref<80x128xf32, #tpu.memory_space<vmem>>[vector<16xi32>, vector<16xi32>], vector<16xf32>,
      %parallel_loop3A_237 = arith.constant 16 : i32
      %parallel_loop3A_238 = arith.muli %parallel_loop3A_215, %parallel_loop3A_237 : i32
      %parallel_loop3A_239 = arith.index_cast %parallel_loop3A_238 : i32 to index
      %parallel_loop3A_240 = tpu.vector_load %arg6[%parallel_loop3A_239] {strides = array<i32>} : memref<10000xf32, #tpu.memory_space<vmem>>, vector<16xf32>,
      %parallel_loop3A_241 = arith.mulf %parallel_loop3A_236, %parallel_loop3A_240 : vector<16xf32>
      tpu.vector_store_idx %arg8[%parallel_loop3A_226, %parallel_loop3A_229], %parallel_loop3A_241 {add = true} : memref<80x128xf32, #tpu.memory_space<vmem>>[vector<16xi32>, vector<16xi32>], vector<16xf32>,
    } {sc.loop_unroll_factor = 4 : i64, sc.parallel_access}
    %dma_start3A_155 = arith.constant 0 : i32
    %dma_start3A_156 = arith.constant 0 : i32
    %dma_start3A_157 = tpu.memref_slice %arg14[%dma_start3A_155, %dma_start3A_156] : memref<80x128xf32, #tpu.memory_space<vmem_shared>> -> memref<80x128xf32, #tpu.memory_space<vmem_shared>>
    tpu.enqueue_indirect_dma source(%arg8 : memref<80x128xf32, #tpu.memory_space<vmem>>) target(%dma_start3A_157 : memref<80x128xf32, #tpu.memory_space<vmem_shared>>) offsets(%arg10 : memref<80xi32, #tpu.memory_space<vmem>>) semaphore(%arg16 : memref<!tpu.dma_semaphore, #tpu.memory_space<semaphore_mem>>) {add = true}
    "tpu.region"() ({
      %run_scoped3A = tpu.sem_alloc : memref<!tpu.dma_semaphore, #tpu.memory_space<semaphore_mem>>
      %dma_start3A_215 = arith.constant 0 : i32
      %dma_start3A_216 = tpu.memref_slice %arg15[%mul3A_2, %dma_start3A_215] : memref<80x128xf32, #tpu.memory_space<vmem_shared>> -> memref<5x128xf32, #tpu.memory_space<vmem_shared>>
      %dma_start3A_217 = arith.constant 0 : i32
      %dma_start3A_218 = tpu.memref_slice %arg15[%mul3A_2, %dma_start3A_217] : memref<80x128xf32, #tpu.memory_space<vmem_shared>> -> memref<5x128xf32, #tpu.memory_space<vmem_shared>>
      tpu.enqueue_dma source(%arg11 : memref<5x128xf32, #tpu.memory_space<vmem>>) target(%dma_start3A_218 : memref<5x128xf32, #tpu.memory_space<vmem_shared>>) target_semaphore(%run_scoped3A : memref<!tpu.dma_semaphore, #tpu.memory_space<semaphore_mem>>)
      %dma_wait3A_219 = arith.constant 0 : i32
      %dma_wait3A_220 = tpu.memref_slice %arg15[%mul3A_2, %dma_wait3A_219] : memref<80x128xf32, #tpu.memory_space<vmem_shared>> -> memref<5x128xf32, #tpu.memory_space<vmem_shared>>
      %dma_wait3A_221 = arith.constant 0 : i32
      %dma_wait3A_222 = tpu.memref_slice %arg15[%mul3A_2, %dma_wait3A_221] : memref<80x128xf32, #tpu.memory_space<vmem_shared>> -> memref<5x128xf32, #tpu.memory_space<vmem_shared>>
      tpu.wait_dma2 semaphore(%run_scoped3A : memref<!tpu.dma_semaphore, #tpu.memory_space<semaphore_mem>>) src(%arg11 : memref<5x128xf32, #tpu.memory_space<vmem>>) dst(%dma_wait3A_222 : memref<5x128xf32, #tpu.memory_space<vmem_shared>>)
      tpu.yield
    }) : () -> ()
    %dma_wait3A_158 = arith.constant 0 : i32
    %dma_wait3A_159 = arith.constant 0 : i32
    %dma_wait3A_160 = tpu.memref_slice %arg14[%dma_wait3A_158, %dma_wait3A_159] : memref<80x128xf32, #tpu.memory_space<vmem_shared>> -> memref<80x128xf32, #tpu.memory_space<vmem_shared>>
    tpu.wait_indirect_dma semaphore(%arg16 : memref<!tpu.dma_semaphore, #tpu.memory_space<semaphore_mem>>) src(%arg8 : memref<80x128xf32, #tpu.memory_space<vmem>>) dst(%dma_wait3A_160 : memref<80x128xf32, #tpu.memory_space<vmem_shared>>)
    %barrier3A_161 = arith.constant 0 : index
    tpu.barrier barrier_id(%barrier3A_161)
    tpu.enqueue_dma source(%arg14 : memref<80x128xf32, #tpu.memory_space<vmem_shared>>) target(%arg7 : memref<80x128xf32, #tpu.memory_space<vmem>>) target_semaphore(%arg17 : memref<!tpu.dma_semaphore, #tpu.memory_space<semaphore_mem>>)
    %parallel_loop3A_162 = arith.constant 0 : i32
    %parallel_loop3A_163 = arith.constant 640 : i32
    %parallel_loop3A_164 = arith.constant 1 : i32
    scf.for %parallel_loop3A_215 = %parallel_loop3A_162 to %parallel_loop3A_163 step %parallel_loop3A_164  : i32 {
      %parallel_loop3A_216 = arith.constant 8 : i32
      %parallel_loop3A_217 = arith.divsi %parallel_loop3A_215, %parallel_loop3A_216 : i32
      %parallel_loop3A_218 = arith.constant 0 : i32
      %parallel_loop3A_219 = arith.cmpi sgt, %parallel_loop3A_215, %parallel_loop3A_218 : i32
      %parallel_loop3A_220 = arith.extui %parallel_loop3A_219 : i1 to i32
      %parallel_loop3A_221 = arith.constant 0 : i32
      %parallel_loop3A_222 = arith.cmpi slt, %parallel_loop3A_215, %parallel_loop3A_221 : i32
      %parallel_loop3A_223 = arith.extui %parallel_loop3A_222 : i1 to i32
      %parallel_loop3A_224 = arith.subi %parallel_loop3A_220, %parallel_loop3A_223 : i32
      %parallel_loop3A_225 = arith.constant 0 : i32
      %parallel_loop3A_226 = arith.cmpi sgt, %parallel_loop3A_216, %parallel_loop3A_225 : i32
      %parallel_loop3A_227 = arith.extui %parallel_loop3A_226 : i1 to i32
      %parallel_loop3A_228 = arith.constant 0 : i32
      %parallel_loop3A_229 = arith.cmpi slt, %parallel_loop3A_216, %parallel_loop3A_228 : i32
      %parallel_loop3A_230 = arith.extui %parallel_loop3A_229 : i1 to i32
      %parallel_loop3A_231 = arith.subi %parallel_loop3A_227, %parallel_loop3A_230 : i32
      %parallel_loop3A_232 = arith.cmpi ne, %parallel_loop3A_224, %parallel_loop3A_231 : i32
      %parallel_loop3A_233 = arith.remsi %parallel_loop3A_215, %parallel_loop3A_216 : i32
      %parallel_loop3A_234 = arith.constant 0 : i32
      %parallel_loop3A_235 = arith.cmpi ne, %parallel_loop3A_233, %parallel_loop3A_234 : i32
      %parallel_loop3A_236 = arith.andi %parallel_loop3A_232, %parallel_loop3A_235 : i1
      %parallel_loop3A_237 = arith.constant 1 : i32
      %parallel_loop3A_238 = arith.subi %parallel_loop3A_217, %parallel_loop3A_237 : i32
      %parallel_loop3A_239 = arith.select %parallel_loop3A_236, %parallel_loop3A_238, %parallel_loop3A_217 : i32
      %parallel_loop3A_240 = arith.constant 8 : i32
      %parallel_loop3A_241 = arith.constant 0 : i32
      %parallel_loop3A_242 = arith.cmpi eq, %parallel_loop3A_240, %parallel_loop3A_241 : i32
      %parallel_loop3A_243 = arith.constant 1 : i32
      %parallel_loop3A_244 = arith.select %parallel_loop3A_242, %parallel_loop3A_243, %parallel_loop3A_240 : i32
      %parallel_loop3A_245 = arith.remsi %parallel_loop3A_215, %parallel_loop3A_244 : i32
      %parallel_loop3A_246 = arith.constant 0 : i32
      %parallel_loop3A_247 = arith.cmpi ne, %parallel_loop3A_245, %parallel_loop3A_246 : i32
      %parallel_loop3A_248 = arith.constant 0 : i32
      %parallel_loop3A_249 = arith.cmpi slt, %parallel_loop3A_245, %parallel_loop3A_248 : i32
      %parallel_loop3A_250 = arith.constant 0 : i32
      %parallel_loop3A_251 = arith.cmpi slt, %parallel_loop3A_244, %parallel_loop3A_250 : i32
      %parallel_loop3A_252 = arith.xori %parallel_loop3A_249, %parallel_loop3A_251 : i1
      %parallel_loop3A_253 = arith.andi %parallel_loop3A_252, %parallel_loop3A_247 : i1
      %parallel_loop3A_254 = arith.addi %parallel_loop3A_245, %parallel_loop3A_244 : i32
      %parallel_loop3A_255 = arith.select %parallel_loop3A_253, %parallel_loop3A_254, %parallel_loop3A_245 : i32
      %parallel_loop3A_256 = arith.constant 16 : i32
      %parallel_loop3A_257 = arith.muli %parallel_loop3A_255, %parallel_loop3A_256 : i32
      %parallel_loop3A_258 = arith.index_cast %parallel_loop3A_239 : i32 to index
      %parallel_loop3A_259 = arith.index_cast %parallel_loop3A_257 : i32 to index
      %parallel_loop3A_260 = tpu.vector_load %arg8[%parallel_loop3A_258, %parallel_loop3A_259] {strides = array<i32>} : memref<80x128xf32, #tpu.memory_space<vmem>>, vector<16xf32>,
      tpu.vector_store %arg8[%parallel_loop3A_258, %parallel_loop3A_259], %broadcast_in_dim3A_7 {strides = array<i32>} : memref<80x128xf32, #tpu.memory_space<vmem>>, vector<16xf32>,
    } {sc.loop_unroll_factor = 8 : i64, sc.parallel_access}
    tpu.wait_dma2 semaphore(%arg17 : memref<!tpu.dma_semaphore, #tpu.memory_space<semaphore_mem>>) src(%arg14 : memref<80x128xf32, #tpu.memory_space<vmem_shared>>) dst(%arg7 : memref<80x128xf32, #tpu.memory_space<vmem>>)
    %parallel_loop3A_165 = arith.constant 0 : i32
    %parallel_loop3A_166 = arith.constant 40 : i32
    %parallel_loop3A_167 = arith.constant 1 : i32
    scf.for %parallel_loop3A_215 = %parallel_loop3A_165 to %parallel_loop3A_166 step %parallel_loop3A_167  : i32 {
      %parallel_loop3A_216 = arith.constant 8 : i32
      %parallel_loop3A_217 = arith.divsi %parallel_loop3A_215, %parallel_loop3A_216 : i32
      %parallel_loop3A_218 = arith.constant 0 : i32
      %parallel_loop3A_219 = arith.cmpi sgt, %parallel_loop3A_215, %parallel_loop3A_218 : i32
      %parallel_loop3A_220 = arith.extui %parallel_loop3A_219 : i1 to i32
      %parallel_loop3A_221 = arith.constant 0 : i32
      %parallel_loop3A_222 = arith.cmpi slt, %parallel_loop3A_215, %parallel_loop3A_221 : i32
      %parallel_loop3A_223 = arith.extui %parallel_loop3A_222 : i1 to i32
      %parallel_loop3A_224 = arith.subi %parallel_loop3A_220, %parallel_loop3A_223 : i32
      %parallel_loop3A_225 = arith.constant 0 : i32
      %parallel_loop3A_226 = arith.cmpi sgt, %parallel_loop3A_216, %parallel_loop3A_225 : i32
      %parallel_loop3A_227 = arith.extui %parallel_loop3A_226 : i1 to i32
      %parallel_loop3A_228 = arith.constant 0 : i32
      %parallel_loop3A_229 = arith.cmpi slt, %parallel_loop3A_216, %parallel_loop3A_228 : i32
      %parallel_loop3A_230 = arith.extui %parallel_loop3A_229 : i1 to i32
      %parallel_loop3A_231 = arith.subi %parallel_loop3A_227, %parallel_loop3A_230 : i32
      %parallel_loop3A_232 = arith.cmpi ne, %parallel_loop3A_224, %parallel_loop3A_231 : i32
      %parallel_loop3A_233 = arith.remsi %parallel_loop3A_215, %parallel_loop3A_216 : i32
      %parallel_loop3A_234 = arith.constant 0 : i32
      %parallel_loop3A_235 = arith.cmpi ne, %parallel_loop3A_233, %parallel_loop3A_234 : i32
      %parallel_loop3A_236 = arith.andi %parallel_loop3A_232, %parallel_loop3A_235 : i1
      %parallel_loop3A_237 = arith.constant 1 : i32
      %parallel_loop3A_238 = arith.subi %parallel_loop3A_217, %parallel_loop3A_237 : i32
      %parallel_loop3A_239 = arith.select %parallel_loop3A_236, %parallel_loop3A_238, %parallel_loop3A_217 : i32
      %parallel_loop3A_240 = arith.addi %mul3A_2, %parallel_loop3A_239 : i32
      %parallel_loop3A_241 = arith.constant 8 : i32
      %parallel_loop3A_242 = arith.constant 0 : i32
      %parallel_loop3A_243 = arith.cmpi eq, %parallel_loop3A_241, %parallel_loop3A_242 : i32
      %parallel_loop3A_244 = arith.constant 1 : i32
      %parallel_loop3A_245 = arith.select %parallel_loop3A_243, %parallel_loop3A_244, %parallel_loop3A_241 : i32
      %parallel_loop3A_246 = arith.remsi %parallel_loop3A_215, %parallel_loop3A_245 : i32
      %parallel_loop3A_247 = arith.constant 0 : i32
      %parallel_loop3A_248 = arith.cmpi ne, %parallel_loop3A_246, %parallel_loop3A_247 : i32
      %parallel_loop3A_249 = arith.constant 0 : i32
      %parallel_loop3A_250 = arith.cmpi slt, %parallel_loop3A_246, %parallel_loop3A_249 : i32
      %parallel_loop3A_251 = arith.constant 0 : i32
      %parallel_loop3A_252 = arith.cmpi slt, %parallel_loop3A_245, %parallel_loop3A_251 : i32
      %parallel_loop3A_253 = arith.xori %parallel_loop3A_250, %parallel_loop3A_252 : i1
      %parallel_loop3A_254 = arith.andi %parallel_loop3A_253, %parallel_loop3A_248 : i1
      %parallel_loop3A_255 = arith.addi %parallel_loop3A_246, %parallel_loop3A_245 : i32
      %parallel_loop3A_256 = arith.select %parallel_loop3A_254, %parallel_loop3A_255, %parallel_loop3A_246 : i32
      %parallel_loop3A_257 = arith.constant 16 : i32
      %parallel_loop3A_258 = arith.muli %parallel_loop3A_256, %parallel_loop3A_257 : i32
      %parallel_loop3A_259 = arith.constant 16 : i32
      %parallel_loop3A_260 = arith.muli %parallel_loop3A_215, %parallel_loop3A_259 : i32
      %parallel_loop3A_261 = arith.index_cast %parallel_loop3A_260 : i32 to index
      %parallel_loop3A_262 = tpu.vector_load %arg12[%parallel_loop3A_261] {strides = array<i32>} : memref<640xf32, #tpu.memory_space<vmem>>, vector<16xf32>,
      %parallel_loop3A_263 = arith.index_cast %parallel_loop3A_240 : i32 to index
      %parallel_loop3A_264 = arith.index_cast %parallel_loop3A_258 : i32 to index
      %parallel_loop3A_265 = tpu.vector_load %arg7[%parallel_loop3A_263, %parallel_loop3A_264] {strides = array<i32>} : memref<80x128xf32, #tpu.memory_space<vmem>>, vector<16xf32>,
      %parallel_loop3A_266 = arith.constant 0.0478296913 : f32
      %parallel_loop3A_267 = vector.broadcast %parallel_loop3A_266 : f32 to vector<16xf32>
      %parallel_loop3A_268 = arith.mulf %parallel_loop3A_267, %parallel_loop3A_265 : vector<16xf32>
      %parallel_loop3A_269 = arith.addf %parallel_loop3A_262, %parallel_loop3A_268 : vector<16xf32>
      %parallel_loop3A_270 = arith.constant 16 : i32
      %parallel_loop3A_271 = arith.muli %parallel_loop3A_215, %parallel_loop3A_270 : i32
      %parallel_loop3A_272 = arith.index_cast %parallel_loop3A_271 : i32 to index
      %parallel_loop3A_273 = tpu.vector_load %arg12[%parallel_loop3A_272] {strides = array<i32>} : memref<640xf32, #tpu.memory_space<vmem>>, vector<16xf32>,
      tpu.vector_store %arg12[%parallel_loop3A_272], %parallel_loop3A_269 {strides = array<i32>} : memref<640xf32, #tpu.memory_space<vmem>>, vector<16xf32>,
    } {sc.loop_unroll_factor = 5 : i64, sc.parallel_access}
    %parallel_loop3A_168 = arith.constant 0 : i32
    %parallel_loop3A_169 = arith.constant 625 : i32
    %parallel_loop3A_170 = arith.constant 1 : i32
    scf.for %parallel_loop3A_215 = %parallel_loop3A_168 to %parallel_loop3A_169 step %parallel_loop3A_170  : i32 {
      %parallel_loop3A_216 = arith.constant 16 : i32
      %parallel_loop3A_217 = arith.muli %parallel_loop3A_215, %parallel_loop3A_216 : i32
      %parallel_loop3A_218 = arith.index_cast %parallel_loop3A_217 : i32 to index
      %parallel_loop3A_219 = tpu.vector_load %arg4[%parallel_loop3A_218] {strides = array<i32>} : memref<10000xi32, #tpu.memory_space<vmem>>, vector<16xi32>,
      %parallel_loop3A_220 = arith.constant 16 : i32
      %parallel_loop3A_221 = arith.muli %parallel_loop3A_215, %parallel_loop3A_220 : i32
      %parallel_loop3A_222 = arith.index_cast %parallel_loop3A_221 : i32 to index
      %parallel_loop3A_223 = tpu.vector_load %arg5[%parallel_loop3A_222] {strides = array<i32>} : memref<10000xi32, #tpu.memory_space<vmem>>, vector<16xi32>,
      %parallel_loop3A_224 = arith.constant 7 : i32
      %parallel_loop3A_225 = vector.broadcast %parallel_loop3A_224 : i32 to vector<16xi32>
      %parallel_loop3A_226 = arith.shrsi %parallel_loop3A_219, %parallel_loop3A_225 : vector<16xi32>
      %parallel_loop3A_227 = arith.constant 127 : i32
      %parallel_loop3A_228 = vector.broadcast %parallel_loop3A_227 : i32 to vector<16xi32>
      %parallel_loop3A_229 = arith.andi %parallel_loop3A_219, %parallel_loop3A_228 : vector<16xi32>
      %parallel_loop3A_230 = arith.constant 7 : i32
      %parallel_loop3A_231 = vector.broadcast %parallel_loop3A_230 : i32 to vector<16xi32>
      %parallel_loop3A_232 = arith.shrsi %parallel_loop3A_223, %parallel_loop3A_231 : vector<16xi32>
      %parallel_loop3A_233 = arith.constant 127 : i32
      %parallel_loop3A_234 = vector.broadcast %parallel_loop3A_233 : i32 to vector<16xi32>
      %parallel_loop3A_235 = arith.andi %parallel_loop3A_223, %parallel_loop3A_234 : vector<16xi32>
      %parallel_loop3A_236 = tpu.vector_load_idx %arg7[%parallel_loop3A_232, %parallel_loop3A_235] : memref<80x128xf32, #tpu.memory_space<vmem>>[vector<16xi32>, vector<16xi32>], vector<16xf32>,
      %parallel_loop3A_237 = arith.constant 16 : i32
      %parallel_loop3A_238 = arith.muli %parallel_loop3A_215, %parallel_loop3A_237 : i32
      %parallel_loop3A_239 = arith.index_cast %parallel_loop3A_238 : i32 to index
      %parallel_loop3A_240 = tpu.vector_load %arg6[%parallel_loop3A_239] {strides = array<i32>} : memref<10000xf32, #tpu.memory_space<vmem>>, vector<16xf32>,
      %parallel_loop3A_241 = arith.mulf %parallel_loop3A_236, %parallel_loop3A_240 : vector<16xf32>
      tpu.vector_store_idx %arg8[%parallel_loop3A_226, %parallel_loop3A_229], %parallel_loop3A_241 {add = true} : memref<80x128xf32, #tpu.memory_space<vmem>>[vector<16xi32>, vector<16xi32>], vector<16xf32>,
    } {sc.loop_unroll_factor = 4 : i64, sc.parallel_access}
    %dma_start3A_171 = arith.constant 0 : i32
    %dma_start3A_172 = arith.constant 0 : i32
    %dma_start3A_173 = tpu.memref_slice %arg15[%dma_start3A_171, %dma_start3A_172] : memref<80x128xf32, #tpu.memory_space<vmem_shared>> -> memref<80x128xf32, #tpu.memory_space<vmem_shared>>
    tpu.enqueue_indirect_dma source(%arg8 : memref<80x128xf32, #tpu.memory_space<vmem>>) target(%dma_start3A_173 : memref<80x128xf32, #tpu.memory_space<vmem_shared>>) offsets(%arg10 : memref<80xi32, #tpu.memory_space<vmem>>) semaphore(%arg16 : memref<!tpu.dma_semaphore, #tpu.memory_space<semaphore_mem>>) {add = true}
    "tpu.region"() ({
      %run_scoped3A = tpu.sem_alloc : memref<!tpu.dma_semaphore, #tpu.memory_space<semaphore_mem>>
      %dma_start3A_215 = arith.constant 0 : i32
      %dma_start3A_216 = tpu.memref_slice %arg13[%mul3A_2, %dma_start3A_215] : memref<80x128xf32, #tpu.memory_space<vmem_shared>> -> memref<5x128xf32, #tpu.memory_space<vmem_shared>>
      %dma_start3A_217 = arith.constant 0 : i32
      %dma_start3A_218 = tpu.memref_slice %arg13[%mul3A_2, %dma_start3A_217] : memref<80x128xf32, #tpu.memory_space<vmem_shared>> -> memref<5x128xf32, #tpu.memory_space<vmem_shared>>
      tpu.enqueue_dma source(%arg11 : memref<5x128xf32, #tpu.memory_space<vmem>>) target(%dma_start3A_218 : memref<5x128xf32, #tpu.memory_space<vmem_shared>>) target_semaphore(%run_scoped3A : memref<!tpu.dma_semaphore, #tpu.memory_space<semaphore_mem>>)
      %dma_wait3A_219 = arith.constant 0 : i32
      %dma_wait3A_220 = tpu.memref_slice %arg13[%mul3A_2, %dma_wait3A_219] : memref<80x128xf32, #tpu.memory_space<vmem_shared>> -> memref<5x128xf32, #tpu.memory_space<vmem_shared>>
      %dma_wait3A_221 = arith.constant 0 : i32
      %dma_wait3A_222 = tpu.memref_slice %arg13[%mul3A_2, %dma_wait3A_221] : memref<80x128xf32, #tpu.memory_space<vmem_shared>> -> memref<5x128xf32, #tpu.memory_space<vmem_shared>>
      tpu.wait_dma2 semaphore(%run_scoped3A : memref<!tpu.dma_semaphore, #tpu.memory_space<semaphore_mem>>) src(%arg11 : memref<5x128xf32, #tpu.memory_space<vmem>>) dst(%dma_wait3A_222 : memref<5x128xf32, #tpu.memory_space<vmem_shared>>)
      tpu.yield
    }) : () -> ()
    %dma_wait3A_174 = arith.constant 0 : i32
    %dma_wait3A_175 = arith.constant 0 : i32
    %dma_wait3A_176 = tpu.memref_slice %arg15[%dma_wait3A_174, %dma_wait3A_175] : memref<80x128xf32, #tpu.memory_space<vmem_shared>> -> memref<80x128xf32, #tpu.memory_space<vmem_shared>>
    tpu.wait_indirect_dma semaphore(%arg16 : memref<!tpu.dma_semaphore, #tpu.memory_space<semaphore_mem>>) src(%arg8 : memref<80x128xf32, #tpu.memory_space<vmem>>) dst(%dma_wait3A_176 : memref<80x128xf32, #tpu.memory_space<vmem_shared>>)
    %barrier3A_177 = arith.constant 0 : index
    tpu.barrier barrier_id(%barrier3A_177)
    tpu.enqueue_dma source(%arg15 : memref<80x128xf32, #tpu.memory_space<vmem_shared>>) target(%arg7 : memref<80x128xf32, #tpu.memory_space<vmem>>) target_semaphore(%arg17 : memref<!tpu.dma_semaphore, #tpu.memory_space<semaphore_mem>>)
    %parallel_loop3A_178 = arith.constant 0 : i32
    %parallel_loop3A_179 = arith.constant 640 : i32
    %parallel_loop3A_180 = arith.constant 1 : i32
    scf.for %parallel_loop3A_215 = %parallel_loop3A_178 to %parallel_loop3A_179 step %parallel_loop3A_180  : i32 {
      %parallel_loop3A_216 = arith.constant 8 : i32
      %parallel_loop3A_217 = arith.divsi %parallel_loop3A_215, %parallel_loop3A_216 : i32
      %parallel_loop3A_218 = arith.constant 0 : i32
      %parallel_loop3A_219 = arith.cmpi sgt, %parallel_loop3A_215, %parallel_loop3A_218 : i32
      %parallel_loop3A_220 = arith.extui %parallel_loop3A_219 : i1 to i32
      %parallel_loop3A_221 = arith.constant 0 : i32
      %parallel_loop3A_222 = arith.cmpi slt, %parallel_loop3A_215, %parallel_loop3A_221 : i32
      %parallel_loop3A_223 = arith.extui %parallel_loop3A_222 : i1 to i32
      %parallel_loop3A_224 = arith.subi %parallel_loop3A_220, %parallel_loop3A_223 : i32
      %parallel_loop3A_225 = arith.constant 0 : i32
      %parallel_loop3A_226 = arith.cmpi sgt, %parallel_loop3A_216, %parallel_loop3A_225 : i32
      %parallel_loop3A_227 = arith.extui %parallel_loop3A_226 : i1 to i32
      %parallel_loop3A_228 = arith.constant 0 : i32
      %parallel_loop3A_229 = arith.cmpi slt, %parallel_loop3A_216, %parallel_loop3A_228 : i32
      %parallel_loop3A_230 = arith.extui %parallel_loop3A_229 : i1 to i32
      %parallel_loop3A_231 = arith.subi %parallel_loop3A_227, %parallel_loop3A_230 : i32
      %parallel_loop3A_232 = arith.cmpi ne, %parallel_loop3A_224, %parallel_loop3A_231 : i32
      %parallel_loop3A_233 = arith.remsi %parallel_loop3A_215, %parallel_loop3A_216 : i32
      %parallel_loop3A_234 = arith.constant 0 : i32
      %parallel_loop3A_235 = arith.cmpi ne, %parallel_loop3A_233, %parallel_loop3A_234 : i32
      %parallel_loop3A_236 = arith.andi %parallel_loop3A_232, %parallel_loop3A_235 : i1
      %parallel_loop3A_237 = arith.constant 1 : i32
      %parallel_loop3A_238 = arith.subi %parallel_loop3A_217, %parallel_loop3A_237 : i32
      %parallel_loop3A_239 = arith.select %parallel_loop3A_236, %parallel_loop3A_238, %parallel_loop3A_217 : i32
      %parallel_loop3A_240 = arith.constant 8 : i32
      %parallel_loop3A_241 = arith.constant 0 : i32
      %parallel_loop3A_242 = arith.cmpi eq, %parallel_loop3A_240, %parallel_loop3A_241 : i32
      %parallel_loop3A_243 = arith.constant 1 : i32
      %parallel_loop3A_244 = arith.select %parallel_loop3A_242, %parallel_loop3A_243, %parallel_loop3A_240 : i32
      %parallel_loop3A_245 = arith.remsi %parallel_loop3A_215, %parallel_loop3A_244 : i32
      %parallel_loop3A_246 = arith.constant 0 : i32
      %parallel_loop3A_247 = arith.cmpi ne, %parallel_loop3A_245, %parallel_loop3A_246 : i32
      %parallel_loop3A_248 = arith.constant 0 : i32
      %parallel_loop3A_249 = arith.cmpi slt, %parallel_loop3A_245, %parallel_loop3A_248 : i32
      %parallel_loop3A_250 = arith.constant 0 : i32
      %parallel_loop3A_251 = arith.cmpi slt, %parallel_loop3A_244, %parallel_loop3A_250 : i32
      %parallel_loop3A_252 = arith.xori %parallel_loop3A_249, %parallel_loop3A_251 : i1
      %parallel_loop3A_253 = arith.andi %parallel_loop3A_252, %parallel_loop3A_247 : i1
      %parallel_loop3A_254 = arith.addi %parallel_loop3A_245, %parallel_loop3A_244 : i32
      %parallel_loop3A_255 = arith.select %parallel_loop3A_253, %parallel_loop3A_254, %parallel_loop3A_245 : i32
      %parallel_loop3A_256 = arith.constant 16 : i32
      %parallel_loop3A_257 = arith.muli %parallel_loop3A_255, %parallel_loop3A_256 : i32
      %parallel_loop3A_258 = arith.index_cast %parallel_loop3A_239 : i32 to index
      %parallel_loop3A_259 = arith.index_cast %parallel_loop3A_257 : i32 to index
      %parallel_loop3A_260 = tpu.vector_load %arg8[%parallel_loop3A_258, %parallel_loop3A_259] {strides = array<i32>} : memref<80x128xf32, #tpu.memory_space<vmem>>, vector<16xf32>,
      tpu.vector_store %arg8[%parallel_loop3A_258, %parallel_loop3A_259], %broadcast_in_dim3A_7 {strides = array<i32>} : memref<80x128xf32, #tpu.memory_space<vmem>>, vector<16xf32>,
    } {sc.loop_unroll_factor = 8 : i64, sc.parallel_access}
    tpu.wait_dma2 semaphore(%arg17 : memref<!tpu.dma_semaphore, #tpu.memory_space<semaphore_mem>>) src(%arg15 : memref<80x128xf32, #tpu.memory_space<vmem_shared>>) dst(%arg7 : memref<80x128xf32, #tpu.memory_space<vmem>>)
    %parallel_loop3A_181 = arith.constant 0 : i32
    %parallel_loop3A_182 = arith.constant 40 : i32
    %parallel_loop3A_183 = arith.constant 1 : i32
    scf.for %parallel_loop3A_215 = %parallel_loop3A_181 to %parallel_loop3A_182 step %parallel_loop3A_183  : i32 {
      %parallel_loop3A_216 = arith.constant 8 : i32
      %parallel_loop3A_217 = arith.divsi %parallel_loop3A_215, %parallel_loop3A_216 : i32
      %parallel_loop3A_218 = arith.constant 0 : i32
      %parallel_loop3A_219 = arith.cmpi sgt, %parallel_loop3A_215, %parallel_loop3A_218 : i32
      %parallel_loop3A_220 = arith.extui %parallel_loop3A_219 : i1 to i32
      %parallel_loop3A_221 = arith.constant 0 : i32
      %parallel_loop3A_222 = arith.cmpi slt, %parallel_loop3A_215, %parallel_loop3A_221 : i32
      %parallel_loop3A_223 = arith.extui %parallel_loop3A_222 : i1 to i32
      %parallel_loop3A_224 = arith.subi %parallel_loop3A_220, %parallel_loop3A_223 : i32
      %parallel_loop3A_225 = arith.constant 0 : i32
      %parallel_loop3A_226 = arith.cmpi sgt, %parallel_loop3A_216, %parallel_loop3A_225 : i32
      %parallel_loop3A_227 = arith.extui %parallel_loop3A_226 : i1 to i32
      %parallel_loop3A_228 = arith.constant 0 : i32
      %parallel_loop3A_229 = arith.cmpi slt, %parallel_loop3A_216, %parallel_loop3A_228 : i32
      %parallel_loop3A_230 = arith.extui %parallel_loop3A_229 : i1 to i32
      %parallel_loop3A_231 = arith.subi %parallel_loop3A_227, %parallel_loop3A_230 : i32
      %parallel_loop3A_232 = arith.cmpi ne, %parallel_loop3A_224, %parallel_loop3A_231 : i32
      %parallel_loop3A_233 = arith.remsi %parallel_loop3A_215, %parallel_loop3A_216 : i32
      %parallel_loop3A_234 = arith.constant 0 : i32
      %parallel_loop3A_235 = arith.cmpi ne, %parallel_loop3A_233, %parallel_loop3A_234 : i32
      %parallel_loop3A_236 = arith.andi %parallel_loop3A_232, %parallel_loop3A_235 : i1
      %parallel_loop3A_237 = arith.constant 1 : i32
      %parallel_loop3A_238 = arith.subi %parallel_loop3A_217, %parallel_loop3A_237 : i32
      %parallel_loop3A_239 = arith.select %parallel_loop3A_236, %parallel_loop3A_238, %parallel_loop3A_217 : i32
      %parallel_loop3A_240 = arith.addi %mul3A_2, %parallel_loop3A_239 : i32
      %parallel_loop3A_241 = arith.constant 8 : i32
      %parallel_loop3A_242 = arith.constant 0 : i32
      %parallel_loop3A_243 = arith.cmpi eq, %parallel_loop3A_241, %parallel_loop3A_242 : i32
      %parallel_loop3A_244 = arith.constant 1 : i32
      %parallel_loop3A_245 = arith.select %parallel_loop3A_243, %parallel_loop3A_244, %parallel_loop3A_241 : i32
      %parallel_loop3A_246 = arith.remsi %parallel_loop3A_215, %parallel_loop3A_245 : i32
      %parallel_loop3A_247 = arith.constant 0 : i32
      %parallel_loop3A_248 = arith.cmpi ne, %parallel_loop3A_246, %parallel_loop3A_247 : i32
      %parallel_loop3A_249 = arith.constant 0 : i32
      %parallel_loop3A_250 = arith.cmpi slt, %parallel_loop3A_246, %parallel_loop3A_249 : i32
      %parallel_loop3A_251 = arith.constant 0 : i32
      %parallel_loop3A_252 = arith.cmpi slt, %parallel_loop3A_245, %parallel_loop3A_251 : i32
      %parallel_loop3A_253 = arith.xori %parallel_loop3A_250, %parallel_loop3A_252 : i1
      %parallel_loop3A_254 = arith.andi %parallel_loop3A_253, %parallel_loop3A_248 : i1
      %parallel_loop3A_255 = arith.addi %parallel_loop3A_246, %parallel_loop3A_245 : i32
      %parallel_loop3A_256 = arith.select %parallel_loop3A_254, %parallel_loop3A_255, %parallel_loop3A_246 : i32
      %parallel_loop3A_257 = arith.constant 16 : i32
      %parallel_loop3A_258 = arith.muli %parallel_loop3A_256, %parallel_loop3A_257 : i32
      %parallel_loop3A_259 = arith.constant 16 : i32
      %parallel_loop3A_260 = arith.muli %parallel_loop3A_215, %parallel_loop3A_259 : i32
      %parallel_loop3A_261 = arith.index_cast %parallel_loop3A_260 : i32 to index
      %parallel_loop3A_262 = tpu.vector_load %arg12[%parallel_loop3A_261] {strides = array<i32>} : memref<640xf32, #tpu.memory_space<vmem>>, vector<16xf32>,
      %parallel_loop3A_263 = arith.index_cast %parallel_loop3A_240 : i32 to index
      %parallel_loop3A_264 = arith.index_cast %parallel_loop3A_258 : i32 to index
      %parallel_loop3A_265 = tpu.vector_load %arg7[%parallel_loop3A_263, %parallel_loop3A_264] {strides = array<i32>} : memref<80x128xf32, #tpu.memory_space<vmem>>, vector<16xf32>,
      %parallel_loop3A_266 = arith.constant 0.0430467203 : f32
      %parallel_loop3A_267 = vector.broadcast %parallel_loop3A_266 : f32 to vector<16xf32>
      %parallel_loop3A_268 = arith.mulf %parallel_loop3A_267, %parallel_loop3A_265 : vector<16xf32>
      %parallel_loop3A_269 = arith.addf %parallel_loop3A_262, %parallel_loop3A_268 : vector<16xf32>
      %parallel_loop3A_270 = arith.constant 16 : i32
      %parallel_loop3A_271 = arith.muli %parallel_loop3A_215, %parallel_loop3A_270 : i32
      %parallel_loop3A_272 = arith.index_cast %parallel_loop3A_271 : i32 to index
      %parallel_loop3A_273 = tpu.vector_load %arg12[%parallel_loop3A_272] {strides = array<i32>} : memref<640xf32, #tpu.memory_space<vmem>>, vector<16xf32>,
      tpu.vector_store %arg12[%parallel_loop3A_272], %parallel_loop3A_269 {strides = array<i32>} : memref<640xf32, #tpu.memory_space<vmem>>, vector<16xf32>,
    } {sc.loop_unroll_factor = 5 : i64, sc.parallel_access}
    %parallel_loop3A_184 = arith.constant 0 : i32
    %parallel_loop3A_185 = arith.constant 625 : i32
    %parallel_loop3A_186 = arith.constant 1 : i32
    scf.for %parallel_loop3A_215 = %parallel_loop3A_184 to %parallel_loop3A_185 step %parallel_loop3A_186  : i32 {
      %parallel_loop3A_216 = arith.constant 16 : i32
      %parallel_loop3A_217 = arith.muli %parallel_loop3A_215, %parallel_loop3A_216 : i32
      %parallel_loop3A_218 = arith.index_cast %parallel_loop3A_217 : i32 to index
      %parallel_loop3A_219 = tpu.vector_load %arg4[%parallel_loop3A_218] {strides = array<i32>} : memref<10000xi32, #tpu.memory_space<vmem>>, vector<16xi32>,
      %parallel_loop3A_220 = arith.constant 16 : i32
      %parallel_loop3A_221 = arith.muli %parallel_loop3A_215, %parallel_loop3A_220 : i32
      %parallel_loop3A_222 = arith.index_cast %parallel_loop3A_221 : i32 to index
      %parallel_loop3A_223 = tpu.vector_load %arg5[%parallel_loop3A_222] {strides = array<i32>} : memref<10000xi32, #tpu.memory_space<vmem>>, vector<16xi32>,
      %parallel_loop3A_224 = arith.constant 7 : i32
      %parallel_loop3A_225 = vector.broadcast %parallel_loop3A_224 : i32 to vector<16xi32>
      %parallel_loop3A_226 = arith.shrsi %parallel_loop3A_219, %parallel_loop3A_225 : vector<16xi32>
      %parallel_loop3A_227 = arith.constant 127 : i32
      %parallel_loop3A_228 = vector.broadcast %parallel_loop3A_227 : i32 to vector<16xi32>
      %parallel_loop3A_229 = arith.andi %parallel_loop3A_219, %parallel_loop3A_228 : vector<16xi32>
      %parallel_loop3A_230 = arith.constant 7 : i32
      %parallel_loop3A_231 = vector.broadcast %parallel_loop3A_230 : i32 to vector<16xi32>
      %parallel_loop3A_232 = arith.shrsi %parallel_loop3A_223, %parallel_loop3A_231 : vector<16xi32>
      %parallel_loop3A_233 = arith.constant 127 : i32
      %parallel_loop3A_234 = vector.broadcast %parallel_loop3A_233 : i32 to vector<16xi32>
      %parallel_loop3A_235 = arith.andi %parallel_loop3A_223, %parallel_loop3A_234 : vector<16xi32>
      %parallel_loop3A_236 = tpu.vector_load_idx %arg7[%parallel_loop3A_232, %parallel_loop3A_235] : memref<80x128xf32, #tpu.memory_space<vmem>>[vector<16xi32>, vector<16xi32>], vector<16xf32>,
      %parallel_loop3A_237 = arith.constant 16 : i32
      %parallel_loop3A_238 = arith.muli %parallel_loop3A_215, %parallel_loop3A_237 : i32
      %parallel_loop3A_239 = arith.index_cast %parallel_loop3A_238 : i32 to index
      %parallel_loop3A_240 = tpu.vector_load %arg6[%parallel_loop3A_239] {strides = array<i32>} : memref<10000xf32, #tpu.memory_space<vmem>>, vector<16xf32>,
      %parallel_loop3A_241 = arith.mulf %parallel_loop3A_236, %parallel_loop3A_240 : vector<16xf32>
      tpu.vector_store_idx %arg8[%parallel_loop3A_226, %parallel_loop3A_229], %parallel_loop3A_241 {add = true} : memref<80x128xf32, #tpu.memory_space<vmem>>[vector<16xi32>, vector<16xi32>], vector<16xf32>,
    } {sc.loop_unroll_factor = 4 : i64, sc.parallel_access}
    %dma_start3A_187 = arith.constant 0 : i32
    %dma_start3A_188 = arith.constant 0 : i32
    %dma_start3A_189 = tpu.memref_slice %arg13[%dma_start3A_187, %dma_start3A_188] : memref<80x128xf32, #tpu.memory_space<vmem_shared>> -> memref<80x128xf32, #tpu.memory_space<vmem_shared>>
    tpu.enqueue_indirect_dma source(%arg8 : memref<80x128xf32, #tpu.memory_space<vmem>>) target(%dma_start3A_189 : memref<80x128xf32, #tpu.memory_space<vmem_shared>>) offsets(%arg10 : memref<80xi32, #tpu.memory_space<vmem>>) semaphore(%arg16 : memref<!tpu.dma_semaphore, #tpu.memory_space<semaphore_mem>>) {add = true}
    "tpu.region"() ({
      %run_scoped3A = tpu.sem_alloc : memref<!tpu.dma_semaphore, #tpu.memory_space<semaphore_mem>>
      %dma_start3A_215 = arith.constant 0 : i32
      %dma_start3A_216 = tpu.memref_slice %arg14[%mul3A_2, %dma_start3A_215] : memref<80x128xf32, #tpu.memory_space<vmem_shared>> -> memref<5x128xf32, #tpu.memory_space<vmem_shared>>
      %dma_start3A_217 = arith.constant 0 : i32
      %dma_start3A_218 = tpu.memref_slice %arg14[%mul3A_2, %dma_start3A_217] : memref<80x128xf32, #tpu.memory_space<vmem_shared>> -> memref<5x128xf32, #tpu.memory_space<vmem_shared>>
      tpu.enqueue_dma source(%arg11 : memref<5x128xf32, #tpu.memory_space<vmem>>) target(%dma_start3A_218 : memref<5x128xf32, #tpu.memory_space<vmem_shared>>) target_semaphore(%run_scoped3A : memref<!tpu.dma_semaphore, #tpu.memory_space<semaphore_mem>>)
      %dma_wait3A_219 = arith.constant 0 : i32
      %dma_wait3A_220 = tpu.memref_slice %arg14[%mul3A_2, %dma_wait3A_219] : memref<80x128xf32, #tpu.memory_space<vmem_shared>> -> memref<5x128xf32, #tpu.memory_space<vmem_shared>>
      %dma_wait3A_221 = arith.constant 0 : i32
      %dma_wait3A_222 = tpu.memref_slice %arg14[%mul3A_2, %dma_wait3A_221] : memref<80x128xf32, #tpu.memory_space<vmem_shared>> -> memref<5x128xf32, #tpu.memory_space<vmem_shared>>
      tpu.wait_dma2 semaphore(%run_scoped3A : memref<!tpu.dma_semaphore, #tpu.memory_space<semaphore_mem>>) src(%arg11 : memref<5x128xf32, #tpu.memory_space<vmem>>) dst(%dma_wait3A_222 : memref<5x128xf32, #tpu.memory_space<vmem_shared>>)
      tpu.yield
    }) : () -> ()
    %dma_wait3A_190 = arith.constant 0 : i32
    %dma_wait3A_191 = arith.constant 0 : i32
    %dma_wait3A_192 = tpu.memref_slice %arg13[%dma_wait3A_190, %dma_wait3A_191] : memref<80x128xf32, #tpu.memory_space<vmem_shared>> -> memref<80x128xf32, #tpu.memory_space<vmem_shared>>
    tpu.wait_indirect_dma semaphore(%arg16 : memref<!tpu.dma_semaphore, #tpu.memory_space<semaphore_mem>>) src(%arg8 : memref<80x128xf32, #tpu.memory_space<vmem>>) dst(%dma_wait3A_192 : memref<80x128xf32, #tpu.memory_space<vmem_shared>>)
    %barrier3A_193 = arith.constant 0 : index
    tpu.barrier barrier_id(%barrier3A_193)
    tpu.enqueue_dma source(%arg13 : memref<80x128xf32, #tpu.memory_space<vmem_shared>>) target(%arg7 : memref<80x128xf32, #tpu.memory_space<vmem>>) target_semaphore(%arg17 : memref<!tpu.dma_semaphore, #tpu.memory_space<semaphore_mem>>)
    %parallel_loop3A_194 = arith.constant 0 : i32
    %parallel_loop3A_195 = arith.constant 640 : i32
    %parallel_loop3A_196 = arith.constant 1 : i32
    scf.for %parallel_loop3A_215 = %parallel_loop3A_194 to %parallel_loop3A_195 step %parallel_loop3A_196  : i32 {
      %parallel_loop3A_216 = arith.constant 8 : i32
      %parallel_loop3A_217 = arith.divsi %parallel_loop3A_215, %parallel_loop3A_216 : i32
      %parallel_loop3A_218 = arith.constant 0 : i32
      %parallel_loop3A_219 = arith.cmpi sgt, %parallel_loop3A_215, %parallel_loop3A_218 : i32
      %parallel_loop3A_220 = arith.extui %parallel_loop3A_219 : i1 to i32
      %parallel_loop3A_221 = arith.constant 0 : i32
      %parallel_loop3A_222 = arith.cmpi slt, %parallel_loop3A_215, %parallel_loop3A_221 : i32
      %parallel_loop3A_223 = arith.extui %parallel_loop3A_222 : i1 to i32
      %parallel_loop3A_224 = arith.subi %parallel_loop3A_220, %parallel_loop3A_223 : i32
      %parallel_loop3A_225 = arith.constant 0 : i32
      %parallel_loop3A_226 = arith.cmpi sgt, %parallel_loop3A_216, %parallel_loop3A_225 : i32
      %parallel_loop3A_227 = arith.extui %parallel_loop3A_226 : i1 to i32
      %parallel_loop3A_228 = arith.constant 0 : i32
      %parallel_loop3A_229 = arith.cmpi slt, %parallel_loop3A_216, %parallel_loop3A_228 : i32
      %parallel_loop3A_230 = arith.extui %parallel_loop3A_229 : i1 to i32
      %parallel_loop3A_231 = arith.subi %parallel_loop3A_227, %parallel_loop3A_230 : i32
      %parallel_loop3A_232 = arith.cmpi ne, %parallel_loop3A_224, %parallel_loop3A_231 : i32
      %parallel_loop3A_233 = arith.remsi %parallel_loop3A_215, %parallel_loop3A_216 : i32
      %parallel_loop3A_234 = arith.constant 0 : i32
      %parallel_loop3A_235 = arith.cmpi ne, %parallel_loop3A_233, %parallel_loop3A_234 : i32
      %parallel_loop3A_236 = arith.andi %parallel_loop3A_232, %parallel_loop3A_235 : i1
      %parallel_loop3A_237 = arith.constant 1 : i32
      %parallel_loop3A_238 = arith.subi %parallel_loop3A_217, %parallel_loop3A_237 : i32
      %parallel_loop3A_239 = arith.select %parallel_loop3A_236, %parallel_loop3A_238, %parallel_loop3A_217 : i32
      %parallel_loop3A_240 = arith.constant 8 : i32
      %parallel_loop3A_241 = arith.constant 0 : i32
      %parallel_loop3A_242 = arith.cmpi eq, %parallel_loop3A_240, %parallel_loop3A_241 : i32
      %parallel_loop3A_243 = arith.constant 1 : i32
      %parallel_loop3A_244 = arith.select %parallel_loop3A_242, %parallel_loop3A_243, %parallel_loop3A_240 : i32
      %parallel_loop3A_245 = arith.remsi %parallel_loop3A_215, %parallel_loop3A_244 : i32
      %parallel_loop3A_246 = arith.constant 0 : i32
      %parallel_loop3A_247 = arith.cmpi ne, %parallel_loop3A_245, %parallel_loop3A_246 : i32
      %parallel_loop3A_248 = arith.constant 0 : i32
      %parallel_loop3A_249 = arith.cmpi slt, %parallel_loop3A_245, %parallel_loop3A_248 : i32
      %parallel_loop3A_250 = arith.constant 0 : i32
      %parallel_loop3A_251 = arith.cmpi slt, %parallel_loop3A_244, %parallel_loop3A_250 : i32
      %parallel_loop3A_252 = arith.xori %parallel_loop3A_249, %parallel_loop3A_251 : i1
      %parallel_loop3A_253 = arith.andi %parallel_loop3A_252, %parallel_loop3A_247 : i1
      %parallel_loop3A_254 = arith.addi %parallel_loop3A_245, %parallel_loop3A_244 : i32
      %parallel_loop3A_255 = arith.select %parallel_loop3A_253, %parallel_loop3A_254, %parallel_loop3A_245 : i32
      %parallel_loop3A_256 = arith.constant 16 : i32
      %parallel_loop3A_257 = arith.muli %parallel_loop3A_255, %parallel_loop3A_256 : i32
      %parallel_loop3A_258 = arith.index_cast %parallel_loop3A_239 : i32 to index
      %parallel_loop3A_259 = arith.index_cast %parallel_loop3A_257 : i32 to index
      %parallel_loop3A_260 = tpu.vector_load %arg8[%parallel_loop3A_258, %parallel_loop3A_259] {strides = array<i32>} : memref<80x128xf32, #tpu.memory_space<vmem>>, vector<16xf32>,
      tpu.vector_store %arg8[%parallel_loop3A_258, %parallel_loop3A_259], %broadcast_in_dim3A_7 {strides = array<i32>} : memref<80x128xf32, #tpu.memory_space<vmem>>, vector<16xf32>,
    } {sc.loop_unroll_factor = 8 : i64, sc.parallel_access}
    tpu.wait_dma2 semaphore(%arg17 : memref<!tpu.dma_semaphore, #tpu.memory_space<semaphore_mem>>) src(%arg13 : memref<80x128xf32, #tpu.memory_space<vmem_shared>>) dst(%arg7 : memref<80x128xf32, #tpu.memory_space<vmem>>)
    %parallel_loop3A_197 = arith.constant 0 : i32
    %parallel_loop3A_198 = arith.constant 40 : i32
    %parallel_loop3A_199 = arith.constant 1 : i32
    scf.for %parallel_loop3A_215 = %parallel_loop3A_197 to %parallel_loop3A_198 step %parallel_loop3A_199  : i32 {
      %parallel_loop3A_216 = arith.constant 8 : i32
      %parallel_loop3A_217 = arith.divsi %parallel_loop3A_215, %parallel_loop3A_216 : i32
      %parallel_loop3A_218 = arith.constant 0 : i32
      %parallel_loop3A_219 = arith.cmpi sgt, %parallel_loop3A_215, %parallel_loop3A_218 : i32
      %parallel_loop3A_220 = arith.extui %parallel_loop3A_219 : i1 to i32
      %parallel_loop3A_221 = arith.constant 0 : i32
      %parallel_loop3A_222 = arith.cmpi slt, %parallel_loop3A_215, %parallel_loop3A_221 : i32
      %parallel_loop3A_223 = arith.extui %parallel_loop3A_222 : i1 to i32
      %parallel_loop3A_224 = arith.subi %parallel_loop3A_220, %parallel_loop3A_223 : i32
      %parallel_loop3A_225 = arith.constant 0 : i32
      %parallel_loop3A_226 = arith.cmpi sgt, %parallel_loop3A_216, %parallel_loop3A_225 : i32
      %parallel_loop3A_227 = arith.extui %parallel_loop3A_226 : i1 to i32
      %parallel_loop3A_228 = arith.constant 0 : i32
      %parallel_loop3A_229 = arith.cmpi slt, %parallel_loop3A_216, %parallel_loop3A_228 : i32
      %parallel_loop3A_230 = arith.extui %parallel_loop3A_229 : i1 to i32
      %parallel_loop3A_231 = arith.subi %parallel_loop3A_227, %parallel_loop3A_230 : i32
      %parallel_loop3A_232 = arith.cmpi ne, %parallel_loop3A_224, %parallel_loop3A_231 : i32
      %parallel_loop3A_233 = arith.remsi %parallel_loop3A_215, %parallel_loop3A_216 : i32
      %parallel_loop3A_234 = arith.constant 0 : i32
      %parallel_loop3A_235 = arith.cmpi ne, %parallel_loop3A_233, %parallel_loop3A_234 : i32
      %parallel_loop3A_236 = arith.andi %parallel_loop3A_232, %parallel_loop3A_235 : i1
      %parallel_loop3A_237 = arith.constant 1 : i32
      %parallel_loop3A_238 = arith.subi %parallel_loop3A_217, %parallel_loop3A_237 : i32
      %parallel_loop3A_239 = arith.select %parallel_loop3A_236, %parallel_loop3A_238, %parallel_loop3A_217 : i32
      %parallel_loop3A_240 = arith.addi %mul3A_2, %parallel_loop3A_239 : i32
      %parallel_loop3A_241 = arith.constant 8 : i32
      %parallel_loop3A_242 = arith.constant 0 : i32
      %parallel_loop3A_243 = arith.cmpi eq, %parallel_loop3A_241, %parallel_loop3A_242 : i32
      %parallel_loop3A_244 = arith.constant 1 : i32
      %parallel_loop3A_245 = arith.select %parallel_loop3A_243, %parallel_loop3A_244, %parallel_loop3A_241 : i32
      %parallel_loop3A_246 = arith.remsi %parallel_loop3A_215, %parallel_loop3A_245 : i32
      %parallel_loop3A_247 = arith.constant 0 : i32
      %parallel_loop3A_248 = arith.cmpi ne, %parallel_loop3A_246, %parallel_loop3A_247 : i32
      %parallel_loop3A_249 = arith.constant 0 : i32
      %parallel_loop3A_250 = arith.cmpi slt, %parallel_loop3A_246, %parallel_loop3A_249 : i32
      %parallel_loop3A_251 = arith.constant 0 : i32
      %parallel_loop3A_252 = arith.cmpi slt, %parallel_loop3A_245, %parallel_loop3A_251 : i32
      %parallel_loop3A_253 = arith.xori %parallel_loop3A_250, %parallel_loop3A_252 : i1
      %parallel_loop3A_254 = arith.andi %parallel_loop3A_253, %parallel_loop3A_248 : i1
      %parallel_loop3A_255 = arith.addi %parallel_loop3A_246, %parallel_loop3A_245 : i32
      %parallel_loop3A_256 = arith.select %parallel_loop3A_254, %parallel_loop3A_255, %parallel_loop3A_246 : i32
      %parallel_loop3A_257 = arith.constant 16 : i32
      %parallel_loop3A_258 = arith.muli %parallel_loop3A_256, %parallel_loop3A_257 : i32
      %parallel_loop3A_259 = arith.constant 16 : i32
      %parallel_loop3A_260 = arith.muli %parallel_loop3A_215, %parallel_loop3A_259 : i32
      %parallel_loop3A_261 = arith.index_cast %parallel_loop3A_260 : i32 to index
      %parallel_loop3A_262 = tpu.vector_load %arg12[%parallel_loop3A_261] {strides = array<i32>} : memref<640xf32, #tpu.memory_space<vmem>>, vector<16xf32>,
      %parallel_loop3A_263 = arith.index_cast %parallel_loop3A_240 : i32 to index
      %parallel_loop3A_264 = arith.index_cast %parallel_loop3A_258 : i32 to index
      %parallel_loop3A_265 = tpu.vector_load %arg7[%parallel_loop3A_263, %parallel_loop3A_264] {strides = array<i32>} : memref<80x128xf32, #tpu.memory_space<vmem>>, vector<16xf32>,
      %parallel_loop3A_266 = arith.constant 0.0387420505 : f32
      %parallel_loop3A_267 = vector.broadcast %parallel_loop3A_266 : f32 to vector<16xf32>
      %parallel_loop3A_268 = arith.mulf %parallel_loop3A_267, %parallel_loop3A_265 : vector<16xf32>
      %parallel_loop3A_269 = arith.addf %parallel_loop3A_262, %parallel_loop3A_268 : vector<16xf32>
      %parallel_loop3A_270 = arith.constant 16 : i32
      %parallel_loop3A_271 = arith.muli %parallel_loop3A_215, %parallel_loop3A_270 : i32
      %parallel_loop3A_272 = arith.index_cast %parallel_loop3A_271 : i32 to index
      %parallel_loop3A_273 = tpu.vector_load %arg12[%parallel_loop3A_272] {strides = array<i32>} : memref<640xf32, #tpu.memory_space<vmem>>, vector<16xf32>,
      tpu.vector_store %arg12[%parallel_loop3A_272], %parallel_loop3A_269 {strides = array<i32>} : memref<640xf32, #tpu.memory_space<vmem>>, vector<16xf32>,
    } {sc.loop_unroll_factor = 5 : i64, sc.parallel_access}
    %parallel_loop3A_200 = arith.constant 0 : i32
    %parallel_loop3A_201 = arith.constant 625 : i32
    %parallel_loop3A_202 = arith.constant 1 : i32
    scf.for %parallel_loop3A_215 = %parallel_loop3A_200 to %parallel_loop3A_201 step %parallel_loop3A_202  : i32 {
      %parallel_loop3A_216 = arith.constant 16 : i32
      %parallel_loop3A_217 = arith.muli %parallel_loop3A_215, %parallel_loop3A_216 : i32
      %parallel_loop3A_218 = arith.index_cast %parallel_loop3A_217 : i32 to index
      %parallel_loop3A_219 = tpu.vector_load %arg4[%parallel_loop3A_218] {strides = array<i32>} : memref<10000xi32, #tpu.memory_space<vmem>>, vector<16xi32>,
      %parallel_loop3A_220 = arith.constant 16 : i32
      %parallel_loop3A_221 = arith.muli %parallel_loop3A_215, %parallel_loop3A_220 : i32
      %parallel_loop3A_222 = arith.index_cast %parallel_loop3A_221 : i32 to index
      %parallel_loop3A_223 = tpu.vector_load %arg5[%parallel_loop3A_222] {strides = array<i32>} : memref<10000xi32, #tpu.memory_space<vmem>>, vector<16xi32>,
      %parallel_loop3A_224 = arith.constant 7 : i32
      %parallel_loop3A_225 = vector.broadcast %parallel_loop3A_224 : i32 to vector<16xi32>
      %parallel_loop3A_226 = arith.shrsi %parallel_loop3A_219, %parallel_loop3A_225 : vector<16xi32>
      %parallel_loop3A_227 = arith.constant 127 : i32
      %parallel_loop3A_228 = vector.broadcast %parallel_loop3A_227 : i32 to vector<16xi32>
      %parallel_loop3A_229 = arith.andi %parallel_loop3A_219, %parallel_loop3A_228 : vector<16xi32>
      %parallel_loop3A_230 = arith.constant 7 : i32
      %parallel_loop3A_231 = vector.broadcast %parallel_loop3A_230 : i32 to vector<16xi32>
      %parallel_loop3A_232 = arith.shrsi %parallel_loop3A_223, %parallel_loop3A_231 : vector<16xi32>
      %parallel_loop3A_233 = arith.constant 127 : i32
      %parallel_loop3A_234 = vector.broadcast %parallel_loop3A_233 : i32 to vector<16xi32>
      %parallel_loop3A_235 = arith.andi %parallel_loop3A_223, %parallel_loop3A_234 : vector<16xi32>
      %parallel_loop3A_236 = tpu.vector_load_idx %arg7[%parallel_loop3A_232, %parallel_loop3A_235] : memref<80x128xf32, #tpu.memory_space<vmem>>[vector<16xi32>, vector<16xi32>], vector<16xf32>,
      %parallel_loop3A_237 = arith.constant 16 : i32
      %parallel_loop3A_238 = arith.muli %parallel_loop3A_215, %parallel_loop3A_237 : i32
      %parallel_loop3A_239 = arith.index_cast %parallel_loop3A_238 : i32 to index
      %parallel_loop3A_240 = tpu.vector_load %arg6[%parallel_loop3A_239] {strides = array<i32>} : memref<10000xf32, #tpu.memory_space<vmem>>, vector<16xf32>,
      %parallel_loop3A_241 = arith.mulf %parallel_loop3A_236, %parallel_loop3A_240 : vector<16xf32>
      tpu.vector_store_idx %arg8[%parallel_loop3A_226, %parallel_loop3A_229], %parallel_loop3A_241 {add = true} : memref<80x128xf32, #tpu.memory_space<vmem>>[vector<16xi32>, vector<16xi32>], vector<16xf32>,
    } {sc.loop_unroll_factor = 4 : i64, sc.parallel_access}
    %dma_start3A_203 = arith.constant 0 : i32
    %dma_start3A_204 = arith.constant 0 : i32
    %dma_start3A_205 = tpu.memref_slice %arg14[%dma_start3A_203, %dma_start3A_204] : memref<80x128xf32, #tpu.memory_space<vmem_shared>> -> memref<80x128xf32, #tpu.memory_space<vmem_shared>>
    tpu.enqueue_indirect_dma source(%arg8 : memref<80x128xf32, #tpu.memory_space<vmem>>) target(%dma_start3A_205 : memref<80x128xf32, #tpu.memory_space<vmem_shared>>) offsets(%arg10 : memref<80xi32, #tpu.memory_space<vmem>>) semaphore(%arg16 : memref<!tpu.dma_semaphore, #tpu.memory_space<semaphore_mem>>) {add = true}
    %dma_wait3A_206 = arith.constant 0 : i32
    %dma_wait3A_207 = arith.constant 0 : i32
    %dma_wait3A_208 = tpu.memref_slice %arg14[%dma_wait3A_206, %dma_wait3A_207] : memref<80x128xf32, #tpu.memory_space<vmem_shared>> -> memref<80x128xf32, #tpu.memory_space<vmem_shared>>
    tpu.wait_indirect_dma semaphore(%arg16 : memref<!tpu.dma_semaphore, #tpu.memory_space<semaphore_mem>>) src(%arg8 : memref<80x128xf32, #tpu.memory_space<vmem>>) dst(%dma_wait3A_208 : memref<80x128xf32, #tpu.memory_space<vmem_shared>>)
    %barrier3A_209 = arith.constant 0 : index
    tpu.barrier barrier_id(%barrier3A_209)
    "tpu.region"() ({
      %run_scoped3A = tpu.sem_alloc : memref<!tpu.dma_semaphore, #tpu.memory_space<semaphore_mem>>
      %dma_start3A_215 = arith.constant 0 : i32
      %dma_start3A_216 = tpu.memref_slice %arg7[%mul3A_2, %dma_start3A_215] : memref<80x128xf32, #tpu.memory_space<vmem>> -> memref<5x128xf32, #tpu.memory_space<vmem>>
      %dma_start3A_217 = arith.constant 0 : i32
      %dma_start3A_218 = tpu.memref_slice %arg14[%mul3A_2, %dma_start3A_217] : memref<80x128xf32, #tpu.memory_space<vmem_shared>> -> memref<5x128xf32, #tpu.memory_space<vmem_shared>>
      %dma_start3A_219 = arith.constant 0 : i32
      %dma_start3A_220 = tpu.memref_slice %arg7[%mul3A_2, %dma_start3A_219] : memref<80x128xf32, #tpu.memory_space<vmem>> -> memref<5x128xf32, #tpu.memory_space<vmem>>
      %dma_start3A_221 = arith.constant 0 : i32
      %dma_start3A_222 = tpu.memref_slice %arg14[%mul3A_2, %dma_start3A_221] : memref<80x128xf32, #tpu.memory_space<vmem_shared>> -> memref<5x128xf32, #tpu.memory_space<vmem_shared>>
      tpu.enqueue_dma source(%dma_start3A_222 : memref<5x128xf32, #tpu.memory_space<vmem_shared>>) target(%dma_start3A_220 : memref<5x128xf32, #tpu.memory_space<vmem>>) target_semaphore(%run_scoped3A : memref<!tpu.dma_semaphore, #tpu.memory_space<semaphore_mem>>)
      %dma_wait3A_223 = arith.constant 0 : i32
      %dma_wait3A_224 = tpu.memref_slice %arg7[%mul3A_2, %dma_wait3A_223] : memref<80x128xf32, #tpu.memory_space<vmem>> -> memref<5x128xf32, #tpu.memory_space<vmem>>
      %dma_wait3A_225 = arith.constant 0 : i32
      %dma_wait3A_226 = tpu.memref_slice %arg14[%mul3A_2, %dma_wait3A_225] : memref<80x128xf32, #tpu.memory_space<vmem_shared>> -> memref<5x128xf32, #tpu.memory_space<vmem_shared>>
      %dma_wait3A_227 = arith.constant 0 : i32
      %dma_wait3A_228 = tpu.memref_slice %arg7[%mul3A_2, %dma_wait3A_227] : memref<80x128xf32, #tpu.memory_space<vmem>> -> memref<5x128xf32, #tpu.memory_space<vmem>>
      %dma_wait3A_229 = arith.constant 0 : i32
      %dma_wait3A_230 = tpu.memref_slice %arg14[%mul3A_2, %dma_wait3A_229] : memref<80x128xf32, #tpu.memory_space<vmem_shared>> -> memref<5x128xf32, #tpu.memory_space<vmem_shared>>
      tpu.wait_dma2 semaphore(%run_scoped3A : memref<!tpu.dma_semaphore, #tpu.memory_space<semaphore_mem>>) src(%dma_wait3A_230 : memref<5x128xf32, #tpu.memory_space<vmem_shared>>) dst(%dma_wait3A_228 : memref<5x128xf32, #tpu.memory_space<vmem>>)
      tpu.yield
    }) : () -> ()
    %parallel_loop3A_210 = arith.constant 0 : i32
    %parallel_loop3A_211 = arith.constant 40 : i32
    %parallel_loop3A_212 = arith.constant 1 : i32
    scf.for %parallel_loop3A_215 = %parallel_loop3A_210 to %parallel_loop3A_211 step %parallel_loop3A_212  : i32 {
      %parallel_loop3A_216 = arith.constant 8 : i32
      %parallel_loop3A_217 = arith.divsi %parallel_loop3A_215, %parallel_loop3A_216 : i32
      %parallel_loop3A_218 = arith.constant 0 : i32
      %parallel_loop3A_219 = arith.cmpi sgt, %parallel_loop3A_215, %parallel_loop3A_218 : i32
      %parallel_loop3A_220 = arith.extui %parallel_loop3A_219 : i1 to i32
      %parallel_loop3A_221 = arith.constant 0 : i32
      %parallel_loop3A_222 = arith.cmpi slt, %parallel_loop3A_215, %parallel_loop3A_221 : i32
      %parallel_loop3A_223 = arith.extui %parallel_loop3A_222 : i1 to i32
      %parallel_loop3A_224 = arith.subi %parallel_loop3A_220, %parallel_loop3A_223 : i32
      %parallel_loop3A_225 = arith.constant 0 : i32
      %parallel_loop3A_226 = arith.cmpi sgt, %parallel_loop3A_216, %parallel_loop3A_225 : i32
      %parallel_loop3A_227 = arith.extui %parallel_loop3A_226 : i1 to i32
      %parallel_loop3A_228 = arith.constant 0 : i32
      %parallel_loop3A_229 = arith.cmpi slt, %parallel_loop3A_216, %parallel_loop3A_228 : i32
      %parallel_loop3A_230 = arith.extui %parallel_loop3A_229 : i1 to i32
      %parallel_loop3A_231 = arith.subi %parallel_loop3A_227, %parallel_loop3A_230 : i32
      %parallel_loop3A_232 = arith.cmpi ne, %parallel_loop3A_224, %parallel_loop3A_231 : i32
      %parallel_loop3A_233 = arith.remsi %parallel_loop3A_215, %parallel_loop3A_216 : i32
      %parallel_loop3A_234 = arith.constant 0 : i32
      %parallel_loop3A_235 = arith.cmpi ne, %parallel_loop3A_233, %parallel_loop3A_234 : i32
      %parallel_loop3A_236 = arith.andi %parallel_loop3A_232, %parallel_loop3A_235 : i1
      %parallel_loop3A_237 = arith.constant 1 : i32
      %parallel_loop3A_238 = arith.subi %parallel_loop3A_217, %parallel_loop3A_237 : i32
      %parallel_loop3A_239 = arith.select %parallel_loop3A_236, %parallel_loop3A_238, %parallel_loop3A_217 : i32
      %parallel_loop3A_240 = arith.addi %mul3A_2, %parallel_loop3A_239 : i32
      %parallel_loop3A_241 = arith.constant 8 : i32
      %parallel_loop3A_242 = arith.constant 0 : i32
      %parallel_loop3A_243 = arith.cmpi eq, %parallel_loop3A_241, %parallel_loop3A_242 : i32
      %parallel_loop3A_244 = arith.constant 1 : i32
      %parallel_loop3A_245 = arith.select %parallel_loop3A_243, %parallel_loop3A_244, %parallel_loop3A_241 : i32
      %parallel_loop3A_246 = arith.remsi %parallel_loop3A_215, %parallel_loop3A_245 : i32
      %parallel_loop3A_247 = arith.constant 0 : i32
      %parallel_loop3A_248 = arith.cmpi ne, %parallel_loop3A_246, %parallel_loop3A_247 : i32
      %parallel_loop3A_249 = arith.constant 0 : i32
      %parallel_loop3A_250 = arith.cmpi slt, %parallel_loop3A_246, %parallel_loop3A_249 : i32
      %parallel_loop3A_251 = arith.constant 0 : i32
      %parallel_loop3A_252 = arith.cmpi slt, %parallel_loop3A_245, %parallel_loop3A_251 : i32
      %parallel_loop3A_253 = arith.xori %parallel_loop3A_250, %parallel_loop3A_252 : i1
      %parallel_loop3A_254 = arith.andi %parallel_loop3A_253, %parallel_loop3A_248 : i1
      %parallel_loop3A_255 = arith.addi %parallel_loop3A_246, %parallel_loop3A_245 : i32
      %parallel_loop3A_256 = arith.select %parallel_loop3A_254, %parallel_loop3A_255, %parallel_loop3A_246 : i32
      %parallel_loop3A_257 = arith.constant 16 : i32
      %parallel_loop3A_258 = arith.muli %parallel_loop3A_256, %parallel_loop3A_257 : i32
      %parallel_loop3A_259 = arith.constant 16 : i32
      %parallel_loop3A_260 = arith.muli %parallel_loop3A_215, %parallel_loop3A_259 : i32
      %parallel_loop3A_261 = arith.index_cast %parallel_loop3A_260 : i32 to index
      %parallel_loop3A_262 = tpu.vector_load %arg12[%parallel_loop3A_261] {strides = array<i32>} : memref<640xf32, #tpu.memory_space<vmem>>, vector<16xf32>,
      %parallel_loop3A_263 = arith.index_cast %parallel_loop3A_240 : i32 to index
      %parallel_loop3A_264 = arith.index_cast %parallel_loop3A_258 : i32 to index
      %parallel_loop3A_265 = tpu.vector_load %arg7[%parallel_loop3A_263, %parallel_loop3A_264] {strides = array<i32>} : memref<80x128xf32, #tpu.memory_space<vmem>>, vector<16xf32>,
      %parallel_loop3A_266 = arith.constant 0.34867844 : f32
      %parallel_loop3A_267 = vector.broadcast %parallel_loop3A_266 : f32 to vector<16xf32>
      %parallel_loop3A_268 = arith.mulf %parallel_loop3A_267, %parallel_loop3A_265 : vector<16xf32>
      %parallel_loop3A_269 = arith.addf %parallel_loop3A_262, %parallel_loop3A_268 : vector<16xf32>
      %parallel_loop3A_270 = arith.constant 16 : i32
      %parallel_loop3A_271 = arith.muli %parallel_loop3A_215, %parallel_loop3A_270 : i32
      %parallel_loop3A_272 = arith.index_cast %parallel_loop3A_271 : i32 to index
      %parallel_loop3A_273 = tpu.vector_load %arg12[%parallel_loop3A_272] {strides = array<i32>} : memref<640xf32, #tpu.memory_space<vmem>>, vector<16xf32>,
      tpu.vector_store %arg12[%parallel_loop3A_272], %parallel_loop3A_269 {strides = array<i32>} : memref<640xf32, #tpu.memory_space<vmem>>, vector<16xf32>,
    } {sc.loop_unroll_factor = 5 : i64, sc.parallel_access}
    %mul3A_213 = arith.constant 640 : i32
    %mul3A_214 = arith.muli %arg1, %mul3A_213 : i32
    "tpu.region"() ({
      %run_scoped3A = tpu.sem_alloc : memref<!tpu.dma_semaphore, #tpu.memory_space<semaphore_mem>>
      %dma_start3A_215 = tpu.memref_slice %arg3[%mul3A_214] : memref<10240xf32, #tpu.memory_space<hbm>> -> memref<640xf32, #tpu.memory_space<hbm>>
      %dma_start3A_216 = tpu.memref_slice %arg3[%mul3A_214] : memref<10240xf32, #tpu.memory_space<hbm>> -> memref<640xf32, #tpu.memory_space<hbm>>
      tpu.enqueue_dma source(%arg12 : memref<640xf32, #tpu.memory_space<vmem>>) target(%dma_start3A_216 : memref<640xf32, #tpu.memory_space<hbm>>) target_semaphore(%run_scoped3A : memref<!tpu.dma_semaphore, #tpu.memory_space<semaphore_mem>>)
      %dma_wait3A_217 = tpu.memref_slice %arg3[%mul3A_214] : memref<10240xf32, #tpu.memory_space<hbm>> -> memref<640xf32, #tpu.memory_space<hbm>>
      %dma_wait3A_218 = tpu.memref_slice %arg3[%mul3A_214] : memref<10240xf32, #tpu.memory_space<hbm>> -> memref<640xf32, #tpu.memory_space<hbm>>
      tpu.wait_dma2 semaphore(%run_scoped3A : memref<!tpu.dma_semaphore, #tpu.memory_space<semaphore_mem>>) src(%arg12 : memref<640xf32, #tpu.memory_space<vmem>>) dst(%dma_wait3A_218 : memref<640xf32, #tpu.memory_space<hbm>>)
      tpu.yield
    }) : () -> ()
    return
  }
}

module attributes {stable_mosaic.version = 14 : i64} {
  func.func @_tc_mlp_body(%arg0: i32, %arg1: memref<2000x256xf32, #tpu.memory_space<vmem>>, %arg2: memref<256x256xf32, #tpu.memory_space<vmem>>, %arg3: memref<1x256xf32, #tpu.memory_space<vmem>>, %arg4: memref<256x256xf32, #tpu.memory_space<vmem>>, %arg5: memref<1x256xf32, #tpu.memory_space<vmem>>, %arg6: memref<256x256xf32, #tpu.memory_space<vmem>>, %arg7: memref<1x256xf32, #tpu.memory_space<vmem>>, %arg8: memref<2000x256xbf16, #tpu.memory_space<vmem>>) attributes {dimension_semantics = [#tpu.dimension_semantics<arbitrary>], iteration_bounds = array<i64: 5>, scalar_prefetch = 0 : i64, scratch_operands = 0 : i64, tpu.core_type = #tpu.core_type<tc>, window_params = [{transform_indices = @transform_0, window_bounds = array<i64: 2000, 256>}, {pipeline_mode = #tpu.pipeline_mode<synchronous>, transform_indices = @transform_1, window_bounds = array<i64: 256, 256>}, {pipeline_mode = #tpu.pipeline_mode<synchronous>, transform_indices = @transform_2, window_bounds = array<i64: 1, 256>}, {pipeline_mode = #tpu.pipeline_mode<synchronous>, transform_indices = @transform_3, window_bounds = array<i64: 256, 256>}, {pipeline_mode = #tpu.pipeline_mode<synchronous>, transform_indices = @transform_4, window_bounds = array<i64: 1, 256>}, {pipeline_mode = #tpu.pipeline_mode<synchronous>, transform_indices = @transform_5, window_bounds = array<i64: 256, 256>}, {pipeline_mode = #tpu.pipeline_mode<synchronous>, transform_indices = @transform_6, window_bounds = array<i64: 1, 256>}, {transform_indices = @transform_7, window_bounds = array<i64: 2000, 256>}]} {
    %get3A = arith.constant 0 : index
    %get3A_0 = arith.constant 0 : index
    %get3A_1 = vector.load %arg1[%get3A, %get3A_0] : memref<2000x256xf32, #tpu.memory_space<vmem>>, vector<2000x256xf32>
    %get3A_2 = arith.constant 0 : index
    %get3A_3 = arith.constant 0 : index
    %get3A_4 = vector.load %arg2[%get3A_2, %get3A_3] : memref<256x256xf32, #tpu.memory_space<vmem>>, vector<256x256xf32>
    %dot_general3A = arith.constant dense<0.000000e+00> : vector<2000x256xf32>
    %dot_general3A_5 = tpu.matmul %get3A_1, %get3A_4, %dot_general3A {dimension_numbers = #tpu.dot_dimension_numbers<[1], [0], [0], [1], [0, 0, 1, 1], [], []>, transpose_lhs_hint = false} : vector<2000x256xf32>, vector<256x256xf32>, vector<2000x256xf32> -> vector<2000x256xf32>
    %get3A_6 = arith.constant 0 : index
    %get3A_7 = arith.constant 0 : index
    %get3A_8 = vector.load %arg3[%get3A_6, %get3A_7] : memref<1x256xf32, #tpu.memory_space<vmem>>, vector<1x256xf32>
    %add3A = vector.broadcast %get3A_8 : vector<1x256xf32> to vector<2000x256xf32>
    %add3A_9 = arith.addf %dot_general3A_5, %add3A : vector<2000x256xf32>
    %max3A = arith.constant 0.000000e+00 : f32
    %max3A_10 = vector.broadcast %max3A : f32 to vector<2000x256xf32>
    %max3A_11 = arith.maximumf %add3A_9, %max3A_10 : vector<2000x256xf32>
    %get3A_12 = arith.constant 0 : index
    %get3A_13 = arith.constant 0 : index
    %get3A_14 = vector.load %arg4[%get3A_12, %get3A_13] : memref<256x256xf32, #tpu.memory_space<vmem>>, vector<256x256xf32>
    %dot_general3A_15 = arith.constant dense<0.000000e+00> : vector<2000x256xf32>
    %dot_general3A_16 = tpu.matmul %max3A_11, %get3A_14, %dot_general3A_15 {dimension_numbers = #tpu.dot_dimension_numbers<[1], [0], [0], [1], [0, 0, 1, 1], [], []>, transpose_lhs_hint = false} : vector<2000x256xf32>, vector<256x256xf32>, vector<2000x256xf32> -> vector<2000x256xf32>
    %get3A_17 = arith.constant 0 : index
    %get3A_18 = arith.constant 0 : index
    %get3A_19 = vector.load %arg5[%get3A_17, %get3A_18] : memref<1x256xf32, #tpu.memory_space<vmem>>, vector<1x256xf32>
    %add3A_20 = vector.broadcast %get3A_19 : vector<1x256xf32> to vector<2000x256xf32>
    %add3A_21 = arith.addf %dot_general3A_16, %add3A_20 : vector<2000x256xf32>
    %max3A_22 = arith.constant 0.000000e+00 : f32
    %max3A_23 = vector.broadcast %max3A_22 : f32 to vector<2000x256xf32>
    %max3A_24 = arith.maximumf %add3A_21, %max3A_23 : vector<2000x256xf32>
    %get3A_25 = arith.constant 0 : index
    %get3A_26 = arith.constant 0 : index
    %get3A_27 = vector.load %arg6[%get3A_25, %get3A_26] : memref<256x256xf32, #tpu.memory_space<vmem>>, vector<256x256xf32>
    %dot_general3A_28 = arith.constant dense<0.000000e+00> : vector<2000x256xf32>
    %dot_general3A_29 = tpu.matmul %max3A_24, %get3A_27, %dot_general3A_28 {dimension_numbers = #tpu.dot_dimension_numbers<[1], [0], [0], [1], [0, 0, 1, 1], [], []>, transpose_lhs_hint = false} : vector<2000x256xf32>, vector<256x256xf32>, vector<2000x256xf32> -> vector<2000x256xf32>
    %get3A_30 = arith.constant 0 : index
    %get3A_31 = arith.constant 0 : index
    %get3A_32 = vector.load %arg7[%get3A_30, %get3A_31] : memref<1x256xf32, #tpu.memory_space<vmem>>, vector<1x256xf32>
    %add3A_33 = vector.broadcast %get3A_32 : vector<1x256xf32> to vector<2000x256xf32>
    %add3A_34 = arith.addf %dot_general3A_29, %add3A_33 : vector<2000x256xf32>
    %max3A_35 = arith.constant 0.000000e+00 : f32
    %max3A_36 = vector.broadcast %max3A_35 : f32 to vector<2000x256xf32>
    %max3A_37 = arith.maximumf %add3A_34, %max3A_36 : vector<2000x256xf32>
    %convert_element_type3A = arith.truncf %max3A_37 : vector<2000x256xf32> to vector<2000x256xbf16>
    %swap3A = arith.constant 0 : index
    %swap3A_38 = arith.constant 0 : index
    %swap3A_39 = vector.load %arg8[%swap3A, %swap3A_38] : memref<2000x256xbf16, #tpu.memory_space<vmem>>, vector<2000x256xbf16>
    tpu.vector_store %arg8[%swap3A, %swap3A_38], %convert_element_type3A {strides = array<i32>} : memref<2000x256xbf16, #tpu.memory_space<vmem>>, vector<2000x256xbf16>,
    return
  }
  func.func @transform_0(%arg0: i32) -> (i32, i32) {
    %c0_i32 = arith.constant 0 : i32
    %c0_i32_0 = arith.constant 0 : i32
    return %arg0, %c0_i32 : i32, i32
  }
  func.func @transform_1(%arg0: i32) -> (i32, i32) {
    %c0_i32 = arith.constant 0 : i32
    %c0_i32_0 = arith.constant 0 : i32
    %c0_i32_1 = arith.constant 0 : i32
    return %c0_i32, %c0_i32_0 : i32, i32
  }
  func.func @transform_2(%arg0: i32) -> (i32, i32) {
    %c0_i32 = arith.constant 0 : i32
    %c0_i32_0 = arith.constant 0 : i32
    %c0_i32_1 = arith.constant 0 : i32
    return %c0_i32, %c0_i32_0 : i32, i32
  }
  func.func @transform_3(%arg0: i32) -> (i32, i32) {
    %c0_i32 = arith.constant 0 : i32
    %c0_i32_0 = arith.constant 0 : i32
    %c0_i32_1 = arith.constant 0 : i32
    return %c0_i32, %c0_i32_0 : i32, i32
  }
  func.func @transform_4(%arg0: i32) -> (i32, i32) {
    %c0_i32 = arith.constant 0 : i32
    %c0_i32_0 = arith.constant 0 : i32
    %c0_i32_1 = arith.constant 0 : i32
    return %c0_i32, %c0_i32_0 : i32, i32
  }
  func.func @transform_5(%arg0: i32) -> (i32, i32) {
    %c0_i32 = arith.constant 0 : i32
    %c0_i32_0 = arith.constant 0 : i32
    %c0_i32_1 = arith.constant 0 : i32
    return %c0_i32, %c0_i32_0 : i32, i32
  }
  func.func @transform_6(%arg0: i32) -> (i32, i32) {
    %c0_i32 = arith.constant 0 : i32
    %c0_i32_0 = arith.constant 0 : i32
    %c0_i32_1 = arith.constant 0 : i32
    return %c0_i32, %c0_i32_0 : i32, i32
  }
  func.func @transform_7(%arg0: i32) -> (i32, i32) {
    %c0_i32 = arith.constant 0 : i32
    %c0_i32_0 = arith.constant 0 : i32
    return %arg0, %c0_i32 : i32, i32
  }
}

module attributes {stable_mosaic.version = 14 : i64} {
  func.func @_tc_readout_body(%arg0: i32, %arg1: memref<2000x256xbf16, #tpu.memory_space<vmem>>, %arg2: memref<1x1x2000xf32, #tpu.memory_space<vmem>>, %arg3: memref<256x10xf32, #tpu.memory_space<vmem>>, %arg4: memref<1x10xf32, #tpu.memory_space<vmem>>, %arg5: memref<1x10xf32, #tpu.memory_space<vmem>>, %arg6: memref<1x256xf32, #tpu.memory_space<vmem>>) attributes {dimension_semantics = [#tpu.dimension_semantics<arbitrary>], iteration_bounds = array<i64: 5>, scalar_prefetch = 0 : i64, scratch_operands = 1 : i64, tpu.core_type = #tpu.core_type<tc>, window_params = [{transform_indices = @transform_0, window_bounds = array<i64: 2000, 256>}, {transform_indices = @transform_1, window_bounds = array<i64: 1, 1, 2000>}, {pipeline_mode = #tpu.pipeline_mode<synchronous>, transform_indices = @transform_2, window_bounds = array<i64: 256, 10>}, {pipeline_mode = #tpu.pipeline_mode<synchronous>, transform_indices = @transform_3, window_bounds = array<i64: 1, 10>}, {pipeline_mode = #tpu.pipeline_mode<synchronous>, transform_indices = @transform_4, window_bounds = array<i64: 1, 10>}]} {
    %get3A = arith.constant 0 : index
    %get3A_0 = arith.constant 0 : index
    %get3A_1 = arith.constant 0 : index
    %get3A_2 = vector.load %arg2[%get3A, %get3A_0, %get3A_1] : memref<1x1x2000xf32, #tpu.memory_space<vmem>>, vector<1x1x2000xf32>
    %get3A_3 = vector.shape_cast %get3A_2 : vector<1x1x2000xf32> to vector<1x2000xf32>
    %convert_element_type3A = arith.truncf %get3A_3 : vector<1x2000xf32> to vector<1x2000xbf16>
    %get3A_4 = arith.constant 0 : index
    %get3A_5 = arith.constant 0 : index
    %get3A_6 = vector.load %arg1[%get3A_4, %get3A_5] : memref<2000x256xbf16, #tpu.memory_space<vmem>>, vector<2000x256xbf16>
    %dot_general3A = arith.constant dense<0.000000e+00> : vector<1x256xf32>
    %dot_general3A_7 = tpu.matmul %convert_element_type3A, %get3A_6, %dot_general3A {dimension_numbers = #tpu.dot_dimension_numbers<[1], [0], [0], [1], [0, 0, 1, 1], [], []>, transpose_lhs_hint = false} : vector<1x2000xbf16>, vector<2000x256xbf16>, vector<1x256xf32> -> vector<1x256xf32>
    %eq3A = arith.constant 0 : i32
    %eq3A_8 = arith.cmpi eq, %arg0, %eq3A : i32
    %convert_element_type3A_9 = arith.extui %eq3A_8 : i1 to i32
    %cond3A = arith.constant 0 : i32
    %cond3A_10 = arith.cmpi ne, %convert_element_type3A_9, %cond3A : i32
    scf.if %cond3A_10 {
      %swap3A = arith.constant 0 : index
      %swap3A_20 = arith.constant 0 : index
      %swap3A_21 = vector.load %arg6[%swap3A, %swap3A_20] : memref<1x256xf32, #tpu.memory_space<vmem>>, vector<1x256xf32>
      tpu.vector_store %arg6[%swap3A, %swap3A_20], %dot_general3A_7 {strides = array<i32>} : memref<1x256xf32, #tpu.memory_space<vmem>>, vector<1x256xf32>,
    } else {
    }
    %gt3A = arith.constant 0 : i32
    %gt3A_11 = arith.cmpi sgt, %arg0, %gt3A : i32
    %convert_element_type3A_12 = arith.extui %gt3A_11 : i1 to i32
    %cond3A_13 = arith.constant 0 : i32
    %cond3A_14 = arith.cmpi ne, %convert_element_type3A_12, %cond3A_13 : i32
    scf.if %cond3A_14 {
      %get3A_20 = arith.constant 0 : index
      %get3A_21 = arith.constant 0 : index
      %get3A_22 = vector.load %arg6[%get3A_20, %get3A_21] : memref<1x256xf32, #tpu.memory_space<vmem>>, vector<1x256xf32>
      %add3A = arith.addf %get3A_22, %dot_general3A_7 : vector<1x256xf32>
      %swap3A = arith.constant 0 : index
      %swap3A_23 = arith.constant 0 : index
      %swap3A_24 = vector.load %arg6[%swap3A, %swap3A_23] : memref<1x256xf32, #tpu.memory_space<vmem>>, vector<1x256xf32>
      tpu.vector_store %arg6[%swap3A, %swap3A_23], %add3A {strides = array<i32>} : memref<1x256xf32, #tpu.memory_space<vmem>>, vector<1x256xf32>,
    } else {
    }
    %eq3A_15 = arith.constant 4 : i32
    %eq3A_16 = arith.cmpi eq, %arg0, %eq3A_15 : i32
    %convert_element_type3A_17 = arith.extui %eq3A_16 : i1 to i32
    %cond3A_18 = arith.constant 0 : i32
    %cond3A_19 = arith.cmpi ne, %convert_element_type3A_17, %cond3A_18 : i32
    scf.if %cond3A_19 {
      %get3A_20 = arith.constant 0 : index
      %get3A_21 = arith.constant 0 : index
      %get3A_22 = vector.load %arg6[%get3A_20, %get3A_21] : memref<1x256xf32, #tpu.memory_space<vmem>>, vector<1x256xf32>
      %get3A_23 = arith.constant 0 : index
      %get3A_24 = arith.constant 0 : index
      %get3A_25 = vector.load %arg3[%get3A_23, %get3A_24] : memref<256x10xf32, #tpu.memory_space<vmem>>, vector<256x10xf32>
      %dot_general3A_26 = arith.constant dense<0.000000e+00> : vector<1x10xf32>
      %dot_general3A_27 = tpu.matmul %get3A_22, %get3A_25, %dot_general3A_26 {dimension_numbers = #tpu.dot_dimension_numbers<[1], [0], [0], [1], [0, 0, 1, 1], [], []>, transpose_lhs_hint = false} : vector<1x256xf32>, vector<256x10xf32>, vector<1x10xf32> -> vector<1x10xf32>
      %get3A_28 = arith.constant 0 : index
      %get3A_29 = arith.constant 0 : index
      %get3A_30 = vector.load %arg4[%get3A_28, %get3A_29] : memref<1x10xf32, #tpu.memory_space<vmem>>, vector<1x10xf32>
      %add3A = arith.addf %dot_general3A_27, %get3A_30 : vector<1x10xf32>
      %swap3A = arith.constant 0 : index
      %swap3A_31 = arith.constant 0 : index
      %swap3A_32 = vector.load %arg5[%swap3A, %swap3A_31] : memref<1x10xf32, #tpu.memory_space<vmem>>, vector<1x10xf32>
      tpu.vector_store %arg5[%swap3A, %swap3A_31], %add3A {strides = array<i32>} : memref<1x10xf32, #tpu.memory_space<vmem>>, vector<1x10xf32>,
    } else {
    }
    return
  }
  func.func @transform_0(%arg0: i32) -> (i32, i32) {
    %c0_i32 = arith.constant 0 : i32
    %c0_i32_0 = arith.constant 0 : i32
    return %arg0, %c0_i32 : i32, i32
  }
  func.func @transform_1(%arg0: i32) -> (i32, i32, i32) {
    %c0_i32 = arith.constant 0 : i32
    %c0_i32_0 = arith.constant 0 : i32
    %c0_i32_1 = arith.constant 0 : i32
    return %arg0, %c0_i32, %c0_i32_0 : i32, i32, i32
  }
  func.func @transform_2(%arg0: i32) -> (i32, i32) {
    %c0_i32 = arith.constant 0 : i32
    %c0_i32_0 = arith.constant 0 : i32
    %c0_i32_1 = arith.constant 0 : i32
    return %c0_i32, %c0_i32_0 : i32, i32
  }
  func.func @transform_3(%arg0: i32) -> (i32, i32) {
    %c0_i32 = arith.constant 0 : i32
    %c0_i32_0 = arith.constant 0 : i32
    %c0_i32_1 = arith.constant 0 : i32
    return %c0_i32, %c0_i32_0 : i32, i32
  }
  func.func @transform_4(%arg0: i32) -> (i32, i32) {
    %c0_i32 = arith.constant 0 : i32
    %c0_i32_0 = arith.constant 0 : i32
    %c0_i32_1 = arith.constant 0 : i32
    return %c0_i32, %c0_i32_0 : i32, i32
  }
}

</mosaic_0001>

<sc_bundles>
// kernel: kernel.5.cloned.1.call-start
scs
__scs_entry_jumppad:
0x0: {  	(pc) =	sbr.rel $0x88, $3  }
0x1: {  	(tag) =	ssettag $0x0;
	lr =	simm.s32 $0x1  }
0x2: {  	[smem:$0x3F97] =	sst lr;
	_ =	strace $0xD0000000  }
0x3: {  	_ = 	snop  }
0x4: {  	_ = 	snop  }
0x5: {  	_ = 	snop  }
0x6: {  	_ = 	snop  }
0x7: {  	_ = 	snop  }
__scs_overlays_trampoline_lowered:
0x8: {  	[smem:$0x3FA6] =	sst s0  }
0x9: {  	[smem:$0x3FA7] =	sst s1  }
0xa: {  	[smem:$0x3FA8] =	sst s2  }
0xb: {  	[smem:$0x3FA9] =	sst s3  }
0xc: {  	[smem:$0x3FAA] =	sst s4  }
0xd: {  	[smem:$0x3FAB] =	sst s5  }
0xe: {  	[smem:$0x3FAC] =	sst s6  }
0xf: {  	[smem:$0x3FAD] =	sst s7  }
0x10: {  	[smem:$0x3FAE] =	sst s8  }
0x11: {  	[smem:$0x3FAF] =	sst s9;
	s0 =	simm.s32 @!p0 $0x0  }
0x12: {  	s1 =	sld [smem:$0x3F95];
	s0 =	simm.s32 @p0 $0x1  }
0x13: {  	[smem:$0x3FB0] =	sst s0;
	s0 =	simm.s32 @!p1 $0x0  }
0x14: {  	s2 =	sld [smem:$0x3F94];
	s0 =	simm.s32 @p1 $0x1  }
0x15: {  	[smem:$0x3FB1] =	sst s0;
	s0 =	simm.s32 @!p2 $0x0  }
0x16: {  	s3 =	sld [smem:$0x3FDB];
	s0 =	simm.s32 @p2 $0x1  }
0x17: {  	s4 =	simm.s32 $0x1BF5;
	[smem:$0x3FB3] =	sst s0  }
0x18: {  	s0 =	sld [smem:$0x3F96];
	_ =	swait.ge [sflag:s4], $0x0  }
0x19: {  	s7 =	sld [smem:$0x3F97]  }
0x1a: {  	s8 =	sadd.s32 $0xFFFFE003, lr  }
0x1b: {  	s9 =	sadd.s32 $0xFFFFFEF7, lr;
	s5 =	simm.s32 $0xFFFFFFFF;
	p2 =	slt.u32 s8, $0xFFFFF086  }
0x1c: {  	p1 =	slt.u32 s9, $0xF7A;
	s5 =	simm.s32 @!p2 $0x0  }
0x1d: {  	s5 =	simm.s32 @p1 $0x1;
	p0 =	seq.s32 s7, s2  }
0x1e: {  	s7 =	smul.u32 @!p0 $0xF7A, s2;
	p2 =	seq.s32 @!p0 s5, $0x0  }
0x1f: {  	s9 =	smul.u32 $0xF7A, s1;
	s8 =	simm.s32 @!p0 $0x1BF5;
	p2 =	por !p2, p0  }
0x20: {  	[sflag:s8] =	ssyncset.s32 @!p0 $0xFFFFF086;
	s6 =	sadd.s32 @!p0 s3, s7;
	s7 =	simm.s32 @!p0 $0x108  }
0x21: {  	s3 =	sadd.s32 s3, s9;
	s6 =	sadd.s32 @!p0 $0x88, s6;
	s7 =	simm.s32 @p2 $0x1082  }
0x22: {  	[simem:s7], [sflag:s8] =	dma.local @!p0 [hbm:s6], $0xF7A  }
0x23: {  	s9 =	sor.u32 $0xD0000000, s2;
	s6 =	simm.s32 $0x108;
	_ =	swait.ge @!p0 [sflag:s8], $0x0  }
0x24: {  	s3 =	sadd.s32 $0x88, s3;
	s6 =	simm.s32 @!p1 $0x1082;
	[sflag:s4] =	ssyncset.s32 $0xFFFFF086  }
0x25: {  	[simem:s6], [sflag:s4] =	dma.local [hbm:s3], $0xF7A  }
0x26: {  	[smem:$0x3F97] =	sst s1;
	(tag) =	ssettag s2;
	_ =	strace s9  }
0x27: {  	s1 =	sld [smem:$0x3FA7]  }
0x28: {  	s2 =	sld [smem:$0x3FA8]  }
0x29: {  	s4 =	sld [smem:$0x3FAA]  }
0x2a: {  	p0 =	seq.s32 s5, $0x0;
	s5 =	sld [smem:$0x3FAB]  }
0x2b: {  	s6 =	sld [smem:$0x3FAC]  }
0x2c: {  	s7 =	sld [smem:$0x3FAD]  }
0x2d: {  	s3 =	simm.s32 $0x108;
	s8 =	sld [smem:$0x3FAE]  }
0x2e: {  	s3 =	simm.s32 @!p0 $0x1082;
	s9 =	sld [smem:$0x3FAF]  }
0x2f: {  	lr =	sadd.s32 s0, s3;
	s0 =	sld [smem:$0x3FA6]  }
0x30: {  	s3 =	sld [smem:$0x3FA9]  }
0x31: {  	[smem:$0x3FB2] =	sst s10  }
0x32: {  	s10 =	sld [smem:$0x3FB0];
	_ =	sdelay $0x3  }
0x33: {  	p0 =	seq.s32 s10, $0x1;
	s10 =	sld [smem:$0x3FB2];
	_ =	sdelay $0x3  }
0x34: {  	[smem:$0x3FB2] =	sst s10  }
0x35: {  	s10 =	sld [smem:$0x3FB1];
	_ =	sdelay $0x3  }
0x36: {  	p1 =	seq.s32 s10, $0x1;
	s10 =	sld [smem:$0x3FB2];
	_ =	sdelay $0x3  }
0x37: {  	[smem:$0x3FB2] =	sst s10  }
0x38: {  	s10 =	sld [smem:$0x3FB3]  }
0x39: {  	_ = 	snop;
	(pc) =	sbr.ind lr, $3  }
0x3a: {  	_ = 	snop  }
0x3b: {  	_ = 	snop  }
0x3c: {  	p2 =	seq.s32 s10, $0x1;
	s10 =	sld [smem:$0x3FB2]  }
0x3d: {  	_ =	shalt  }
0x3e: {  	_ =	shalt  }
0x3f: {  	_ =	shalt  }
0x40: {  	_ =	shalt  }
0x41: {  	_ =	shalt  }
0x42: {  	_ =	shalt  }
0x43: {  	_ =	shalt  }
0x44: {  	_ =	shalt  }
0x45: {  	_ =	shalt  }
0x46: {  	_ =	shalt  }
0x47: {  	_ =	shalt  }
0x48: {  	_ =	shalt  }
0x49: {  	_ =	shalt  }
0x4a: {  	_ =	shalt  }
0x4b: {  	_ =	shalt  }
0x4c: {  	_ =	shalt  }
0x4d: {  	_ =	shalt  }
0x4e: {  	_ =	shalt  }
0x4f: {  	_ =	shalt  }
0x50: {  	_ =	shalt  }
0x51: {  	_ =	shalt  }
0x52: {  	_ =	shalt  }
0x53: {  	_ =	shalt  }
0x54: {  	_ =	shalt  }
0x55: {  	_ =	shalt  }
0x56: {  	_ =	shalt  }
0x57: {  	_ =	shalt  }
0x58: {  	_ =	shalt  }
0x59: {  	_ =	shalt  }
0x5a: {  	_ =	shalt  }
0x5b: {  	_ =	shalt  }
0x5c: {  	_ =	shalt  }
0x5d: {  	_ =	shalt  }
0x5e: {  	_ =	shalt  }
0x5f: {  	_ =	shalt  }
0x60: {  	_ =	shalt  }
0x61: {  	_ =	shalt  }
0x62: {  	_ =	shalt  }
0x63: {  	_ =	shalt  }
0x64: {  	_ =	shalt  }
0x65: {  	_ =	shalt  }
0x66: {  	_ =	shalt  }
0x67: {  	_ =	shalt  }
0x68: {  	_ =	shalt  }
0x69: {  	_ =	shalt  }
0x6a: {  	_ =	shalt  }
0x6b: {  	_ =	shalt  }
0x6c: {  	_ =	shalt  }
0x6d: {  	_ =	shalt  }
0x6e: {  	_ =	shalt  }
0x6f: {  	_ =	shalt  }
0x70: {  	_ =	shalt  }
0x71: {  	_ =	shalt  }
0x72: {  	_ =	shalt  }
0x73: {  	_ =	shalt  }
0x74: {  	_ =	shalt  }
0x75: {  	_ =	shalt  }
0x76: {  	_ =	shalt  }
0x77: {  	_ =	shalt  }
0x78: {  	_ =	shalt  }
0x79: {  	_ =	shalt  }
0x7a: {  	_ =	shalt  }
0x7b: {  	_ =	shalt  }
0x7c: {  	_ =	shalt  }
0x7d: {  	_ =	shalt  }
0x7e: {  	_ =	shalt  }
0x7f: {  	_ =	shalt  }
0x80: {  	_ =	shalt  }
0x81: {  	_ =	shalt  }
0x82: {  	_ =	shalt  }
0x83: {  	_ =	shalt  }
0x84: {  	_ =	shalt  }
0x85: {  	_ =	shalt  }
0x86: {  	_ =	shalt  }
0x87: {  	_ =	shalt  }
.Lfunc_end0:
.L_simem_size_0:
called_computation_lowered:
.L_overlay_start_0:
0x88: {  	s0 =	sld [smem:$0x3FD9]  }
0x89: {  	s1 =	sld [smem:$0x3FFE];
	_ =	sdelay $0x3  }
0x8a: {  	s0 =	sadd.s32 s1, s0  }
0x8b: {  	[smem:$0x3FBE] =	sst s0  }
0x8c: {  	_ = 	snop  }
0x8d: {  	(tm) =	ssettm $0x1  }
0x8e: {  	s15 =	sld [smem:$0x3FFB];
	_ =	sdelay $0x3  }
0x8f: {  	_ =	strace s15  }
0x90: {  	s0 =	sld [smem:$0x3FFC];
	_ =	sdelay $0x3  }
0x91: {  	_ =	strace s0  }
0x92: {  	s0 =	sld [smem:$0x3FFD];
	_ =	sdelay $0x3  }
0x93: {  	_ =	strace s0  }
0x94: {  	_ =	strace $0x8FFFFFFF  }
0x95: {  	s16 =	sld [smem:$0x3FDB];
	_ =	sdelay $0x1  }
0x96: {  	s17 =	simm.s32 $_scs_section_size  }
0x97: {  	s2 =	simm.s32 $_size__tile_overlayer_lowered;
	s3 =	simm.s32 $_tile_overlayer_lowered  }
0x98: {  	s20 =	simm.s32 $0x1BFF;
	s19 =	sshll.u32 s3, $0x1;
	s0 =	sadd.s32 s17, s16  }
0x99: {  	s4 =	simm.s32 $0x0;
	s18 =	sshll.u32 s2, $0x1;
	s2 =	sadd.s32 s19, s0  }
0x9a: {  	[timem:s4], [sflag:s20] =	dma.local [hbm:s2], s18  }
0x9b: {  	_ =	swait.ge [sflag:s20], s18  }
0x9c: {  	s1 =	ssub.s32 $0x0, s18;
	[sflag:s20] =	ssyncset.done $0x0  }
0x9d: {  	[sflag:s20] =	ssyncadd.s32 s1;
	_ =	sdelay $0x1  }
0x9e: {  	s21 =	simm.s32 $0x1B8B  }
0x9f: {  	_ =	swait.ge [sflag:s21], $0x1  }
0xa0: {  	[sflag:s21] =	ssyncset.done $0x0  }
0xa1: {  	s23 =	simm.s32 $0x1B8E;
	s22 =	sld [smem:$0x3FFE];
	[sflag:s21] =	ssyncadd.s32 $0xFFFFFFFF  }
0xa2: {  	s24 =	simm.s32 $execute0_lowered;
	[smem:$0x3FD2] =	sst s23  }
0xa3: {  	s2 =	sshll.u32 s24, $0x1;
	_ =	strace $0x80000046;
	[dreg:$0x1] =	wrdreg $0xFFFFFFFF  }
0xa4: {  	s25 =	simm.s32 $_size_execute0_lowered;
	s0 =	sadd.s32 s0, s2;
	[dreg:$0x0] =	wrdreg $0x0  }
0xa5: {  	s2 =	sshll.u32 s25, $0x1;
	[dreg:$0x2] =	wrdreg s0  }
0xa6: {  	[dreg:$0x3] =	wrdreg s2  }
0xa7: {  	[dreg:$0x4] =	wrdreg $0xC0  }
0xa8: {  	_ =	task [dreg:s4], $0x5FFFF  }
0xa9: {  	[dreg:$0x1] =	wrdreg $0xFFFFFFFF  }
0xaa: {  	[dreg:$0x0] =	wrdreg $0x60  }
0xab: {  	[dreg:$0x2] =	wrdreg s22  }
0xac: {  	[dreg:$0x3] =	wrdreg $0xF5800  }
0xad: {  	[dreg:$0x4] =	wrdreg $0xF8000  }
0xae: {  	[dreg:$0x5] =	wrdreg $0xFA800  }
0xaf: {  	[dreg:$0x6] =	wrdreg $0x9  }
0xb0: {  	_ =	task.clear_ibuf [dreg:s4], $0x7FFFF;
	_ =	strace $0x90000046  }
0xb1: {  	s26 =	simm.s32 $0x9;
	_ =	strace $0x80000048  }
0xb2: {  	_ =	swait.ge [sflag:s26], $0x1  }
0xb3: {  	[sflag:s26] =	ssyncadd.s32 $0xFFFFFFFF  }
0xb4: {  	_ =	strace $0x90000048  }
0xb5: {  	_ =	sfence  }
0xb6: {  	s28 =	sld [smem:$0x0];
	_ =	sdelay $0x1  }
0xb7: {  	s29 =	srdreg.scid  }
0xb8: {  	s30 =	sshll.u32 s29, $0xD;
	s31 =	sshrl.u32 s29, $0x2  }
0xb9: {  	s1 =	sand.u32 $0x1, s29;
	s2 =	sand.u32 $0x4000, s30;
	s0 =	sadd.s32 s31, s28  }
0xba: {  	s1 =	sor.u32 s2, s1;
	s0 =	sshll.u32 s0, $0x11  }
0xbb: {  	s0 =	sor.u32 s0, s1  }
0xbc: {  	s0 =	sadd.s32 $0x8F2B, s0  }
0xbd: {  	[sflag:s0] =	ssyncadd.remote.s32 $0x1  }
0xbe: {  	_ =	sfence.sel $0xFFFF  }
0xbf: {  	[dreg:$0x0] =	wrdreg $0xFFFFFFFF;
	(pc) =	sbr.abs _section_cstart, $3  }
0xc0: {  	[dreg:$0x1] =	wrdreg $0xFFFFFFFF  }
0xc1: {  	_ =	task.clear_ibuf [dreg:s4], $0x2FFFF;
	_ =	strace $0x9FFFFFFF  }
0xc2: {  	(tm) =	ssettm $0x7FFFFFFF  }
0xc3: {  	_ =	shalt  }
tec
execute0_lowered:
.L_overlay_start_1:
0x0: {  	(tag) =	ssettag $0x1  }
0x1: {  	s2 =	rddreg [dreg:$0x0]  }
0x2: {  	s6 =	rddreg [dreg:$0x1];
	s0 =	stileid.u32  }
0x3: {  	s3 =	rddreg [dreg:$0x2];
	s4 =	smul.u32 $0x2710, s0  }
0x4: {  	s8 =	rddreg [dreg:$0x3]  }
0x5: {  	s1 =	rddreg [dreg:$0x4];
	s5 =	simm.s32 $0x0;
	s4 =	sshrl.u32 s4, $0x3  }
0x6: {  	[smem:$0x7FF] =	sst s5;
	s4 =	sadd.s32 s4, s2  }
0x7: {  	s9 =	simm.s32 $0x2780;
	_ =	strace $0x80000047;
	s7 =	sadd.s32 $0x6420, s4  }
0x8: {  	[tilespmem:s9], [sflag:$0x1] =	stream.linear.gather [hbm4b:s7+s5], $0x2710, $0x38;
	[tilespmem:$0xFD00] =	vst v63  }
0x9: {  	s4 =	sadd.s32 $0x1600, s4  }
0xa: {  	v0 =	vlaneseq.u32;
	[tilespmem:s5], [sflag:$0x2] =	stream.linear.gather [hbm4b:s4+s5], $0x2710, $0x38;
	[tilespmem:$0xFD00] =	vst v63  }
0xb: {  	v1 =	vor.u32 $0x10, v0;
	[tilespmem:$0xEE80] =	vst v0  }
0xc: {  	[tilespmem:$0xEE90] =	vst v1;
	v1 =	vor.u32 $0x20, v0  }
0xd: {  	[tilespmem:$0xEEA0] =	vst v1;
	v1 =	vor.u32 $0x30, v0  }
0xe: {  	v0 =	vor.u32 $0x40, v0;
	[tilespmem:$0xEEB0] =	vst v1  }
0xf: {  	s4 =	simm.s32 $0xEF40;
	[tilespmem:$0xEEC0] =	vst v0;
	v0 =	vimm.f32 $0.0e+00  }
0x10: {  	[tilespmem:s4+$0xFFFFFFC0] =	vst v0  }
0x11: {  	[tilespmem:s4+$0x30] =	vst v0  }
0x12: {  	[tilespmem:s4+$0x20] =	vst v0  }
0x13: {  	[tilespmem:s4+$0x10] =	vst v0  }
0x14: {  	[tilespmem:s4+$0x0] =	vst v0  }
0x15: {  	[tilespmem:s4+$0xFFFFFFF0] =	vst v0  }
0x16: {  	s2 =	sadd.s32 $0xB400, s2;
	s5 =	simm.s32 $0x0;
	[tilespmem:s4+$0xFFFFFFE0] =	vst v0  }
.LBB2_1:
0x17: {  	s5 =	sadd.s32 $0x8, s5;
	[tilespmem:s4+$0xFFFFFFD0] =	vst v0;
	s4 =	sadd.s32 $0x80, s4  }
0x18: {  	[tilespmem:s4+$0xFFFFFFC0] =	vst v0;
	p0 =	slt.u32 s5, $0x20  }
0x19: {  	[tilespmem:s4+$0x30] =	vst v0  }
.Ltmp0:
0x1a: {  	[tilespmem:s4+$0x20] =	vst v0;
	(pc) =	sbr.rel @p0 .LBB2_1-.Ltmp0, $4  }
0x1b: {  	[tilespmem:s4+$0x10] =	vst v0  }
0x1c: {  	[tilespmem:s4+$0x0] =	vst v0  }
0x1d: {  	[tilespmem:s4+$0xFFFFFFF0] =	vst v0  }
0x1e: {  	[tilespmem:s4+$0xFFFFFFE0] =	vst v0  }
0x1f: {  	[tilespmem:s4+$0xFFFFFFD0] =	vst v0;
	s5 =	simm.s32 $0x9EC0;
	v0 =	vimm.f32 $0.0e+00  }
0x20: {  	[tilespmem:s5+$0xFFFFFFC0] =	vst v0  }
0x21: {  	[tilespmem:s5+$0x30] =	vst v0  }
0x22: {  	[tilespmem:s5+$0x20] =	vst v0  }
0x23: {  	[tilespmem:s5+$0x10] =	vst v0  }
0x24: {  	[tilespmem:s5+$0x0] =	vst v0  }
0x25: {  	[tilespmem:s5+$0xFFFFFFF0] =	vst v0  }
0x26: {  	s4 =	simm.s32 $0x0;
	[tilespmem:s5+$0xFFFFFFE0] =	vst v0  }
.LBB2_3:
0x27: {  	s4 =	sadd.s32 $0x8, s4;
	[tilespmem:s5+$0xFFFFFFD0] =	vst v0;
	s5 =	sadd.s32 $0x80, s5  }
0x28: {  	[tilespmem:s5+$0xFFFFFFC0] =	vst v0;
	p0 =	slt.u32 s4, $0x278  }
0x29: {  	[tilespmem:s5+$0x30] =	vst v0  }
.Ltmp1:
0x2a: {  	[tilespmem:s5+$0x20] =	vst v0;
	(pc) =	sbr.rel @p0 .LBB2_3-.Ltmp1, $4  }
0x2b: {  	[tilespmem:s5+$0x10] =	vst v0  }
0x2c: {  	[tilespmem:s5+$0x0] =	vst v0  }
0x2d: {  	[tilespmem:s5+$0xFFFFFFF0] =	vst v0  }
0x2e: {  	[tilespmem:s5+$0xFFFFFFE0] =	vst v0  }
0x2f: {  	s4 =	smul.u32 $0x280, s0;
	_ =	sdelay $0x1  }
0x30: {  	[tilespmem:s5+$0xFFFFFFD0] =	vst v0;
	s7 =	simm.s32 $0xEF00;
	s10 =	simm.s32 $0x3;
	s9 =	sadd.s32 s4, s6  }
0x31: {  	[spmem:s9] =	stream.linear.scatter [tilespmem:s7], [sflag:$0x3], $0x280, $0x38;
	[tilespmem:$0xFD00] =	vst v63  }
0x32: {  	_ =	swait.ge [sflag:s10], $0x280  }
0x33: {  	[sflag:s10] =	ssyncset.done $0x0  }
0x34: {  	s5 =	sadd.s32 s4, s3;
	[sflag:s10] =	ssyncadd.s32 $0xFFFFFD80  }
0x35: {  	[spmem:s5] =	stream.linear.scatter [tilespmem:s7], [sflag:$0x3], $0x280, $0x38;
	[tilespmem:$0xFD00] =	vst v63  }
0x36: {  	_ =	swait.ge [sflag:s10], $0x280  }
0x37: {  	[sflag:s10] =	ssyncset.done $0x0  }
0x38: {  	s30 =	simm.s32 $0x1;
	[sflag:s10] =	ssyncadd.s32 $0xFFFFFD80  }
0x39: {  	_ =	swait.ge [sflag:s30], $0x2710  }
0x3a: {  	[sflag:s30] =	ssyncset.done $0x0  }
0x3b: {  	s31 =	simm.s32 $0x27A0;
	[sflag:s30] =	ssyncadd.s32 $0xFFFFD8F0  }
0x3c: {  	v4 =	vld [tilespmem:s31+$0x20]  }
0x3d: {  	v5 =	vld [tilespmem:s31+$0xFFFFFFF0];
	_ =	sdelay $0x3  }
0x3e: {  	v1 =	vld [tilespmem:s31+$0x0]  }
0x3f: {  	v2 =	vld [tilespmem:s31+$0x10]  }
0x40: {  	v0 =	vimm.f32 $1.000000000e+00;
	s7 =	simm.s32 $0x9E80;
	v3 =	vld [tilespmem:s31+$0xFFFFFFE0]  }
0x41: {  	[tilespmem:v4+s7+$0x0] =	vst.idx.add.f32.msk $0xffff, v0  }
0x42: {  	s11 =	simm.s32 $0x27F0;
	s10 =	simm.s32 $0x0;
	[tilespmem:v5+s7+$0x0] =	vst.idx.add.f32.msk $0xffff, v0  }
.LBB2_5:
0x43: {  	v4 =	vld [tilespmem:s11+$0x20];
	s10 =	sadd.s32 $0x5, s10  }
0x44: {  	v5 =	vld [tilespmem:s11+$0xFFFFFFF0];
	p0 =	slt.u32 s10, $0x26C  }
0x45: {  	v6 =	vld [tilespmem:s11+$0x0]  }
0x46: {  	v7 =	vld [tilespmem:s11+$0x10]  }
0x47: {  	v8 =	vld [tilespmem:s11+$0xFFFFFFE0]  }
.Ltmp2:
0x48: {  	[tilespmem:v3+s7+$0x0] =	vst.idx.add.f32.msk $0xffff, v0;
	(pc) =	sbr.rel @p0 .LBB2_5-.Ltmp2, $4  }
0x49: {  	[tilespmem:v1+s7+$0x0] =	vst.idx.add.f32.msk $0xffff, v0  }
0x4a: {  	[tilespmem:v2+s7+$0x0] =	vst.idx.add.f32.msk $0xffff, v0;
	v1 =	vmov v6  }
0x4b: {  	[tilespmem:v4+s7+$0x0] =	vst.idx.add.f32.msk $0xffff, v0;
	v2 =	vmov v7  }
0x4c: {  	s11 =	sadd.s32 $0x50, s11;
	[tilespmem:v5+s7+$0x0] =	vst.idx.add.f32.msk $0xffff, v0;
	v3 =	vmov v8  }
0x4d: {  	_ =	sdelay $0x3  }
0x4e: {  	[tilespmem:v3+s7+$0x0] =	vst.idx.add.f32.msk $0xffff, v0  }
0x4f: {  	[tilespmem:v1+s7+$0x0] =	vst.idx.add.f32.msk $0xffff, v0  }
0x50: {  	[tilespmem:v2+s7+$0x0] =	vst.idx.add.f32.msk $0xffff, v0;
	s29 =	simm.s32 $0x50;
	s10 =	simm.s32 $0xEE80  }
0x51: {  	s11 =	simm.s32 $0x9E80;
	s30 =	simm.s32 $0x3;
	[bflag:$0x0] =	sbarrier.arrive $0xFFFF  }
0x52: {  	[spmem:s6] =	stream.indirect.scatter.add.f32 [tilespmem:s11], [sflag:$0x3], $0x80, s10, s29, $0xb8;
	[tilespmem:$0xFD00] =	vst v63  }
0x53: {  	_ =	swait.ge [sflag:s30], $0x2800  }
0x54: {  	[sflag:s30] =	ssyncset.done $0x0  }
0x55: {  	[sflag:s30] =	ssyncadd.s32 $0xFFFFD800  }
0x56: {  	s31 =	simm.s32 $0x7680;
	s7 =	simm.s32 $0x9EC0;
	[bflag:$0x0] =	sbarrier.arrive $0xFFFF  }
0x57: {  	v0 =	vimm.f32 $0.0e+00;
	[tilespmem:s31], [sflag:$0x1] =	stream.linear.gather [spmem:s6], $0x2800, $0x38;
	[tilespmem:$0xFD00] =	vst v63  }
0x58: {  	[tilespmem:s7+$0xFFFFFFC0] =	vst v0  }
0x59: {  	[tilespmem:s7+$0x30] =	vst v0  }
0x5a: {  	[tilespmem:s7+$0x20] =	vst v0  }
0x5b: {  	[tilespmem:s7+$0x10] =	vst v0  }
0x5c: {  	[tilespmem:s7+$0x0] =	vst v0  }
0x5d: {  	[tilespmem:s7+$0xFFFFFFF0] =	vst v0  }
0x5e: {  	s10 =	simm.s32 $0x0;
	[tilespmem:s7+$0xFFFFFFE0] =	vst v0  }
.LBB2_7:
0x5f: {  	s10 =	sadd.s32 $0x8, s10;
	[tilespmem:s7+$0xFFFFFFD0] =	vst v0;
	s7 =	sadd.s32 $0x80, s7  }
0x60: {  	[tilespmem:s7+$0xFFFFFFC0] =	vst v0;
	p0 =	slt.u32 s10, $0x278  }
0x61: {  	[tilespmem:s7+$0x30] =	vst v0  }
.Ltmp3:
0x62: {  	[tilespmem:s7+$0x20] =	vst v0;
	(pc) =	sbr.rel @p0 .LBB2_7-.Ltmp3, $4  }
0x63: {  	[tilespmem:s7+$0x10] =	vst v0  }
0x64: {  	[tilespmem:s7+$0x0] =	vst v0  }
0x65: {  	[tilespmem:s7+$0xFFFFFFF0] =	vst v0  }
0x66: {  	[tilespmem:s7+$0xFFFFFFE0] =	vst v0  }
0x67: {  	[tilespmem:s7+$0xFFFFFFD0] =	vst v0;
	s28 =	simm.s32 $0x1  }
0x68: {  	_ =	swait.ge [sflag:s28], $0x2800  }
0x69: {  	[sflag:s28] =	ssyncset.done $0x0  }
0x6a: {  	s29 =	simm.s32 $0x76A0;
	[sflag:s28] =	ssyncadd.s32 $0xFFFFD800  }
0x6b: {  	v0 =	vld [tilespmem:s29+$0x10];
	_ =	sdelay $0x1  }
0x6c: {  	v1 =	vld [tilespmem:s29+$0xFFFFFFF0];
	_ =	sdelay $0x2  }
0x6d: {  	v2 =	vld [tilespmem:s29+$0xFFFFFFE0];
	v0 =	vmax.f32 v0, $1.000000000e+00  }
0x6e: {  	v5 =	vld [tilespmem:s29+$0x0];
	v3 =	vshra.s32 v0, $0x1;
	v4 =	vmul.f32 $5.000000000e-01, v0  }
0x6f: {  	v0 =	vmax.f32 v1, $1.000000000e+00;
	v1 =	vsub.s32 $0x5F3759DF, v3  }
0x70: {  	v3 =	vshra.s32 v0, $0x1;
	v9 =	vmul.f32 $5.000000000e-01, v0;
	v0 =	vmul.f32 v1, v4  }
0x71: {  	v3 =	vsub.s32 $0x5F3759DF, v3  }
0x72: {  	v2 =	vmax.f32 v2, $1.000000000e+00;
	v6 =	vmul.f32 v3, v9;
	v0 =	vmul.f32 v1, v0  }
0x73: {  	s30 =	simm.s32 $0x76E0;
	v5 =	vmax.f32 v5, $1.000000000e+00;
	v7 =	vshra.s32 v2, $0x1;
	v15 =	vmul.f32 $5.000000000e-01, v2  }
0x74: {  	v7 =	vsub.s32 $0x5F3759DF, v7;
	v2 =	vmul.f32 v3, v6;
	v6 =	vld [tilespmem:s30+$0x10];
	v0 =	vsub.f32 $1.500000000e+00, v0  }
0x75: {  	v19 =	vmul.f32 $5.000000000e-01, v5;
	v8 =	vmul.f32 v7, v15  }
0x76: {  	v5 =	vshra.s32 v5, $0x1;
	v2 =	vsub.f32 $1.500000000e+00, v2;
	v10 =	vmul.f32 v1, v0;
	v0 =	vld [tilespmem:s30+$0xFFFFFFE0]  }
0x77: {  	v14 =	vsub.s32 $0x5F3759DF, v5;
	v1 =	vmul.f32 v7, v8;
	v8 =	vld [tilespmem:s30+$0xFFFFFFF0]  }
0x78: {  	v12 =	vmul.f32 v3, v2;
	v2 =	vmul.f32 v14, v19  }
0x79: {  	v3 =	vld [tilespmem:s30+$0x0];
	v11 =	vmul.f32 v10, v4;
	v13 =	vsub.f32 $1.500000000e+00, v1;
	v1 =	vmax.f32 v6, $1.000000000e+00  }
0x7a: {  	v6 =	vshra.s32 v1, $0x1;
	v5 =	vmul.f32 $5.000000000e-01, v1  }
0x7b: {  	v16 =	vmul.f32 v14, v2;
	v11 =	vmul.f32 v11, v10;
	v6 =	vsub.s32 $0x5F3759DF, v6  }
0x7c: {  	v7 =	vmul.f32 v7, v13;
	v1 =	vmax.f32 v0, $1.000000000e+00;
	v2 =	vmax.f32 v8, $1.000000000e+00  }
0x7d: {  	v8 =	vmul.f32 v6, v5;
	v0 =	vmul.f32 $5.000000000e-01, v1;
	v17 =	vshra.s32 v2, $0x1  }
0x7e: {  	v2 =	vmul.f32 $5.000000000e-01, v2;
	v3 =	vmax.f32 v3, $1.000000000e+00;
	v18 =	vshra.s32 v1, $0x1  }
0x7f: {  	s31 =	simm.s32 $0x7720;
	v17 =	vsub.s32 $0x5F3759DF, v17;
	v8 =	vmul.f32 v6, v8;
	v1 =	vmul.f32 $5.000000000e-01, v3  }
0x80: {  	v24 =	vld [tilespmem:s31+$0x0];
	v22 =	vsub.s32 $0x5F3759DF, v18;
	v18 =	vmul.f32 v12, v9;
	v3 =	vshra.s32 v3, $0x1  }
0x81: {  	v20 =	vmul.f32 v17, v2;
	v29 =	vsub.s32 $0x5F3759DF, v3;
	v8 =	vsub.f32 $1.500000000e+00, v8  }
0x82: {  	v21 =	vmul.f32 v22, v0;
	v3 =	vmul.f32 v29, v1  }
0x83: {  	v11 =	vsub.f32 $1.500000000e+00, v11;
	v13 =	vmul.f32 v17, v20;
	v20 =	vmul.f32 v6, v8  }
0x84: {  	v8 =	vsub.f32 $1.500000000e+00, v16;
	v16 =	vmul.f32 v18, v12;
	v18 =	vmul.f32 v7, v15  }
0x85: {  	v24 =	vmax.f32 v24, $1.000000000e+00;
	v6 =	vmul.f32 v11, v10;
	v11 =	vld [tilespmem:s31+$0xFFFFFFE0];
	v10 =	vmul.f32 v20, v5  }
0x86: {  	v13 =	vsub.f32 $1.500000000e+00, v13;
	v23 =	vmul.f32 v14, v8;
	v14 =	vmul.f32 v22, v21  }
0x87: {  	v18 =	vmul.f32 v18, v7;
	v25 =	vmul.f32 v6, v4;
	v4 =	vld [tilespmem:s31+$0x10];
	v16 =	vsub.f32 $1.500000000e+00, v16  }
0x88: {  	v8 =	vmul.f32 v17, v13;
	v13 =	vld [tilespmem:s31+$0xFFFFFFF0];
	v17 =	vsub.f32 $1.500000000e+00, v14;
	v21 =	vmul.f32 v10, v20  }
0x89: {  	v18 =	vsub.f32 $1.500000000e+00, v18;
	v26 =	vmul.f32 v23, v19;
	v14 =	vmul.f32 v16, v12  }
0x8a: {  	v32 =	vmul.f32 v25, v6;
	v10 =	vmax.f32 v11, $1.000000000e+00;
	v11 =	vmul.f32 v29, v3  }
0x8b: {  	v27 =	vshra.s32 v10, $0x1;
	v3 =	vmul.f32 $5.000000000e-01, v10;
	v10 =	vmul.f32 v18, v7  }
0x8c: {  	v9 =	vmul.f32 v14, v9;
	v17 =	vmul.f32 v22, v17;
	v30 =	vsub.f32 $1.500000000e+00, v11  }
0x8d: {  	v11 =	vmax.f32 v4, $1.000000000e+00;
	v4 =	vmul.f32 $5.000000000e-01, v24;
	v12 =	vmax.f32 v13, $1.000000000e+00  }
0x8e: {  	v7 =	vshra.s32 v11, $0x1;
	v13 =	vmul.f32 $5.000000000e-01, v11;
	v31 =	vmul.f32 v9, v14  }
0x8f: {  	v28 =	vsub.s32 $0x5F3759DF, v7;
	v11 =	vshra.s32 v12, $0x1;
	v7 =	vmul.f32 $5.000000000e-01, v12  }
0x90: {  	v12 =	vmul.f32 v26, v23;
	v18 =	vsub.s32 $0x5F3759DF, v11;
	v11 =	vmul.f32 v28, v13  }
0x91: {  	v9 =	vsub.s32 $0x5F3759DF, v27;
	v27 =	vmul.f32 v8, v2;
	v26 =	vsub.f32 $1.500000000e+00, v21  }
0x92: {  	v16 =	vmul.f32 v18, v7;
	v12 =	vsub.f32 $1.500000000e+00, v12;
	v11 =	vmul.f32 v28, v11  }
0x93: {  	v21 =	vmul.f32 v9, v3;
	v27 =	vmul.f32 v27, v8;
	v22 =	vsub.f32 $1.500000000e+00, v31  }
0x94: {  	v25 =	vmul.f32 v18, v16;
	v16 =	vmul.f32 v12, v23;
	v11 =	vsub.f32 $1.500000000e+00, v11  }
0x95: {  	v12 =	vmul.f32 v26, v20;
	v26 =	vshra.s32 v24, $0x1;
	v23 =	vmul.f32 v10, v15  }
0x96: {  	v20 =	vsub.f32 $1.500000000e+00, v27;
	v11 =	vmul.f32 v28, v11;
	v28 =	vmul.f32 v17, v0  }
0x97: {  	s11 =	simm.s32 $0xC6A0;
	s12 =	simm.s32 $0x8;
	v15 =	vmul.f32 v29, v30;
	v25 =	vsub.f32 $1.500000000e+00, v25;
	v27 =	vmul.f32 v16, v19  }
0x98: {  	s7 =	simm.s32 $0xC6E0;
	s13 =	simm.s32 $0x7760;
	s10 =	simm.s32 $0xC6E0;
	v19 =	vsub.f32 $1.500000000e+00, v32;
	v24 =	vmul.f32 v11, v13;
	v28 =	vmul.f32 v28, v17  }
.LBB2_9:
0x99: {  	v29 =	vld [tilespmem:s13+$0xFFFFFFE0];
	s12 =	sadd.s32 $0x4, s12;
	v21 =	vmul.f32 v9, v21;
	v30 =	vmul.f32 v12, v5;
	s7 =	sadd.s32 $0x40, s7;
	v5 =	vmov v13  }
0x9a: {  	v18 =	vmul.f32 v18, v25;
	v14 =	vmul.f32 v22, v14;
	v13 =	vld [tilespmem:s13+$0x0];
	p0 =	slt.u32 s12, $0x27C  }
0x9b: {  	v31 =	vsub.s32 $0x5F3759DF, v26;
	v22 =	vld [tilespmem:s13+$0xFFFFFFF0];
	v25 =	vsub.f32 $1.500000000e+00, v21;
	v21 =	vmul.f32 v27, v16  }
0x9c: {  	v23 =	vmul.f32 v23, v10;
	v28 =	vsub.f32 $1.500000000e+00, v28;
	v27 =	vmul.f32 v31, v4;
	v26 =	vld [tilespmem:s13+$0x10];
	[tilespmem:s11+$0xFFFFFFF0] =	vst v14  }
0x9d: {  	v24 =	vmul.f32 v24, v11;
	v32 =	vmul.f32 v15, v1;
	v21 =	vsub.f32 $1.500000000e+00, v21  }
0x9e: {  	v23 =	vsub.f32 $1.500000000e+00, v23;
	v27 =	vmul.f32 v31, v27;
	v14 =	vmax.f32 v29, $1.000000000e+00  }
0x9f: {  	v29 =	vshra.s32 v14, $0x1;
	v33 =	vmul.f32 $5.000000000e-01, v14;
	v14 =	vmul.f32 v20, v8;
	v8 =	vmovc v18  }
0xa0: {  	v20 =	vmax.f32 v13, $1.000000000e+00;
	v34 =	vsub.f32 $1.500000000e+00, v27;
	v13 =	vmul.f32 v23, v10  }
0xa1: {  	v10 =	vmul.f32 v28, v17;
	v18 =	vmax.f32 v22, $1.000000000e+00;
	v22 =	vmax.f32 v26, $1.000000000e+00  }
0xa2: {  	v19 =	vmul.f32 v19, v6;
	v6 =	vmovc v12;
	v28 =	vmul.f32 $5.000000000e-01, v20;
	v17 =	vshra.s32 v22, $0x1;
	[tilespmem:s11+$0xFFFFFFE0] =	vst v13  }
0xa3: {  	v12 =	vmul.f32 v21, v16;
	v13 =	vmul.f32 $5.000000000e-01, v22;
	v23 =	vsub.s32 $0x5F3759DF, v17  }
0xa4: {  	v16 =	vshra.s32 v18, $0x1;
	v17 =	vmul.f32 v14, v2;
	v2 =	vmovc v7;
	v7 =	vmul.f32 $5.000000000e-01, v18;
	[tilespmem:s11+$0x10] =	vst v19  }
0xa5: {  	v18 =	vsub.s32 $0x5F3759DF, v16;
	v16 =	vmul.f32 v23, v13;
	v19 =	vmul.f32 v32, v15;
	[tilespmem:s11+$0x0] =	vst v12;
	s11 =	smov.u32 s10;
	s10 =	smov.u32 s7  }
0xa6: {  	v24 =	vsub.f32 $1.500000000e+00, v24;
	v12 =	vmul.f32 v18, v7;
	v22 =	vmul.f32 v17, v14  }
0xa7: {  	v26 =	vsub.s32 $0x5F3759DF, v29;
	v27 =	vmul.f32 v8, v2;
	v16 =	vmul.f32 v23, v16  }
0xa8: {  	v29 =	vmul.f32 v30, v6;
	v21 =	vmul.f32 v26, v33;
	v19 =	vsub.f32 $1.500000000e+00, v19  }
0xa9: {  	v17 =	vmul.f32 v9, v25;
	v9 =	vmovc v26;
	v12 =	vmul.f32 v18, v12;
	v30 =	vsub.f32 $1.500000000e+00, v16  }
.Ltmp4:
0xaa: {  	v27 =	vmul.f32 v27, v8;
	v22 =	vsub.f32 $1.500000000e+00, v22;
	v16 =	vmul.f32 v19, v15;
	(pc) =	sbr.rel @p0 .LBB2_9-.Ltmp4, $4  }
0xab: {  	v25 =	vsub.f32 $1.500000000e+00, v12;
	v12 =	vmul.f32 v24, v11;
	v11 =	vmul.f32 v23, v30  }
0xac: {  	v26 =	vshra.s32 v20, $0x1;
	v15 =	vmul.f32 v17, v3;
	v23 =	vmul.f32 v10, v0;
	v0 =	vmovc v3;
	v3 =	vmovc v33  }
0xad: {  	v20 =	vsub.f32 $1.500000000e+00, v27;
	v27 =	vmul.f32 v16, v1;
	v1 =	vmovc v4;
	v4 =	vmovc v28;
	v24 =	vmul.f32 v11, v13  }
0xae: {  	s13 =	sadd.s32 $0x40, s13;
	v19 =	vsub.f32 $1.500000000e+00, v29;
	v28 =	vmul.f32 v15, v17;
	v15 =	vmul.f32 v31, v34  }
0xaf: {  	v21 =	vmul.f32 v9, v21;
	v5 =	vmul.f32 v12, v5  }
0xb0: {  	v18 =	vmul.f32 v18, v25;
	v23 =	vmul.f32 v23, v10  }
0xb1: {  	v14 =	vmul.f32 v22, v14;
	v49 =	vmul.f32 v27, v16  }
0xb2: {  	v47 =	vsub.s32 $0x5F3759DF, v26;
	v24 =	vmul.f32 v24, v11;
	v8 =	vmul.f32 v20, v8  }
0xb3: {  	v48 =	vmul.f32 v47, v4;
	v51 =	vmul.f32 v15, v1  }
0xb4: {  	v50 =	vsub.f32 $1.500000000e+00, v28;
	v6 =	vmul.f32 v19, v6;
	v2 =	vmul.f32 v8, v2  }
0xb5: {  	v23 =	vsub.f32 $1.500000000e+00, v23;
	v56 =	vmul.f32 v18, v7;
	v5 =	vmul.f32 v5, v12  }
0xb6: {  	v52 =	vsub.f32 $1.500000000e+00, v21;
	v22 =	vmul.f32 v47, v48;
	v17 =	vmul.f32 v50, v17  }
0xb7: {  	v57 =	vsub.f32 $1.500000000e+00, v24;
	v55 =	vmul.f32 v51, v15;
	v10 =	vmul.f32 v23, v10  }
0xb8: {  	v2 =	vmul.f32 v2, v8;
	v9 =	vmul.f32 v9, v52;
	v54 =	vsub.f32 $1.500000000e+00, v22  }
0xb9: {  	v59 =	vmul.f32 v56, v18;
	v11 =	vmul.f32 v57, v11  }
0xba: {  	v60 =	vmul.f32 v9, v3;
	v20 =	vmul.f32 v47, v54  }
0xbb: {  	v58 =	vsub.f32 $1.500000000e+00, v55;
	v0 =	vmul.f32 v17, v0;
	v13 =	vmul.f32 v11, v13  }
0xbc: {  	v21 =	vsub.f32 $1.500000000e+00, v59;
	v62 =	vmul.f32 v60, v9;
	v63 =	vmul.f32 v20, v4  }
0xbd: {  	v2 =	vsub.f32 $1.500000000e+00, v2;
	v61 =	vmul.f32 v58, v15;
	v0 =	vmul.f32 v0, v17  }
0xbe: {  	v18 =	vmul.f32 v21, v18;
	v19 =	vsub.f32 $1.500000000e+00, v62;
	v22 =	vmul.f32 v63, v20  }
0xbf: {  	v5 =	vsub.f32 $1.500000000e+00, v5;
	v2 =	vmul.f32 v2, v8;
	v1 =	vmul.f32 v61, v1  }
0xc0: {  	v7 =	vmul.f32 v18, v7;
	v8 =	vmul.f32 v19, v9;
	v9 =	vsub.f32 $1.500000000e+00, v22  }
0xc1: {  	v0 =	vsub.f32 $1.500000000e+00, v0;
	[tilespmem:s10+$0xFFFFFFF0] =	vst v2;
	v2 =	vmul.f32 v5, v12;
	v5 =	vmul.f32 v13, v11  }
0xc2: {  	[tilespmem:s11+$0xFFFFFFF0] =	vst v14;
	v1 =	vmul.f32 v1, v61;
	v9 =	vmul.f32 v9, v20  }
0xc3: {  	v26 =	vsub.f32 $1.500000000e+00, v49;
	[tilespmem:s11+$0x10] =	vst v6;
	v0 =	vmul.f32 v0, v17;
	v3 =	vmul.f32 v8, v3  }
0xc4: {  	[tilespmem:s11+$0xFFFFFFE0] =	vst v10;
	v6 =	vmul.f32 v7, v18;
	v1 =	vsub.f32 $1.500000000e+00, v1;
	v4 =	vmul.f32 v9, v4  }
0xc5: {  	v53 =	vmul.f32 v26, v16;
	[tilespmem:s10+$0x10] =	vst v2;
	v2 =	vsub.f32 $1.500000000e+00, v5;
	v3 =	vmul.f32 v3, v8  }
0xc6: {  	[tilespmem:s10+$0xFFFFFFE0] =	vst v0;
	v6 =	vsub.f32 $1.500000000e+00, v6;
	v0 =	vmul.f32 v1, v61;
	v1 =	vmul.f32 v4, v9  }
0xc7: {  	[tilespmem:s11+$0x0] =	vst v53;
	v2 =	vmul.f32 v2, v11;
	v3 =	vsub.f32 $1.500000000e+00, v3  }
0xc8: {  	s7 =	sadd.s32 $0x40, s7;
	[tilespmem:s10+$0x0] =	vst v0;
	v4 =	vmul.f32 v6, v18;
	v0 =	vsub.f32 $1.500000000e+00, v1  }
0xc9: {  	[tilespmem:s7+$0x10] =	vst v2;
	v1 =	vmul.f32 v3, v8  }
0xca: {  	[tilespmem:s7+$0xFFFFFFF0] =	vst v4;
	v0 =	vmul.f32 v0, v9  }
0xcb: {  	[tilespmem:s7+$0xFFFFFFE0] =	vst v1  }
0xcc: {  	s30 =	simm.s32 $0x2;
	[tilespmem:s7+$0x0] =	vst v0  }
0xcd: {  	_ =	swait.ge [sflag:s30], $0x2710  }
0xce: {  	[sflag:s30] =	ssyncset.done $0x0  }
0xcf: {  	s31 =	simm.s32 $0x27A0;
	[sflag:s30] =	ssyncadd.s32 $0xFFFFD8F0  }
0xd0: {  	v4 =	vld [tilespmem:s31+$0x10]  }
0xd1: {  	s10 =	simm.s32 $0x20;
	v6 =	vld [tilespmem:s31+$0xFFFFFFE0]  }
0xd2: {  	v0 =	vld [tilespmem:s10+$0xFFFFFFF0]  }
0xd3: {  	v1 =	vld [tilespmem:s10+$0x0]  }
0xd4: {  	v8 =	vld [tilespmem:s31+$0x0]  }
0xd5: {  	v2 =	vld [tilespmem:s10+$0xFFFFFFE0]  }
0xd6: {  	v3 =	vld [tilespmem:s10+$0x10]  }
0xd7: {  	s11 =	simm.s32 $0xC680;
	v9 =	vld [tilespmem:s31+$0xFFFFFFF0]  }
0xd8: {  	v5 =	vld.idx.msk [tilespmem:v4+s11+$0x0], $0xffff  }
0xd9: {  	v6 =	vld.idx.msk [tilespmem:v6+s11+$0x0], $0xffff  }
0xda: {  	v4 =	vld.idx.msk [tilespmem:v0+s11+$0x0], $0xffff  }
0xdb: {  	v7 =	vld.idx.msk [tilespmem:v1+s11+$0x0], $0xffff  }
0xdc: {  	v10 =	vld.idx.msk [tilespmem:v8+s11+$0x0], $0xffff  }
0xdd: {  	v11 =	vld.idx.msk [tilespmem:v2+s11+$0x0], $0xffff  }
0xde: {  	s13 =	simm.s32 $0x4F20;
	s14 =	simm.s32 $0x0;
	v8 =	vld.idx.msk [tilespmem:v3+s11+$0x0], $0xffff  }
0xdf: {  	s15 =	simm.s32 $0x27E0;
	s12 =	simm.s32 $0x4F20;
	s7 =	simm.s32 $0x9E80;
	v9 =	vld.idx.msk [tilespmem:v9+s11+$0x0], $0xffff  }
.LBB2_11:
0xe0: {  	v12 =	vld [tilespmem:s15+$0xFFFFFFE0];
	s14 =	sadd.s32 $0x4, s14;
	s13 =	sadd.s32 $0x40, s13;
	s10 =	sadd.s32 $0x40, s10  }
0xe1: {  	v13 =	vld [tilespmem:s10+$0xFFFFFFE0];
	p0 =	slt.u32 s14, $0x26C  }
0xe2: {  	v7 =	vmul.f32 v10, v7;
	v6 =	vmul.f32 v6, v11;
	v14 =	vld [tilespmem:s15+$0x10]  }
0xe3: {  	v5 =	vmul.f32 v5, v8;
	v15 =	vld [tilespmem:s10+$0x0]  }
0xe4: {  	v17 =	vmul.f32 $9.999999740e-05, v7;
	v8 =	vmul.f32 $9.999999740e-05, v6;
	v16 =	vld [tilespmem:s10+$0xFFFFFFF0];
	[tilespmem:s12+$0x0] =	vst v7  }
0xe5: {  	v4 =	vmul.f32 v9, v4;
	v10 =	vld [tilespmem:s15+$0x0];
	[tilespmem:s12+$0xFFFFFFE0] =	vst v6;
	v6 =	vmul.f32 $9.999999740e-05, v5  }
0xe6: {  	[tilespmem:v2+s7+$0x0] =	vst.idx.add.f32.msk $0xffff, v8;
	v2 =	vmov v13  }
0xe7: {  	v8 =	vld [tilespmem:s10+$0x10];
	[tilespmem:s12+$0x10] =	vst v5  }
0xe8: {  	[tilespmem:v3+s7+$0x0] =	vst.idx.add.f32.msk $0xffff, v6  }
0xe9: {  	v13 =	vmul.f32 $9.999999740e-05, v4;
	v9 =	vld [tilespmem:s15+$0xFFFFFFF0];
	[tilespmem:s12+$0xFFFFFFF0] =	vst v4;
	s12 =	smov.u32 s13  }
0xea: {  	v5 =	vld.idx.msk [tilespmem:v14+s11+$0x0], $0xffff  }
0xeb: {  	v6 =	vld.idx.msk [tilespmem:v12+s11+$0x0], $0xffff  }
0xec: {  	v4 =	vld.idx.msk [tilespmem:v16+s11+$0x0], $0xffff;
	v3 =	vmov v8  }
0xed: {  	v7 =	vld.idx.msk [tilespmem:v15+s11+$0x0], $0xffff  }
0xee: {  	v10 =	vld.idx.msk [tilespmem:v10+s11+$0x0], $0xffff  }
.Ltmp5:
0xef: {  	v8 =	vld.idx.msk [tilespmem:v8+s11+$0x0], $0xffff;
	(pc) =	sbr.rel @p0 .LBB2_11-.Ltmp5, $4  }
0xf0: {  	v11 =	vld.idx.msk [tilespmem:v2+s11+$0x0], $0xffff  }
0xf1: {  	[tilespmem:v1+s7+$0x0] =	vst.idx.add.f32.msk $0xffff, v17;
	v1 =	vmov v15  }
0xf2: {  	[tilespmem:v0+s7+$0x0] =	vst.idx.add.f32.msk $0xffff, v13;
	v0 =	vmov v16  }
0xf3: {  	s15 =	sadd.s32 $0x40, s15;
	v9 =	vld.idx.msk [tilespmem:v9+s11+$0x0], $0xffff  }
0xf4: {  	v7 =	vmul.f32 v10, v7  }
0xf5: {  	v5 =	vmul.f32 v5, v8;
	v6 =	vmul.f32 v6, v11  }
0xf6: {  	[tilespmem:s12+$0x0] =	vst v7  }
0xf7: {  	[tilespmem:s12+$0x10] =	vst v5;
	v61 =	vmul.f32 $9.999999740e-05, v6  }
0xf8: {  	v62 =	vmul.f32 $9.999999740e-05, v5;
	[tilespmem:s12+$0xFFFFFFE0] =	vst v6  }
0xf9: {  	[tilespmem:v2+s7+$0x0] =	vst.idx.add.f32.msk $0xffff, v61;
	v2 =	vmul.f32 v9, v4  }
0xfa: {  	v63 =	vmul.f32 $9.999999740e-05, v7;
	[tilespmem:v3+s7+$0x0] =	vst.idx.add.f32.msk $0xffff, v62  }
0xfb: {  	[tilespmem:s12+$0xFFFFFFF0] =	vst v2;
	v2 =	vmul.f32 $9.999999740e-05, v2  }
0xfc: {  	[tilespmem:v1+s7+$0x0] =	vst.idx.add.f32.msk $0xffff, v63  }
0xfd: {  	[tilespmem:v0+s7+$0x0] =	vst.idx.add.f32.msk $0xffff, v2  }
0xfe: {  	v0 =	vld [tilespmem:$0x2700]  }
0xff: {  	v1 =	vld [tilespmem:$0x4E80];
	_ =	sdelay $0x5  }
0x100: {  	s25 =	simm.s32 $0xC680  }
0x101: {  	v2 =	vld.idx.msk [tilespmem:v0+s25+$0x0], $0xffff  }
0x102: {  	v1 =	vld.idx.msk [tilespmem:v1+s25+$0x0], $0xffff;
	_ =	sdelay $0x4  }
0x103: {  	v1 =	vmul.f32 v1, v2;
	_ =	sdelay $0x1  }
0x104: {  	v2 =	vmul.f32 $9.999999740e-05, v1  }
0x105: {  	s26 =	simm.s32 $0x9E80;
	[tilespmem:$0x7600] =	vst v1  }
0x106: {  	s10 =	simm.s32 $0x50;
	s11 =	simm.s32 $0xEE80;
	[tilespmem:v0+s26+$0x0] =	vst.idx.add.f32.msk $0xffff, v2  }
0x107: {  	[spmem:s3] =	stream.indirect.scatter.add.f32 [tilespmem:s26], [sflag:$0x1], $0x80, s11, s10, $0xb8;
	[tilespmem:$0xFD00] =	vst v63  }
0x108: {  	s28 =	simm.s32 $0xEF00;
	s29 =	simm.s32 $0x3;
	s10 =	sadd.s32 s4, s8  }
0x109: {  	[spmem:s10] =	stream.linear.scatter [tilespmem:s28], [sflag:$0x3], $0x280, $0x38;
	[tilespmem:$0xFD00] =	vst v63  }
0x10a: {  	_ =	swait.ge [sflag:s29], $0x280  }
0x10b: {  	[sflag:s29] =	ssyncset.done $0x0  }
0x10c: {  	s30 =	simm.s32 $0x1;
	[sflag:s29] =	ssyncadd.s32 $0xFFFFFD80  }
0x10d: {  	_ =	swait.ge [sflag:s30], $0x2800  }
0x10e: {  	[sflag:s30] =	ssyncset.done $0x0  }
0x10f: {  	[sflag:s30] =	ssyncadd.s32 $0xFFFFD800  }
0x110: {  	s31 =	simm.s32 $0x7680;
	s7 =	simm.s32 $0x9EC0;
	[bflag:$0x0] =	sbarrier.arrive $0xFFFF  }
0x111: {  	v0 =	vimm.f32 $0.0e+00;
	[tilespmem:s31], [sflag:$0x2] =	stream.linear.gather [spmem:s3], $0x2800, $0x38;
	[tilespmem:$0xFD00] =	vst v63  }
0x112: {  	[tilespmem:s7+$0xFFFFFFC0] =	vst v0  }
0x113: {  	[tilespmem:s7+$0x30] =	vst v0  }
0x114: {  	[tilespmem:s7+$0x20] =	vst v0  }
0x115: {  	[tilespmem:s7+$0x10] =	vst v0  }
0x116: {  	[tilespmem:s7+$0x0] =	vst v0  }
0x117: {  	[tilespmem:s7+$0xFFFFFFF0] =	vst v0  }
0x118: {  	s11 =	simm.s32 $0x0;
	[tilespmem:s7+$0xFFFFFFE0] =	vst v0  }
.LBB2_13:
0x119: {  	s11 =	sadd.s32 $0x8, s11;
	[tilespmem:s7+$0xFFFFFFD0] =	vst v0;
	s7 =	sadd.s32 $0x80, s7  }
0x11a: {  	[tilespmem:s7+$0xFFFFFFC0] =	vst v0;
	p0 =	slt.u32 s11, $0x278  }
0x11b: {  	[tilespmem:s7+$0x30] =	vst v0  }
.Ltmp6:
0x11c: {  	[tilespmem:s7+$0x20] =	vst v0;
	(pc) =	sbr.rel @p0 .LBB2_13-.Ltmp6, $4  }
0x11d: {  	[tilespmem:s7+$0x10] =	vst v0  }
0x11e: {  	[tilespmem:s7+$0x0] =	vst v0  }
0x11f: {  	[tilespmem:s7+$0xFFFFFFF0] =	vst v0  }
0x120: {  	[tilespmem:s7+$0xFFFFFFE0] =	vst v0  }
0x121: {  	s11 =	simm.s32 $0x2  }
0x122: {  	[tilespmem:s7+$0xFFFFFFD0] =	vst v0;
	s7 =	smul.u32 $0x5, s0;
	s25 =	simm.s32 $0x40;
	s17 =	simm.s32 $0x0  }
0x123: {  	s18 =	simm.s32 $0x10;
	s31 =	simm.s32 $0x20;
	_ =	swait.ge [sflag:s11], $0x2800  }
0x124: {  	s26 =	sand.u32 $0x70, s17;
	s28 =	sand.u32 $0x70, s18;
	s17 =	simm.s32 $0x30  }
0x125: {  	[sflag:s11] =	ssyncset.done $0x0;
	s12 =	sadd.s32 $0x0, s7;
	s13 =	sadd.s32 $0x0, s7  }
0x126: {  	s14 =	sadd.s32 $0x0, s7;
	s15 =	sadd.s32 $0x0, s7;
	s16 =	sadd.s32 $0x0, s7  }
0x127: {  	[sflag:s11] =	ssyncadd.s32 $0xFFFFD800;
	s12 =	sshll.u32 s12, $0x7;
	s16 =	sshll.u32 s16, $0x7  }
0x128: {  	s13 =	sshll.u32 s13, $0x7;
	s11 =	sand.u32 $0x70, s25;
	s16 =	sand.u32 $0x3FFFFF80, s16  }
0x129: {  	s14 =	sshll.u32 s14, $0x7;
	s12 =	sand.u32 $0x3FFFFF80, s12;
	s11 =	sor.u32 s11, s16  }
0x12a: {  	s30 =	sshll.u32 s15, $0x7;
	s13 =	sand.u32 $0x3FFFFF80, s13;
	s29 =	sor.u32 s26, s12;
	v0 =	vld [tilespmem:s11+$0x7680]  }
0x12b: {  	s15 =	sand.u32 $0x70, s31;
	s13 =	sor.u32 s28, s13;
	s16 =	sand.u32 $0x3FFFFF80, s14;
	v1 =	vld [tilespmem:s29+$0x7680]  }
0x12c: {  	s12 =	sand.u32 $0x3FFFFF80, s30;
	s14 =	sand.u32 $0x70, s17;
	v2 =	vld [tilespmem:s13+$0x7680];
	s13 =	sor.u32 s15, s16  }
0x12d: {  	s18 =	sadd.s32 $0x0, s7;
	s19 =	sadd.s32 $0x0, s7;
	s12 =	sor.u32 s14, s12;
	v3 =	vld [tilespmem:s13+$0x7680]  }
0x12e: {  	s20 =	sadd.s32 $0x0, s7;
	s21 =	sadd.s32 $0x1, s7;
	s23 =	sadd.s32 $0x1, s7;
	v4 =	vld [tilespmem:s12+$0x7680]  }
0x12f: {  	s25 =	sshll.u32 s23, $0x7;
	s26 =	simm.s32 $0x50;
	s11 =	simm.s32 $0xF320;
	v0 =	vmul.f32 $9.000000350e-02, v0  }
0x130: {  	s14 =	sshll.u32 s20, $0x7;
	s15 =	sshll.u32 s21, $0x7;
	s12 =	sshll.u32 s19, $0x7;
	v1 =	vmul.f32 $9.000000350e-02, v1  }
0x131: {  	s24 =	sand.u32 $0x3FFFFF80, s15;
	s15 =	sand.u32 $0x3FFFFF80, s25;
	s22 =	sand.u32 $0x3FFFFF80, s12;
	v2 =	vmul.f32 $9.000000350e-02, v2;
	v0 =	vadd.f32 $9.999999740e-06, v0  }
0x132: {  	s20 =	simm.s32 $0x60;
	s21 =	simm.s32 $0x70;
	s12 =	simm.s32 $0x90;
	v3 =	vmul.f32 $9.000000350e-02, v3;
	v1 =	vadd.f32 $9.999999740e-06, v1  }
0x133: {  	s13 =	sshll.u32 s18, $0x7;
	s18 =	sand.u32 $0x70, s26;
	s19 =	sand.u32 $0x70, s12;
	v2 =	vadd.f32 $9.999999740e-06, v2;
	[tilespmem:s11+$0x20] =	vst v0;
	v0 =	vmul.f32 $9.000000350e-02, v4  }
0x134: {  	s14 =	sand.u32 $0x3FFFFF80, s14;
	s13 =	sand.u32 $0x3FFFFF80, s13;
	s15 =	sor.u32 s19, s15;
	v3 =	vadd.f32 $9.999999740e-06, v3;
	[tilespmem:s11+$0xFFFFFFE0] =	vst v1  }
0x135: {  	s29 =	simm.s32 $0x80;
	s28 =	sand.u32 $0x70, s20;
	s13 =	sor.u32 s18, s13;
	[tilespmem:s11+$0xFFFFFFF0] =	vst v2;
	v4 =	vadd.f32 $9.999999740e-06, v0;
	v0 =	vld [tilespmem:s15+$0x7680]  }
0x136: {  	s30 =	sand.u32 $0x70, s21;
	s31 =	sand.u32 $0x70, s29;
	s16 =	sor.u32 s28, s22;
	v1 =	vld [tilespmem:s13+$0x7680];
	[tilespmem:s11+$0x0] =	vst v3  }
0x137: {  	s13 =	simm.s32 $0x5;
	v2 =	vld [tilespmem:s16+$0x7680];
	s15 =	sor.u32 s30, s14;
	s14 =	sor.u32 s31, s24;
	[tilespmem:s11+$0x10] =	vst v4  }
.LBB2_15:
0x138: {  	s16 =	sadd.s32 $0x6, s13;
	v3 =	vld [tilespmem:s15+$0x7680];
	s15 =	smov.u32 s13  }
0x139: {  	s13 =	sadd.s32 $0x5, s13;
	s11 =	sadd.s32 $0x50, s11;
	s12 =	sadd.s32 $0x50, s12  }
0x13a: {  	s17 =	sshrl.u32 s13, $0x3;
	s18 =	sadd.s32 $0x7, s15;
	s19 =	sadd.s32 $0x8, s15;
	v4 =	vld [tilespmem:s14+$0x7680];
	v0 =	vmul.f32 $9.000000350e-02, v0  }
0x13b: {  	s14 =	sshrl.u32 s16, $0x3;
	s16 =	sshrl.u32 s18, $0x3;
	s18 =	sshrl.u32 s19, $0x3  }
0x13c: {  	s17 =	sadd.s32 s7, s17;
	s14 =	sadd.s32 s7, s14;
	s16 =	sadd.s32 s7, s16;
	v1 =	vmul.f32 $9.000000350e-02, v1;
	v0 =	vadd.f32 $9.999999740e-06, v0  }
0x13d: {  	s15 =	sadd.s32 $0x9, s15;
	s17 =	sshll.u32 s17, $0x7;
	s18 =	sadd.s32 s7, s18;
	v2 =	vmul.f32 $9.000000350e-02, v2  }
0x13e: {  	s20 =	sand.u32 $0x70, s12;
	s14 =	sshll.u32 s14, $0x7;
	s16 =	sshll.u32 s16, $0x7;
	v3 =	vmul.f32 $9.000000350e-02, v3;
	[tilespmem:s11+$0x20] =	vst v0  }
0x13f: {  	s15 =	sshrl.u32 s15, $0x3;
	s17 =	sand.u32 $0x3FFFFF80, s17;
	s18 =	sshll.u32 s18, $0x7;
	v0 =	vadd.f32 $9.999999740e-06, v1;
	v1 =	vadd.f32 $9.999999740e-06, v2;
	v2 =	vmul.f32 $9.000000350e-02, v4  }
0x140: {  	s15 =	sadd.s32 s7, s15;
	s14 =	sand.u32 $0x3FFFFF80, s14;
	s16 =	sand.u32 $0x3FFFFF80, s16;
	v3 =	vadd.f32 $9.999999740e-06, v3  }
0x141: {  	s21 =	sadd.s32 $0xFFFFFFD0, s12;
	s15 =	sshll.u32 s15, $0x7;
	s18 =	sand.u32 $0x3FFFFF80, s18;
	[tilespmem:s11+$0xFFFFFFE0] =	vst v0;
	v2 =	vadd.f32 $9.999999740e-06, v2  }
0x142: {  	p0 =	slt.u32 s13, $0x23;
	s19 =	sadd.s32 $0xFFFFFFC0, s12;
	s15 =	sand.u32 $0x3FFFFF80, s15;
	[tilespmem:s11+$0xFFFFFFF0] =	vst v1  }
.Ltmp7:
0x143: {  	s22 =	sadd.s32 $0xFFFFFFE0, s12;
	s15 =	sor.u32 s20, s15;
	[tilespmem:s11+$0x0] =	vst v3;
	(pc) =	sbr.rel @p0 .LBB2_15-.Ltmp7, $4  }
0x144: {  	s19 =	sand.u32 $0x70, s19;
	s20 =	sand.u32 $0x70, s21;
	s21 =	sadd.s32 $0xFFFFFFF0, s12;
	v0 =	vld [tilespmem:s15+$0x7680];
	[tilespmem:s11+$0x10] =	vst v2  }
0x145: {  	s15 =	sor.u32 s19, s17;
	s17 =	sand.u32 $0x70, s22;
	s19 =	sand.u32 $0x70, s21  }
0x146: {  	s20 =	sor.u32 s20, s14;
	s14 =	sor.u32 s19, s18;
	v1 =	vld [tilespmem:s15+$0x7680];
	s15 =	sor.u32 s17, s16  }
0x147: {  	v2 =	vld [tilespmem:s20+$0x7680]  }
0x148: {  	v3 =	vld [tilespmem:s15+$0x7680]  }
0x149: {  	v4 =	vld [tilespmem:s14+$0x7680]  }
0x14a: {  	v0 =	vmul.f32 $9.000000350e-02, v0  }
0x14b: {  	v1 =	vmul.f32 $9.000000350e-02, v1  }
0x14c: {  	v0 =	vadd.f32 $9.999999740e-06, v0;
	v2 =	vmul.f32 $9.000000350e-02, v2  }
0x14d: {  	s11 =	sadd.s32 $0x50, s11;
	v3 =	vmul.f32 $9.000000350e-02, v3;
	v1 =	vadd.f32 $9.999999740e-06, v1  }
0x14e: {  	[tilespmem:s11+$0x20] =	vst v0;
	v0 =	vadd.f32 $9.999999740e-06, v2;
	v2 =	vmul.f32 $9.000000350e-02, v4  }
0x14f: {  	v3 =	vadd.f32 $9.999999740e-06, v3;
	[tilespmem:s11+$0xFFFFFFE0] =	vst v1  }
0x150: {  	v1 =	vadd.f32 $9.999999740e-06, v2;
	[tilespmem:s11+$0xFFFFFFF0] =	vst v0  }
0x151: {  	[tilespmem:s11+$0x0] =	vst v3  }
0x152: {  	s29 =	simm.s32 $0x27A0;
	[tilespmem:s11+$0x10] =	vst v1  }
0x153: {  	v0 =	vld [tilespmem:s29+$0x10]  }
0x154: {  	v1 =	vld [tilespmem:s29+$0xFFFFFFE0]  }
0x155: {  	v2 =	vld [tilespmem:s29+$0xFFFFFFF0]  }
0x156: {  	s30 =	simm.s32 $0x20;
	v3 =	vld [tilespmem:s29+$0x0]  }
0x157: {  	s13 =	simm.s32 $0x4F20;
	v4 =	vld [tilespmem:s30+$0x10]  }
0x158: {  	s31 =	simm.s32 $0x27E0;
	v5 =	vld [tilespmem:s13+$0x10]  }
0x159: {  	v9 =	vld [tilespmem:s31+$0xFFFFFFE0]  }
0x15a: {  	v6 =	vld [tilespmem:s13+$0xFFFFFFF0]  }
0x15b: {  	s11 =	simm.s32 $0x7680;
	v7 =	vld [tilespmem:s13+$0x0]  }
0x15c: {  	v0 =	vld.idx.msk [tilespmem:v0+s11+$0x0], $0xffff  }
0x15d: {  	v8 =	vld [tilespmem:s30+$0x0]  }
0x15e: {  	v1 =	vld.idx.msk [tilespmem:v1+s11+$0x0], $0xffff  }
0x15f: {  	v2 =	vld.idx.msk [tilespmem:v2+s11+$0x0], $0xffff  }
0x160: {  	v3 =	vld.idx.msk [tilespmem:v3+s11+$0x0], $0xffff  }
0x161: {  	v9 =	vld.idx.msk [tilespmem:v9+s11+$0x0], $0xffff;
	v0 =	vmul.f32 v5, v0  }
0x162: {  	s12 =	simm.s32 $0x9E80;
	v5 =	vld [tilespmem:s30+$0xFFFFFFF0]  }
0x163: {  	[tilespmem:v4+s12+$0x0] =	vst.idx.add.f32.msk $0xffff, v0  }
0x164: {  	v0 =	vld [tilespmem:s31+$0x10]  }
0x165: {  	v2 =	vmul.f32 v6, v2;
	v6 =	vld [tilespmem:s31+$0xFFFFFFF0]  }
0x166: {  	v3 =	vmul.f32 v7, v3;
	v7 =	vld [tilespmem:s31+$0x0]  }
0x167: {  	v4 =	vld [tilespmem:s13+$0xFFFFFFE0]  }
0x168: {  	s14 =	simm.s32 $0x4F60;
	[tilespmem:v8+s12+$0x0] =	vst.idx.add.f32.msk $0xffff, v3  }
0x169: {  	s13 =	simm.s32 $0x60;
	v8 =	vld [tilespmem:s14+$0x10]  }
0x16a: {  	v3 =	vld [tilespmem:s13+$0x10]  }
0x16b: {  	[tilespmem:v5+s12+$0x0] =	vst.idx.add.f32.msk $0xffff, v2  }
0x16c: {  	v5 =	vld.idx.msk [tilespmem:v0+s11+$0x0], $0xffff  }
0x16d: {  	v10 =	vld.idx.msk [tilespmem:v6+s11+$0x0], $0xffff  }
0x16e: {  	v2 =	vld.idx.msk [tilespmem:v7+s11+$0x0], $0xffff  }
0x16f: {  	v7 =	vld [tilespmem:s14+$0xFFFFFFE0]  }
0x170: {  	v6 =	vld [tilespmem:s14+$0x0]  }
0x171: {  	v5 =	vmul.f32 v8, v5;
	v8 =	vld [tilespmem:s14+$0xFFFFFFF0]  }
0x172: {  	v0 =	vld [tilespmem:s30+$0xFFFFFFE0]  }
0x173: {  	[tilespmem:v3+s12+$0x0] =	vst.idx.add.f32.msk $0xffff, v5  }
0x174: {  	v3 =	vld [tilespmem:s13+$0xFFFFFFF0]  }
0x175: {  	v1 =	vmul.f32 v4, v1;
	v4 =	vld [tilespmem:s13+$0x0]  }
0x176: {  	s15 =	simm.s32 $0x4;
	s16 =	simm.s32 $0x2820;
	v5 =	vmul.f32 v7, v9;
	v7 =	vld [tilespmem:s13+$0xFFFFFFE0];
	v8 =	vmul.f32 v8, v10  }
.LBB2_17:
0x177: {  	v9 =	vld [tilespmem:s16+$0x10];
	s15 =	sadd.s32 $0x4, s15;
	v2 =	vmul.f32 v6, v2  }
0x178: {  	v6 =	vld [tilespmem:s16+$0xFFFFFFE0];
	p0 =	slt.u32 s15, $0x26C  }
0x179: {  	v10 =	vld [tilespmem:s16+$0xFFFFFFF0]  }
0x17a: {  	v11 =	vld [tilespmem:s16+$0x0]  }
0x17b: {  	[tilespmem:v0+s12+$0x0] =	vst.idx.add.f32.msk $0xffff, v1;
	v1 =	vmov v5;
	v0 =	vmov v7  }
0x17c: {  	[tilespmem:v3+s12+$0x0] =	vst.idx.add.f32.msk $0xffff, v8  }
0x17d: {  	s13 =	sadd.s32 $0x40, s13;
	[tilespmem:v4+s12+$0x0] =	vst.idx.add.f32.msk $0xffff, v2  }
0x17e: {  	v3 =	vld [tilespmem:s13+$0x10]  }
0x17f: {  	s14 =	sadd.s32 $0x40, s14;
	v4 =	vld.idx.msk [tilespmem:v9+s11+$0x0], $0xffff  }
0x180: {  	v5 =	vld [tilespmem:s14+$0x10]  }
0x181: {  	v7 =	vld.idx.msk [tilespmem:v6+s11+$0x0], $0xffff  }
0x182: {  	v8 =	vld.idx.msk [tilespmem:v10+s11+$0x0], $0xffff  }
0x183: {  	v2 =	vld.idx.msk [tilespmem:v11+s11+$0x0], $0xffff  }
0x184: {  	v9 =	vld [tilespmem:s14+$0xFFFFFFE0]  }
0x185: {  	v10 =	vld [tilespmem:s14+$0xFFFFFFF0];
	v4 =	vmul.f32 v5, v4  }
.Ltmp8:
0x186: {  	v6 =	vld [tilespmem:s14+$0x0];
	(pc) =	sbr.rel @p0 .LBB2_17-.Ltmp8, $4  }
0x187: {  	[tilespmem:v3+s12+$0x0] =	vst.idx.add.f32.msk $0xffff, v4  }
0x188: {  	v3 =	vld [tilespmem:s13+$0xFFFFFFF0]  }
0x189: {  	v5 =	vmul.f32 v9, v7;
	v4 =	vld [tilespmem:s13+$0x0]  }
0x18a: {  	s16 =	sadd.s32 $0x40, s16;
	v7 =	vld [tilespmem:s13+$0xFFFFFFE0];
	v8 =	vmul.f32 v10, v8  }
0x18b: {  	_ =	sdelay $0x4  }
0x18c: {  	v2 =	vmul.f32 v6, v2;
	[tilespmem:v0+s12+$0x0] =	vst.idx.add.f32.msk $0xffff, v1  }
0x18d: {  	[tilespmem:v3+s12+$0x0] =	vst.idx.add.f32.msk $0xffff, v8  }
0x18e: {  	[tilespmem:v4+s12+$0x0] =	vst.idx.add.f32.msk $0xffff, v2  }
0x18f: {  	[tilespmem:v7+s12+$0x0] =	vst.idx.add.f32.msk $0xffff, v5  }
0x190: {  	v0 =	vld [tilespmem:$0x4E80];
	_ =	sdelay $0x5  }
0x191: {  	v1 =	vld [tilespmem:$0x2700]  }
0x192: {  	s11 =	simm.s32 $0x7680;
	v2 =	vld [tilespmem:$0x7600]  }
0x193: {  	v0 =	vld.idx.msk [tilespmem:v0+s11+$0x0], $0xffff;
	_ =	sdelay $0x4  }
0x194: {  	v0 =	vmul.f32 v2, v0  }
0x195: {  	s28 =	simm.s32 $0x9E80  }
0x196: {  	s13 =	simm.s32 $0x50;
	s14 =	simm.s32 $0xEE80;
	[tilespmem:v1+s28+$0x0] =	vst.idx.add.f32.msk $0xffff, v0  }
0x197: {  	[spmem:s8] =	stream.indirect.scatter.add.f32 [tilespmem:s28], [sflag:$0x1], $0x80, s14, s13, $0xb8;
	[tilespmem:$0xFD00] =	vst v63  }
0x198: {  	s29 =	simm.s32 $0xEF00;
	s30 =	simm.s32 $0x3  }
0x199: {  	[spmem:s9] =	stream.linear.scatter [tilespmem:s29], [sflag:$0x3], $0x280, $0x38;
	[tilespmem:$0xFD00] =	vst v63  }
0x19a: {  	_ =	swait.ge [sflag:s30], $0x280  }
0x19b: {  	[sflag:s30] =	ssyncset.done $0x0  }
0x19c: {  	s31 =	simm.s32 $0x1;
	[sflag:s30] =	ssyncadd.s32 $0xFFFFFD80  }
0x19d: {  	_ =	swait.ge [sflag:s31], $0x2800  }
0x19e: {  	[sflag:s31] =	ssyncset.done $0x0  }
0x19f: {  	[sflag:s31] =	ssyncadd.s32 $0xFFFFD800  }
0x1a0: {  	[bflag:$0x0] =	sbarrier.arrive $0xFFFF  }
0x1a1: {  	[tilespmem:s11], [sflag:$0x2] =	stream.linear.gather [spmem:s8], $0x2800, $0x38;
	[tilespmem:$0xFD00] =	vst v63  }
0x1a2: {  	v0 =	vimm.f32 $0.0e+00;
	s11 =	simm.s32 $0x9EC0  }
0x1a3: {  	[tilespmem:s11+$0xFFFFFFC0] =	vst v0  }
0x1a4: {  	[tilespmem:s11+$0x30] =	vst v0  }
0x1a5: {  	[tilespmem:s11+$0x20] =	vst v0  }
0x1a6: {  	[tilespmem:s11+$0x10] =	vst v0  }
0x1a7: {  	[tilespmem:s11+$0x0] =	vst v0  }
0x1a8: {  	[tilespmem:s11+$0xFFFFFFF0] =	vst v0  }
0x1a9: {  	s12 =	simm.s32 $0x0;
	[tilespmem:s11+$0xFFFFFFE0] =	vst v0  }
.LBB2_19:
0x1aa: {  	s12 =	sadd.s32 $0x8, s12;
	[tilespmem:s11+$0xFFFFFFD0] =	vst v0;
	s11 =	sadd.s32 $0x80, s11  }
0x1ab: {  	[tilespmem:s11+$0xFFFFFFC0] =	vst v0;
	p0 =	slt.u32 s12, $0x278  }
0x1ac: {  	[tilespmem:s11+$0x30] =	vst v0  }
.Ltmp9:
0x1ad: {  	[tilespmem:s11+$0x20] =	vst v0;
	(pc) =	sbr.rel @p0 .LBB2_19-.Ltmp9, $4  }
0x1ae: {  	[tilespmem:s11+$0x10] =	vst v0  }
0x1af: {  	[tilespmem:s11+$0x0] =	vst v0  }
0x1b0: {  	[tilespmem:s11+$0xFFFFFFF0] =	vst v0  }
0x1b1: {  	[tilespmem:s11+$0xFFFFFFE0] =	vst v0  }
0x1b2: {  	s26 =	simm.s32 $0x2  }
0x1b3: {  	[tilespmem:s11+$0xFFFFFFD0] =	vst v0;
	s12 =	simm.s32 $0x40;
	s11 =	simm.s32 $0xF320;
	s14 =	sadd.s32 $0x0, s7  }
0x1b4: {  	s13 =	simm.s32 $0x0;
	s15 =	sadd.s32 $0x0, s7;
	s16 =	sadd.s32 $0x0, s7  }
0x1b5: {  	s17 =	sadd.s32 $0x0, s7;
	s18 =	sadd.s32 $0x0, s7;
	s29 =	simm.s32 $0x0  }
0x1b6: {  	s21 =	simm.s32 $0x10;
	s22 =	simm.s32 $0x20;
	s31 =	simm.s32 $0x30  }
0x1b7: {  	_ =	swait.ge [sflag:s26], $0x2800;
	s14 =	sshll.u32 s14, $0x7;
	s15 =	sshll.u32 s15, $0x7  }
0x1b8: {  	s16 =	sshll.u32 s16, $0x7;
	s17 =	sshll.u32 s17, $0x7;
	s28 =	sshll.u32 s18, $0x7  }
0x1b9: {  	s20 =	sand.u32 $0x70, s12;
	s18 =	sand.u32 $0x70, s29;
	s30 =	sand.u32 $0x70, s21  }
0x1ba: {  	[sflag:s26] =	ssyncset.done $0x0;
	s19 =	sand.u32 $0x3FFFFF80, s17;
	s17 =	sand.u32 $0x3FFFFF80, s28  }
0x1bb: {  	s22 =	sand.u32 $0x70, s22;
	[sflag:s26] =	ssyncadd.s32 $0xFFFFD800;
	s17 =	sor.u32 s20, s17  }
0x1bc: {  	s21 =	sand.u32 $0x70, s31;
	s14 =	sand.u32 $0x3FFFFF80, s14;
	s15 =	sand.u32 $0x3FFFFF80, s15;
	v0 =	vld [tilespmem:s17+$0x7680]  }
0x1bd: {  	s16 =	sand.u32 $0x3FFFFF80, s16;
	s14 =	sor.u32 s18, s14;
	s17 =	sor.u32 s30, s15;
	v1 =	vld [tilespmem:s11+$0x20]  }
0x1be: {  	s15 =	sor.u32 s22, s16;
	v2 =	vld [tilespmem:s14+$0x7680];
	s16 =	sor.u32 s21, s19;
	s14 =	simm.s32 $0xF320  }
.LBB2_21:
0x1bf: {  	v3 =	vld [tilespmem:s17+$0x7680];
	s17 =	smov.u32 s13  }
0x1c0: {  	s13 =	sadd.s32 $0x5, s13;
	s12 =	sadd.s32 $0x50, s12;
	s18 =	sadd.s32 $0x6, s17  }
0x1c1: {  	s19 =	sadd.s32 $0x7, s17;
	s20 =	sadd.s32 $0x8, s17;
	v4 =	vld [tilespmem:s15+$0x7680];
	v0 =	vmul.f32 $8.100000020e-02, v0;
	s15 =	sshrl.u32 s13, $0x3  }
0x1c2: {  	s17 =	sadd.s32 $0x9, s17;
	s18 =	sshrl.u32 s18, $0x3;
	s19 =	sshrl.u32 s19, $0x3;
	v5 =	vld [tilespmem:s16+$0x7680]  }
0x1c3: {  	s15 =	sadd.s32 s7, s15;
	s16 =	sadd.s32 s7, s18;
	s18 =	sshrl.u32 s20, $0x3;
	v6 =	vld [tilespmem:s11+$0xFFFFFFE0];
	v0 =	vadd.f32 v0, v1  }
0x1c4: {  	s15 =	sshll.u32 s15, $0x7;
	s19 =	sadd.s32 s7, s19;
	s18 =	sadd.s32 s7, s18;
	v1 =	vmul.f32 $8.100000020e-02, v2;
	v2 =	vld [tilespmem:s11+$0xFFFFFFF0]  }
0x1c5: {  	s21 =	sand.u32 $0x70, s12;
	s16 =	sshll.u32 s16, $0x7;
	s19 =	sshll.u32 s19, $0x7;
	v3 =	vmul.f32 $8.100000020e-02, v3;
	v7 =	vld [tilespmem:s11+$0x0];
	[tilespmem:s11+$0x20] =	vst v0  }
0x1c6: {  	s17 =	sshrl.u32 s17, $0x3;
	s15 =	sand.u32 $0x3FFFFF80, s15;
	s18 =	sshll.u32 s18, $0x7;
	v0 =	vmul.f32 $8.100000020e-02, v4;
	v4 =	vld [tilespmem:s11+$0x10]  }
0x1c7: {  	s17 =	sadd.s32 s7, s17;
	s16 =	sand.u32 $0x3FFFFF80, s16;
	s19 =	sand.u32 $0x3FFFFF80, s19;
	v5 =	vmul.f32 $8.100000020e-02, v5  }
0x1c8: {  	s22 =	sadd.s32 $0xFFFFFFD0, s12;
	s17 =	sshll.u32 s17, $0x7;
	s18 =	sand.u32 $0x3FFFFF80, s18;
	v1 =	vadd.f32 v1, v6  }
0x1c9: {  	p0 =	slt.u32 s13, $0x23;
	s20 =	sadd.s32 $0xFFFFFFC0, s12;
	s17 =	sand.u32 $0x3FFFFF80, s17;
	v2 =	vadd.f32 v3, v2  }
.Ltmp10:
0x1ca: {  	s23 =	sadd.s32 $0xFFFFFFE0, s12;
	s17 =	sor.u32 s21, s17;
	[tilespmem:s11+$0xFFFFFFE0] =	vst v1;
	v1 =	vadd.f32 v0, v7;
	(pc) =	sbr.rel @p0 .LBB2_21-.Ltmp10, $4  }
0x1cb: {  	s20 =	sand.u32 $0x70, s20;
	s21 =	sand.u32 $0x70, s22;
	s22 =	sadd.s32 $0xFFFFFFF0, s12;
	v0 =	vld [tilespmem:s17+$0x7680];
	[tilespmem:s11+$0xFFFFFFF0] =	vst v2;
	v2 =	vadd.f32 v5, v4  }
0x1cc: {  	s23 =	sand.u32 $0x70, s23;
	s22 =	sand.u32 $0x70, s22;
	s11 =	sadd.s32 $0x50, s11;
	[tilespmem:s14+$0x0] =	vst v1  }
0x1cd: {  	s20 =	sor.u32 s20, s15;
	s15 =	sor.u32 s23, s19;
	s17 =	sor.u32 s21, s16;
	v1 =	vld [tilespmem:s11+$0x20];
	[tilespmem:s14+$0x10] =	vst v2  }
0x1ce: {  	s16 =	sor.u32 s22, s18;
	s14 =	smov.u32 s11;
	v2 =	vld [tilespmem:s20+$0x7680]  }
0x1cf: {  	v3 =	vld [tilespmem:s17+$0x7680]  }
0x1d0: {  	v4 =	vld [tilespmem:s15+$0x7680]  }
0x1d1: {  	v5 =	vld [tilespmem:s16+$0x7680]  }
0x1d2: {  	v6 =	vld [tilespmem:s11+$0xFFFFFFE0]  }
0x1d3: {  	v7 =	vld [tilespmem:s11+$0xFFFFFFF0];
	v0 =	vmul.f32 $8.100000020e-02, v0  }
0x1d4: {  	v9 =	vld [tilespmem:s11+$0x10]  }
0x1d5: {  	v8 =	vld [tilespmem:s11+$0x0];
	v0 =	vadd.f32 v0, v1;
	v2 =	vmul.f32 $8.100000020e-02, v2  }
0x1d6: {  	v1 =	vmul.f32 $8.100000020e-02, v3  }
0x1d7: {  	[tilespmem:s11+$0x20] =	vst v0;
	v0 =	vmul.f32 $8.100000020e-02, v5;
	v2 =	vadd.f32 v2, v6  }
0x1d8: {  	v3 =	vmul.f32 $8.100000020e-02, v4;
	v1 =	vadd.f32 v1, v7  }
0x1d9: {  	v0 =	vadd.f32 v0, v9;
	[tilespmem:s11+$0xFFFFFFE0] =	vst v2  }
0x1da: {  	v2 =	vadd.f32 v3, v8;
	[tilespmem:s11+$0xFFFFFFF0] =	vst v1  }
0x1db: {  	[tilespmem:s14+$0x10] =	vst v0  }
0x1dc: {  	s29 =	simm.s32 $0x27A0;
	[tilespmem:s14+$0x0] =	vst v2  }
0x1dd: {  	v0 =	vld [tilespmem:s29+$0x10]  }
0x1de: {  	v1 =	vld [tilespmem:s29+$0xFFFFFFE0]  }
0x1df: {  	v2 =	vld [tilespmem:s29+$0xFFFFFFF0]  }
0x1e0: {  	s30 =	simm.s32 $0x20;
	v3 =	vld [tilespmem:s29+$0x0]  }
0x1e1: {  	s13 =	simm.s32 $0x4F20;
	v4 =	vld [tilespmem:s30+$0x10]  }
0x1e2: {  	s31 =	simm.s32 $0x27E0;
	v5 =	vld [tilespmem:s13+$0x10]  }
0x1e3: {  	v9 =	vld [tilespmem:s31+$0xFFFFFFE0]  }
0x1e4: {  	v6 =	vld [tilespmem:s13+$0xFFFFFFF0]  }
0x1e5: {  	s11 =	simm.s32 $0x7680;
	v7 =	vld [tilespmem:s13+$0x0]  }
0x1e6: {  	v0 =	vld.idx.msk [tilespmem:v0+s11+$0x0], $0xffff  }
0x1e7: {  	v8 =	vld [tilespmem:s30+$0x0]  }
0x1e8: {  	v1 =	vld.idx.msk [tilespmem:v1+s11+$0x0], $0xffff  }
0x1e9: {  	v2 =	vld.idx.msk [tilespmem:v2+s11+$0x0], $0xffff  }
0x1ea: {  	v3 =	vld.idx.msk [tilespmem:v3+s11+$0x0], $0xffff  }
0x1eb: {  	v9 =	vld.idx.msk [tilespmem:v9+s11+$0x0], $0xffff;
	v0 =	vmul.f32 v5, v0  }
0x1ec: {  	s12 =	simm.s32 $0x9E80;
	v5 =	vld [tilespmem:s30+$0xFFFFFFF0]  }
0x1ed: {  	[tilespmem:v4+s12+$0x0] =	vst.idx.add.f32.msk $0xffff, v0  }
0x1ee: {  	v0 =	vld [tilespmem:s31+$0x10]  }
0x1ef: {  	v2 =	vmul.f32 v6, v2;
	v6 =	vld [tilespmem:s31+$0xFFFFFFF0]  }
0x1f0: {  	v3 =	vmul.f32 v7, v3;
	v7 =	vld [tilespmem:s31+$0x0]  }
0x1f1: {  	v4 =	vld [tilespmem:s13+$0xFFFFFFE0]  }
0x1f2: {  	s14 =	simm.s32 $0x4F60;
	[tilespmem:v8+s12+$0x0] =	vst.idx.add.f32.msk $0xffff, v3  }
0x1f3: {  	s13 =	simm.s32 $0x60;
	v8 =	vld [tilespmem:s14+$0x10]  }
0x1f4: {  	v3 =	vld [tilespmem:s13+$0x10]  }
0x1f5: {  	[tilespmem:v5+s12+$0x0] =	vst.idx.add.f32.msk $0xffff, v2  }
0x1f6: {  	v5 =	vld.idx.msk [tilespmem:v0+s11+$0x0], $0xffff  }
0x1f7: {  	v10 =	vld.idx.msk [tilespmem:v6+s11+$0x0], $0xffff  }
0x1f8: {  	v2 =	vld.idx.msk [tilespmem:v7+s11+$0x0], $0xffff  }
0x1f9: {  	v7 =	vld [tilespmem:s14+$0xFFFFFFE0]  }
0x1fa: {  	v6 =	vld [tilespmem:s14+$0x0]  }
0x1fb: {  	v5 =	vmul.f32 v8, v5;
	v8 =	vld [tilespmem:s14+$0xFFFFFFF0]  }
0x1fc: {  	v0 =	vld [tilespmem:s30+$0xFFFFFFE0]  }
0x1fd: {  	[tilespmem:v3+s12+$0x0] =	vst.idx.add.f32.msk $0xffff, v5  }
0x1fe: {  	v3 =	vld [tilespmem:s13+$0xFFFFFFF0]  }
0x1ff: {  	v1 =	vmul.f32 v4, v1;
	v4 =	vld [tilespmem:s13+$0x0]  }
0x200: {  	s15 =	simm.s32 $0x4;
	s16 =	simm.s32 $0x2820;
	v5 =	vmul.f32 v7, v9;
	v7 =	vld [tilespmem:s13+$0xFFFFFFE0];
	v8 =	vmul.f32 v8, v10  }
.LBB2_23:
0x201: {  	v9 =	vld [tilespmem:s16+$0x10];
	s15 =	sadd.s32 $0x4, s15;
	v2 =	vmul.f32 v6, v2  }
0x202: {  	v6 =	vld [tilespmem:s16+$0xFFFFFFE0];
	p0 =	slt.u32 s15, $0x26C  }
0x203: {  	v10 =	vld [tilespmem:s16+$0xFFFFFFF0]  }
0x204: {  	v11 =	vld [tilespmem:s16+$0x0]  }
0x205: {  	[tilespmem:v0+s12+$0x0] =	vst.idx.add.f32.msk $0xffff, v1;
	v1 =	vmov v5;
	v0 =	vmov v7  }
0x206: {  	[tilespmem:v3+s12+$0x0] =	vst.idx.add.f32.msk $0xffff, v8  }
0x207: {  	s13 =	sadd.s32 $0x40, s13;
	[tilespmem:v4+s12+$0x0] =	vst.idx.add.f32.msk $0xffff, v2  }
0x208: {  	v3 =	vld [tilespmem:s13+$0x10]  }
0x209: {  	s14 =	sadd.s32 $0x40, s14;
	v4 =	vld.idx.msk [tilespmem:v9+s11+$0x0], $0xffff  }
0x20a: {  	v5 =	vld [tilespmem:s14+$0x10]  }
0x20b: {  	v7 =	vld.idx.msk [tilespmem:v6+s11+$0x0], $0xffff  }
0x20c: {  	v8 =	vld.idx.msk [tilespmem:v10+s11+$0x0], $0xffff  }
0x20d: {  	v2 =	vld.idx.msk [tilespmem:v11+s11+$0x0], $0xffff  }
0x20e: {  	v9 =	vld [tilespmem:s14+$0xFFFFFFE0]  }
0x20f: {  	v10 =	vld [tilespmem:s14+$0xFFFFFFF0];
	v4 =	vmul.f32 v5, v4  }
.Ltmp11:
0x210: {  	v6 =	vld [tilespmem:s14+$0x0];
	(pc) =	sbr.rel @p0 .LBB2_23-.Ltmp11, $4  }
0x211: {  	[tilespmem:v3+s12+$0x0] =	vst.idx.add.f32.msk $0xffff, v4  }
0x212: {  	v3 =	vld [tilespmem:s13+$0xFFFFFFF0]  }
0x213: {  	v5 =	vmul.f32 v9, v7;
	v4 =	vld [tilespmem:s13+$0x0]  }
0x214: {  	s16 =	sadd.s32 $0x40, s16;
	v7 =	vld [tilespmem:s13+$0xFFFFFFE0];
	v8 =	vmul.f32 v10, v8  }
0x215: {  	_ =	sdelay $0x4  }
0x216: {  	v2 =	vmul.f32 v6, v2;
	[tilespmem:v0+s12+$0x0] =	vst.idx.add.f32.msk $0xffff, v1  }
0x217: {  	[tilespmem:v3+s12+$0x0] =	vst.idx.add.f32.msk $0xffff, v8  }
0x218: {  	[tilespmem:v4+s12+$0x0] =	vst.idx.add.f32.msk $0xffff, v2  }
0x219: {  	[tilespmem:v7+s12+$0x0] =	vst.idx.add.f32.msk $0xffff, v5  }
0x21a: {  	v0 =	vld [tilespmem:$0x4E80];
	_ =	sdelay $0x5  }
0x21b: {  	v1 =	vld [tilespmem:$0x2700]  }
0x21c: {  	s11 =	simm.s32 $0x7680;
	v2 =	vld [tilespmem:$0x7600]  }
0x21d: {  	v0 =	vld.idx.msk [tilespmem:v0+s11+$0x0], $0xffff;
	_ =	sdelay $0x4  }
0x21e: {  	v0 =	vmul.f32 v2, v0  }
0x21f: {  	s28 =	simm.s32 $0x9E80  }
0x220: {  	s13 =	simm.s32 $0x50;
	s14 =	simm.s32 $0xEE80;
	[tilespmem:v1+s28+$0x0] =	vst.idx.add.f32.msk $0xffff, v0  }
0x221: {  	[spmem:s6] =	stream.indirect.scatter.add.f32 [tilespmem:s28], [sflag:$0x1], $0x80, s14, s13, $0xb8;
	[tilespmem:$0xFD00] =	vst v63  }
0x222: {  	s29 =	simm.s32 $0xEF00;
	s30 =	simm.s32 $0x3  }
0x223: {  	[spmem:s5] =	stream.linear.scatter [tilespmem:s29], [sflag:$0x3], $0x280, $0x38;
	[tilespmem:$0xFD00] =	vst v63  }
0x224: {  	_ =	swait.ge [sflag:s30], $0x280  }
0x225: {  	[sflag:s30] =	ssyncset.done $0x0  }
0x226: {  	s31 =	simm.s32 $0x1;
	[sflag:s30] =	ssyncadd.s32 $0xFFFFFD80  }
0x227: {  	_ =	swait.ge [sflag:s31], $0x2800  }
0x228: {  	[sflag:s31] =	ssyncset.done $0x0  }
0x229: {  	[sflag:s31] =	ssyncadd.s32 $0xFFFFD800  }
0x22a: {  	[bflag:$0x0] =	sbarrier.arrive $0xFFFF  }
0x22b: {  	[tilespmem:s11], [sflag:$0x2] =	stream.linear.gather [spmem:s6], $0x2800, $0x38;
	[tilespmem:$0xFD00] =	vst v63  }
0x22c: {  	v0 =	vimm.f32 $0.0e+00;
	s11 =	simm.s32 $0x9EC0  }
0x22d: {  	[tilespmem:s11+$0xFFFFFFC0] =	vst v0  }
0x22e: {  	[tilespmem:s11+$0x30] =	vst v0  }
0x22f: {  	[tilespmem:s11+$0x20] =	vst v0  }
0x230: {  	[tilespmem:s11+$0x10] =	vst v0  }
0x231: {  	[tilespmem:s11+$0x0] =	vst v0  }
0x232: {  	[tilespmem:s11+$0xFFFFFFF0] =	vst v0  }
0x233: {  	s12 =	simm.s32 $0x0;
	[tilespmem:s11+$0xFFFFFFE0] =	vst v0  }
.LBB2_25:
0x234: {  	s12 =	sadd.s32 $0x8, s12;
	[tilespmem:s11+$0xFFFFFFD0] =	vst v0;
	s11 =	sadd.s32 $0x80, s11  }
0x235: {  	[tilespmem:s11+$0xFFFFFFC0] =	vst v0;
	p0 =	slt.u32 s12, $0x278  }
0x236: {  	[tilespmem:s11+$0x30] =	vst v0  }
.Ltmp12:
0x237: {  	[tilespmem:s11+$0x20] =	vst v0;
	(pc) =	sbr.rel @p0 .LBB2_25-.Ltmp12, $4  }
0x238: {  	[tilespmem:s11+$0x10] =	vst v0  }
0x239: {  	[tilespmem:s11+$0x0] =	vst v0  }
0x23a: {  	[tilespmem:s11+$0xFFFFFFF0] =	vst v0  }
0x23b: {  	[tilespmem:s11+$0xFFFFFFE0] =	vst v0  }
0x23c: {  	s26 =	simm.s32 $0x2  }
0x23d: {  	[tilespmem:s11+$0xFFFFFFD0] =	vst v0;
	s12 =	simm.s32 $0x40;
	s11 =	simm.s32 $0xF320;
	s14 =	sadd.s32 $0x0, s7  }
0x23e: {  	s13 =	simm.s32 $0x0;
	s15 =	sadd.s32 $0x0, s7;
	s16 =	sadd.s32 $0x0, s7  }
0x23f: {  	s17 =	sadd.s32 $0x0, s7;
	s18 =	sadd.s32 $0x0, s7;
	s29 =	simm.s32 $0x0  }
0x240: {  	s21 =	simm.s32 $0x10;
	s22 =	simm.s32 $0x20;
	s31 =	simm.s32 $0x30  }
0x241: {  	_ =	swait.ge [sflag:s26], $0x2800;
	s14 =	sshll.u32 s14, $0x7;
	s15 =	sshll.u32 s15, $0x7  }
0x242: {  	s16 =	sshll.u32 s16, $0x7;
	s17 =	sshll.u32 s17, $0x7;
	s28 =	sshll.u32 s18, $0x7  }
0x243: {  	s20 =	sand.u32 $0x70, s12;
	s18 =	sand.u32 $0x70, s29;
	s30 =	sand.u32 $0x70, s21  }
0x244: {  	[sflag:s26] =	ssyncset.done $0x0;
	s19 =	sand.u32 $0x3FFFFF80, s17;
	s17 =	sand.u32 $0x3FFFFF80, s28  }
0x245: {  	s22 =	sand.u32 $0x70, s22;
	[sflag:s26] =	ssyncadd.s32 $0xFFFFD800;
	s17 =	sor.u32 s20, s17  }
0x246: {  	s21 =	sand.u32 $0x70, s31;
	s14 =	sand.u32 $0x3FFFFF80, s14;
	s15 =	sand.u32 $0x3FFFFF80, s15;
	v0 =	vld [tilespmem:s17+$0x7680]  }
0x247: {  	s16 =	sand.u32 $0x3FFFFF80, s16;
	s14 =	sor.u32 s18, s14;
	s17 =	sor.u32 s30, s15;
	v1 =	vld [tilespmem:s11+$0x20]  }
0x248: {  	s15 =	sor.u32 s22, s16;
	v2 =	vld [tilespmem:s14+$0x7680];
	s16 =	sor.u32 s21, s19;
	s14 =	simm.s32 $0xF320  }
.LBB2_27:
0x249: {  	v3 =	vld [tilespmem:s17+$0x7680];
	s17 =	smov.u32 s13  }
0x24a: {  	s13 =	sadd.s32 $0x5, s13;
	s12 =	sadd.s32 $0x50, s12;
	s18 =	sadd.s32 $0x6, s17  }
0x24b: {  	s19 =	sadd.s32 $0x7, s17;
	s20 =	sadd.s32 $0x8, s17;
	v4 =	vld [tilespmem:s15+$0x7680];
	v0 =	vmul.f32 $7.289999720e-02, v0;
	s15 =	sshrl.u32 s13, $0x3  }
0x24c: {  	s17 =	sadd.s32 $0x9, s17;
	s18 =	sshrl.u32 s18, $0x3;
	s19 =	sshrl.u32 s19, $0x3;
	v5 =	vld [tilespmem:s16+$0x7680]  }
0x24d: {  	s15 =	sadd.s32 s7, s15;
	s16 =	sadd.s32 s7, s18;
	s18 =	sshrl.u32 s20, $0x3;
	v6 =	vld [tilespmem:s11+$0xFFFFFFE0];
	v0 =	vadd.f32 v0, v1  }
0x24e: {  	s15 =	sshll.u32 s15, $0x7;
	s19 =	sadd.s32 s7, s19;
	s18 =	sadd.s32 s7, s18;
	v1 =	vmul.f32 $7.289999720e-02, v2;
	v2 =	vld [tilespmem:s11+$0xFFFFFFF0]  }
0x24f: {  	s21 =	sand.u32 $0x70, s12;
	s16 =	sshll.u32 s16, $0x7;
	s19 =	sshll.u32 s19, $0x7;
	v3 =	vmul.f32 $7.289999720e-02, v3;
	v7 =	vld [tilespmem:s11+$0x0];
	[tilespmem:s11+$0x20] =	vst v0  }
0x250: {  	s17 =	sshrl.u32 s17, $0x3;
	s15 =	sand.u32 $0x3FFFFF80, s15;
	s18 =	sshll.u32 s18, $0x7;
	v0 =	vmul.f32 $7.289999720e-02, v4;
	v4 =	vld [tilespmem:s11+$0x10]  }
0x251: {  	s17 =	sadd.s32 s7, s17;
	s16 =	sand.u32 $0x3FFFFF80, s16;
	s19 =	sand.u32 $0x3FFFFF80, s19;
	v5 =	vmul.f32 $7.289999720e-02, v5  }
0x252: {  	s22 =	sadd.s32 $0xFFFFFFD0, s12;
	s17 =	sshll.u32 s17, $0x7;
	s18 =	sand.u32 $0x3FFFFF80, s18;
	v1 =	vadd.f32 v1, v6  }
0x253: {  	p0 =	slt.u32 s13, $0x23;
	s20 =	sadd.s32 $0xFFFFFFC0, s12;
	s17 =	sand.u32 $0x3FFFFF80, s17;
	v2 =	vadd.f32 v3, v2  }
.Ltmp13:
0x254: {  	s23 =	sadd.s32 $0xFFFFFFE0, s12;
	s17 =	sor.u32 s21, s17;
	[tilespmem:s11+$0xFFFFFFE0] =	vst v1;
	v1 =	vadd.f32 v0, v7;
	(pc) =	sbr.rel @p0 .LBB2_27-.Ltmp13, $4  }
0x255: {  	s20 =	sand.u32 $0x70, s20;
	s21 =	sand.u32 $0x70, s22;
	s22 =	sadd.s32 $0xFFFFFFF0, s12;
	v0 =	vld [tilespmem:s17+$0x7680];
	[tilespmem:s11+$0xFFFFFFF0] =	vst v2;
	v2 =	vadd.f32 v5, v4  }
0x256: {  	s23 =	sand.u32 $0x70, s23;
	s22 =	sand.u32 $0x70, s22;
	s11 =	sadd.s32 $0x50, s11;
	[tilespmem:s14+$0x0] =	vst v1  }
0x257: {  	s20 =	sor.u32 s20, s15;
	s15 =	sor.u32 s23, s19;
	s17 =	sor.u32 s21, s16;
	v1 =	vld [tilespmem:s11+$0x20];
	[tilespmem:s14+$0x10] =	vst v2  }
0x258: {  	s16 =	sor.u32 s22, s18;
	s14 =	smov.u32 s11;
	v2 =	vld [tilespmem:s20+$0x7680]  }
0x259: {  	v3 =	vld [tilespmem:s17+$0x7680]  }
0x25a: {  	v4 =	vld [tilespmem:s15+$0x7680]  }
0x25b: {  	v5 =	vld [tilespmem:s16+$0x7680]  }
0x25c: {  	v6 =	vld [tilespmem:s11+$0xFFFFFFE0]  }
0x25d: {  	v7 =	vld [tilespmem:s11+$0xFFFFFFF0];
	v0 =	vmul.f32 $7.289999720e-02, v0  }
0x25e: {  	v9 =	vld [tilespmem:s11+$0x10]  }
0x25f: {  	v8 =	vld [tilespmem:s11+$0x0];
	v0 =	vadd.f32 v0, v1;
	v2 =	vmul.f32 $7.289999720e-02, v2  }
0x260: {  	v1 =	vmul.f32 $7.289999720e-02, v3  }
0x261: {  	[tilespmem:s11+$0x20] =	vst v0;
	v0 =	vmul.f32 $7.289999720e-02, v5;
	v2 =	vadd.f32 v2, v6  }
0x262: {  	v3 =	vmul.f32 $7.289999720e-02, v4;
	v1 =	vadd.f32 v1, v7  }
0x263: {  	v0 =	vadd.f32 v0, v9;
	[tilespmem:s11+$0xFFFFFFE0] =	vst v2  }
0x264: {  	v2 =	vadd.f32 v3, v8;
	[tilespmem:s11+$0xFFFFFFF0] =	vst v1  }
0x265: {  	[tilespmem:s14+$0x10] =	vst v0  }
0x266: {  	s29 =	simm.s32 $0x27A0;
	[tilespmem:s14+$0x0] =	vst v2  }
0x267: {  	v0 =	vld [tilespmem:s29+$0x10]  }
0x268: {  	v1 =	vld [tilespmem:s29+$0xFFFFFFE0]  }
0x269: {  	v2 =	vld [tilespmem:s29+$0xFFFFFFF0]  }
0x26a: {  	s30 =	simm.s32 $0x20;
	v3 =	vld [tilespmem:s29+$0x0]  }
0x26b: {  	s13 =	simm.s32 $0x4F20;
	v4 =	vld [tilespmem:s30+$0x10]  }
0x26c: {  	s31 =	simm.s32 $0x27E0;
	v5 =	vld [tilespmem:s13+$0x10]  }
0x26d: {  	v9 =	vld [tilespmem:s31+$0xFFFFFFE0]  }
0x26e: {  	v6 =	vld [tilespmem:s13+$0xFFFFFFF0]  }
0x26f: {  	s11 =	simm.s32 $0x7680;
	v7 =	vld [tilespmem:s13+$0x0]  }
0x270: {  	v0 =	vld.idx.msk [tilespmem:v0+s11+$0x0], $0xffff  }
0x271: {  	v8 =	vld [tilespmem:s30+$0x0]  }
0x272: {  	v1 =	vld.idx.msk [tilespmem:v1+s11+$0x0], $0xffff  }
0x273: {  	v2 =	vld.idx.msk [tilespmem:v2+s11+$0x0], $0xffff  }
0x274: {  	v3 =	vld.idx.msk [tilespmem:v3+s11+$0x0], $0xffff  }
0x275: {  	v9 =	vld.idx.msk [tilespmem:v9+s11+$0x0], $0xffff;
	v0 =	vmul.f32 v5, v0  }
0x276: {  	s12 =	simm.s32 $0x9E80;
	v5 =	vld [tilespmem:s30+$0xFFFFFFF0]  }
0x277: {  	[tilespmem:v4+s12+$0x0] =	vst.idx.add.f32.msk $0xffff, v0  }
0x278: {  	v0 =	vld [tilespmem:s31+$0x10]  }
0x279: {  	v2 =	vmul.f32 v6, v2;
	v6 =	vld [tilespmem:s31+$0xFFFFFFF0]  }
0x27a: {  	v3 =	vmul.f32 v7, v3;
	v7 =	vld [tilespmem:s31+$0x0]  }
0x27b: {  	v4 =	vld [tilespmem:s13+$0xFFFFFFE0]  }
0x27c: {  	s14 =	simm.s32 $0x4F60;
	[tilespmem:v8+s12+$0x0] =	vst.idx.add.f32.msk $0xffff, v3  }
0x27d: {  	s13 =	simm.s32 $0x60;
	v8 =	vld [tilespmem:s14+$0x10]  }
0x27e: {  	v3 =	vld [tilespmem:s13+$0x10]  }
0x27f: {  	[tilespmem:v5+s12+$0x0] =	vst.idx.add.f32.msk $0xffff, v2  }
0x280: {  	v5 =	vld.idx.msk [tilespmem:v0+s11+$0x0], $0xffff  }
0x281: {  	v10 =	vld.idx.msk [tilespmem:v6+s11+$0x0], $0xffff  }
0x282: {  	v2 =	vld.idx.msk [tilespmem:v7+s11+$0x0], $0xffff  }
0x283: {  	v7 =	vld [tilespmem:s14+$0xFFFFFFE0]  }
0x284: {  	v6 =	vld [tilespmem:s14+$0x0]  }
0x285: {  	v5 =	vmul.f32 v8, v5;
	v8 =	vld [tilespmem:s14+$0xFFFFFFF0]  }
0x286: {  	v0 =	vld [tilespmem:s30+$0xFFFFFFE0]  }
0x287: {  	[tilespmem:v3+s12+$0x0] =	vst.idx.add.f32.msk $0xffff, v5  }
0x288: {  	v3 =	vld [tilespmem:s13+$0xFFFFFFF0]  }
0x289: {  	v1 =	vmul.f32 v4, v1;
	v4 =	vld [tilespmem:s13+$0x0]  }
0x28a: {  	s15 =	simm.s32 $0x4;
	s16 =	simm.s32 $0x2820;
	v5 =	vmul.f32 v7, v9;
	v7 =	vld [tilespmem:s13+$0xFFFFFFE0];
	v8 =	vmul.f32 v8, v10  }
.LBB2_29:
0x28b: {  	v9 =	vld [tilespmem:s16+$0x10];
	s15 =	sadd.s32 $0x4, s15;
	v2 =	vmul.f32 v6, v2  }
0x28c: {  	v6 =	vld [tilespmem:s16+$0xFFFFFFE0];
	p0 =	slt.u32 s15, $0x26C  }
0x28d: {  	v10 =	vld [tilespmem:s16+$0xFFFFFFF0]  }
0x28e: {  	v11 =	vld [tilespmem:s16+$0x0]  }
0x28f: {  	[tilespmem:v0+s12+$0x0] =	vst.idx.add.f32.msk $0xffff, v1;
	v1 =	vmov v5;
	v0 =	vmov v7  }
0x290: {  	[tilespmem:v3+s12+$0x0] =	vst.idx.add.f32.msk $0xffff, v8  }
0x291: {  	s13 =	sadd.s32 $0x40, s13;
	[tilespmem:v4+s12+$0x0] =	vst.idx.add.f32.msk $0xffff, v2  }
0x292: {  	v3 =	vld [tilespmem:s13+$0x10]  }
0x293: {  	s14 =	sadd.s32 $0x40, s14;
	v4 =	vld.idx.msk [tilespmem:v9+s11+$0x0], $0xffff  }
0x294: {  	v5 =	vld [tilespmem:s14+$0x10]  }
0x295: {  	v7 =	vld.idx.msk [tilespmem:v6+s11+$0x0], $0xffff  }
0x296: {  	v8 =	vld.idx.msk [tilespmem:v10+s11+$0x0], $0xffff  }
0x297: {  	v2 =	vld.idx.msk [tilespmem:v11+s11+$0x0], $0xffff  }
0x298: {  	v9 =	vld [tilespmem:s14+$0xFFFFFFE0]  }
0x299: {  	v10 =	vld [tilespmem:s14+$0xFFFFFFF0];
	v4 =	vmul.f32 v5, v4  }
.Ltmp14:
0x29a: {  	v6 =	vld [tilespmem:s14+$0x0];
	(pc) =	sbr.rel @p0 .LBB2_29-.Ltmp14, $4  }
0x29b: {  	[tilespmem:v3+s12+$0x0] =	vst.idx.add.f32.msk $0xffff, v4  }
0x29c: {  	v3 =	vld [tilespmem:s13+$0xFFFFFFF0]  }
0x29d: {  	v5 =	vmul.f32 v9, v7;
	v4 =	vld [tilespmem:s13+$0x0]  }
0x29e: {  	s16 =	sadd.s32 $0x40, s16;
	v7 =	vld [tilespmem:s13+$0xFFFFFFE0];
	v8 =	vmul.f32 v10, v8  }
0x29f: {  	_ =	sdelay $0x4  }
0x2a0: {  	v2 =	vmul.f32 v6, v2;
	[tilespmem:v0+s12+$0x0] =	vst.idx.add.f32.msk $0xffff, v1  }
0x2a1: {  	[tilespmem:v3+s12+$0x0] =	vst.idx.add.f32.msk $0xffff, v8  }
0x2a2: {  	[tilespmem:v4+s12+$0x0] =	vst.idx.add.f32.msk $0xffff, v2  }
0x2a3: {  	[tilespmem:v7+s12+$0x0] =	vst.idx.add.f32.msk $0xffff, v5  }
0x2a4: {  	v0 =	vld [tilespmem:$0x4E80];
	_ =	sdelay $0x5  }
0x2a5: {  	v1 =	vld [tilespmem:$0x2700]  }
0x2a6: {  	s11 =	simm.s32 $0x7680;
	v2 =	vld [tilespmem:$0x7600]  }
0x2a7: {  	v0 =	vld.idx.msk [tilespmem:v0+s11+$0x0], $0xffff;
	_ =	sdelay $0x4  }
0x2a8: {  	v0 =	vmul.f32 v2, v0  }
0x2a9: {  	s28 =	simm.s32 $0x9E80  }
0x2aa: {  	s13 =	simm.s32 $0x50;
	s14 =	simm.s32 $0xEE80;
	[tilespmem:v1+s28+$0x0] =	vst.idx.add.f32.msk $0xffff, v0  }
0x2ab: {  	[spmem:s3] =	stream.indirect.scatter.add.f32 [tilespmem:s28], [sflag:$0x1], $0x80, s14, s13, $0xb8;
	[tilespmem:$0xFD00] =	vst v63  }
0x2ac: {  	s29 =	simm.s32 $0xEF00;
	s30 =	simm.s32 $0x3  }
0x2ad: {  	[spmem:s10] =	stream.linear.scatter [tilespmem:s29], [sflag:$0x3], $0x280, $0x38;
	[tilespmem:$0xFD00] =	vst v63  }
0x2ae: {  	_ =	swait.ge [sflag:s30], $0x280  }
0x2af: {  	[sflag:s30] =	ssyncset.done $0x0  }
0x2b0: {  	s31 =	simm.s32 $0x1;
	[sflag:s30] =	ssyncadd.s32 $0xFFFFFD80  }
0x2b1: {  	_ =	swait.ge [sflag:s31], $0x2800  }
0x2b2: {  	[sflag:s31] =	ssyncset.done $0x0  }
0x2b3: {  	[sflag:s31] =	ssyncadd.s32 $0xFFFFD800  }
0x2b4: {  	[bflag:$0x0] =	sbarrier.arrive $0xFFFF  }
0x2b5: {  	[tilespmem:s11], [sflag:$0x2] =	stream.linear.gather [spmem:s3], $0x2800, $0x38;
	[tilespmem:$0xFD00] =	vst v63  }
0x2b6: {  	v0 =	vimm.f32 $0.0e+00;
	s11 =	simm.s32 $0x9EC0  }
0x2b7: {  	[tilespmem:s11+$0xFFFFFFC0] =	vst v0  }
0x2b8: {  	[tilespmem:s11+$0x30] =	vst v0  }
0x2b9: {  	[tilespmem:s11+$0x20] =	vst v0  }
0x2ba: {  	[tilespmem:s11+$0x10] =	vst v0  }
0x2bb: {  	[tilespmem:s11+$0x0] =	vst v0  }
0x2bc: {  	[tilespmem:s11+$0xFFFFFFF0] =	vst v0  }
0x2bd: {  	s12 =	simm.s32 $0x0;
	[tilespmem:s11+$0xFFFFFFE0] =	vst v0  }
.LBB2_31:
0x2be: {  	s12 =	sadd.s32 $0x8, s12;
	[tilespmem:s11+$0xFFFFFFD0] =	vst v0;
	s11 =	sadd.s32 $0x80, s11  }
0x2bf: {  	[tilespmem:s11+$0xFFFFFFC0] =	vst v0;
	p0 =	slt.u32 s12, $0x278  }
0x2c0: {  	[tilespmem:s11+$0x30] =	vst v0  }
.Ltmp15:
0x2c1: {  	[tilespmem:s11+$0x20] =	vst v0;
	(pc) =	sbr.rel @p0 .LBB2_31-.Ltmp15, $4  }
0x2c2: {  	[tilespmem:s11+$0x10] =	vst v0  }
0x2c3: {  	[tilespmem:s11+$0x0] =	vst v0  }
0x2c4: {  	[tilespmem:s11+$0xFFFFFFF0] =	vst v0  }
0x2c5: {  	[tilespmem:s11+$0xFFFFFFE0] =	vst v0  }
0x2c6: {  	s26 =	simm.s32 $0x2  }
0x2c7: {  	[tilespmem:s11+$0xFFFFFFD0] =	vst v0;
	s12 =	simm.s32 $0x40;
	s11 =	simm.s32 $0xF320;
	s14 =	sadd.s32 $0x0, s7  }
0x2c8: {  	s13 =	simm.s32 $0x0;
	s15 =	sadd.s32 $0x0, s7;
	s16 =	sadd.s32 $0x0, s7  }
0x2c9: {  	s17 =	sadd.s32 $0x0, s7;
	s18 =	sadd.s32 $0x0, s7;
	s29 =	simm.s32 $0x0  }
0x2ca: {  	s21 =	simm.s32 $0x10;
	s22 =	simm.s32 $0x20;
	s31 =	simm.s32 $0x30  }
0x2cb: {  	_ =	swait.ge [sflag:s26], $0x2800;
	s14 =	sshll.u32 s14, $0x7;
	s15 =	sshll.u32 s15, $0x7  }
0x2cc: {  	s16 =	sshll.u32 s16, $0x7;
	s17 =	sshll.u32 s17, $0x7;
	s28 =	sshll.u32 s18, $0x7  }
0x2cd: {  	s20 =	sand.u32 $0x70, s12;
	s18 =	sand.u32 $0x70, s29;
	s30 =	sand.u32 $0x70, s21  }
0x2ce: {  	[sflag:s26] =	ssyncset.done $0x0;
	s19 =	sand.u32 $0x3FFFFF80, s17;
	s17 =	sand.u32 $0x3FFFFF80, s28  }
0x2cf: {  	s22 =	sand.u32 $0x70, s22;
	[sflag:s26] =	ssyncadd.s32 $0xFFFFD800;
	s17 =	sor.u32 s20, s17  }
0x2d0: {  	s21 =	sand.u32 $0x70, s31;
	s14 =	sand.u32 $0x3FFFFF80, s14;
	s15 =	sand.u32 $0x3FFFFF80, s15;
	v0 =	vld [tilespmem:s17+$0x7680]  }
0x2d1: {  	s16 =	sand.u32 $0x3FFFFF80, s16;
	s14 =	sor.u32 s18, s14;
	s17 =	sor.u32 s30, s15;
	v1 =	vld [tilespmem:s11+$0x20]  }
0x2d2: {  	s15 =	sor.u32 s22, s16;
	v2 =	vld [tilespmem:s14+$0x7680];
	s16 =	sor.u32 s21, s19;
	s14 =	simm.s32 $0xF320  }
.LBB2_33:
0x2d3: {  	v3 =	vld [tilespmem:s17+$0x7680];
	s17 =	smov.u32 s13  }
0x2d4: {  	s13 =	sadd.s32 $0x5, s13;
	s12 =	sadd.s32 $0x50, s12;
	s18 =	sadd.s32 $0x6, s17  }
0x2d5: {  	s19 =	sadd.s32 $0x7, s17;
	s20 =	sadd.s32 $0x8, s17;
	v4 =	vld [tilespmem:s15+$0x7680];
	v0 =	vmul.f32 $6.560999900e-02, v0;
	s15 =	sshrl.u32 s13, $0x3  }
0x2d6: {  	s17 =	sadd.s32 $0x9, s17;
	s18 =	sshrl.u32 s18, $0x3;
	s19 =	sshrl.u32 s19, $0x3;
	v5 =	vld [tilespmem:s16+$0x7680]  }
0x2d7: {  	s15 =	sadd.s32 s7, s15;
	s16 =	sadd.s32 s7, s18;
	s18 =	sshrl.u32 s20, $0x3;
	v6 =	vld [tilespmem:s11+$0xFFFFFFE0];
	v0 =	vadd.f32 v0, v1  }
0x2d8: {  	s15 =	sshll.u32 s15, $0x7;
	s19 =	sadd.s32 s7, s19;
	s18 =	sadd.s32 s7, s18;
	v1 =	vmul.f32 $6.560999900e-02, v2;
	v2 =	vld [tilespmem:s11+$0xFFFFFFF0]  }
0x2d9: {  	s21 =	sand.u32 $0x70, s12;
	s16 =	sshll.u32 s16, $0x7;
	s19 =	sshll.u32 s19, $0x7;
	v3 =	vmul.f32 $6.560999900e-02, v3;
	v7 =	vld [tilespmem:s11+$0x0];
	[tilespmem:s11+$0x20] =	vst v0  }
0x2da: {  	s17 =	sshrl.u32 s17, $0x3;
	s15 =	sand.u32 $0x3FFFFF80, s15;
	s18 =	sshll.u32 s18, $0x7;
	v0 =	vmul.f32 $6.560999900e-02, v4;
	v4 =	vld [tilespmem:s11+$0x10]  }
0x2db: {  	s17 =	sadd.s32 s7, s17;
	s16 =	sand.u32 $0x3FFFFF80, s16;
	s19 =	sand.u32 $0x3FFFFF80, s19;
	v5 =	vmul.f32 $6.560999900e-02, v5  }
0x2dc: {  	s22 =	sadd.s32 $0xFFFFFFD0, s12;
	s17 =	sshll.u32 s17, $0x7;
	s18 =	sand.u32 $0x3FFFFF80, s18;
	v1 =	vadd.f32 v1, v6  }
0x2dd: {  	p0 =	slt.u32 s13, $0x23;
	s20 =	sadd.s32 $0xFFFFFFC0, s12;
	s17 =	sand.u32 $0x3FFFFF80, s17;
	v2 =	vadd.f32 v3, v2  }
.Ltmp16:
0x2de: {  	s23 =	sadd.s32 $0xFFFFFFE0, s12;
	s17 =	sor.u32 s21, s17;
	[tilespmem:s11+$0xFFFFFFE0] =	vst v1;
	v1 =	vadd.f32 v0, v7;
	(pc) =	sbr.rel @p0 .LBB2_33-.Ltmp16, $4  }
0x2df: {  	s20 =	sand.u32 $0x70, s20;
	s21 =	sand.u32 $0x70, s22;
	s22 =	sadd.s32 $0xFFFFFFF0, s12;
	v0 =	vld [tilespmem:s17+$0x7680];
	[tilespmem:s11+$0xFFFFFFF0] =	vst v2;
	v2 =	vadd.f32 v5, v4  }
0x2e0: {  	s23 =	sand.u32 $0x70, s23;
	s22 =	sand.u32 $0x70, s22;
	s11 =	sadd.s32 $0x50, s11;
	[tilespmem:s14+$0x0] =	vst v1  }
0x2e1: {  	s20 =	sor.u32 s20, s15;
	s15 =	sor.u32 s23, s19;
	s17 =	sor.u32 s21, s16;
	v1 =	vld [tilespmem:s11+$0x20];
	[tilespmem:s14+$0x10] =	vst v2  }
0x2e2: {  	s16 =	sor.u32 s22, s18;
	s14 =	smov.u32 s11;
	v2 =	vld [tilespmem:s20+$0x7680]  }
0x2e3: {  	v3 =	vld [tilespmem:s17+$0x7680]  }
0x2e4: {  	v4 =	vld [tilespmem:s15+$0x7680]  }
0x2e5: {  	v5 =	vld [tilespmem:s16+$0x7680]  }
0x2e6: {  	v6 =	vld [tilespmem:s11+$0xFFFFFFE0]  }
0x2e7: {  	v7 =	vld [tilespmem:s11+$0xFFFFFFF0];
	v0 =	vmul.f32 $6.560999900e-02, v0  }
0x2e8: {  	v9 =	vld [tilespmem:s11+$0x10]  }
0x2e9: {  	v8 =	vld [tilespmem:s11+$0x0];
	v0 =	vadd.f32 v0, v1;
	v2 =	vmul.f32 $6.560999900e-02, v2  }
0x2ea: {  	v1 =	vmul.f32 $6.560999900e-02, v3  }
0x2eb: {  	[tilespmem:s11+$0x20] =	vst v0;
	v0 =	vmul.f32 $6.560999900e-02, v5;
	v2 =	vadd.f32 v2, v6  }
0x2ec: {  	v3 =	vmul.f32 $6.560999900e-02, v4;
	v1 =	vadd.f32 v1, v7  }
0x2ed: {  	v0 =	vadd.f32 v0, v9;
	[tilespmem:s11+$0xFFFFFFE0] =	vst v2  }
0x2ee: {  	v2 =	vadd.f32 v3, v8;
	[tilespmem:s11+$0xFFFFFFF0] =	vst v1  }
0x2ef: {  	[tilespmem:s14+$0x10] =	vst v0  }
0x2f0: {  	s29 =	simm.s32 $0x27A0;
	[tilespmem:s14+$0x0] =	vst v2  }
0x2f1: {  	v0 =	vld [tilespmem:s29+$0x10]  }
0x2f2: {  	v1 =	vld [tilespmem:s29+$0xFFFFFFE0]  }
0x2f3: {  	v2 =	vld [tilespmem:s29+$0xFFFFFFF0]  }
0x2f4: {  	s30 =	simm.s32 $0x20;
	v3 =	vld [tilespmem:s29+$0x0]  }
0x2f5: {  	s13 =	simm.s32 $0x4F20;
	v4 =	vld [tilespmem:s30+$0x10]  }
0x2f6: {  	s31 =	simm.s32 $0x27E0;
	v5 =	vld [tilespmem:s13+$0x10]  }
0x2f7: {  	v9 =	vld [tilespmem:s31+$0xFFFFFFE0]  }
0x2f8: {  	v6 =	vld [tilespmem:s13+$0xFFFFFFF0]  }
0x2f9: {  	s11 =	simm.s32 $0x7680;
	v7 =	vld [tilespmem:s13+$0x0]  }
0x2fa: {  	v0 =	vld.idx.msk [tilespmem:v0+s11+$0x0], $0xffff  }
0x2fb: {  	v8 =	vld [tilespmem:s30+$0x0]  }
0x2fc: {  	v1 =	vld.idx.msk [tilespmem:v1+s11+$0x0], $0xffff  }
0x2fd: {  	v2 =	vld.idx.msk [tilespmem:v2+s11+$0x0], $0xffff  }
0x2fe: {  	v3 =	vld.idx.msk [tilespmem:v3+s11+$0x0], $0xffff  }
0x2ff: {  	v9 =	vld.idx.msk [tilespmem:v9+s11+$0x0], $0xffff;
	v0 =	vmul.f32 v5, v0  }
0x300: {  	s12 =	simm.s32 $0x9E80;
	v5 =	vld [tilespmem:s30+$0xFFFFFFF0]  }
0x301: {  	[tilespmem:v4+s12+$0x0] =	vst.idx.add.f32.msk $0xffff, v0  }
0x302: {  	v0 =	vld [tilespmem:s31+$0x10]  }
0x303: {  	v2 =	vmul.f32 v6, v2;
	v6 =	vld [tilespmem:s31+$0xFFFFFFF0]  }
0x304: {  	v3 =	vmul.f32 v7, v3;
	v7 =	vld [tilespmem:s31+$0x0]  }
0x305: {  	v4 =	vld [tilespmem:s13+$0xFFFFFFE0]  }
0x306: {  	s14 =	simm.s32 $0x4F60;
	[tilespmem:v8+s12+$0x0] =	vst.idx.add.f32.msk $0xffff, v3  }
0x307: {  	s13 =	simm.s32 $0x60;
	v8 =	vld [tilespmem:s14+$0x10]  }
0x308: {  	v3 =	vld [tilespmem:s13+$0x10]  }
0x309: {  	[tilespmem:v5+s12+$0x0] =	vst.idx.add.f32.msk $0xffff, v2  }
0x30a: {  	v5 =	vld.idx.msk [tilespmem:v0+s11+$0x0], $0xffff  }
0x30b: {  	v10 =	vld.idx.msk [tilespmem:v6+s11+$0x0], $0xffff  }
0x30c: {  	v2 =	vld.idx.msk [tilespmem:v7+s11+$0x0], $0xffff  }
0x30d: {  	v7 =	vld [tilespmem:s14+$0xFFFFFFE0]  }
0x30e: {  	v6 =	vld [tilespmem:s14+$0x0]  }
0x30f: {  	v5 =	vmul.f32 v8, v5;
	v8 =	vld [tilespmem:s14+$0xFFFFFFF0]  }
0x310: {  	v0 =	vld [tilespmem:s30+$0xFFFFFFE0]  }
0x311: {  	[tilespmem:v3+s12+$0x0] =	vst.idx.add.f32.msk $0xffff, v5  }
0x312: {  	v3 =	vld [tilespmem:s13+$0xFFFFFFF0]  }
0x313: {  	v1 =	vmul.f32 v4, v1;
	v4 =	vld [tilespmem:s13+$0x0]  }
0x314: {  	s15 =	simm.s32 $0x4;
	s16 =	simm.s32 $0x2820;
	v5 =	vmul.f32 v7, v9;
	v7 =	vld [tilespmem:s13+$0xFFFFFFE0];
	v8 =	vmul.f32 v8, v10  }
.LBB2_35:
0x315: {  	v9 =	vld [tilespmem:s16+$0x10];
	s15 =	sadd.s32 $0x4, s15;
	v2 =	vmul.f32 v6, v2  }
0x316: {  	v6 =	vld [tilespmem:s16+$0xFFFFFFE0];
	p0 =	slt.u32 s15, $0x26C  }
0x317: {  	v10 =	vld [tilespmem:s16+$0xFFFFFFF0]  }
0x318: {  	v11 =	vld [tilespmem:s16+$0x0]  }
0x319: {  	[tilespmem:v0+s12+$0x0] =	vst.idx.add.f32.msk $0xffff, v1;
	v1 =	vmov v5;
	v0 =	vmov v7  }
0x31a: {  	[tilespmem:v3+s12+$0x0] =	vst.idx.add.f32.msk $0xffff, v8  }
0x31b: {  	s13 =	sadd.s32 $0x40, s13;
	[tilespmem:v4+s12+$0x0] =	vst.idx.add.f32.msk $0xffff, v2  }
0x31c: {  	v3 =	vld [tilespmem:s13+$0x10]  }
0x31d: {  	s14 =	sadd.s32 $0x40, s14;
	v4 =	vld.idx.msk [tilespmem:v9+s11+$0x0], $0xffff  }
0x31e: {  	v5 =	vld [tilespmem:s14+$0x10]  }
0x31f: {  	v7 =	vld.idx.msk [tilespmem:v6+s11+$0x0], $0xffff  }
0x320: {  	v8 =	vld.idx.msk [tilespmem:v10+s11+$0x0], $0xffff  }
0x321: {  	v2 =	vld.idx.msk [tilespmem:v11+s11+$0x0], $0xffff  }
0x322: {  	v9 =	vld [tilespmem:s14+$0xFFFFFFE0]  }
0x323: {  	v10 =	vld [tilespmem:s14+$0xFFFFFFF0];
	v4 =	vmul.f32 v5, v4  }
.Ltmp17:
0x324: {  	v6 =	vld [tilespmem:s14+$0x0];
	(pc) =	sbr.rel @p0 .LBB2_35-.Ltmp17, $4  }
0x325: {  	[tilespmem:v3+s12+$0x0] =	vst.idx.add.f32.msk $0xffff, v4  }
0x326: {  	v3 =	vld [tilespmem:s13+$0xFFFFFFF0]  }
0x327: {  	v5 =	vmul.f32 v9, v7;
	v4 =	vld [tilespmem:s13+$0x0]  }
0x328: {  	s16 =	sadd.s32 $0x40, s16;
	v7 =	vld [tilespmem:s13+$0xFFFFFFE0];
	v8 =	vmul.f32 v10, v8  }
0x329: {  	_ =	sdelay $0x4  }
0x32a: {  	v2 =	vmul.f32 v6, v2;
	[tilespmem:v0+s12+$0x0] =	vst.idx.add.f32.msk $0xffff, v1  }
0x32b: {  	[tilespmem:v3+s12+$0x0] =	vst.idx.add.f32.msk $0xffff, v8  }
0x32c: {  	[tilespmem:v4+s12+$0x0] =	vst.idx.add.f32.msk $0xffff, v2  }
0x32d: {  	[tilespmem:v7+s12+$0x0] =	vst.idx.add.f32.msk $0xffff, v5  }
0x32e: {  	v0 =	vld [tilespmem:$0x4E80];
	_ =	sdelay $0x5  }
0x32f: {  	v1 =	vld [tilespmem:$0x2700]  }
0x330: {  	s11 =	simm.s32 $0x7680;
	v2 =	vld [tilespmem:$0x7600]  }
0x331: {  	v0 =	vld.idx.msk [tilespmem:v0+s11+$0x0], $0xffff;
	_ =	sdelay $0x4  }
0x332: {  	v0 =	vmul.f32 v2, v0  }
0x333: {  	s28 =	simm.s32 $0x9E80  }
0x334: {  	s13 =	simm.s32 $0x50;
	s14 =	simm.s32 $0xEE80;
	[tilespmem:v1+s28+$0x0] =	vst.idx.add.f32.msk $0xffff, v0  }
0x335: {  	[spmem:s8] =	stream.indirect.scatter.add.f32 [tilespmem:s28], [sflag:$0x1], $0x80, s14, s13, $0xb8;
	[tilespmem:$0xFD00] =	vst v63  }
0x336: {  	s29 =	simm.s32 $0xEF00;
	s30 =	simm.s32 $0x3  }
0x337: {  	[spmem:s9] =	stream.linear.scatter [tilespmem:s29], [sflag:$0x3], $0x280, $0x38;
	[tilespmem:$0xFD00] =	vst v63  }
0x338: {  	_ =	swait.ge [sflag:s30], $0x280  }
0x339: {  	[sflag:s30] =	ssyncset.done $0x0  }
0x33a: {  	s31 =	simm.s32 $0x1;
	[sflag:s30] =	ssyncadd.s32 $0xFFFFFD80  }
0x33b: {  	_ =	swait.ge [sflag:s31], $0x2800  }
0x33c: {  	[sflag:s31] =	ssyncset.done $0x0  }
0x33d: {  	[sflag:s31] =	ssyncadd.s32 $0xFFFFD800  }
0x33e: {  	[bflag:$0x0] =	sbarrier.arrive $0xFFFF  }
0x33f: {  	[tilespmem:s11], [sflag:$0x2] =	stream.linear.gather [spmem:s8], $0x2800, $0x38;
	[tilespmem:$0xFD00] =	vst v63  }
0x340: {  	v0 =	vimm.f32 $0.0e+00;
	s11 =	simm.s32 $0x9EC0  }
0x341: {  	[tilespmem:s11+$0xFFFFFFC0] =	vst v0  }
0x342: {  	[tilespmem:s11+$0x30] =	vst v0  }
0x343: {  	[tilespmem:s11+$0x20] =	vst v0  }
0x344: {  	[tilespmem:s11+$0x10] =	vst v0  }
0x345: {  	[tilespmem:s11+$0x0] =	vst v0  }
0x346: {  	[tilespmem:s11+$0xFFFFFFF0] =	vst v0  }
0x347: {  	s12 =	simm.s32 $0x0;
	[tilespmem:s11+$0xFFFFFFE0] =	vst v0  }
.LBB2_37:
0x348: {  	s12 =	sadd.s32 $0x8, s12;
	[tilespmem:s11+$0xFFFFFFD0] =	vst v0;
	s11 =	sadd.s32 $0x80, s11  }
0x349: {  	[tilespmem:s11+$0xFFFFFFC0] =	vst v0;
	p0 =	slt.u32 s12, $0x278  }
0x34a: {  	[tilespmem:s11+$0x30] =	vst v0  }
.Ltmp18:
0x34b: {  	[tilespmem:s11+$0x20] =	vst v0;
	(pc) =	sbr.rel @p0 .LBB2_37-.Ltmp18, $4  }
0x34c: {  	[tilespmem:s11+$0x10] =	vst v0  }
0x34d: {  	[tilespmem:s11+$0x0] =	vst v0  }
0x34e: {  	[tilespmem:s11+$0xFFFFFFF0] =	vst v0  }
0x34f: {  	[tilespmem:s11+$0xFFFFFFE0] =	vst v0  }
0x350: {  	s26 =	simm.s32 $0x2  }
0x351: {  	[tilespmem:s11+$0xFFFFFFD0] =	vst v0;
	s12 =	simm.s32 $0x40;
	s11 =	simm.s32 $0xF320;
	s14 =	sadd.s32 $0x0, s7  }
0x352: {  	s13 =	simm.s32 $0x0;
	s15 =	sadd.s32 $0x0, s7;
	s16 =	sadd.s32 $0x0, s7  }
0x353: {  	s17 =	sadd.s32 $0x0, s7;
	s18 =	sadd.s32 $0x0, s7;
	s29 =	simm.s32 $0x0  }
0x354: {  	s21 =	simm.s32 $0x10;
	s22 =	simm.s32 $0x20;
	s31 =	simm.s32 $0x30  }
0x355: {  	_ =	swait.ge [sflag:s26], $0x2800;
	s14 =	sshll.u32 s14, $0x7;
	s15 =	sshll.u32 s15, $0x7  }
0x356: {  	s16 =	sshll.u32 s16, $0x7;
	s17 =	sshll.u32 s17, $0x7;
	s28 =	sshll.u32 s18, $0x7  }
0x357: {  	s20 =	sand.u32 $0x70, s12;
	s18 =	sand.u32 $0x70, s29;
	s30 =	sand.u32 $0x70, s21  }
0x358: {  	[sflag:s26] =	ssyncset.done $0x0;
	s19 =	sand.u32 $0x3FFFFF80, s17;
	s17 =	sand.u32 $0x3FFFFF80, s28  }
0x359: {  	s22 =	sand.u32 $0x70, s22;
	[sflag:s26] =	ssyncadd.s32 $0xFFFFD800;
	s17 =	sor.u32 s20, s17  }
0x35a: {  	s21 =	sand.u32 $0x70, s31;
	s14 =	sand.u32 $0x3FFFFF80, s14;
	s15 =	sand.u32 $0x3FFFFF80, s15;
	v0 =	vld [tilespmem:s17+$0x7680]  }
0x35b: {  	s16 =	sand.u32 $0x3FFFFF80, s16;
	s14 =	sor.u32 s18, s14;
	s17 =	sor.u32 s30, s15;
	v1 =	vld [tilespmem:s11+$0x20]  }
0x35c: {  	s15 =	sor.u32 s22, s16;
	v2 =	vld [tilespmem:s14+$0x7680];
	s16 =	sor.u32 s21, s19;
	s14 =	simm.s32 $0xF320  }
.LBB2_39:
0x35d: {  	v3 =	vld [tilespmem:s17+$0x7680];
	s17 =	smov.u32 s13  }
0x35e: {  	s13 =	sadd.s32 $0x5, s13;
	s12 =	sadd.s32 $0x50, s12;
	s18 =	sadd.s32 $0x6, s17  }
0x35f: {  	s19 =	sadd.s32 $0x7, s17;
	s20 =	sadd.s32 $0x8, s17;
	v4 =	vld [tilespmem:s15+$0x7680];
	v0 =	vmul.f32 $5.904899910e-02, v0;
	s15 =	sshrl.u32 s13, $0x3  }
0x360: {  	s17 =	sadd.s32 $0x9, s17;
	s18 =	sshrl.u32 s18, $0x3;
	s19 =	sshrl.u32 s19, $0x3;
	v5 =	vld [tilespmem:s16+$0x7680]  }
0x361: {  	s15 =	sadd.s32 s7, s15;
	s16 =	sadd.s32 s7, s18;
	s18 =	sshrl.u32 s20, $0x3;
	v6 =	vld [tilespmem:s11+$0xFFFFFFE0];
	v0 =	vadd.f32 v0, v1  }
0x362: {  	s15 =	sshll.u32 s15, $0x7;
	s19 =	sadd.s32 s7, s19;
	s18 =	sadd.s32 s7, s18;
	v1 =	vmul.f32 $5.904899910e-02, v2;
	v2 =	vld [tilespmem:s11+$0xFFFFFFF0]  }
0x363: {  	s21 =	sand.u32 $0x70, s12;
	s16 =	sshll.u32 s16, $0x7;
	s19 =	sshll.u32 s19, $0x7;
	v3 =	vmul.f32 $5.904899910e-02, v3;
	v7 =	vld [tilespmem:s11+$0x0];
	[tilespmem:s11+$0x20] =	vst v0  }
0x364: {  	s17 =	sshrl.u32 s17, $0x3;
	s15 =	sand.u32 $0x3FFFFF80, s15;
	s18 =	sshll.u32 s18, $0x7;
	v0 =	vmul.f32 $5.904899910e-02, v4;
	v4 =	vld [tilespmem:s11+$0x10]  }
0x365: {  	s17 =	sadd.s32 s7, s17;
	s16 =	sand.u32 $0x3FFFFF80, s16;
	s19 =	sand.u32 $0x3FFFFF80, s19;
	v5 =	vmul.f32 $5.904899910e-02, v5  }
0x366: {  	s22 =	sadd.s32 $0xFFFFFFD0, s12;
	s17 =	sshll.u32 s17, $0x7;
	s18 =	sand.u32 $0x3FFFFF80, s18;
	v1 =	vadd.f32 v1, v6  }
0x367: {  	p0 =	slt.u32 s13, $0x23;
	s20 =	sadd.s32 $0xFFFFFFC0, s12;
	s17 =	sand.u32 $0x3FFFFF80, s17;
	v2 =	vadd.f32 v3, v2  }
.Ltmp19:
0x368: {  	s23 =	sadd.s32 $0xFFFFFFE0, s12;
	s17 =	sor.u32 s21, s17;
	[tilespmem:s11+$0xFFFFFFE0] =	vst v1;
	v1 =	vadd.f32 v0, v7;
	(pc) =	sbr.rel @p0 .LBB2_39-.Ltmp19, $4  }
0x369: {  	s20 =	sand.u32 $0x70, s20;
	s21 =	sand.u32 $0x70, s22;
	s22 =	sadd.s32 $0xFFFFFFF0, s12;
	v0 =	vld [tilespmem:s17+$0x7680];
	[tilespmem:s11+$0xFFFFFFF0] =	vst v2;
	v2 =	vadd.f32 v5, v4  }
0x36a: {  	s23 =	sand.u32 $0x70, s23;
	s22 =	sand.u32 $0x70, s22;
	s11 =	sadd.s32 $0x50, s11;
	[tilespmem:s14+$0x0] =	vst v1  }
0x36b: {  	s20 =	sor.u32 s20, s15;
	s15 =	sor.u32 s23, s19;
	s17 =	sor.u32 s21, s16;
	v1 =	vld [tilespmem:s11+$0x20];
	[tilespmem:s14+$0x10] =	vst v2  }
0x36c: {  	s16 =	sor.u32 s22, s18;
	s14 =	smov.u32 s11;
	v2 =	vld [tilespmem:s20+$0x7680]  }
0x36d: {  	v3 =	vld [tilespmem:s17+$0x7680]  }
0x36e: {  	v4 =	vld [tilespmem:s15+$0x7680]  }
0x36f: {  	v5 =	vld [tilespmem:s16+$0x7680]  }
0x370: {  	v6 =	vld [tilespmem:s11+$0xFFFFFFE0]  }
0x371: {  	v7 =	vld [tilespmem:s11+$0xFFFFFFF0];
	v0 =	vmul.f32 $5.904899910e-02, v0  }
0x372: {  	v9 =	vld [tilespmem:s11+$0x10]  }
0x373: {  	v8 =	vld [tilespmem:s11+$0x0];
	v0 =	vadd.f32 v0, v1;
	v2 =	vmul.f32 $5.904899910e-02, v2  }
0x374: {  	v1 =	vmul.f32 $5.904899910e-02, v3  }
0x375: {  	[tilespmem:s11+$0x20] =	vst v0;
	v0 =	vmul.f32 $5.904899910e-02, v5;
	v2 =	vadd.f32 v2, v6  }
0x376: {  	v3 =	vmul.f32 $5.904899910e-02, v4;
	v1 =	vadd.f32 v1, v7  }
0x377: {  	v0 =	vadd.f32 v0, v9;
	[tilespmem:s11+$0xFFFFFFE0] =	vst v2  }
0x378: {  	v2 =	vadd.f32 v3, v8;
	[tilespmem:s11+$0xFFFFFFF0] =	vst v1  }
0x379: {  	[tilespmem:s14+$0x10] =	vst v0  }
0x37a: {  	s29 =	simm.s32 $0x27A0;
	[tilespmem:s14+$0x0] =	vst v2  }
0x37b: {  	v0 =	vld [tilespmem:s29+$0x10]  }
0x37c: {  	v1 =	vld [tilespmem:s29+$0xFFFFFFE0]  }
0x37d: {  	v2 =	vld [tilespmem:s29+$0xFFFFFFF0]  }
0x37e: {  	s30 =	simm.s32 $0x20;
	v3 =	vld [tilespmem:s29+$0x0]  }
0x37f: {  	s13 =	simm.s32 $0x4F20;
	v4 =	vld [tilespmem:s30+$0x10]  }
0x380: {  	s31 =	simm.s32 $0x27E0;
	v5 =	vld [tilespmem:s13+$0x10]  }
0x381: {  	v9 =	vld [tilespmem:s31+$0xFFFFFFE0]  }
0x382: {  	v6 =	vld [tilespmem:s13+$0xFFFFFFF0]  }
0x383: {  	s11 =	simm.s32 $0x7680;
	v7 =	vld [tilespmem:s13+$0x0]  }
0x384: {  	v0 =	vld.idx.msk [tilespmem:v0+s11+$0x0], $0xffff  }
0x385: {  	v8 =	vld [tilespmem:s30+$0x0]  }
0x386: {  	v1 =	vld.idx.msk [tilespmem:v1+s11+$0x0], $0xffff  }
0x387: {  	v2 =	vld.idx.msk [tilespmem:v2+s11+$0x0], $0xffff  }
0x388: {  	v3 =	vld.idx.msk [tilespmem:v3+s11+$0x0], $0xffff  }
0x389: {  	v9 =	vld.idx.msk [tilespmem:v9+s11+$0x0], $0xffff;
	v0 =	vmul.f32 v5, v0  }
0x38a: {  	s12 =	simm.s32 $0x9E80;
	v5 =	vld [tilespmem:s30+$0xFFFFFFF0]  }
0x38b: {  	[tilespmem:v4+s12+$0x0] =	vst.idx.add.f32.msk $0xffff, v0  }
0x38c: {  	v0 =	vld [tilespmem:s31+$0x10]  }
0x38d: {  	v2 =	vmul.f32 v6, v2;
	v6 =	vld [tilespmem:s31+$0xFFFFFFF0]  }
0x38e: {  	v3 =	vmul.f32 v7, v3;
	v7 =	vld [tilespmem:s31+$0x0]  }
0x38f: {  	v4 =	vld [tilespmem:s13+$0xFFFFFFE0]  }
0x390: {  	s14 =	simm.s32 $0x4F60;
	[tilespmem:v8+s12+$0x0] =	vst.idx.add.f32.msk $0xffff, v3  }
0x391: {  	s13 =	simm.s32 $0x60;
	v8 =	vld [tilespmem:s14+$0x10]  }
0x392: {  	v3 =	vld [tilespmem:s13+$0x10]  }
0x393: {  	[tilespmem:v5+s12+$0x0] =	vst.idx.add.f32.msk $0xffff, v2  }
0x394: {  	v5 =	vld.idx.msk [tilespmem:v0+s11+$0x0], $0xffff  }
0x395: {  	v10 =	vld.idx.msk [tilespmem:v6+s11+$0x0], $0xffff  }
0x396: {  	v2 =	vld.idx.msk [tilespmem:v7+s11+$0x0], $0xffff  }
0x397: {  	v7 =	vld [tilespmem:s14+$0xFFFFFFE0]  }
0x398: {  	v6 =	vld [tilespmem:s14+$0x0]  }
0x399: {  	v5 =	vmul.f32 v8, v5;
	v8 =	vld [tilespmem:s14+$0xFFFFFFF0]  }
0x39a: {  	v0 =	vld [tilespmem:s30+$0xFFFFFFE0]  }
0x39b: {  	[tilespmem:v3+s12+$0x0] =	vst.idx.add.f32.msk $0xffff, v5  }
0x39c: {  	v3 =	vld [tilespmem:s13+$0xFFFFFFF0]  }
0x39d: {  	v1 =	vmul.f32 v4, v1;
	v4 =	vld [tilespmem:s13+$0x0]  }
0x39e: {  	s15 =	simm.s32 $0x4;
	s16 =	simm.s32 $0x2820;
	v5 =	vmul.f32 v7, v9;
	v7 =	vld [tilespmem:s13+$0xFFFFFFE0];
	v8 =	vmul.f32 v8, v10  }
.LBB2_41:
0x39f: {  	v9 =	vld [tilespmem:s16+$0x10];
	s15 =	sadd.s32 $0x4, s15;
	v2 =	vmul.f32 v6, v2  }
0x3a0: {  	v6 =	vld [tilespmem:s16+$0xFFFFFFE0];
	p0 =	slt.u32 s15, $0x26C  }
0x3a1: {  	v10 =	vld [tilespmem:s16+$0xFFFFFFF0]  }
0x3a2: {  	v11 =	vld [tilespmem:s16+$0x0]  }
0x3a3: {  	[tilespmem:v0+s12+$0x0] =	vst.idx.add.f32.msk $0xffff, v1;
	v1 =	vmov v5;
	v0 =	vmov v7  }
0x3a4: {  	[tilespmem:v3+s12+$0x0] =	vst.idx.add.f32.msk $0xffff, v8  }
0x3a5: {  	s13 =	sadd.s32 $0x40, s13;
	[tilespmem:v4+s12+$0x0] =	vst.idx.add.f32.msk $0xffff, v2  }
0x3a6: {  	v3 =	vld [tilespmem:s13+$0x10]  }
0x3a7: {  	s14 =	sadd.s32 $0x40, s14;
	v4 =	vld.idx.msk [tilespmem:v9+s11+$0x0], $0xffff  }
0x3a8: {  	v5 =	vld [tilespmem:s14+$0x10]  }
0x3a9: {  	v7 =	vld.idx.msk [tilespmem:v6+s11+$0x0], $0xffff  }
0x3aa: {  	v8 =	vld.idx.msk [tilespmem:v10+s11+$0x0], $0xffff  }
0x3ab: {  	v2 =	vld.idx.msk [tilespmem:v11+s11+$0x0], $0xffff  }
0x3ac: {  	v9 =	vld [tilespmem:s14+$0xFFFFFFE0]  }
0x3ad: {  	v10 =	vld [tilespmem:s14+$0xFFFFFFF0];
	v4 =	vmul.f32 v5, v4  }
.Ltmp20:
0x3ae: {  	v6 =	vld [tilespmem:s14+$0x0];
	(pc) =	sbr.rel @p0 .LBB2_41-.Ltmp20, $4  }
0x3af: {  	[tilespmem:v3+s12+$0x0] =	vst.idx.add.f32.msk $0xffff, v4  }
0x3b0: {  	v3 =	vld [tilespmem:s13+$0xFFFFFFF0]  }
0x3b1: {  	v5 =	vmul.f32 v9, v7;
	v4 =	vld [tilespmem:s13+$0x0]  }
0x3b2: {  	s16 =	sadd.s32 $0x40, s16;
	v7 =	vld [tilespmem:s13+$0xFFFFFFE0];
	v8 =	vmul.f32 v10, v8  }
0x3b3: {  	_ =	sdelay $0x4  }
0x3b4: {  	v2 =	vmul.f32 v6, v2;
	[tilespmem:v0+s12+$0x0] =	vst.idx.add.f32.msk $0xffff, v1  }
0x3b5: {  	[tilespmem:v3+s12+$0x0] =	vst.idx.add.f32.msk $0xffff, v8  }
0x3b6: {  	[tilespmem:v4+s12+$0x0] =	vst.idx.add.f32.msk $0xffff, v2  }
0x3b7: {  	[tilespmem:v7+s12+$0x0] =	vst.idx.add.f32.msk $0xffff, v5  }
0x3b8: {  	v0 =	vld [tilespmem:$0x4E80];
	_ =	sdelay $0x5  }
0x3b9: {  	v1 =	vld [tilespmem:$0x2700]  }
0x3ba: {  	s11 =	simm.s32 $0x7680;
	v2 =	vld [tilespmem:$0x7600]  }
0x3bb: {  	v0 =	vld.idx.msk [tilespmem:v0+s11+$0x0], $0xffff;
	_ =	sdelay $0x4  }
0x3bc: {  	v0 =	vmul.f32 v2, v0  }
0x3bd: {  	s28 =	simm.s32 $0x9E80  }
0x3be: {  	s13 =	simm.s32 $0x50;
	s14 =	simm.s32 $0xEE80;
	[tilespmem:v1+s28+$0x0] =	vst.idx.add.f32.msk $0xffff, v0  }
0x3bf: {  	[spmem:s6] =	stream.indirect.scatter.add.f32 [tilespmem:s28], [sflag:$0x1], $0x80, s14, s13, $0xb8;
	[tilespmem:$0xFD00] =	vst v63  }
0x3c0: {  	s29 =	simm.s32 $0xEF00;
	s30 =	simm.s32 $0x3  }
0x3c1: {  	[spmem:s5] =	stream.linear.scatter [tilespmem:s29], [sflag:$0x3], $0x280, $0x38;
	[tilespmem:$0xFD00] =	vst v63  }
0x3c2: {  	_ =	swait.ge [sflag:s30], $0x280  }
0x3c3: {  	[sflag:s30] =	ssyncset.done $0x0  }
0x3c4: {  	s31 =	simm.s32 $0x1;
	[sflag:s30] =	ssyncadd.s32 $0xFFFFFD80  }
0x3c5: {  	_ =	swait.ge [sflag:s31], $0x2800  }
0x3c6: {  	[sflag:s31] =	ssyncset.done $0x0  }
0x3c7: {  	[sflag:s31] =	ssyncadd.s32 $0xFFFFD800  }
0x3c8: {  	[bflag:$0x0] =	sbarrier.arrive $0xFFFF  }
0x3c9: {  	[tilespmem:s11], [sflag:$0x2] =	stream.linear.gather [spmem:s6], $0x2800, $0x38;
	[tilespmem:$0xFD00] =	vst v63  }
0x3ca: {  	v0 =	vimm.f32 $0.0e+00;
	s11 =	simm.s32 $0x9EC0  }
0x3cb: {  	[tilespmem:s11+$0xFFFFFFC0] =	vst v0  }
0x3cc: {  	[tilespmem:s11+$0x30] =	vst v0  }
0x3cd: {  	[tilespmem:s11+$0x20] =	vst v0  }
0x3ce: {  	[tilespmem:s11+$0x10] =	vst v0  }
0x3cf: {  	[tilespmem:s11+$0x0] =	vst v0  }
0x3d0: {  	[tilespmem:s11+$0xFFFFFFF0] =	vst v0  }
0x3d1: {  	s12 =	simm.s32 $0x0;
	[tilespmem:s11+$0xFFFFFFE0] =	vst v0  }
.LBB2_43:
0x3d2: {  	s12 =	sadd.s32 $0x8, s12;
	[tilespmem:s11+$0xFFFFFFD0] =	vst v0;
	s11 =	sadd.s32 $0x80, s11  }
0x3d3: {  	[tilespmem:s11+$0xFFFFFFC0] =	vst v0;
	p0 =	slt.u32 s12, $0x278  }
0x3d4: {  	[tilespmem:s11+$0x30] =	vst v0  }
.Ltmp21:
0x3d5: {  	[tilespmem:s11+$0x20] =	vst v0;
	(pc) =	sbr.rel @p0 .LBB2_43-.Ltmp21, $4  }
0x3d6: {  	[tilespmem:s11+$0x10] =	vst v0  }
0x3d7: {  	[tilespmem:s11+$0x0] =	vst v0  }
0x3d8: {  	[tilespmem:s11+$0xFFFFFFF0] =	vst v0  }
0x3d9: {  	[tilespmem:s11+$0xFFFFFFE0] =	vst v0  }
0x3da: {  	s26 =	simm.s32 $0x2  }
0x3db: {  	[tilespmem:s11+$0xFFFFFFD0] =	vst v0;
	s12 =	simm.s32 $0x40;
	s11 =	simm.s32 $0xF320;
	s14 =	sadd.s32 $0x0, s7  }
0x3dc: {  	s13 =	simm.s32 $0x0;
	s15 =	sadd.s32 $0x0, s7;
	s16 =	sadd.s32 $0x0, s7  }
0x3dd: {  	s17 =	sadd.s32 $0x0, s7;
	s18 =	sadd.s32 $0x0, s7;
	s29 =	simm.s32 $0x0  }
0x3de: {  	s21 =	simm.s32 $0x10;
	s22 =	simm.s32 $0x20;
	s31 =	simm.s32 $0x30  }
0x3df: {  	_ =	swait.ge [sflag:s26], $0x2800;
	s14 =	sshll.u32 s14, $0x7;
	s15 =	sshll.u32 s15, $0x7  }
0x3e0: {  	s16 =	sshll.u32 s16, $0x7;
	s17 =	sshll.u32 s17, $0x7;
	s28 =	sshll.u32 s18, $0x7  }
0x3e1: {  	s20 =	sand.u32 $0x70, s12;
	s18 =	sand.u32 $0x70, s29;
	s30 =	sand.u32 $0x70, s21  }
0x3e2: {  	[sflag:s26] =	ssyncset.done $0x0;
	s19 =	sand.u32 $0x3FFFFF80, s17;
	s17 =	sand.u32 $0x3FFFFF80, s28  }
0x3e3: {  	s22 =	sand.u32 $0x70, s22;
	[sflag:s26] =	ssyncadd.s32 $0xFFFFD800;
	s17 =	sor.u32 s20, s17  }
0x3e4: {  	s21 =	sand.u32 $0x70, s31;
	s14 =	sand.u32 $0x3FFFFF80, s14;
	s15 =	sand.u32 $0x3FFFFF80, s15;
	v0 =	vld [tilespmem:s17+$0x7680]  }
0x3e5: {  	s16 =	sand.u32 $0x3FFFFF80, s16;
	s14 =	sor.u32 s18, s14;
	s17 =	sor.u32 s30, s15;
	v1 =	vld [tilespmem:s11+$0x20]  }
0x3e6: {  	s15 =	sor.u32 s22, s16;
	v2 =	vld [tilespmem:s14+$0x7680];
	s16 =	sor.u32 s21, s19;
	s14 =	simm.s32 $0xF320  }
.LBB2_45:
0x3e7: {  	v3 =	vld [tilespmem:s17+$0x7680];
	s17 =	smov.u32 s13  }
0x3e8: {  	s13 =	sadd.s32 $0x5, s13;
	s12 =	sadd.s32 $0x50, s12;
	s18 =	sadd.s32 $0x6, s17  }
0x3e9: {  	s19 =	sadd.s32 $0x7, s17;
	s20 =	sadd.s32 $0x8, s17;
	v4 =	vld [tilespmem:s15+$0x7680];
	v0 =	vmul.f32 $5.314410110e-02, v0;
	s15 =	sshrl.u32 s13, $0x3  }
0x3ea: {  	s17 =	sadd.s32 $0x9, s17;
	s18 =	sshrl.u32 s18, $0x3;
	s19 =	sshrl.u32 s19, $0x3;
	v5 =	vld [tilespmem:s16+$0x7680]  }
0x3eb: {  	s15 =	sadd.s32 s7, s15;
	s16 =	sadd.s32 s7, s18;
	s18 =	sshrl.u32 s20, $0x3;
	v6 =	vld [tilespmem:s11+$0xFFFFFFE0];
	v0 =	vadd.f32 v0, v1  }
0x3ec: {  	s15 =	sshll.u32 s15, $0x7;
	s19 =	sadd.s32 s7, s19;
	s18 =	sadd.s32 s7, s18;
	v1 =	vmul.f32 $5.314410110e-02, v2;
	v2 =	vld [tilespmem:s11+$0xFFFFFFF0]  }
0x3ed: {  	s21 =	sand.u32 $0x70, s12;
	s16 =	sshll.u32 s16, $0x7;
	s19 =	sshll.u32 s19, $0x7;
	v3 =	vmul.f32 $5.314410110e-02, v3;
	v7 =	vld [tilespmem:s11+$0x0];
	[tilespmem:s11+$0x20] =	vst v0  }
0x3ee: {  	s17 =	sshrl.u32 s17, $0x3;
	s15 =	sand.u32 $0x3FFFFF80, s15;
	s18 =	sshll.u32 s18, $0x7;
	v0 =	vmul.f32 $5.314410110e-02, v4;
	v4 =	vld [tilespmem:s11+$0x10]  }
0x3ef: {  	s17 =	sadd.s32 s7, s17;
	s16 =	sand.u32 $0x3FFFFF80, s16;
	s19 =	sand.u32 $0x3FFFFF80, s19;
	v5 =	vmul.f32 $5.314410110e-02, v5  }
0x3f0: {  	s22 =	sadd.s32 $0xFFFFFFD0, s12;
	s17 =	sshll.u32 s17, $0x7;
	s18 =	sand.u32 $0x3FFFFF80, s18;
	v1 =	vadd.f32 v1, v6  }
0x3f1: {  	p0 =	slt.u32 s13, $0x23;
	s20 =	sadd.s32 $0xFFFFFFC0, s12;
	s17 =	sand.u32 $0x3FFFFF80, s17;
	v2 =	vadd.f32 v3, v2  }
.Ltmp22:
0x3f2: {  	s23 =	sadd.s32 $0xFFFFFFE0, s12;
	s17 =	sor.u32 s21, s17;
	[tilespmem:s11+$0xFFFFFFE0] =	vst v1;
	v1 =	vadd.f32 v0, v7;
	(pc) =	sbr.rel @p0 .LBB2_45-.Ltmp22, $4  }
0x3f3: {  	s20 =	sand.u32 $0x70, s20;
	s21 =	sand.u32 $0x70, s22;
	s22 =	sadd.s32 $0xFFFFFFF0, s12;
	v0 =	vld [tilespmem:s17+$0x7680];
	[tilespmem:s11+$0xFFFFFFF0] =	vst v2;
	v2 =	vadd.f32 v5, v4  }
0x3f4: {  	s23 =	sand.u32 $0x70, s23;
	s22 =	sand.u32 $0x70, s22;
	s11 =	sadd.s32 $0x50, s11;
	[tilespmem:s14+$0x0] =	vst v1  }
0x3f5: {  	s20 =	sor.u32 s20, s15;
	s15 =	sor.u32 s23, s19;
	s17 =	sor.u32 s21, s16;
	v1 =	vld [tilespmem:s11+$0x20];
	[tilespmem:s14+$0x10] =	vst v2  }
0x3f6: {  	s16 =	sor.u32 s22, s18;
	s14 =	smov.u32 s11;
	v2 =	vld [tilespmem:s20+$0x7680]  }
0x3f7: {  	v3 =	vld [tilespmem:s17+$0x7680]  }
0x3f8: {  	v4 =	vld [tilespmem:s15+$0x7680]  }
0x3f9: {  	v5 =	vld [tilespmem:s16+$0x7680]  }
0x3fa: {  	v6 =	vld [tilespmem:s11+$0xFFFFFFE0]  }
0x3fb: {  	v7 =	vld [tilespmem:s11+$0xFFFFFFF0];
	v0 =	vmul.f32 $5.314410110e-02, v0  }
0x3fc: {  	v9 =	vld [tilespmem:s11+$0x10]  }
0x3fd: {  	v8 =	vld [tilespmem:s11+$0x0];
	v0 =	vadd.f32 v0, v1;
	v2 =	vmul.f32 $5.314410110e-02, v2  }
0x3fe: {  	v1 =	vmul.f32 $5.314410110e-02, v3  }
0x3ff: {  	[tilespmem:s11+$0x20] =	vst v0;
	v0 =	vmul.f32 $5.314410110e-02, v5;
	v2 =	vadd.f32 v2, v6  }
0x400: {  	v3 =	vmul.f32 $5.314410110e-02, v4;
	v1 =	vadd.f32 v1, v7  }
0x401: {  	v0 =	vadd.f32 v0, v9;
	[tilespmem:s11+$0xFFFFFFE0] =	vst v2  }
0x402: {  	v2 =	vadd.f32 v3, v8;
	[tilespmem:s11+$0xFFFFFFF0] =	vst v1  }
0x403: {  	[tilespmem:s14+$0x10] =	vst v0  }
0x404: {  	s29 =	simm.s32 $0x27A0;
	[tilespmem:s14+$0x0] =	vst v2  }
0x405: {  	v0 =	vld [tilespmem:s29+$0x10]  }
0x406: {  	v1 =	vld [tilespmem:s29+$0xFFFFFFE0]  }
0x407: {  	v2 =	vld [tilespmem:s29+$0xFFFFFFF0]  }
0x408: {  	s30 =	simm.s32 $0x20;
	v3 =	vld [tilespmem:s29+$0x0]  }
0x409: {  	s13 =	simm.s32 $0x4F20;
	v4 =	vld [tilespmem:s30+$0x10]  }
0x40a: {  	s31 =	simm.s32 $0x27E0;
	v5 =	vld [tilespmem:s13+$0x10]  }
0x40b: {  	v9 =	vld [tilespmem:s31+$0xFFFFFFE0]  }
0x40c: {  	v6 =	vld [tilespmem:s13+$0xFFFFFFF0]  }
0x40d: {  	s11 =	simm.s32 $0x7680;
	v7 =	vld [tilespmem:s13+$0x0]  }
0x40e: {  	v0 =	vld.idx.msk [tilespmem:v0+s11+$0x0], $0xffff  }
0x40f: {  	v8 =	vld [tilespmem:s30+$0x0]  }
0x410: {  	v1 =	vld.idx.msk [tilespmem:v1+s11+$0x0], $0xffff  }
0x411: {  	v2 =	vld.idx.msk [tilespmem:v2+s11+$0x0], $0xffff  }
0x412: {  	v3 =	vld.idx.msk [tilespmem:v3+s11+$0x0], $0xffff  }
0x413: {  	v9 =	vld.idx.msk [tilespmem:v9+s11+$0x0], $0xffff;
	v0 =	vmul.f32 v5, v0  }
0x414: {  	s12 =	simm.s32 $0x9E80;
	v5 =	vld [tilespmem:s30+$0xFFFFFFF0]  }
0x415: {  	[tilespmem:v4+s12+$0x0] =	vst.idx.add.f32.msk $0xffff, v0  }
0x416: {  	v0 =	vld [tilespmem:s31+$0x10]  }
0x417: {  	v2 =	vmul.f32 v6, v2;
	v6 =	vld [tilespmem:s31+$0xFFFFFFF0]  }
0x418: {  	v3 =	vmul.f32 v7, v3;
	v7 =	vld [tilespmem:s31+$0x0]  }
0x419: {  	v4 =	vld [tilespmem:s13+$0xFFFFFFE0]  }
0x41a: {  	s14 =	simm.s32 $0x4F60;
	[tilespmem:v8+s12+$0x0] =	vst.idx.add.f32.msk $0xffff, v3  }
0x41b: {  	s13 =	simm.s32 $0x60;
	v8 =	vld [tilespmem:s14+$0x10]  }
0x41c: {  	v3 =	vld [tilespmem:s13+$0x10]  }
0x41d: {  	[tilespmem:v5+s12+$0x0] =	vst.idx.add.f32.msk $0xffff, v2  }
0x41e: {  	v5 =	vld.idx.msk [tilespmem:v0+s11+$0x0], $0xffff  }
0x41f: {  	v10 =	vld.idx.msk [tilespmem:v6+s11+$0x0], $0xffff  }
0x420: {  	v2 =	vld.idx.msk [tilespmem:v7+s11+$0x0], $0xffff  }
0x421: {  	v7 =	vld [tilespmem:s14+$0xFFFFFFE0]  }
0x422: {  	v6 =	vld [tilespmem:s14+$0x0]  }
0x423: {  	v5 =	vmul.f32 v8, v5;
	v8 =	vld [tilespmem:s14+$0xFFFFFFF0]  }
0x424: {  	v0 =	vld [tilespmem:s30+$0xFFFFFFE0]  }
0x425: {  	[tilespmem:v3+s12+$0x0] =	vst.idx.add.f32.msk $0xffff, v5  }
0x426: {  	v3 =	vld [tilespmem:s13+$0xFFFFFFF0]  }
0x427: {  	v1 =	vmul.f32 v4, v1;
	v4 =	vld [tilespmem:s13+$0x0]  }
0x428: {  	s15 =	simm.s32 $0x4;
	s16 =	simm.s32 $0x2820;
	v5 =	vmul.f32 v7, v9;
	v7 =	vld [tilespmem:s13+$0xFFFFFFE0];
	v8 =	vmul.f32 v8, v10  }
.LBB2_47:
0x429: {  	v9 =	vld [tilespmem:s16+$0x10];
	s15 =	sadd.s32 $0x4, s15;
	v2 =	vmul.f32 v6, v2  }
0x42a: {  	v6 =	vld [tilespmem:s16+$0xFFFFFFE0];
	p0 =	slt.u32 s15, $0x26C  }
0x42b: {  	v10 =	vld [tilespmem:s16+$0xFFFFFFF0]  }
0x42c: {  	v11 =	vld [tilespmem:s16+$0x0]  }
0x42d: {  	[tilespmem:v0+s12+$0x0] =	vst.idx.add.f32.msk $0xffff, v1;
	v1 =	vmov v5;
	v0 =	vmov v7  }
0x42e: {  	[tilespmem:v3+s12+$0x0] =	vst.idx.add.f32.msk $0xffff, v8  }
0x42f: {  	s13 =	sadd.s32 $0x40, s13;
	[tilespmem:v4+s12+$0x0] =	vst.idx.add.f32.msk $0xffff, v2  }
0x430: {  	v3 =	vld [tilespmem:s13+$0x10]  }
0x431: {  	s14 =	sadd.s32 $0x40, s14;
	v4 =	vld.idx.msk [tilespmem:v9+s11+$0x0], $0xffff  }
0x432: {  	v5 =	vld [tilespmem:s14+$0x10]  }
0x433: {  	v7 =	vld.idx.msk [tilespmem:v6+s11+$0x0], $0xffff  }
0x434: {  	v8 =	vld.idx.msk [tilespmem:v10+s11+$0x0], $0xffff  }
0x435: {  	v2 =	vld.idx.msk [tilespmem:v11+s11+$0x0], $0xffff  }
0x436: {  	v9 =	vld [tilespmem:s14+$0xFFFFFFE0]  }
0x437: {  	v10 =	vld [tilespmem:s14+$0xFFFFFFF0];
	v4 =	vmul.f32 v5, v4  }
.Ltmp23:
0x438: {  	v6 =	vld [tilespmem:s14+$0x0];
	(pc) =	sbr.rel @p0 .LBB2_47-.Ltmp23, $4  }
0x439: {  	[tilespmem:v3+s12+$0x0] =	vst.idx.add.f32.msk $0xffff, v4  }
0x43a: {  	v3 =	vld [tilespmem:s13+$0xFFFFFFF0]  }
0x43b: {  	v5 =	vmul.f32 v9, v7;
	v4 =	vld [tilespmem:s13+$0x0]  }
0x43c: {  	s16 =	sadd.s32 $0x40, s16;
	v7 =	vld [tilespmem:s13+$0xFFFFFFE0];
	v8 =	vmul.f32 v10, v8  }
0x43d: {  	_ =	sdelay $0x4  }
0x43e: {  	v2 =	vmul.f32 v6, v2;
	[tilespmem:v0+s12+$0x0] =	vst.idx.add.f32.msk $0xffff, v1  }
0x43f: {  	[tilespmem:v3+s12+$0x0] =	vst.idx.add.f32.msk $0xffff, v8  }
0x440: {  	[tilespmem:v4+s12+$0x0] =	vst.idx.add.f32.msk $0xffff, v2  }
0x441: {  	[tilespmem:v7+s12+$0x0] =	vst.idx.add.f32.msk $0xffff, v5  }
0x442: {  	v0 =	vld [tilespmem:$0x4E80];
	_ =	sdelay $0x5  }
0x443: {  	v1 =	vld [tilespmem:$0x2700]  }
0x444: {  	s11 =	simm.s32 $0x7680;
	v2 =	vld [tilespmem:$0x7600]  }
0x445: {  	v0 =	vld.idx.msk [tilespmem:v0+s11+$0x0], $0xffff;
	_ =	sdelay $0x4  }
0x446: {  	v0 =	vmul.f32 v2, v0  }
0x447: {  	s28 =	simm.s32 $0x9E80  }
0x448: {  	s13 =	simm.s32 $0x50;
	s14 =	simm.s32 $0xEE80;
	[tilespmem:v1+s28+$0x0] =	vst.idx.add.f32.msk $0xffff, v0  }
0x449: {  	[spmem:s3] =	stream.indirect.scatter.add.f32 [tilespmem:s28], [sflag:$0x1], $0x80, s14, s13, $0xb8;
	[tilespmem:$0xFD00] =	vst v63  }
0x44a: {  	s29 =	simm.s32 $0xEF00;
	s30 =	simm.s32 $0x3  }
0x44b: {  	[spmem:s10] =	stream.linear.scatter [tilespmem:s29], [sflag:$0x3], $0x280, $0x38;
	[tilespmem:$0xFD00] =	vst v63  }
0x44c: {  	_ =	swait.ge [sflag:s30], $0x280  }
0x44d: {  	[sflag:s30] =	ssyncset.done $0x0  }
0x44e: {  	s31 =	simm.s32 $0x1;
	[sflag:s30] =	ssyncadd.s32 $0xFFFFFD80  }
0x44f: {  	_ =	swait.ge [sflag:s31], $0x2800  }
0x450: {  	[sflag:s31] =	ssyncset.done $0x0  }
0x451: {  	[sflag:s31] =	ssyncadd.s32 $0xFFFFD800  }
0x452: {  	s10 =	simm.s32 $0x9EC0;
	[bflag:$0x0] =	sbarrier.arrive $0xFFFF  }
0x453: {  	v0 =	vimm.f32 $0.0e+00;
	[tilespmem:s11], [sflag:$0x2] =	stream.linear.gather [spmem:s3], $0x2800, $0x38;
	[tilespmem:$0xFD00] =	vst v63  }
0x454: {  	[tilespmem:s10+$0xFFFFFFC0] =	vst v0  }
0x455: {  	[tilespmem:s10+$0x30] =	vst v0  }
0x456: {  	[tilespmem:s10+$0x20] =	vst v0  }
0x457: {  	[tilespmem:s10+$0x10] =	vst v0  }
0x458: {  	[tilespmem:s10+$0x0] =	vst v0  }
0x459: {  	[tilespmem:s10+$0xFFFFFFF0] =	vst v0  }
0x45a: {  	s11 =	simm.s32 $0x0;
	[tilespmem:s10+$0xFFFFFFE0] =	vst v0  }
.LBB2_49:
0x45b: {  	s11 =	sadd.s32 $0x8, s11;
	[tilespmem:s10+$0xFFFFFFD0] =	vst v0;
	s10 =	sadd.s32 $0x80, s10  }
0x45c: {  	[tilespmem:s10+$0xFFFFFFC0] =	vst v0;
	p0 =	slt.u32 s11, $0x278  }
0x45d: {  	[tilespmem:s10+$0x30] =	vst v0  }
.Ltmp24:
0x45e: {  	[tilespmem:s10+$0x20] =	vst v0;
	(pc) =	sbr.rel @p0 .LBB2_49-.Ltmp24, $4  }
0x45f: {  	[tilespmem:s10+$0x10] =	vst v0  }
0x460: {  	[tilespmem:s10+$0x0] =	vst v0  }
0x461: {  	[tilespmem:s10+$0xFFFFFFF0] =	vst v0  }
0x462: {  	[tilespmem:s10+$0xFFFFFFE0] =	vst v0  }
0x463: {  	s26 =	simm.s32 $0x2  }
0x464: {  	[tilespmem:s10+$0xFFFFFFD0] =	vst v0;
	s11 =	simm.s32 $0x40;
	s10 =	simm.s32 $0xF320;
	s13 =	sadd.s32 $0x0, s7  }
0x465: {  	s12 =	simm.s32 $0x0;
	s14 =	sadd.s32 $0x0, s7;
	s15 =	sadd.s32 $0x0, s7  }
0x466: {  	s16 =	sadd.s32 $0x0, s7;
	s17 =	sadd.s32 $0x0, s7;
	s29 =	simm.s32 $0x0  }
0x467: {  	s20 =	simm.s32 $0x10;
	s21 =	simm.s32 $0x20;
	s31 =	simm.s32 $0x30  }
0x468: {  	_ =	swait.ge [sflag:s26], $0x2800;
	s13 =	sshll.u32 s13, $0x7;
	s14 =	sshll.u32 s14, $0x7  }
0x469: {  	s15 =	sshll.u32 s15, $0x7;
	s16 =	sshll.u32 s16, $0x7;
	s28 =	sshll.u32 s17, $0x7  }
0x46a: {  	s19 =	sand.u32 $0x70, s11;
	s17 =	sand.u32 $0x70, s29;
	s30 =	sand.u32 $0x70, s20  }
0x46b: {  	[sflag:s26] =	ssyncset.done $0x0;
	s18 =	sand.u32 $0x3FFFFF80, s16;
	s16 =	sand.u32 $0x3FFFFF80, s28  }
0x46c: {  	s21 =	sand.u32 $0x70, s21;
	[sflag:s26] =	ssyncadd.s32 $0xFFFFD800;
	s16 =	sor.u32 s19, s16  }
0x46d: {  	s20 =	sand.u32 $0x70, s31;
	s13 =	sand.u32 $0x3FFFFF80, s13;
	s14 =	sand.u32 $0x3FFFFF80, s14;
	v0 =	vld [tilespmem:s16+$0x7680]  }
0x46e: {  	s15 =	sand.u32 $0x3FFFFF80, s15;
	s13 =	sor.u32 s17, s13;
	s16 =	sor.u32 s30, s14;
	v1 =	vld [tilespmem:s10+$0x20]  }
0x46f: {  	s14 =	sor.u32 s21, s15;
	v2 =	vld [tilespmem:s13+$0x7680];
	s15 =	sor.u32 s20, s18;
	s13 =	simm.s32 $0xF320  }
.LBB2_51:
0x470: {  	v3 =	vld [tilespmem:s16+$0x7680];
	s16 =	smov.u32 s12  }
0x471: {  	s12 =	sadd.s32 $0x5, s12;
	s11 =	sadd.s32 $0x50, s11;
	s17 =	sadd.s32 $0x6, s16  }
0x472: {  	s18 =	sadd.s32 $0x7, s16;
	s19 =	sadd.s32 $0x8, s16;
	v4 =	vld [tilespmem:s14+$0x7680];
	v0 =	vmul.f32 $4.782969130e-02, v0;
	s14 =	sshrl.u32 s12, $0x3  }
0x473: {  	s16 =	sadd.s32 $0x9, s16;
	s17 =	sshrl.u32 s17, $0x3;
	s18 =	sshrl.u32 s18, $0x3;
	v5 =	vld [tilespmem:s15+$0x7680]  }
0x474: {  	s14 =	sadd.s32 s7, s14;
	s15 =	sadd.s32 s7, s17;
	s17 =	sshrl.u32 s19, $0x3;
	v6 =	vld [tilespmem:s10+$0xFFFFFFE0];
	v0 =	vadd.f32 v0, v1  }
0x475: {  	s14 =	sshll.u32 s14, $0x7;
	s18 =	sadd.s32 s7, s18;
	s17 =	sadd.s32 s7, s17;
	v1 =	vmul.f32 $4.782969130e-02, v2;
	v2 =	vld [tilespmem:s10+$0xFFFFFFF0]  }
0x476: {  	s20 =	sand.u32 $0x70, s11;
	s15 =	sshll.u32 s15, $0x7;
	s18 =	sshll.u32 s18, $0x7;
	v3 =	vmul.f32 $4.782969130e-02, v3;
	v7 =	vld [tilespmem:s10+$0x0];
	[tilespmem:s10+$0x20] =	vst v0  }
0x477: {  	s16 =	sshrl.u32 s16, $0x3;
	s14 =	sand.u32 $0x3FFFFF80, s14;
	s17 =	sshll.u32 s17, $0x7;
	v0 =	vmul.f32 $4.782969130e-02, v4;
	v4 =	vld [tilespmem:s10+$0x10]  }
0x478: {  	s16 =	sadd.s32 s7, s16;
	s15 =	sand.u32 $0x3FFFFF80, s15;
	s18 =	sand.u32 $0x3FFFFF80, s18;
	v5 =	vmul.f32 $4.782969130e-02, v5  }
0x479: {  	s21 =	sadd.s32 $0xFFFFFFD0, s11;
	s16 =	sshll.u32 s16, $0x7;
	s17 =	sand.u32 $0x3FFFFF80, s17;
	v1 =	vadd.f32 v1, v6  }
0x47a: {  	p0 =	slt.u32 s12, $0x23;
	s19 =	sadd.s32 $0xFFFFFFC0, s11;
	s16 =	sand.u32 $0x3FFFFF80, s16;
	v2 =	vadd.f32 v3, v2  }
.Ltmp25:
0x47b: {  	s22 =	sadd.s32 $0xFFFFFFE0, s11;
	s16 =	sor.u32 s20, s16;
	[tilespmem:s10+$0xFFFFFFE0] =	vst v1;
	v1 =	vadd.f32 v0, v7;
	(pc) =	sbr.rel @p0 .LBB2_51-.Ltmp25, $4  }
0x47c: {  	s19 =	sand.u32 $0x70, s19;
	s20 =	sand.u32 $0x70, s21;
	s21 =	sadd.s32 $0xFFFFFFF0, s11;
	v0 =	vld [tilespmem:s16+$0x7680];
	[tilespmem:s10+$0xFFFFFFF0] =	vst v2;
	v2 =	vadd.f32 v5, v4  }
0x47d: {  	s22 =	sand.u32 $0x70, s22;
	s21 =	sand.u32 $0x70, s21;
	s10 =	sadd.s32 $0x50, s10;
	[tilespmem:s13+$0x0] =	vst v1  }
0x47e: {  	s19 =	sor.u32 s19, s14;
	s14 =	sor.u32 s22, s18;
	s16 =	sor.u32 s20, s15;
	v1 =	vld [tilespmem:s10+$0x20];
	[tilespmem:s13+$0x10] =	vst v2  }
0x47f: {  	s15 =	sor.u32 s21, s17;
	s13 =	smov.u32 s10;
	v2 =	vld [tilespmem:s19+$0x7680]  }
0x480: {  	v3 =	vld [tilespmem:s16+$0x7680]  }
0x481: {  	v4 =	vld [tilespmem:s14+$0x7680]  }
0x482: {  	v5 =	vld [tilespmem:s15+$0x7680]  }
0x483: {  	v6 =	vld [tilespmem:s10+$0xFFFFFFE0]  }
0x484: {  	v7 =	vld [tilespmem:s10+$0xFFFFFFF0];
	v0 =	vmul.f32 $4.782969130e-02, v0  }
0x485: {  	v9 =	vld [tilespmem:s10+$0x10]  }
0x486: {  	v8 =	vld [tilespmem:s10+$0x0];
	v0 =	vadd.f32 v0, v1;
	v2 =	vmul.f32 $4.782969130e-02, v2  }
0x487: {  	v1 =	vmul.f32 $4.782969130e-02, v3  }
0x488: {  	[tilespmem:s10+$0x20] =	vst v0;
	v0 =	vmul.f32 $4.782969130e-02, v5;
	v2 =	vadd.f32 v2, v6  }
0x489: {  	v3 =	vmul.f32 $4.782969130e-02, v4;
	v1 =	vadd.f32 v1, v7  }
0x48a: {  	v0 =	vadd.f32 v0, v9;
	[tilespmem:s10+$0xFFFFFFE0] =	vst v2  }
0x48b: {  	v2 =	vadd.f32 v3, v8;
	[tilespmem:s10+$0xFFFFFFF0] =	vst v1  }
0x48c: {  	[tilespmem:s13+$0x10] =	vst v0  }
0x48d: {  	s29 =	simm.s32 $0x27A0;
	[tilespmem:s13+$0x0] =	vst v2  }
0x48e: {  	v0 =	vld [tilespmem:s29+$0x10]  }
0x48f: {  	v1 =	vld [tilespmem:s29+$0xFFFFFFE0]  }
0x490: {  	v2 =	vld [tilespmem:s29+$0xFFFFFFF0]  }
0x491: {  	s30 =	simm.s32 $0x20;
	v3 =	vld [tilespmem:s29+$0x0]  }
0x492: {  	s12 =	simm.s32 $0x4F20;
	v4 =	vld [tilespmem:s30+$0x10]  }
0x493: {  	s31 =	simm.s32 $0x27E0;
	v5 =	vld [tilespmem:s12+$0x10]  }
0x494: {  	v9 =	vld [tilespmem:s31+$0xFFFFFFE0]  }
0x495: {  	v6 =	vld [tilespmem:s12+$0xFFFFFFF0]  }
0x496: {  	s10 =	simm.s32 $0x7680;
	v7 =	vld [tilespmem:s12+$0x0]  }
0x497: {  	v0 =	vld.idx.msk [tilespmem:v0+s10+$0x0], $0xffff  }
0x498: {  	v8 =	vld [tilespmem:s30+$0x0]  }
0x499: {  	v1 =	vld.idx.msk [tilespmem:v1+s10+$0x0], $0xffff  }
0x49a: {  	v2 =	vld.idx.msk [tilespmem:v2+s10+$0x0], $0xffff  }
0x49b: {  	v3 =	vld.idx.msk [tilespmem:v3+s10+$0x0], $0xffff  }
0x49c: {  	v9 =	vld.idx.msk [tilespmem:v9+s10+$0x0], $0xffff;
	v0 =	vmul.f32 v5, v0  }
0x49d: {  	s11 =	simm.s32 $0x9E80;
	v5 =	vld [tilespmem:s30+$0xFFFFFFF0]  }
0x49e: {  	[tilespmem:v4+s11+$0x0] =	vst.idx.add.f32.msk $0xffff, v0  }
0x49f: {  	v0 =	vld [tilespmem:s31+$0x10]  }
0x4a0: {  	v2 =	vmul.f32 v6, v2;
	v6 =	vld [tilespmem:s31+$0xFFFFFFF0]  }
0x4a1: {  	v3 =	vmul.f32 v7, v3;
	v7 =	vld [tilespmem:s31+$0x0]  }
0x4a2: {  	v4 =	vld [tilespmem:s12+$0xFFFFFFE0]  }
0x4a3: {  	s13 =	simm.s32 $0x4F60;
	[tilespmem:v8+s11+$0x0] =	vst.idx.add.f32.msk $0xffff, v3  }
0x4a4: {  	s12 =	simm.s32 $0x60;
	v8 =	vld [tilespmem:s13+$0x10]  }
0x4a5: {  	v3 =	vld [tilespmem:s12+$0x10]  }
0x4a6: {  	[tilespmem:v5+s11+$0x0] =	vst.idx.add.f32.msk $0xffff, v2  }
0x4a7: {  	v5 =	vld.idx.msk [tilespmem:v0+s10+$0x0], $0xffff  }
0x4a8: {  	v10 =	vld.idx.msk [tilespmem:v6+s10+$0x0], $0xffff  }
0x4a9: {  	v2 =	vld.idx.msk [tilespmem:v7+s10+$0x0], $0xffff  }
0x4aa: {  	v7 =	vld [tilespmem:s13+$0xFFFFFFE0]  }
0x4ab: {  	v6 =	vld [tilespmem:s13+$0x0]  }
0x4ac: {  	v5 =	vmul.f32 v8, v5;
	v8 =	vld [tilespmem:s13+$0xFFFFFFF0]  }
0x4ad: {  	v0 =	vld [tilespmem:s30+$0xFFFFFFE0]  }
0x4ae: {  	[tilespmem:v3+s11+$0x0] =	vst.idx.add.f32.msk $0xffff, v5  }
0x4af: {  	v3 =	vld [tilespmem:s12+$0xFFFFFFF0]  }
0x4b0: {  	v1 =	vmul.f32 v4, v1;
	v4 =	vld [tilespmem:s12+$0x0]  }
0x4b1: {  	s14 =	simm.s32 $0x4;
	s15 =	simm.s32 $0x2820;
	v5 =	vmul.f32 v7, v9;
	v7 =	vld [tilespmem:s12+$0xFFFFFFE0];
	v8 =	vmul.f32 v8, v10  }
.LBB2_53:
0x4b2: {  	v9 =	vld [tilespmem:s15+$0x10];
	s14 =	sadd.s32 $0x4, s14;
	v2 =	vmul.f32 v6, v2  }
0x4b3: {  	v6 =	vld [tilespmem:s15+$0xFFFFFFE0];
	p0 =	slt.u32 s14, $0x26C  }
0x4b4: {  	v10 =	vld [tilespmem:s15+$0xFFFFFFF0]  }
0x4b5: {  	v11 =	vld [tilespmem:s15+$0x0]  }
0x4b6: {  	[tilespmem:v0+s11+$0x0] =	vst.idx.add.f32.msk $0xffff, v1;
	v1 =	vmov v5;
	v0 =	vmov v7  }
0x4b7: {  	[tilespmem:v3+s11+$0x0] =	vst.idx.add.f32.msk $0xffff, v8  }
0x4b8: {  	s12 =	sadd.s32 $0x40, s12;
	[tilespmem:v4+s11+$0x0] =	vst.idx.add.f32.msk $0xffff, v2  }
0x4b9: {  	v3 =	vld [tilespmem:s12+$0x10]  }
0x4ba: {  	s13 =	sadd.s32 $0x40, s13;
	v4 =	vld.idx.msk [tilespmem:v9+s10+$0x0], $0xffff  }
0x4bb: {  	v5 =	vld [tilespmem:s13+$0x10]  }
0x4bc: {  	v7 =	vld.idx.msk [tilespmem:v6+s10+$0x0], $0xffff  }
0x4bd: {  	v8 =	vld.idx.msk [tilespmem:v10+s10+$0x0], $0xffff  }
0x4be: {  	v2 =	vld.idx.msk [tilespmem:v11+s10+$0x0], $0xffff  }
0x4bf: {  	v9 =	vld [tilespmem:s13+$0xFFFFFFE0]  }
0x4c0: {  	v10 =	vld [tilespmem:s13+$0xFFFFFFF0];
	v4 =	vmul.f32 v5, v4  }
.Ltmp26:
0x4c1: {  	v6 =	vld [tilespmem:s13+$0x0];
	(pc) =	sbr.rel @p0 .LBB2_53-.Ltmp26, $4  }
0x4c2: {  	[tilespmem:v3+s11+$0x0] =	vst.idx.add.f32.msk $0xffff, v4  }
0x4c3: {  	v3 =	vld [tilespmem:s12+$0xFFFFFFF0]  }
0x4c4: {  	v5 =	vmul.f32 v9, v7;
	v4 =	vld [tilespmem:s12+$0x0]  }
0x4c5: {  	s15 =	sadd.s32 $0x40, s15;
	v7 =	vld [tilespmem:s12+$0xFFFFFFE0];
	v8 =	vmul.f32 v10, v8  }
0x4c6: {  	_ =	sdelay $0x4  }
0x4c7: {  	v2 =	vmul.f32 v6, v2;
	[tilespmem:v0+s11+$0x0] =	vst.idx.add.f32.msk $0xffff, v1  }
0x4c8: {  	[tilespmem:v3+s11+$0x0] =	vst.idx.add.f32.msk $0xffff, v8  }
0x4c9: {  	[tilespmem:v4+s11+$0x0] =	vst.idx.add.f32.msk $0xffff, v2  }
0x4ca: {  	[tilespmem:v7+s11+$0x0] =	vst.idx.add.f32.msk $0xffff, v5  }
0x4cb: {  	v0 =	vld [tilespmem:$0x4E80];
	_ =	sdelay $0x5  }
0x4cc: {  	v1 =	vld [tilespmem:$0x2700]  }
0x4cd: {  	s10 =	simm.s32 $0x7680;
	v2 =	vld [tilespmem:$0x7600]  }
0x4ce: {  	v0 =	vld.idx.msk [tilespmem:v0+s10+$0x0], $0xffff;
	_ =	sdelay $0x4  }
0x4cf: {  	v0 =	vmul.f32 v2, v0  }
0x4d0: {  	s28 =	simm.s32 $0x9E80  }
0x4d1: {  	s12 =	simm.s32 $0x50;
	s13 =	simm.s32 $0xEE80;
	[tilespmem:v1+s28+$0x0] =	vst.idx.add.f32.msk $0xffff, v0  }
0x4d2: {  	[spmem:s8] =	stream.indirect.scatter.add.f32 [tilespmem:s28], [sflag:$0x1], $0x80, s13, s12, $0xb8;
	[tilespmem:$0xFD00] =	vst v63  }
0x4d3: {  	s29 =	simm.s32 $0xEF00;
	s30 =	simm.s32 $0x3  }
0x4d4: {  	[spmem:s9] =	stream.linear.scatter [tilespmem:s29], [sflag:$0x3], $0x280, $0x38;
	[tilespmem:$0xFD00] =	vst v63  }
0x4d5: {  	_ =	swait.ge [sflag:s30], $0x280  }
0x4d6: {  	[sflag:s30] =	ssyncset.done $0x0  }
0x4d7: {  	s31 =	simm.s32 $0x1;
	[sflag:s30] =	ssyncadd.s32 $0xFFFFFD80  }
0x4d8: {  	_ =	swait.ge [sflag:s31], $0x2800  }
0x4d9: {  	[sflag:s31] =	ssyncset.done $0x0  }
0x4da: {  	[sflag:s31] =	ssyncadd.s32 $0xFFFFD800  }
0x4db: {  	[bflag:$0x0] =	sbarrier.arrive $0xFFFF  }
0x4dc: {  	[tilespmem:s10], [sflag:$0x2] =	stream.linear.gather [spmem:s8], $0x2800, $0x38;
	[tilespmem:$0xFD00] =	vst v63  }
0x4dd: {  	v0 =	vimm.f32 $0.0e+00;
	s8 =	simm.s32 $0x9EC0  }
0x4de: {  	[tilespmem:s8+$0xFFFFFFC0] =	vst v0  }
0x4df: {  	[tilespmem:s8+$0x30] =	vst v0  }
0x4e0: {  	[tilespmem:s8+$0x20] =	vst v0  }
0x4e1: {  	[tilespmem:s8+$0x10] =	vst v0  }
0x4e2: {  	[tilespmem:s8+$0x0] =	vst v0  }
0x4e3: {  	[tilespmem:s8+$0xFFFFFFF0] =	vst v0  }
0x4e4: {  	s9 =	simm.s32 $0x0;
	[tilespmem:s8+$0xFFFFFFE0] =	vst v0  }
.LBB2_55:
0x4e5: {  	s9 =	sadd.s32 $0x8, s9;
	[tilespmem:s8+$0xFFFFFFD0] =	vst v0;
	s8 =	sadd.s32 $0x80, s8  }
0x4e6: {  	[tilespmem:s8+$0xFFFFFFC0] =	vst v0;
	p0 =	slt.u32 s9, $0x278  }
0x4e7: {  	[tilespmem:s8+$0x30] =	vst v0  }
.Ltmp27:
0x4e8: {  	[tilespmem:s8+$0x20] =	vst v0;
	(pc) =	sbr.rel @p0 .LBB2_55-.Ltmp27, $4  }
0x4e9: {  	[tilespmem:s8+$0x10] =	vst v0  }
0x4ea: {  	[tilespmem:s8+$0x0] =	vst v0  }
0x4eb: {  	[tilespmem:s8+$0xFFFFFFF0] =	vst v0  }
0x4ec: {  	[tilespmem:s8+$0xFFFFFFE0] =	vst v0  }
0x4ed: {  	s26 =	simm.s32 $0x2  }
0x4ee: {  	[tilespmem:s8+$0xFFFFFFD0] =	vst v0;
	s9 =	simm.s32 $0x40;
	s8 =	simm.s32 $0xF320;
	s11 =	sadd.s32 $0x0, s7  }
0x4ef: {  	s10 =	simm.s32 $0x0;
	s12 =	sadd.s32 $0x0, s7;
	s13 =	sadd.s32 $0x0, s7  }
0x4f0: {  	s14 =	sadd.s32 $0x0, s7;
	s15 =	sadd.s32 $0x0, s7;
	s29 =	simm.s32 $0x0  }
0x4f1: {  	s18 =	simm.s32 $0x10;
	s19 =	simm.s32 $0x20;
	s31 =	simm.s32 $0x30  }
0x4f2: {  	_ =	swait.ge [sflag:s26], $0x2800;
	s11 =	sshll.u32 s11, $0x7;
	s12 =	sshll.u32 s12, $0x7  }
0x4f3: {  	s13 =	sshll.u32 s13, $0x7;
	s14 =	sshll.u32 s14, $0x7;
	s28 =	sshll.u32 s15, $0x7  }
0x4f4: {  	s17 =	sand.u32 $0x70, s9;
	s15 =	sand.u32 $0x70, s29;
	s30 =	sand.u32 $0x70, s18  }
0x4f5: {  	[sflag:s26] =	ssyncset.done $0x0;
	s16 =	sand.u32 $0x3FFFFF80, s14;
	s14 =	sand.u32 $0x3FFFFF80, s28  }
0x4f6: {  	s19 =	sand.u32 $0x70, s19;
	[sflag:s26] =	ssyncadd.s32 $0xFFFFD800;
	s14 =	sor.u32 s17, s14  }
0x4f7: {  	s18 =	sand.u32 $0x70, s31;
	s11 =	sand.u32 $0x3FFFFF80, s11;
	s12 =	sand.u32 $0x3FFFFF80, s12;
	v0 =	vld [tilespmem:s14+$0x7680]  }
0x4f8: {  	s13 =	sand.u32 $0x3FFFFF80, s13;
	s11 =	sor.u32 s15, s11;
	s14 =	sor.u32 s30, s12;
	v1 =	vld [tilespmem:s8+$0x20]  }
0x4f9: {  	s12 =	sor.u32 s19, s13;
	v2 =	vld [tilespmem:s11+$0x7680];
	s13 =	sor.u32 s18, s16;
	s11 =	simm.s32 $0xF320  }
.LBB2_57:
0x4fa: {  	v3 =	vld [tilespmem:s14+$0x7680];
	s14 =	smov.u32 s10  }
0x4fb: {  	s10 =	sadd.s32 $0x5, s10;
	s9 =	sadd.s32 $0x50, s9;
	s15 =	sadd.s32 $0x6, s14  }
0x4fc: {  	s16 =	sadd.s32 $0x7, s14;
	s17 =	sadd.s32 $0x8, s14;
	v4 =	vld [tilespmem:s12+$0x7680];
	v0 =	vmul.f32 $4.304672030e-02, v0;
	s12 =	sshrl.u32 s10, $0x3  }
0x4fd: {  	s14 =	sadd.s32 $0x9, s14;
	s15 =	sshrl.u32 s15, $0x3;
	s16 =	sshrl.u32 s16, $0x3;
	v5 =	vld [tilespmem:s13+$0x7680]  }
0x4fe: {  	s12 =	sadd.s32 s7, s12;
	s13 =	sadd.s32 s7, s15;
	s15 =	sshrl.u32 s17, $0x3;
	v6 =	vld [tilespmem:s8+$0xFFFFFFE0];
	v0 =	vadd.f32 v0, v1  }
0x4ff: {  	s12 =	sshll.u32 s12, $0x7;
	s16 =	sadd.s32 s7, s16;
	s15 =	sadd.s32 s7, s15;
	v1 =	vmul.f32 $4.304672030e-02, v2;
	v2 =	vld [tilespmem:s8+$0xFFFFFFF0]  }
0x500: {  	s18 =	sand.u32 $0x70, s9;
	s13 =	sshll.u32 s13, $0x7;
	s16 =	sshll.u32 s16, $0x7;
	v3 =	vmul.f32 $4.304672030e-02, v3;
	v7 =	vld [tilespmem:s8+$0x0];
	[tilespmem:s8+$0x20] =	vst v0  }
0x501: {  	s14 =	sshrl.u32 s14, $0x3;
	s12 =	sand.u32 $0x3FFFFF80, s12;
	s15 =	sshll.u32 s15, $0x7;
	v0 =	vmul.f32 $4.304672030e-02, v4;
	v4 =	vld [tilespmem:s8+$0x10]  }
0x502: {  	s14 =	sadd.s32 s7, s14;
	s13 =	sand.u32 $0x3FFFFF80, s13;
	s16 =	sand.u32 $0x3FFFFF80, s16;
	v5 =	vmul.f32 $4.304672030e-02, v5  }
0x503: {  	s19 =	sadd.s32 $0xFFFFFFD0, s9;
	s14 =	sshll.u32 s14, $0x7;
	s15 =	sand.u32 $0x3FFFFF80, s15;
	v1 =	vadd.f32 v1, v6  }
0x504: {  	p0 =	slt.u32 s10, $0x23;
	s17 =	sadd.s32 $0xFFFFFFC0, s9;
	s14 =	sand.u32 $0x3FFFFF80, s14;
	v2 =	vadd.f32 v3, v2  }
.Ltmp28:
0x505: {  	s20 =	sadd.s32 $0xFFFFFFE0, s9;
	s14 =	sor.u32 s18, s14;
	[tilespmem:s8+$0xFFFFFFE0] =	vst v1;
	v1 =	vadd.f32 v0, v7;
	(pc) =	sbr.rel @p0 .LBB2_57-.Ltmp28, $4  }
0x506: {  	s17 =	sand.u32 $0x70, s17;
	s18 =	sand.u32 $0x70, s19;
	s19 =	sadd.s32 $0xFFFFFFF0, s9;
	v0 =	vld [tilespmem:s14+$0x7680];
	[tilespmem:s8+$0xFFFFFFF0] =	vst v2;
	v2 =	vadd.f32 v5, v4  }
0x507: {  	s20 =	sand.u32 $0x70, s20;
	s19 =	sand.u32 $0x70, s19;
	s8 =	sadd.s32 $0x50, s8;
	[tilespmem:s11+$0x0] =	vst v1  }
0x508: {  	s17 =	sor.u32 s17, s12;
	s12 =	sor.u32 s20, s16;
	s14 =	sor.u32 s18, s13;
	v1 =	vld [tilespmem:s8+$0x20];
	[tilespmem:s11+$0x10] =	vst v2  }
0x509: {  	s13 =	sor.u32 s19, s15;
	s11 =	smov.u32 s8;
	v2 =	vld [tilespmem:s17+$0x7680]  }
0x50a: {  	v3 =	vld [tilespmem:s14+$0x7680]  }
0x50b: {  	v4 =	vld [tilespmem:s12+$0x7680]  }
0x50c: {  	v5 =	vld [tilespmem:s13+$0x7680]  }
0x50d: {  	v6 =	vld [tilespmem:s8+$0xFFFFFFE0]  }
0x50e: {  	v7 =	vld [tilespmem:s8+$0xFFFFFFF0];
	v0 =	vmul.f32 $4.304672030e-02, v0  }
0x50f: {  	v9 =	vld [tilespmem:s8+$0x10]  }
0x510: {  	v8 =	vld [tilespmem:s8+$0x0];
	v0 =	vadd.f32 v0, v1;
	v2 =	vmul.f32 $4.304672030e-02, v2  }
0x511: {  	v1 =	vmul.f32 $4.304672030e-02, v3  }
0x512: {  	[tilespmem:s8+$0x20] =	vst v0;
	v0 =	vmul.f32 $4.304672030e-02, v5;
	v2 =	vadd.f32 v2, v6  }
0x513: {  	v3 =	vmul.f32 $4.304672030e-02, v4;
	v1 =	vadd.f32 v1, v7  }
0x514: {  	v0 =	vadd.f32 v0, v9;
	[tilespmem:s8+$0xFFFFFFE0] =	vst v2  }
0x515: {  	v2 =	vadd.f32 v3, v8;
	[tilespmem:s8+$0xFFFFFFF0] =	vst v1  }
0x516: {  	[tilespmem:s11+$0x10] =	vst v0  }
0x517: {  	s29 =	simm.s32 $0x27A0;
	[tilespmem:s11+$0x0] =	vst v2  }
0x518: {  	v0 =	vld [tilespmem:s29+$0x10]  }
0x519: {  	v1 =	vld [tilespmem:s29+$0xFFFFFFE0]  }
0x51a: {  	v2 =	vld [tilespmem:s29+$0xFFFFFFF0]  }
0x51b: {  	s30 =	simm.s32 $0x20;
	v3 =	vld [tilespmem:s29+$0x0]  }
0x51c: {  	s10 =	simm.s32 $0x4F20;
	v4 =	vld [tilespmem:s30+$0x10]  }
0x51d: {  	s31 =	simm.s32 $0x27E0;
	v5 =	vld [tilespmem:s10+$0x10]  }
0x51e: {  	v9 =	vld [tilespmem:s31+$0xFFFFFFE0]  }
0x51f: {  	v6 =	vld [tilespmem:s10+$0xFFFFFFF0]  }
0x520: {  	s8 =	simm.s32 $0x7680;
	v7 =	vld [tilespmem:s10+$0x0]  }
0x521: {  	v0 =	vld.idx.msk [tilespmem:v0+s8+$0x0], $0xffff  }
0x522: {  	v8 =	vld [tilespmem:s30+$0x0]  }
0x523: {  	v1 =	vld.idx.msk [tilespmem:v1+s8+$0x0], $0xffff  }
0x524: {  	v2 =	vld.idx.msk [tilespmem:v2+s8+$0x0], $0xffff  }
0x525: {  	v3 =	vld.idx.msk [tilespmem:v3+s8+$0x0], $0xffff  }
0x526: {  	v9 =	vld.idx.msk [tilespmem:v9+s8+$0x0], $0xffff;
	v0 =	vmul.f32 v5, v0  }
0x527: {  	s9 =	simm.s32 $0x9E80;
	v5 =	vld [tilespmem:s30+$0xFFFFFFF0]  }
0x528: {  	[tilespmem:v4+s9+$0x0] =	vst.idx.add.f32.msk $0xffff, v0  }
0x529: {  	v0 =	vld [tilespmem:s31+$0x10]  }
0x52a: {  	v2 =	vmul.f32 v6, v2;
	v6 =	vld [tilespmem:s31+$0xFFFFFFF0]  }
0x52b: {  	v3 =	vmul.f32 v7, v3;
	v7 =	vld [tilespmem:s31+$0x0]  }
0x52c: {  	v4 =	vld [tilespmem:s10+$0xFFFFFFE0]  }
0x52d: {  	s11 =	simm.s32 $0x4F60;
	[tilespmem:v8+s9+$0x0] =	vst.idx.add.f32.msk $0xffff, v3  }
0x52e: {  	s10 =	simm.s32 $0x60;
	v8 =	vld [tilespmem:s11+$0x10]  }
0x52f: {  	v3 =	vld [tilespmem:s10+$0x10]  }
0x530: {  	[tilespmem:v5+s9+$0x0] =	vst.idx.add.f32.msk $0xffff, v2  }
0x531: {  	v5 =	vld.idx.msk [tilespmem:v0+s8+$0x0], $0xffff  }
0x532: {  	v10 =	vld.idx.msk [tilespmem:v6+s8+$0x0], $0xffff  }
0x533: {  	v2 =	vld.idx.msk [tilespmem:v7+s8+$0x0], $0xffff  }
0x534: {  	v7 =	vld [tilespmem:s11+$0xFFFFFFE0]  }
0x535: {  	v6 =	vld [tilespmem:s11+$0x0]  }
0x536: {  	v5 =	vmul.f32 v8, v5;
	v8 =	vld [tilespmem:s11+$0xFFFFFFF0]  }
0x537: {  	v0 =	vld [tilespmem:s30+$0xFFFFFFE0]  }
0x538: {  	[tilespmem:v3+s9+$0x0] =	vst.idx.add.f32.msk $0xffff, v5  }
0x539: {  	v3 =	vld [tilespmem:s10+$0xFFFFFFF0]  }
0x53a: {  	v1 =	vmul.f32 v4, v1;
	v4 =	vld [tilespmem:s10+$0x0]  }
0x53b: {  	s12 =	simm.s32 $0x4;
	s13 =	simm.s32 $0x2820;
	v5 =	vmul.f32 v7, v9;
	v7 =	vld [tilespmem:s10+$0xFFFFFFE0];
	v8 =	vmul.f32 v8, v10  }
.LBB2_59:
0x53c: {  	v9 =	vld [tilespmem:s13+$0x10];
	s12 =	sadd.s32 $0x4, s12;
	v2 =	vmul.f32 v6, v2  }
0x53d: {  	v6 =	vld [tilespmem:s13+$0xFFFFFFE0];
	p0 =	slt.u32 s12, $0x26C  }
0x53e: {  	v10 =	vld [tilespmem:s13+$0xFFFFFFF0]  }
0x53f: {  	v11 =	vld [tilespmem:s13+$0x0]  }
0x540: {  	[tilespmem:v0+s9+$0x0] =	vst.idx.add.f32.msk $0xffff, v1;
	v1 =	vmov v5;
	v0 =	vmov v7  }
0x541: {  	[tilespmem:v3+s9+$0x0] =	vst.idx.add.f32.msk $0xffff, v8  }
0x542: {  	s10 =	sadd.s32 $0x40, s10;
	[tilespmem:v4+s9+$0x0] =	vst.idx.add.f32.msk $0xffff, v2  }
0x543: {  	v3 =	vld [tilespmem:s10+$0x10]  }
0x544: {  	s11 =	sadd.s32 $0x40, s11;
	v4 =	vld.idx.msk [tilespmem:v9+s8+$0x0], $0xffff  }
0x545: {  	v5 =	vld [tilespmem:s11+$0x10]  }
0x546: {  	v7 =	vld.idx.msk [tilespmem:v6+s8+$0x0], $0xffff  }
0x547: {  	v8 =	vld.idx.msk [tilespmem:v10+s8+$0x0], $0xffff  }
0x548: {  	v2 =	vld.idx.msk [tilespmem:v11+s8+$0x0], $0xffff  }
0x549: {  	v9 =	vld [tilespmem:s11+$0xFFFFFFE0]  }
0x54a: {  	v10 =	vld [tilespmem:s11+$0xFFFFFFF0];
	v4 =	vmul.f32 v5, v4  }
.Ltmp29:
0x54b: {  	v6 =	vld [tilespmem:s11+$0x0];
	(pc) =	sbr.rel @p0 .LBB2_59-.Ltmp29, $4  }
0x54c: {  	[tilespmem:v3+s9+$0x0] =	vst.idx.add.f32.msk $0xffff, v4  }
0x54d: {  	v3 =	vld [tilespmem:s10+$0xFFFFFFF0]  }
0x54e: {  	v5 =	vmul.f32 v9, v7;
	v4 =	vld [tilespmem:s10+$0x0]  }
0x54f: {  	s13 =	sadd.s32 $0x40, s13;
	v7 =	vld [tilespmem:s10+$0xFFFFFFE0];
	v8 =	vmul.f32 v10, v8  }
0x550: {  	_ =	sdelay $0x4  }
0x551: {  	v2 =	vmul.f32 v6, v2;
	[tilespmem:v0+s9+$0x0] =	vst.idx.add.f32.msk $0xffff, v1  }
0x552: {  	[tilespmem:v3+s9+$0x0] =	vst.idx.add.f32.msk $0xffff, v8  }
0x553: {  	[tilespmem:v4+s9+$0x0] =	vst.idx.add.f32.msk $0xffff, v2  }
0x554: {  	[tilespmem:v7+s9+$0x0] =	vst.idx.add.f32.msk $0xffff, v5  }
0x555: {  	v0 =	vld [tilespmem:$0x4E80];
	_ =	sdelay $0x5  }
0x556: {  	v1 =	vld [tilespmem:$0x2700]  }
0x557: {  	s8 =	simm.s32 $0x7680;
	v2 =	vld [tilespmem:$0x7600]  }
0x558: {  	v0 =	vld.idx.msk [tilespmem:v0+s8+$0x0], $0xffff;
	_ =	sdelay $0x4  }
0x559: {  	v0 =	vmul.f32 v2, v0  }
0x55a: {  	s28 =	simm.s32 $0x9E80  }
0x55b: {  	s10 =	simm.s32 $0x50;
	s11 =	simm.s32 $0xEE80;
	[tilespmem:v1+s28+$0x0] =	vst.idx.add.f32.msk $0xffff, v0  }
0x55c: {  	[spmem:s6] =	stream.indirect.scatter.add.f32 [tilespmem:s28], [sflag:$0x1], $0x80, s11, s10, $0xb8;
	[tilespmem:$0xFD00] =	vst v63  }
0x55d: {  	s29 =	simm.s32 $0xEF00;
	s30 =	simm.s32 $0x3  }
0x55e: {  	[spmem:s5] =	stream.linear.scatter [tilespmem:s29], [sflag:$0x3], $0x280, $0x38;
	[tilespmem:$0xFD00] =	vst v63  }
0x55f: {  	_ =	swait.ge [sflag:s30], $0x280  }
0x560: {  	[sflag:s30] =	ssyncset.done $0x0  }
0x561: {  	s31 =	simm.s32 $0x1;
	[sflag:s30] =	ssyncadd.s32 $0xFFFFFD80  }
0x562: {  	_ =	swait.ge [sflag:s31], $0x2800  }
0x563: {  	[sflag:s31] =	ssyncset.done $0x0  }
0x564: {  	[sflag:s31] =	ssyncadd.s32 $0xFFFFD800  }
0x565: {  	[bflag:$0x0] =	sbarrier.arrive $0xFFFF  }
0x566: {  	[tilespmem:s8], [sflag:$0x2] =	stream.linear.gather [spmem:s6], $0x2800, $0x38;
	[tilespmem:$0xFD00] =	vst v63  }
0x567: {  	v0 =	vimm.f32 $0.0e+00;
	s6 =	simm.s32 $0x9EC0  }
0x568: {  	[tilespmem:s6+$0xFFFFFFC0] =	vst v0  }
0x569: {  	[tilespmem:s6+$0x30] =	vst v0  }
0x56a: {  	[tilespmem:s6+$0x20] =	vst v0  }
0x56b: {  	[tilespmem:s6+$0x10] =	vst v0  }
0x56c: {  	[tilespmem:s6+$0x0] =	vst v0  }
0x56d: {  	[tilespmem:s6+$0xFFFFFFF0] =	vst v0  }
0x56e: {  	s8 =	simm.s32 $0x0;
	[tilespmem:s6+$0xFFFFFFE0] =	vst v0  }
.LBB2_61:
0x56f: {  	s8 =	sadd.s32 $0x8, s8;
	[tilespmem:s6+$0xFFFFFFD0] =	vst v0;
	s6 =	sadd.s32 $0x80, s6  }
0x570: {  	[tilespmem:s6+$0xFFFFFFC0] =	vst v0;
	p0 =	slt.u32 s8, $0x278  }
0x571: {  	[tilespmem:s6+$0x30] =	vst v0  }
.Ltmp30:
0x572: {  	[tilespmem:s6+$0x20] =	vst v0;
	(pc) =	sbr.rel @p0 .LBB2_61-.Ltmp30, $4  }
0x573: {  	[tilespmem:s6+$0x10] =	vst v0  }
0x574: {  	[tilespmem:s6+$0x0] =	vst v0  }
0x575: {  	[tilespmem:s6+$0xFFFFFFF0] =	vst v0  }
0x576: {  	[tilespmem:s6+$0xFFFFFFE0] =	vst v0  }
0x577: {  	s26 =	simm.s32 $0x2  }
0x578: {  	[tilespmem:s6+$0xFFFFFFD0] =	vst v0;
	s8 =	simm.s32 $0x40;
	s6 =	simm.s32 $0xF320;
	s10 =	sadd.s32 $0x0, s7  }
0x579: {  	s9 =	simm.s32 $0x0;
	s11 =	sadd.s32 $0x0, s7;
	s12 =	sadd.s32 $0x0, s7  }
0x57a: {  	s13 =	sadd.s32 $0x0, s7;
	s14 =	sadd.s32 $0x0, s7;
	s29 =	simm.s32 $0x0  }
0x57b: {  	s17 =	simm.s32 $0x10;
	s18 =	simm.s32 $0x20;
	s31 =	simm.s32 $0x30  }
0x57c: {  	_ =	swait.ge [sflag:s26], $0x2800;
	s10 =	sshll.u32 s10, $0x7;
	s11 =	sshll.u32 s11, $0x7  }
0x57d: {  	s12 =	sshll.u32 s12, $0x7;
	s13 =	sshll.u32 s13, $0x7;
	s28 =	sshll.u32 s14, $0x7  }
0x57e: {  	s16 =	sand.u32 $0x70, s8;
	s14 =	sand.u32 $0x70, s29;
	s30 =	sand.u32 $0x70, s17  }
0x57f: {  	[sflag:s26] =	ssyncset.done $0x0;
	s15 =	sand.u32 $0x3FFFFF80, s13;
	s13 =	sand.u32 $0x3FFFFF80, s28  }
0x580: {  	s18 =	sand.u32 $0x70, s18;
	[sflag:s26] =	ssyncadd.s32 $0xFFFFD800;
	s13 =	sor.u32 s16, s13  }
0x581: {  	s17 =	sand.u32 $0x70, s31;
	s10 =	sand.u32 $0x3FFFFF80, s10;
	s11 =	sand.u32 $0x3FFFFF80, s11;
	v0 =	vld [tilespmem:s13+$0x7680]  }
0x582: {  	s12 =	sand.u32 $0x3FFFFF80, s12;
	s10 =	sor.u32 s14, s10;
	s13 =	sor.u32 s30, s11;
	v1 =	vld [tilespmem:s6+$0x20]  }
0x583: {  	s11 =	sor.u32 s18, s12;
	v2 =	vld [tilespmem:s10+$0x7680];
	s12 =	sor.u32 s17, s15;
	s10 =	simm.s32 $0xF320  }
.LBB2_63:
0x584: {  	v3 =	vld [tilespmem:s13+$0x7680];
	s13 =	smov.u32 s9  }
0x585: {  	s9 =	sadd.s32 $0x5, s9;
	s8 =	sadd.s32 $0x50, s8;
	s14 =	sadd.s32 $0x6, s13  }
0x586: {  	s15 =	sadd.s32 $0x7, s13;
	s16 =	sadd.s32 $0x8, s13;
	v4 =	vld [tilespmem:s11+$0x7680];
	v0 =	vmul.f32 $3.874205050e-02, v0;
	s11 =	sshrl.u32 s9, $0x3  }
0x587: {  	s13 =	sadd.s32 $0x9, s13;
	s14 =	sshrl.u32 s14, $0x3;
	s15 =	sshrl.u32 s15, $0x3;
	v5 =	vld [tilespmem:s12+$0x7680]  }
0x588: {  	s11 =	sadd.s32 s7, s11;
	s12 =	sadd.s32 s7, s14;
	s14 =	sshrl.u32 s16, $0x3;
	v6 =	vld [tilespmem:s6+$0xFFFFFFE0];
	v0 =	vadd.f32 v0, v1  }
0x589: {  	s11 =	sshll.u32 s11, $0x7;
	s15 =	sadd.s32 s7, s15;
	s14 =	sadd.s32 s7, s14;
	v1 =	vmul.f32 $3.874205050e-02, v2;
	v2 =	vld [tilespmem:s6+$0xFFFFFFF0]  }
0x58a: {  	s17 =	sand.u32 $0x70, s8;
	s12 =	sshll.u32 s12, $0x7;
	s15 =	sshll.u32 s15, $0x7;
	v3 =	vmul.f32 $3.874205050e-02, v3;
	v7 =	vld [tilespmem:s6+$0x0];
	[tilespmem:s6+$0x20] =	vst v0  }
0x58b: {  	s13 =	sshrl.u32 s13, $0x3;
	s11 =	sand.u32 $0x3FFFFF80, s11;
	s14 =	sshll.u32 s14, $0x7;
	v0 =	vmul.f32 $3.874205050e-02, v4;
	v4 =	vld [tilespmem:s6+$0x10]  }
0x58c: {  	s13 =	sadd.s32 s7, s13;
	s12 =	sand.u32 $0x3FFFFF80, s12;
	s15 =	sand.u32 $0x3FFFFF80, s15;
	v5 =	vmul.f32 $3.874205050e-02, v5  }
0x58d: {  	s18 =	sadd.s32 $0xFFFFFFD0, s8;
	s13 =	sshll.u32 s13, $0x7;
	s14 =	sand.u32 $0x3FFFFF80, s14;
	v1 =	vadd.f32 v1, v6  }
0x58e: {  	p0 =	slt.u32 s9, $0x23;
	s16 =	sadd.s32 $0xFFFFFFC0, s8;
	s13 =	sand.u32 $0x3FFFFF80, s13;
	v2 =	vadd.f32 v3, v2  }
.Ltmp31:
0x58f: {  	s19 =	sadd.s32 $0xFFFFFFE0, s8;
	s13 =	sor.u32 s17, s13;
	[tilespmem:s6+$0xFFFFFFE0] =	vst v1;
	v1 =	vadd.f32 v0, v7;
	(pc) =	sbr.rel @p0 .LBB2_63-.Ltmp31, $4  }
0x590: {  	s16 =	sand.u32 $0x70, s16;
	s17 =	sand.u32 $0x70, s18;
	s18 =	sadd.s32 $0xFFFFFFF0, s8;
	v0 =	vld [tilespmem:s13+$0x7680];
	[tilespmem:s6+$0xFFFFFFF0] =	vst v2;
	v2 =	vadd.f32 v5, v4  }
0x591: {  	s19 =	sand.u32 $0x70, s19;
	s18 =	sand.u32 $0x70, s18;
	s6 =	sadd.s32 $0x50, s6;
	[tilespmem:s10+$0x0] =	vst v1  }
0x592: {  	s16 =	sor.u32 s16, s11;
	s11 =	sor.u32 s19, s15;
	s13 =	sor.u32 s17, s12;
	v1 =	vld [tilespmem:s6+$0x20];
	[tilespmem:s10+$0x10] =	vst v2  }
0x593: {  	s12 =	sor.u32 s18, s14;
	s10 =	smov.u32 s6;
	v2 =	vld [tilespmem:s16+$0x7680]  }
0x594: {  	v3 =	vld [tilespmem:s13+$0x7680]  }
0x595: {  	v4 =	vld [tilespmem:s11+$0x7680]  }
0x596: {  	v5 =	vld [tilespmem:s12+$0x7680]  }
0x597: {  	v6 =	vld [tilespmem:s6+$0xFFFFFFE0]  }
0x598: {  	v7 =	vld [tilespmem:s6+$0xFFFFFFF0];
	v0 =	vmul.f32 $3.874205050e-02, v0  }
0x599: {  	v9 =	vld [tilespmem:s6+$0x10]  }
0x59a: {  	v8 =	vld [tilespmem:s6+$0x0];
	v0 =	vadd.f32 v0, v1;
	v2 =	vmul.f32 $3.874205050e-02, v2  }
0x59b: {  	v1 =	vmul.f32 $3.874205050e-02, v3  }
0x59c: {  	[tilespmem:s6+$0x20] =	vst v0;
	v0 =	vmul.f32 $3.874205050e-02, v5;
	v2 =	vadd.f32 v2, v6  }
0x59d: {  	v3 =	vmul.f32 $3.874205050e-02, v4;
	v1 =	vadd.f32 v1, v7  }
0x59e: {  	v0 =	vadd.f32 v0, v9;
	[tilespmem:s6+$0xFFFFFFE0] =	vst v2  }
0x59f: {  	v2 =	vadd.f32 v3, v8;
	[tilespmem:s6+$0xFFFFFFF0] =	vst v1  }
0x5a0: {  	[tilespmem:s10+$0x10] =	vst v0  }
0x5a1: {  	s29 =	simm.s32 $0x27A0;
	[tilespmem:s10+$0x0] =	vst v2  }
0x5a2: {  	v0 =	vld [tilespmem:s29+$0x10]  }
0x5a3: {  	v1 =	vld [tilespmem:s29+$0xFFFFFFE0]  }
0x5a4: {  	v2 =	vld [tilespmem:s29+$0xFFFFFFF0]  }
0x5a5: {  	s30 =	simm.s32 $0x20;
	v3 =	vld [tilespmem:s29+$0x0]  }
0x5a6: {  	s9 =	simm.s32 $0x4F20;
	v4 =	vld [tilespmem:s30+$0x10]  }
0x5a7: {  	s31 =	simm.s32 $0x27E0;
	v5 =	vld [tilespmem:s9+$0x10]  }
0x5a8: {  	v9 =	vld [tilespmem:s31+$0xFFFFFFE0]  }
0x5a9: {  	v6 =	vld [tilespmem:s9+$0xFFFFFFF0]  }
0x5aa: {  	s6 =	simm.s32 $0x7680;
	v7 =	vld [tilespmem:s9+$0x0]  }
0x5ab: {  	v0 =	vld.idx.msk [tilespmem:v0+s6+$0x0], $0xffff  }
0x5ac: {  	v8 =	vld [tilespmem:s30+$0x0]  }
0x5ad: {  	v1 =	vld.idx.msk [tilespmem:v1+s6+$0x0], $0xffff  }
0x5ae: {  	v2 =	vld.idx.msk [tilespmem:v2+s6+$0x0], $0xffff  }
0x5af: {  	v3 =	vld.idx.msk [tilespmem:v3+s6+$0x0], $0xffff  }
0x5b0: {  	v9 =	vld.idx.msk [tilespmem:v9+s6+$0x0], $0xffff;
	v0 =	vmul.f32 v5, v0  }
0x5b1: {  	s8 =	simm.s32 $0x9E80;
	v5 =	vld [tilespmem:s30+$0xFFFFFFF0]  }
0x5b2: {  	[tilespmem:v4+s8+$0x0] =	vst.idx.add.f32.msk $0xffff, v0  }
0x5b3: {  	v0 =	vld [tilespmem:s31+$0x10]  }
0x5b4: {  	v2 =	vmul.f32 v6, v2;
	v6 =	vld [tilespmem:s31+$0xFFFFFFF0]  }
0x5b5: {  	v3 =	vmul.f32 v7, v3;
	v7 =	vld [tilespmem:s31+$0x0]  }
0x5b6: {  	v4 =	vld [tilespmem:s9+$0xFFFFFFE0]  }
0x5b7: {  	s10 =	simm.s32 $0x4F60;
	[tilespmem:v8+s8+$0x0] =	vst.idx.add.f32.msk $0xffff, v3  }
0x5b8: {  	s9 =	simm.s32 $0x60;
	v8 =	vld [tilespmem:s10+$0x10]  }
0x5b9: {  	v3 =	vld [tilespmem:s9+$0x10]  }
0x5ba: {  	[tilespmem:v5+s8+$0x0] =	vst.idx.add.f32.msk $0xffff, v2  }
0x5bb: {  	v5 =	vld.idx.msk [tilespmem:v0+s6+$0x0], $0xffff  }
0x5bc: {  	v10 =	vld.idx.msk [tilespmem:v6+s6+$0x0], $0xffff  }
0x5bd: {  	v2 =	vld.idx.msk [tilespmem:v7+s6+$0x0], $0xffff  }
0x5be: {  	v7 =	vld [tilespmem:s10+$0xFFFFFFE0]  }
0x5bf: {  	v6 =	vld [tilespmem:s10+$0x0]  }
0x5c0: {  	v5 =	vmul.f32 v8, v5;
	v8 =	vld [tilespmem:s10+$0xFFFFFFF0]  }
0x5c1: {  	v0 =	vld [tilespmem:s30+$0xFFFFFFE0]  }
0x5c2: {  	[tilespmem:v3+s8+$0x0] =	vst.idx.add.f32.msk $0xffff, v5  }
0x5c3: {  	v3 =	vld [tilespmem:s9+$0xFFFFFFF0]  }
0x5c4: {  	v1 =	vmul.f32 v4, v1;
	v4 =	vld [tilespmem:s9+$0x0]  }
0x5c5: {  	s11 =	simm.s32 $0x4;
	s12 =	simm.s32 $0x2820;
	v5 =	vmul.f32 v7, v9;
	v7 =	vld [tilespmem:s9+$0xFFFFFFE0];
	v8 =	vmul.f32 v8, v10  }
.LBB2_65:
0x5c6: {  	v9 =	vld [tilespmem:s12+$0x10];
	s11 =	sadd.s32 $0x4, s11;
	v2 =	vmul.f32 v6, v2  }
0x5c7: {  	v6 =	vld [tilespmem:s12+$0xFFFFFFE0];
	p0 =	slt.u32 s11, $0x26C  }
0x5c8: {  	v10 =	vld [tilespmem:s12+$0xFFFFFFF0]  }
0x5c9: {  	v11 =	vld [tilespmem:s12+$0x0]  }
0x5ca: {  	[tilespmem:v0+s8+$0x0] =	vst.idx.add.f32.msk $0xffff, v1;
	v1 =	vmov v5;
	v0 =	vmov v7  }
0x5cb: {  	[tilespmem:v3+s8+$0x0] =	vst.idx.add.f32.msk $0xffff, v8  }
0x5cc: {  	s9 =	sadd.s32 $0x40, s9;
	[tilespmem:v4+s8+$0x0] =	vst.idx.add.f32.msk $0xffff, v2  }
0x5cd: {  	v3 =	vld [tilespmem:s9+$0x10]  }
0x5ce: {  	s10 =	sadd.s32 $0x40, s10;
	v4 =	vld.idx.msk [tilespmem:v9+s6+$0x0], $0xffff  }
0x5cf: {  	v5 =	vld [tilespmem:s10+$0x10]  }
0x5d0: {  	v7 =	vld.idx.msk [tilespmem:v6+s6+$0x0], $0xffff  }
0x5d1: {  	v8 =	vld.idx.msk [tilespmem:v10+s6+$0x0], $0xffff  }
0x5d2: {  	v2 =	vld.idx.msk [tilespmem:v11+s6+$0x0], $0xffff  }
0x5d3: {  	v9 =	vld [tilespmem:s10+$0xFFFFFFE0]  }
0x5d4: {  	v10 =	vld [tilespmem:s10+$0xFFFFFFF0];
	v4 =	vmul.f32 v5, v4  }
.Ltmp32:
0x5d5: {  	v6 =	vld [tilespmem:s10+$0x0];
	(pc) =	sbr.rel @p0 .LBB2_65-.Ltmp32, $4  }
0x5d6: {  	[tilespmem:v3+s8+$0x0] =	vst.idx.add.f32.msk $0xffff, v4  }
0x5d7: {  	v3 =	vld [tilespmem:s9+$0xFFFFFFF0]  }
0x5d8: {  	v5 =	vmul.f32 v9, v7;
	v4 =	vld [tilespmem:s9+$0x0]  }
0x5d9: {  	s12 =	sadd.s32 $0x40, s12;
	v7 =	vld [tilespmem:s9+$0xFFFFFFE0];
	v8 =	vmul.f32 v10, v8  }
0x5da: {  	_ =	sdelay $0x4  }
0x5db: {  	v2 =	vmul.f32 v6, v2;
	[tilespmem:v0+s8+$0x0] =	vst.idx.add.f32.msk $0xffff, v1  }
0x5dc: {  	[tilespmem:v3+s8+$0x0] =	vst.idx.add.f32.msk $0xffff, v8  }
0x5dd: {  	[tilespmem:v4+s8+$0x0] =	vst.idx.add.f32.msk $0xffff, v2  }
0x5de: {  	[tilespmem:v7+s8+$0x0] =	vst.idx.add.f32.msk $0xffff, v5  }
0x5df: {  	v0 =	vld [tilespmem:$0x4E80];
	_ =	sdelay $0x5  }
0x5e0: {  	v1 =	vld [tilespmem:$0x2700]  }
0x5e1: {  	s6 =	simm.s32 $0x7680;
	v2 =	vld [tilespmem:$0x7600]  }
0x5e2: {  	v0 =	vld.idx.msk [tilespmem:v0+s6+$0x0], $0xffff;
	_ =	sdelay $0x1  }
0x5e3: {  	s19 =	simm.s32 $0x9E80  }
0x5e4: {  	s20 =	simm.s32 $0x50;
	s9 =	simm.s32 $0xEE80;
	s21 =	simm.s32 $0x1  }
0x5e5: {  	s22 =	sadd.s32 $0x7680, s4;
	s23 =	simm.s32 $0x3;
	s4 =	simm.s32 $0x40  }
0x5e6: {  	s24 =	sadd.s32 $0x0, s7;
	s25 =	sadd.s32 $0x0, s7;
	s26 =	sadd.s32 $0x0, s7;
	v0 =	vmul.f32 v2, v0  }
0x5e7: {  	s10 =	sadd.s32 $0x0, s7;
	s11 =	sadd.s32 $0x0, s7;
	s29 =	simm.s32 $0x0  }
0x5e8: {  	s14 =	simm.s32 $0x10;
	s15 =	simm.s32 $0x20;
	s31 =	simm.s32 $0x30;
	[tilespmem:v1+s19+$0x0] =	vst.idx.add.f32.msk $0xffff, v0  }
0x5e9: {  	[spmem:s3] =	stream.indirect.scatter.add.f32 [tilespmem:s19], [sflag:$0x1], $0x80, s9, s20, $0xb8;
	[tilespmem:$0xFD00] =	vst v63  }
0x5ea: {  	s10 =	sshll.u32 s10, $0x7;
	s28 =	sshll.u32 s11, $0x7;
	_ =	swait.ge [sflag:s21], $0x2800  }
0x5eb: {  	s13 =	sand.u32 $0x70, s4;
	s11 =	sand.u32 $0x70, s29;
	[sflag:s21] =	ssyncset.done $0x0  }
0x5ec: {  	s30 =	sand.u32 $0x70, s14;
	s15 =	sand.u32 $0x70, s15;
	[sflag:s21] =	ssyncadd.s32 $0xFFFFD800  }
0x5ed: {  	s12 =	sand.u32 $0x3FFFFF80, s10;
	s10 =	sand.u32 $0x3FFFFF80, s28;
	[bflag:$0x0] =	sbarrier.arrive $0xFFFF  }
0x5ee: {  	[tilespmem:s22], [sflag:$0x3] =	stream.linear.gather [spmem:s5], $0x280, $0x38;
	[tilespmem:$0xFD00] =	vst v63  }
0x5ef: {  	s14 =	sand.u32 $0x70, s31;
	s10 =	sor.u32 s13, s10;
	_ =	swait.ge [sflag:s23], $0x280  }
0x5f0: {  	s8 =	sshll.u32 s25, $0x7;
	s6 =	sshll.u32 s24, $0x7;
	[sflag:s23] =	ssyncset.done $0x0  }
0x5f1: {  	s8 =	sand.u32 $0x3FFFFF80, s8;
	s6 =	sand.u32 $0x3FFFFF80, s6;
	[sflag:s23] =	ssyncadd.s32 $0xFFFFFD80  }
0x5f2: {  	s6 =	sor.u32 s11, s6;
	s3 =	simm.s32 $0xF320;
	s9 =	sshll.u32 s26, $0x7;
	v0 =	vld [tilespmem:s10+$0x7680]  }
0x5f3: {  	s9 =	sand.u32 $0x3FFFFF80, s9;
	s5 =	simm.s32 $0x0;
	s10 =	sor.u32 s30, s8;
	v1 =	vld [tilespmem:s3+$0x20]  }
0x5f4: {  	s8 =	sor.u32 s15, s9;
	v2 =	vld [tilespmem:s6+$0x7680];
	s9 =	sor.u32 s14, s12;
	s6 =	simm.s32 $0xF320  }
.LBB2_67:
0x5f5: {  	v3 =	vld [tilespmem:s10+$0x7680];
	s10 =	smov.u32 s5  }
0x5f6: {  	s5 =	sadd.s32 $0x5, s5;
	s4 =	sadd.s32 $0x50, s4;
	s11 =	sadd.s32 $0x6, s10  }
0x5f7: {  	s12 =	sadd.s32 $0x7, s10;
	s13 =	sadd.s32 $0x8, s10;
	v4 =	vld [tilespmem:s8+$0x7680];
	v0 =	vmul.f32 $3.486784400e-01, v0;
	s8 =	sshrl.u32 s5, $0x3  }
0x5f8: {  	s10 =	sadd.s32 $0x9, s10;
	s11 =	sshrl.u32 s11, $0x3;
	s12 =	sshrl.u32 s12, $0x3;
	v5 =	vld [tilespmem:s9+$0x7680]  }
0x5f9: {  	s8 =	sadd.s32 s7, s8;
	s9 =	sadd.s32 s7, s11;
	s11 =	sshrl.u32 s13, $0x3;
	v6 =	vld [tilespmem:s3+$0xFFFFFFE0];
	v0 =	vadd.f32 v0, v1  }
0x5fa: {  	s8 =	sshll.u32 s8, $0x7;
	s12 =	sadd.s32 s7, s12;
	s11 =	sadd.s32 s7, s11;
	v1 =	vmul.f32 $3.486784400e-01, v2;
	v2 =	vld [tilespmem:s3+$0xFFFFFFF0]  }
0x5fb: {  	s14 =	sand.u32 $0x70, s4;
	s9 =	sshll.u32 s9, $0x7;
	s12 =	sshll.u32 s12, $0x7;
	v3 =	vmul.f32 $3.486784400e-01, v3;
	v7 =	vld [tilespmem:s3+$0x0];
	[tilespmem:s3+$0x20] =	vst v0  }
0x5fc: {  	s10 =	sshrl.u32 s10, $0x3;
	s8 =	sand.u32 $0x3FFFFF80, s8;
	s11 =	sshll.u32 s11, $0x7;
	v0 =	vmul.f32 $3.486784400e-01, v4;
	v4 =	vld [tilespmem:s3+$0x10]  }
0x5fd: {  	s10 =	sadd.s32 s7, s10;
	s9 =	sand.u32 $0x3FFFFF80, s9;
	s12 =	sand.u32 $0x3FFFFF80, s12;
	v5 =	vmul.f32 $3.486784400e-01, v5  }
0x5fe: {  	s15 =	sadd.s32 $0xFFFFFFD0, s4;
	s10 =	sshll.u32 s10, $0x7;
	s11 =	sand.u32 $0x3FFFFF80, s11;
	v1 =	vadd.f32 v1, v6  }
0x5ff: {  	p0 =	slt.u32 s5, $0x23;
	s13 =	sadd.s32 $0xFFFFFFC0, s4;
	s10 =	sand.u32 $0x3FFFFF80, s10;
	v2 =	vadd.f32 v3, v2  }
.Ltmp33:
0x600: {  	s16 =	sadd.s32 $0xFFFFFFE0, s4;
	s10 =	sor.u32 s14, s10;
	[tilespmem:s3+$0xFFFFFFE0] =	vst v1;
	v1 =	vadd.f32 v0, v7;
	(pc) =	sbr.rel @p0 .LBB2_67-.Ltmp33, $4  }
0x601: {  	s13 =	sand.u32 $0x70, s13;
	s14 =	sand.u32 $0x70, s15;
	s15 =	sadd.s32 $0xFFFFFFF0, s4;
	v0 =	vld [tilespmem:s10+$0x7680];
	[tilespmem:s3+$0xFFFFFFF0] =	vst v2;
	v2 =	vadd.f32 v5, v4  }
0x602: {  	s16 =	sand.u32 $0x70, s16;
	s15 =	sand.u32 $0x70, s15;
	s3 =	sadd.s32 $0x50, s3;
	[tilespmem:s6+$0x0] =	vst v1  }
0x603: {  	s13 =	sor.u32 s13, s8;
	s8 =	sor.u32 s16, s12;
	s10 =	sor.u32 s14, s9;
	v1 =	vld [tilespmem:s3+$0x20];
	[tilespmem:s6+$0x10] =	vst v2  }
0x604: {  	s9 =	sor.u32 s15, s11;
	s6 =	smov.u32 s3;
	v2 =	vld [tilespmem:s13+$0x7680]  }
0x605: {  	v3 =	vld [tilespmem:s10+$0x7680]  }
0x606: {  	v4 =	vld [tilespmem:s8+$0x7680]  }
0x607: {  	v5 =	vld [tilespmem:s9+$0x7680]  }
0x608: {  	v6 =	vld [tilespmem:s3+$0xFFFFFFE0]  }
0x609: {  	v7 =	vld [tilespmem:s3+$0xFFFFFFF0]  }
0x60a: {  	v8 =	vld [tilespmem:s3+$0x0];
	v0 =	vmul.f32 $3.486784400e-01, v0  }
0x60b: {  	v9 =	vld [tilespmem:s3+$0x10];
	v2 =	vmul.f32 $3.486784400e-01, v2  }
0x60c: {  	v0 =	vadd.f32 v0, v1;
	v60 =	vmul.f32 $3.486784400e-01, v3  }
0x60d: {  	v61 =	vmul.f32 $3.486784400e-01, v4;
	v2 =	vadd.f32 v2, v6  }
0x60e: {  	[tilespmem:s3+$0x20] =	vst v0;
	v62 =	vmul.f32 $3.486784400e-01, v5;
	v1 =	vadd.f32 v60, v7  }
0x60f: {  	v63 =	vadd.f32 v61, v8;
	[tilespmem:s3+$0xFFFFFFE0] =	vst v2  }
0x610: {  	s29 =	smul.u32 $0x50, s0;
	v0 =	vadd.f32 v62, v9;
	[tilespmem:s3+$0xFFFFFFF0] =	vst v1  }
0x611: {  	s30 =	simm.s32 $0x0;
	[tilespmem:s6+$0x0] =	vst v63  }
0x612: {  	s4 =	simm.s32 $0xF300;
	s31 =	simm.s32 $0x3;
	s2 =	sadd.s32 s2, s29;
	[tilespmem:s6+$0x10] =	vst v0  }
0x613: {  	[hbm4b:s2+s30] =	stream.linear.scatter [tilespmem:s4], [sflag:$0x3], $0x280, $0x38;
	[tilespmem:$0xFD00] =	vst v63  }
0x614: {  	_ =	swait.ge [sflag:s31], $0x280  }
0x615: {  	[sflag:s31] =	ssyncset.done $0x0  }
0x616: {  	[sflag:s31] =	ssyncadd.s32 $0xFFFFFD80  }
0x617: {  	_ =	sfence.sel $0x180000  }
0x618: {  	[bflag:$0x0] =	sbarrier.arrive $0xFFFF  }
0x619: {  	p0 =	sne.s32 s0, $0x0;
	_ =	strace $0x90000047  }
0x61a: {  	s0 =	sadd.s32 @!p0 $0x100000, s1;
	[bflag:$0x2] =	sbarrier.arrive $0xFFFF  }
0x61b: {  	[sflag:s0] =	ssyncadd.tile.s32 @!p0 $0x1;
	_ =	shalt  }
.Lfunc_end2:
_tile_overlayer_lowered:
.L_overlay_start_2:
0x61c: {  	(tag) =	ssettag $0x2  }
0x61d: {  	s0 =	rddreg [dreg:$0x0];
	s2 =	stileid.u32  }
0x61e: {  	s1 =	rddreg [dreg:$0x1];
	p0 =	sne.s32 s2, $0x0  }
0x61f: {  	s3 =	rddreg [dreg:$0x2];
	[bflag:$0x3] =	sbarrier.arrive $0xFFFF;
	s2 =	simm.s32 @!p0 $0x1C03  }
0x620: {  	[timem:s3], [sflag:s2] =	dma.local @!p0 [hbm:s0], s1  }
0x621: {  	s0 =	simm.s32 @!p0 $0x3  }
0x622: {  	_ =	swait.ge @!p0 [sflag:s0], s1  }
0x623: {  	s1 =	ssub.s32 @!p0 $0x0, s1;
	[sflag:s0] =	ssyncset.done @!p0 $0x0  }
0x624: {  	[sflag:s0] =	ssyncadd.s32 @!p0 s1  }
0x625: {  	[bflag:$0x3] =	sbarrier.arrive $0xFFFF  }
0x626: {  	_ =	shalt  }

</sc_bundles>
